<compile_context>
chip_gen: v7x
topology: tpu7x:2x2x1
jax: 0.10.2.dev20260603
libtpu: 0.0.44.dev20260713+nightly
codegen_flags: <defaults>
</compile_context>

<pallas_src>
import functools

import jax
import jax.numpy as jnp
from jax import lax
from jax.experimental import pallas as pl
from jax.experimental.pallas import tpu as pltpu
from jax.experimental.pallas import tpu_sc as plsc

L = 48
W = 7
B = 4
D = 4 * (L - 1) + 1
WVOL = W * W * W

NCORES = 1
NSUB = 16
NW = NCORES * NSUB
WIN_PER_W = (B * L) // NW
SUB_PER_B = L // WIN_PER_W

ROWS_PER_B = 4
MASK_OFF = 64


def _sc_windows(packed):
    mesh = plsc.VectorSubcoreMesh(
        core_axis_name="c", subcore_axis_name="s",
        num_cores=NCORES, num_subcores=NSUB,
    )

    @functools.partial(
        pl.kernel,
        mesh=mesh,
        out_type=jax.ShapeDtypeStruct((B, L, WVOL), jnp.float32),
        compiler_params=pltpu.CompilerParams(
            needs_layout_passes=False, use_tc_tiling_on_sc=False,
            disable_bounds_checks=True, disable_semaphore_checks=True),
        scratch_types=[
            pltpu.VMEM((ROWS_PER_B, 128), jnp.int32),
            pltpu.VMEM((WIN_PER_W, WVOL), jnp.float32),
            pltpu.SemaphoreType.DMA,
        ],
    )
    def body(pk_hbm, out_hbm, pk_v, win_v, sem):
        wid = lax.axis_index("s") * NCORES + lax.axis_index("c")
        b = wid // SUB_PER_B
        i0 = (wid % SUB_PER_B) * WIN_PER_W

        cp = pltpu.async_copy(
            pk_hbm.at[pl.ds(b * ROWS_PER_B, ROWS_PER_B)], pk_v, sem)

        zeros = jnp.zeros((16,), jnp.float32)
        for w in range(WIN_PER_W):
            for k in range(WVOL // 16):
                win_v[w, pl.ds(k * 16, 16)] = zeros
            win_v[w, pl.ds(WVOL - 16, 16)] = zeros

        cp.wait()

        lane = jnp.arange(16, dtype=jnp.int32)

        def gat(q):
            return plsc.load_gather(pk_v, [(q >> 7) + 1, q & 127])

        def acid(col):
            return plsc.bitcast(pk_v[0, pl.ds(col, 16)], jnp.float32)

        def msk(col):
            return plsc.bitcast(pk_v[0, pl.ds(MASK_OFF + col, 16)], jnp.float32)

        chunks = []
        for t in range(3):
            pid3 = (t * 16) * 3 + lane * 3
            cx = 2 * (gat(pid3) + (L - 1))
            cy = 2 * (gat(pid3 + 1) + (L - 1))
            cz = 2 * (gat(pid3 + 2) + (L - 1))
            v = acid(t * 16) * msk(t * 16)
            valid = lane < 16
            chunks.append((cx, cy, cz, v, valid))
        for t in range(3):
            mid = t * 16 + lane
            valid = mid < (L - 1)
            pid3 = jnp.where(valid, mid, L - 2) * 3
            cx = gat(pid3) + gat(pid3 + 3) + 2 * (L - 1)
            cy = gat(pid3 + 1) + gat(pid3 + 4) + 2 * (L - 1)
            cz = gat(pid3 + 2) + gat(pid3 + 5) + 2 * (L - 1)
            v = (acid(t * 16) + acid(t * 16 + 1) + 1.0) * msk(t * 16 + 1)
            chunks.append((cx, cy, cz, v, valid))

        for w in range(WIN_PER_W):
            i3 = (i0 + w) * 3
            sx = jnp.clip(
                2 * (gat(jnp.full((16,), i3, jnp.int32)) + (L - 1))
                - W // 2, 0, D - W)
            sy = jnp.clip(
                2 * (gat(jnp.full((16,), i3 + 1, jnp.int32)) + (L - 1))
                - W // 2, 0, D - W)
            sz = jnp.clip(
                2 * (gat(jnp.full((16,), i3 + 2, jnp.int32)) + (L - 1))
                - W // 2, 0, D - W)
            row = jnp.full((16,), w, jnp.int32)
            for (cx, cy, cz, v, valid) in chunks:
                dx = cx - sx
                dy = cy - sy
                dz = cz - sz
                m = (
                    (dx >= 0) & (dx < W)
                    & (dy >= 0) & (dy < W)
                    & (dz >= 0) & (dz < W)
                    & valid
                )
                off = dx * (W * W) + dy * W + dz
                off = jnp.where(m, off, 0)
                plsc.addupdate_scatter(win_v, [row, off], v, mask=m)

        pltpu.sync_copy(win_v, out_hbm.at[b, pl.ds(i0, WIN_PER_W)])

    return body(packed)


def kernel(acids, mask, idx):
    acids_i = lax.bitcast_convert_type(acids.astype(jnp.float32), jnp.int32)
    mask_i = lax.bitcast_convert_type(mask.astype(jnp.float32), jnp.int32)
    idx_i = idx.astype(jnp.int32).reshape(B, 3 * L)

    z16 = jnp.zeros((B, 16), jnp.int32)
    packed = jnp.concatenate(
        [acids_i, z16, mask_i, z16, idx_i,
         jnp.zeros((B, 512 - 128 - 3 * L), jnp.int32)], axis=1
    ).reshape(ROWS_PER_B * B, 128)

    rows = _sc_windows(packed)
    return rows.reshape(B, L, W, W, W, 1)

# --- scband reference (transcript-rebuilt; emitter-appended) ---
"""Pipeline reference for scband-lattice-snake-47253230190946 (READ-ONLY COPY).

The authoritative reference and input builder live on the scoring server;
editing this copy changes nothing except your own understanding.
"""

import jax, jax.numpy as jnp
import numpy as np

L = 48
W = 7
B = 4
D = 4 * (L - 1) + 1  # lattice extent after idx = 2*(idx + (L-1)) doubling (residues even, midpoints odd)


def setup_inputs(seed: int = 0):
    key = jax.random.key(seed)
    k1, k2 = jax.random.split(key)
    acids = jax.random.uniform(k1, (B, L), dtype=jnp.float32)
    mask = jnp.ones((B, L), dtype=jnp.float32)
    idx = jax.random.randint(k2, (B, L, 3), 0, 48)  # lattice walk coords in [0, L-1]
    return {"acids": acids, "mask": mask, "idx": idx}


def reference(acids, mask, idx):
    # idx = 2 * (idx + (protein_length - 1)); cast int32
    idx2 = (2 * (idx.astype(jnp.int32) + (L - 1))).astype(jnp.int32)
    # tf.nn.pool AVG window 2 VALID over the length axis, on float cast, back to int32
    inter_idx = ((idx2[:, :-1, :] + idx2[:, 1:, :]).astype(jnp.float32) / 2.0).astype(jnp.int32)
    # inter_values = 2 * avgpool(acids) + 1
    inter_values = (acids[:, :-1] + acids[:, 1:]) / 2.0
    inter_values = 2.0 * inter_values + 1.0
    combined_idx = jnp.concatenate([idx2, inter_idx], axis=1)          # [B, 2L-1, 3]
    combined_values = jnp.concatenate([acids, inter_values], axis=1)   # [B, 2L-1]
    combined_mask = jnp.concatenate([mask, mask[:, 1:]], axis=1)       # [B, 2L-1]

    half = W // 2

    def per_sample(vals, m, ci, centers):
        # scatter masked residue + midpoint values into the 3D lattice grid
        grid = jnp.zeros((D, D, D), dtype=jnp.float32)
        grid = grid.at[ci[:, 0], ci[:, 1], ci[:, 2]].add(vals * m)
        # for each of the protein_length residues, gather a WxWxW window centered at it
        def win(c):
            return jax.lax.dynamic_slice(grid, (c[0] - half, c[1] - half, c[2] - half), (W, W, W))
        return jax.vmap(win)(centers)  # [L, W, W, W]

    centers = combined_idx[:, :L, :]
    lattice = jax.vmap(per_sample)(combined_values, combined_mask, combined_idx, centers)
    return lattice[..., None]  # [B, L, W, W, W, 1]

if __name__ == "__main__":
    import jax
    _d = setup_inputs()
    print(jax.jit(kernel)(*tuple(_d.values())))

</pallas_src>

<mosaic_0001>
#map = affine_map<(d0, d1) -> (0, 0)>
#map1 = affine_map<(d0, d1) -> (0, 0, 0)>
module attributes {stable_mosaic.version = 14 : i64} {
  func.func @body(%arg0: i32, %arg1: i32, %arg2: memref<16x128xi32, #tpu.memory_space<hbm>>, %arg3: memref<4x48x343xf32, #tpu.memory_space<hbm>>, %arg4: memref<4x128xi32, #tpu.memory_space<vmem>>, %arg5: memref<12x343xf32, #tpu.memory_space<vmem>>, %arg6: memref<!tpu.dma_semaphore, #tpu.memory_space<semaphore_mem>>) attributes {dimension_semantics = [#tpu.dimension_semantics<core_parallel>, #tpu.dimension_semantics<subcore_parallel>], iteration_bounds = array<i64: 1, 16>, scalar_prefetch = 0 : i64, scratch_operands = 3 : i64, tpu.core_type = #tpu.core_type<sc_vector_subcore>, window_params = [{transform_indices = #map}, {transform_indices = #map1}]} {
    %mul3A = arith.constant 1 : i32
    %mul3A_0 = arith.muli %arg1, %mul3A : i32
    %add3A = arith.addi %mul3A_0, %arg0 : i32
    %jit3A = arith.constant 4 : i32
    %div3A = arith.divsi %add3A, %jit3A : i32
    %sign3A = arith.constant 0 : i32
    %sign3A_1 = arith.cmpi sgt, %add3A, %sign3A : i32
    %sign3A_2 = arith.extui %sign3A_1 : i1 to i32
    %sign3A_3 = arith.constant 0 : i32
    %sign3A_4 = arith.cmpi slt, %add3A, %sign3A_3 : i32
    %sign3A_5 = arith.extui %sign3A_4 : i1 to i32
    %sign3A_6 = arith.subi %sign3A_2, %sign3A_5 : i32
    %sign3A_7 = arith.constant 0 : i32
    %sign3A_8 = arith.cmpi sgt, %jit3A, %sign3A_7 : i32
    %sign3A_9 = arith.extui %sign3A_8 : i1 to i32
    %sign3A_10 = arith.constant 0 : i32
    %sign3A_11 = arith.cmpi slt, %jit3A, %sign3A_10 : i32
    %sign3A_12 = arith.extui %sign3A_11 : i1 to i32
    %sign3A_13 = arith.subi %sign3A_9, %sign3A_12 : i32
    %ne3A = arith.cmpi ne, %sign3A_6, %sign3A_13 : i32
    %rem3A = arith.remsi %add3A, %jit3A : i32
    %ne3A_14 = arith.constant 0 : i32
    %ne3A_15 = arith.cmpi ne, %rem3A, %ne3A_14 : i32
    %and3A = arith.andi %ne3A, %ne3A_15 : i1
    %sub3A = arith.constant 1 : i32
    %sub3A_16 = arith.subi %div3A, %sub3A : i32
    %select_n3A = arith.select %and3A, %sub3A_16, %div3A : i32
    %jit3A_17 = arith.constant 4 : i32
    %eq3A = arith.constant 0 : i32
    %eq3A_18 = arith.cmpi eq, %jit3A_17, %eq3A : i32
    %jit3A_19 = arith.constant 1 : i32
    %select_n3A_20 = arith.select %eq3A_18, %jit3A_19, %jit3A_17 : i32
    %rem3A_21 = arith.remsi %add3A, %select_n3A_20 : i32
    %ne3A_22 = arith.constant 0 : i32
    %ne3A_23 = arith.cmpi ne, %rem3A_21, %ne3A_22 : i32
    %lt3A = arith.constant 0 : i32
    %lt3A_24 = arith.cmpi slt, %rem3A_21, %lt3A : i32
    %lt3A_25 = arith.constant 0 : i32
    %lt3A_26 = arith.cmpi slt, %select_n3A_20, %lt3A_25 : i32
    %ne3A_27 = arith.xori %lt3A_24, %lt3A_26 : i1
    %and3A_28 = arith.andi %ne3A_27, %ne3A_23 : i1
    %add3A_29 = arith.addi %rem3A_21, %select_n3A_20 : i32
    %select_n3A_30 = arith.select %and3A_28, %add3A_29, %rem3A_21 : i32
    %mul3A_31 = arith.constant 12 : i32
    %mul3A_32 = arith.muli %select_n3A_30, %mul3A_31 : i32
    %mul3A_33 = arith.constant 4 : i32
    %mul3A_34 = arith.muli %select_n3A, %mul3A_33 : i32
    %dma_start3A = arith.constant 0 : i32
    %dma_start3A_35 = tpu.memref_slice %arg2[%mul3A_34, %dma_start3A] : memref<16x128xi32, #tpu.memory_space<hbm>> -> memref<4x128xi32, #tpu.memory_space<hbm>>
    %dma_start3A_36 = arith.constant 0 : i32
    %dma_start3A_37 = tpu.memref_slice %arg2[%mul3A_34, %dma_start3A_36] : memref<16x128xi32, #tpu.memory_space<hbm>> -> memref<4x128xi32, #tpu.memory_space<hbm>>
    tpu.enqueue_dma source(%dma_start3A_37 : memref<4x128xi32, #tpu.memory_space<hbm>>) target(%arg4 : memref<4x128xi32, #tpu.memory_space<vmem>>) target_semaphore(%arg6 : memref<!tpu.dma_semaphore, #tpu.memory_space<semaphore_mem>>)
    %broadcast_in_dim3A = arith.constant 0.000000e+00 : f32
    %broadcast_in_dim3A_38 = vector.broadcast %broadcast_in_dim3A : f32 to vector<16xf32>
    %swap3A = arith.constant 0 : i32
    %swap3A_39 = arith.index_cast %swap3A : i32 to index
    %swap3A_40 = arith.constant 0 : index
    %swap3A_41 = tpu.vector_load %arg5[%swap3A_39, %swap3A_40] {strides = array<i32>} : memref<12x343xf32, #tpu.memory_space<vmem>>, vector<16xf32>,
    tpu.vector_store %arg5[%swap3A_39, %swap3A_40], %broadcast_in_dim3A_38 {strides = array<i32>} : memref<12x343xf32, #tpu.memory_space<vmem>>, vector<16xf32>,
    %swap3A_42 = arith.constant 0 : i32
    %swap3A_43 = arith.index_cast %swap3A_42 : i32 to index
    %swap3A_44 = arith.constant 16 : index
    %swap3A_45 = tpu.vector_load %arg5[%swap3A_43, %swap3A_44] {strides = array<i32>} : memref<12x343xf32, #tpu.memory_space<vmem>>, vector<16xf32>,
    tpu.vector_store %arg5[%swap3A_43, %swap3A_44], %broadcast_in_dim3A_38 {strides = array<i32>} : memref<12x343xf32, #tpu.memory_space<vmem>>, vector<16xf32>,
    %swap3A_46 = arith.constant 0 : i32
    %swap3A_47 = arith.index_cast %swap3A_46 : i32 to index
    %swap3A_48 = arith.constant 32 : index
    %swap3A_49 = tpu.vector_load %arg5[%swap3A_47, %swap3A_48] {strides = array<i32>} : memref<12x343xf32, #tpu.memory_space<vmem>>, vector<16xf32>,
    tpu.vector_store %arg5[%swap3A_47, %swap3A_48], %broadcast_in_dim3A_38 {strides = array<i32>} : memref<12x343xf32, #tpu.memory_space<vmem>>, vector<16xf32>,
    %swap3A_50 = arith.constant 0 : i32
    %swap3A_51 = arith.index_cast %swap3A_50 : i32 to index
    %swap3A_52 = arith.constant 48 : index
    %swap3A_53 = tpu.vector_load %arg5[%swap3A_51, %swap3A_52] {strides = array<i32>} : memref<12x343xf32, #tpu.memory_space<vmem>>, vector<16xf32>,
    tpu.vector_store %arg5[%swap3A_51, %swap3A_52], %broadcast_in_dim3A_38 {strides = array<i32>} : memref<12x343xf32, #tpu.memory_space<vmem>>, vector<16xf32>,
    %swap3A_54 = arith.constant 0 : i32
    %swap3A_55 = arith.index_cast %swap3A_54 : i32 to index
    %swap3A_56 = arith.constant 64 : index
    %swap3A_57 = tpu.vector_load %arg5[%swap3A_55, %swap3A_56] {strides = array<i32>} : memref<12x343xf32, #tpu.memory_space<vmem>>, vector<16xf32>,
    tpu.vector_store %arg5[%swap3A_55, %swap3A_56], %broadcast_in_dim3A_38 {strides = array<i32>} : memref<12x343xf32, #tpu.memory_space<vmem>>, vector<16xf32>,
    %swap3A_58 = arith.constant 0 : i32
    %swap3A_59 = arith.index_cast %swap3A_58 : i32 to index
    %swap3A_60 = arith.constant 80 : index
    %swap3A_61 = tpu.vector_load %arg5[%swap3A_59, %swap3A_60] {strides = array<i32>} : memref<12x343xf32, #tpu.memory_space<vmem>>, vector<16xf32>,
    tpu.vector_store %arg5[%swap3A_59, %swap3A_60], %broadcast_in_dim3A_38 {strides = array<i32>} : memref<12x343xf32, #tpu.memory_space<vmem>>, vector<16xf32>,
    %swap3A_62 = arith.constant 0 : i32
    %swap3A_63 = arith.index_cast %swap3A_62 : i32 to index
    %swap3A_64 = arith.constant 96 : index
    %swap3A_65 = tpu.vector_load %arg5[%swap3A_63, %swap3A_64] {strides = array<i32>} : memref<12x343xf32, #tpu.memory_space<vmem>>, vector<16xf32>,
    tpu.vector_store %arg5[%swap3A_63, %swap3A_64], %broadcast_in_dim3A_38 {strides = array<i32>} : memref<12x343xf32, #tpu.memory_space<vmem>>, vector<16xf32>,
    %swap3A_66 = arith.constant 0 : i32
    %swap3A_67 = arith.index_cast %swap3A_66 : i32 to index
    %swap3A_68 = arith.constant 112 : index
    %swap3A_69 = tpu.vector_load %arg5[%swap3A_67, %swap3A_68] {strides = array<i32>} : memref<12x343xf32, #tpu.memory_space<vmem>>, vector<16xf32>,
    tpu.vector_store %arg5[%swap3A_67, %swap3A_68], %broadcast_in_dim3A_38 {strides = array<i32>} : memref<12x343xf32, #tpu.memory_space<vmem>>, vector<16xf32>,
    %swap3A_70 = arith.constant 0 : i32
    %swap3A_71 = arith.index_cast %swap3A_70 : i32 to index
    %swap3A_72 = arith.constant 128 : index
    %swap3A_73 = tpu.vector_load %arg5[%swap3A_71, %swap3A_72] {strides = array<i32>} : memref<12x343xf32, #tpu.memory_space<vmem>>, vector<16xf32>,
    tpu.vector_store %arg5[%swap3A_71, %swap3A_72], %broadcast_in_dim3A_38 {strides = array<i32>} : memref<12x343xf32, #tpu.memory_space<vmem>>, vector<16xf32>,
    %swap3A_74 = arith.constant 0 : i32
    %swap3A_75 = arith.index_cast %swap3A_74 : i32 to index
    %swap3A_76 = arith.constant 144 : index
    %swap3A_77 = tpu.vector_load %arg5[%swap3A_75, %swap3A_76] {strides = array<i32>} : memref<12x343xf32, #tpu.memory_space<vmem>>, vector<16xf32>,
    tpu.vector_store %arg5[%swap3A_75, %swap3A_76], %broadcast_in_dim3A_38 {strides = array<i32>} : memref<12x343xf32, #tpu.memory_space<vmem>>, vector<16xf32>,
    %swap3A_78 = arith.constant 0 : i32
    %swap3A_79 = arith.index_cast %swap3A_78 : i32 to index
    %swap3A_80 = arith.constant 160 : index
    %swap3A_81 = tpu.vector_load %arg5[%swap3A_79, %swap3A_80] {strides = array<i32>} : memref<12x343xf32, #tpu.memory_space<vmem>>, vector<16xf32>,
    tpu.vector_store %arg5[%swap3A_79, %swap3A_80], %broadcast_in_dim3A_38 {strides = array<i32>} : memref<12x343xf32, #tpu.memory_space<vmem>>, vector<16xf32>,
    %swap3A_82 = arith.constant 0 : i32
    %swap3A_83 = arith.index_cast %swap3A_82 : i32 to index
    %swap3A_84 = arith.constant 176 : index
    %swap3A_85 = tpu.vector_load %arg5[%swap3A_83, %swap3A_84] {strides = array<i32>} : memref<12x343xf32, #tpu.memory_space<vmem>>, vector<16xf32>,
    tpu.vector_store %arg5[%swap3A_83, %swap3A_84], %broadcast_in_dim3A_38 {strides = array<i32>} : memref<12x343xf32, #tpu.memory_space<vmem>>, vector<16xf32>,
    %swap3A_86 = arith.constant 0 : i32
    %swap3A_87 = arith.index_cast %swap3A_86 : i32 to index
    %swap3A_88 = arith.constant 192 : index
    %swap3A_89 = tpu.vector_load %arg5[%swap3A_87, %swap3A_88] {strides = array<i32>} : memref<12x343xf32, #tpu.memory_space<vmem>>, vector<16xf32>,
    tpu.vector_store %arg5[%swap3A_87, %swap3A_88], %broadcast_in_dim3A_38 {strides = array<i32>} : memref<12x343xf32, #tpu.memory_space<vmem>>, vector<16xf32>,
    %swap3A_90 = arith.constant 0 : i32
    %swap3A_91 = arith.index_cast %swap3A_90 : i32 to index
    %swap3A_92 = arith.constant 208 : index
    %swap3A_93 = tpu.vector_load %arg5[%swap3A_91, %swap3A_92] {strides = array<i32>} : memref<12x343xf32, #tpu.memory_space<vmem>>, vector<16xf32>,
    tpu.vector_store %arg5[%swap3A_91, %swap3A_92], %broadcast_in_dim3A_38 {strides = array<i32>} : memref<12x343xf32, #tpu.memory_space<vmem>>, vector<16xf32>,
    %swap3A_94 = arith.constant 0 : i32
    %swap3A_95 = arith.index_cast %swap3A_94 : i32 to index
    %swap3A_96 = arith.constant 224 : index
    %swap3A_97 = tpu.vector_load %arg5[%swap3A_95, %swap3A_96] {strides = array<i32>} : memref<12x343xf32, #tpu.memory_space<vmem>>, vector<16xf32>,
    tpu.vector_store %arg5[%swap3A_95, %swap3A_96], %broadcast_in_dim3A_38 {strides = array<i32>} : memref<12x343xf32, #tpu.memory_space<vmem>>, vector<16xf32>,
    %swap3A_98 = arith.constant 0 : i32
    %swap3A_99 = arith.index_cast %swap3A_98 : i32 to index
    %swap3A_100 = arith.constant 240 : index
    %swap3A_101 = tpu.vector_load %arg5[%swap3A_99, %swap3A_100] {strides = array<i32>} : memref<12x343xf32, #tpu.memory_space<vmem>>, vector<16xf32>,
    tpu.vector_store %arg5[%swap3A_99, %swap3A_100], %broadcast_in_dim3A_38 {strides = array<i32>} : memref<12x343xf32, #tpu.memory_space<vmem>>, vector<16xf32>,
    %swap3A_102 = arith.constant 0 : i32
    %swap3A_103 = arith.index_cast %swap3A_102 : i32 to index
    %swap3A_104 = arith.constant 256 : index
    %swap3A_105 = tpu.vector_load %arg5[%swap3A_103, %swap3A_104] {strides = array<i32>} : memref<12x343xf32, #tpu.memory_space<vmem>>, vector<16xf32>,
    tpu.vector_store %arg5[%swap3A_103, %swap3A_104], %broadcast_in_dim3A_38 {strides = array<i32>} : memref<12x343xf32, #tpu.memory_space<vmem>>, vector<16xf32>,
    %swap3A_106 = arith.constant 0 : i32
    %swap3A_107 = arith.index_cast %swap3A_106 : i32 to index
    %swap3A_108 = arith.constant 272 : index
    %swap3A_109 = tpu.vector_load %arg5[%swap3A_107, %swap3A_108] {strides = array<i32>} : memref<12x343xf32, #tpu.memory_space<vmem>>, vector<16xf32>,
    tpu.vector_store %arg5[%swap3A_107, %swap3A_108], %broadcast_in_dim3A_38 {strides = array<i32>} : memref<12x343xf32, #tpu.memory_space<vmem>>, vector<16xf32>,
    %swap3A_110 = arith.constant 0 : i32
    %swap3A_111 = arith.index_cast %swap3A_110 : i32 to index
    %swap3A_112 = arith.constant 288 : index
    %swap3A_113 = tpu.vector_load %arg5[%swap3A_111, %swap3A_112] {strides = array<i32>} : memref<12x343xf32, #tpu.memory_space<vmem>>, vector<16xf32>,
    tpu.vector_store %arg5[%swap3A_111, %swap3A_112], %broadcast_in_dim3A_38 {strides = array<i32>} : memref<12x343xf32, #tpu.memory_space<vmem>>, vector<16xf32>,
    %swap3A_114 = arith.constant 0 : i32
    %swap3A_115 = arith.index_cast %swap3A_114 : i32 to index
    %swap3A_116 = arith.constant 304 : index
    %swap3A_117 = tpu.vector_load %arg5[%swap3A_115, %swap3A_116] {strides = array<i32>} : memref<12x343xf32, #tpu.memory_space<vmem>>, vector<16xf32>,
    tpu.vector_store %arg5[%swap3A_115, %swap3A_116], %broadcast_in_dim3A_38 {strides = array<i32>} : memref<12x343xf32, #tpu.memory_space<vmem>>, vector<16xf32>,
    %swap3A_118 = arith.constant 0 : i32
    %swap3A_119 = arith.index_cast %swap3A_118 : i32 to index
    %swap3A_120 = arith.constant 320 : index
    %swap3A_121 = tpu.vector_load %arg5[%swap3A_119, %swap3A_120] {strides = array<i32>} : memref<12x343xf32, #tpu.memory_space<vmem>>, vector<16xf32>,
    tpu.vector_store %arg5[%swap3A_119, %swap3A_120], %broadcast_in_dim3A_38 {strides = array<i32>} : memref<12x343xf32, #tpu.memory_space<vmem>>, vector<16xf32>,
    %swap3A_122 = arith.constant 0 : i32
    %swap3A_123 = arith.index_cast %swap3A_122 : i32 to index
    %swap3A_124 = arith.constant 327 : index
    %swap3A_125 = tpu.vector_load %arg5[%swap3A_123, %swap3A_124] {strides = array<i32>} : memref<12x343xf32, #tpu.memory_space<vmem>>, vector<16xf32>,
    tpu.vector_store %arg5[%swap3A_123, %swap3A_124], %broadcast_in_dim3A_38 {strides = array<i32>} : memref<12x343xf32, #tpu.memory_space<vmem>>, vector<16xf32>,
    %swap3A_126 = arith.constant 1 : i32
    %swap3A_127 = arith.index_cast %swap3A_126 : i32 to index
    %swap3A_128 = arith.constant 0 : index
    %swap3A_129 = tpu.vector_load %arg5[%swap3A_127, %swap3A_128] {strides = array<i32>} : memref<12x343xf32, #tpu.memory_space<vmem>>, vector<16xf32>,
    tpu.vector_store %arg5[%swap3A_127, %swap3A_128], %broadcast_in_dim3A_38 {strides = array<i32>} : memref<12x343xf32, #tpu.memory_space<vmem>>, vector<16xf32>,
    %swap3A_130 = arith.constant 1 : i32
    %swap3A_131 = arith.index_cast %swap3A_130 : i32 to index
    %swap3A_132 = arith.constant 16 : index
    %swap3A_133 = tpu.vector_load %arg5[%swap3A_131, %swap3A_132] {strides = array<i32>} : memref<12x343xf32, #tpu.memory_space<vmem>>, vector<16xf32>,
    tpu.vector_store %arg5[%swap3A_131, %swap3A_132], %broadcast_in_dim3A_38 {strides = array<i32>} : memref<12x343xf32, #tpu.memory_space<vmem>>, vector<16xf32>,
    %swap3A_134 = arith.constant 1 : i32
    %swap3A_135 = arith.index_cast %swap3A_134 : i32 to index
    %swap3A_136 = arith.constant 32 : index
    %swap3A_137 = tpu.vector_load %arg5[%swap3A_135, %swap3A_136] {strides = array<i32>} : memref<12x343xf32, #tpu.memory_space<vmem>>, vector<16xf32>,
    tpu.vector_store %arg5[%swap3A_135, %swap3A_136], %broadcast_in_dim3A_38 {strides = array<i32>} : memref<12x343xf32, #tpu.memory_space<vmem>>, vector<16xf32>,
    %swap3A_138 = arith.constant 1 : i32
    %swap3A_139 = arith.index_cast %swap3A_138 : i32 to index
    %swap3A_140 = arith.constant 48 : index
    %swap3A_141 = tpu.vector_load %arg5[%swap3A_139, %swap3A_140] {strides = array<i32>} : memref<12x343xf32, #tpu.memory_space<vmem>>, vector<16xf32>,
    tpu.vector_store %arg5[%swap3A_139, %swap3A_140], %broadcast_in_dim3A_38 {strides = array<i32>} : memref<12x343xf32, #tpu.memory_space<vmem>>, vector<16xf32>,
    %swap3A_142 = arith.constant 1 : i32
    %swap3A_143 = arith.index_cast %swap3A_142 : i32 to index
    %swap3A_144 = arith.constant 64 : index
    %swap3A_145 = tpu.vector_load %arg5[%swap3A_143, %swap3A_144] {strides = array<i32>} : memref<12x343xf32, #tpu.memory_space<vmem>>, vector<16xf32>,
    tpu.vector_store %arg5[%swap3A_143, %swap3A_144], %broadcast_in_dim3A_38 {strides = array<i32>} : memref<12x343xf32, #tpu.memory_space<vmem>>, vector<16xf32>,
    %swap3A_146 = arith.constant 1 : i32
    %swap3A_147 = arith.index_cast %swap3A_146 : i32 to index
    %swap3A_148 = arith.constant 80 : index
    %swap3A_149 = tpu.vector_load %arg5[%swap3A_147, %swap3A_148] {strides = array<i32>} : memref<12x343xf32, #tpu.memory_space<vmem>>, vector<16xf32>,
    tpu.vector_store %arg5[%swap3A_147, %swap3A_148], %broadcast_in_dim3A_38 {strides = array<i32>} : memref<12x343xf32, #tpu.memory_space<vmem>>, vector<16xf32>,
    %swap3A_150 = arith.constant 1 : i32
    %swap3A_151 = arith.index_cast %swap3A_150 : i32 to index
    %swap3A_152 = arith.constant 96 : index
    %swap3A_153 = tpu.vector_load %arg5[%swap3A_151, %swap3A_152] {strides = array<i32>} : memref<12x343xf32, #tpu.memory_space<vmem>>, vector<16xf32>,
    tpu.vector_store %arg5[%swap3A_151, %swap3A_152], %broadcast_in_dim3A_38 {strides = array<i32>} : memref<12x343xf32, #tpu.memory_space<vmem>>, vector<16xf32>,
    %swap3A_154 = arith.constant 1 : i32
    %swap3A_155 = arith.index_cast %swap3A_154 : i32 to index
    %swap3A_156 = arith.constant 112 : index
    %swap3A_157 = tpu.vector_load %arg5[%swap3A_155, %swap3A_156] {strides = array<i32>} : memref<12x343xf32, #tpu.memory_space<vmem>>, vector<16xf32>,
    tpu.vector_store %arg5[%swap3A_155, %swap3A_156], %broadcast_in_dim3A_38 {strides = array<i32>} : memref<12x343xf32, #tpu.memory_space<vmem>>, vector<16xf32>,
    %swap3A_158 = arith.constant 1 : i32
    %swap3A_159 = arith.index_cast %swap3A_158 : i32 to index
    %swap3A_160 = arith.constant 128 : index
    %swap3A_161 = tpu.vector_load %arg5[%swap3A_159, %swap3A_160] {strides = array<i32>} : memref<12x343xf32, #tpu.memory_space<vmem>>, vector<16xf32>,
    tpu.vector_store %arg5[%swap3A_159, %swap3A_160], %broadcast_in_dim3A_38 {strides = array<i32>} : memref<12x343xf32, #tpu.memory_space<vmem>>, vector<16xf32>,
    %swap3A_162 = arith.constant 1 : i32
    %swap3A_163 = arith.index_cast %swap3A_162 : i32 to index
    %swap3A_164 = arith.constant 144 : index
    %swap3A_165 = tpu.vector_load %arg5[%swap3A_163, %swap3A_164] {strides = array<i32>} : memref<12x343xf32, #tpu.memory_space<vmem>>, vector<16xf32>,
    tpu.vector_store %arg5[%swap3A_163, %swap3A_164], %broadcast_in_dim3A_38 {strides = array<i32>} : memref<12x343xf32, #tpu.memory_space<vmem>>, vector<16xf32>,
    %swap3A_166 = arith.constant 1 : i32
    %swap3A_167 = arith.index_cast %swap3A_166 : i32 to index
    %swap3A_168 = arith.constant 160 : index
    %swap3A_169 = tpu.vector_load %arg5[%swap3A_167, %swap3A_168] {strides = array<i32>} : memref<12x343xf32, #tpu.memory_space<vmem>>, vector<16xf32>,
    tpu.vector_store %arg5[%swap3A_167, %swap3A_168], %broadcast_in_dim3A_38 {strides = array<i32>} : memref<12x343xf32, #tpu.memory_space<vmem>>, vector<16xf32>,
    %swap3A_170 = arith.constant 1 : i32
    %swap3A_171 = arith.index_cast %swap3A_170 : i32 to index
    %swap3A_172 = arith.constant 176 : index
    %swap3A_173 = tpu.vector_load %arg5[%swap3A_171, %swap3A_172] {strides = array<i32>} : memref<12x343xf32, #tpu.memory_space<vmem>>, vector<16xf32>,
    tpu.vector_store %arg5[%swap3A_171, %swap3A_172], %broadcast_in_dim3A_38 {strides = array<i32>} : memref<12x343xf32, #tpu.memory_space<vmem>>, vector<16xf32>,
    %swap3A_174 = arith.constant 1 : i32
    %swap3A_175 = arith.index_cast %swap3A_174 : i32 to index
    %swap3A_176 = arith.constant 192 : index
    %swap3A_177 = tpu.vector_load %arg5[%swap3A_175, %swap3A_176] {strides = array<i32>} : memref<12x343xf32, #tpu.memory_space<vmem>>, vector<16xf32>,
    tpu.vector_store %arg5[%swap3A_175, %swap3A_176], %broadcast_in_dim3A_38 {strides = array<i32>} : memref<12x343xf32, #tpu.memory_space<vmem>>, vector<16xf32>,
    %swap3A_178 = arith.constant 1 : i32
    %swap3A_179 = arith.index_cast %swap3A_178 : i32 to index
    %swap3A_180 = arith.constant 208 : index
    %swap3A_181 = tpu.vector_load %arg5[%swap3A_179, %swap3A_180] {strides = array<i32>} : memref<12x343xf32, #tpu.memory_space<vmem>>, vector<16xf32>,
    tpu.vector_store %arg5[%swap3A_179, %swap3A_180], %broadcast_in_dim3A_38 {strides = array<i32>} : memref<12x343xf32, #tpu.memory_space<vmem>>, vector<16xf32>,
    %swap3A_182 = arith.constant 1 : i32
    %swap3A_183 = arith.index_cast %swap3A_182 : i32 to index
    %swap3A_184 = arith.constant 224 : index
    %swap3A_185 = tpu.vector_load %arg5[%swap3A_183, %swap3A_184] {strides = array<i32>} : memref<12x343xf32, #tpu.memory_space<vmem>>, vector<16xf32>,
    tpu.vector_store %arg5[%swap3A_183, %swap3A_184], %broadcast_in_dim3A_38 {strides = array<i32>} : memref<12x343xf32, #tpu.memory_space<vmem>>, vector<16xf32>,
    %swap3A_186 = arith.constant 1 : i32
    %swap3A_187 = arith.index_cast %swap3A_186 : i32 to index
    %swap3A_188 = arith.constant 240 : index
    %swap3A_189 = tpu.vector_load %arg5[%swap3A_187, %swap3A_188] {strides = array<i32>} : memref<12x343xf32, #tpu.memory_space<vmem>>, vector<16xf32>,
    tpu.vector_store %arg5[%swap3A_187, %swap3A_188], %broadcast_in_dim3A_38 {strides = array<i32>} : memref<12x343xf32, #tpu.memory_space<vmem>>, vector<16xf32>,
    %swap3A_190 = arith.constant 1 : i32
    %swap3A_191 = arith.index_cast %swap3A_190 : i32 to index
    %swap3A_192 = arith.constant 256 : index
    %swap3A_193 = tpu.vector_load %arg5[%swap3A_191, %swap3A_192] {strides = array<i32>} : memref<12x343xf32, #tpu.memory_space<vmem>>, vector<16xf32>,
    tpu.vector_store %arg5[%swap3A_191, %swap3A_192], %broadcast_in_dim3A_38 {strides = array<i32>} : memref<12x343xf32, #tpu.memory_space<vmem>>, vector<16xf32>,
    %swap3A_194 = arith.constant 1 : i32
    %swap3A_195 = arith.index_cast %swap3A_194 : i32 to index
    %swap3A_196 = arith.constant 272 : index
    %swap3A_197 = tpu.vector_load %arg5[%swap3A_195, %swap3A_196] {strides = array<i32>} : memref<12x343xf32, #tpu.memory_space<vmem>>, vector<16xf32>,
    tpu.vector_store %arg5[%swap3A_195, %swap3A_196], %broadcast_in_dim3A_38 {strides = array<i32>} : memref<12x343xf32, #tpu.memory_space<vmem>>, vector<16xf32>,
    %swap3A_198 = arith.constant 1 : i32
    %swap3A_199 = arith.index_cast %swap3A_198 : i32 to index
    %swap3A_200 = arith.constant 288 : index
    %swap3A_201 = tpu.vector_load %arg5[%swap3A_199, %swap3A_200] {strides = array<i32>} : memref<12x343xf32, #tpu.memory_space<vmem>>, vector<16xf32>,
    tpu.vector_store %arg5[%swap3A_199, %swap3A_200], %broadcast_in_dim3A_38 {strides = array<i32>} : memref<12x343xf32, #tpu.memory_space<vmem>>, vector<16xf32>,
    %swap3A_202 = arith.constant 1 : i32
    %swap3A_203 = arith.index_cast %swap3A_202 : i32 to index
    %swap3A_204 = arith.constant 304 : index
    %swap3A_205 = tpu.vector_load %arg5[%swap3A_203, %swap3A_204] {strides = array<i32>} : memref<12x343xf32, #tpu.memory_space<vmem>>, vector<16xf32>,
    tpu.vector_store %arg5[%swap3A_203, %swap3A_204], %broadcast_in_dim3A_38 {strides = array<i32>} : memref<12x343xf32, #tpu.memory_space<vmem>>, vector<16xf32>,
    %swap3A_206 = arith.constant 1 : i32
    %swap3A_207 = arith.index_cast %swap3A_206 : i32 to index
    %swap3A_208 = arith.constant 320 : index
    %swap3A_209 = tpu.vector_load %arg5[%swap3A_207, %swap3A_208] {strides = array<i32>} : memref<12x343xf32, #tpu.memory_space<vmem>>, vector<16xf32>,
    tpu.vector_store %arg5[%swap3A_207, %swap3A_208], %broadcast_in_dim3A_38 {strides = array<i32>} : memref<12x343xf32, #tpu.memory_space<vmem>>, vector<16xf32>,
    %swap3A_210 = arith.constant 1 : i32
    %swap3A_211 = arith.index_cast %swap3A_210 : i32 to index
    %swap3A_212 = arith.constant 327 : index
    %swap3A_213 = tpu.vector_load %arg5[%swap3A_211, %swap3A_212] {strides = array<i32>} : memref<12x343xf32, #tpu.memory_space<vmem>>, vector<16xf32>,
    tpu.vector_store %arg5[%swap3A_211, %swap3A_212], %broadcast_in_dim3A_38 {strides = array<i32>} : memref<12x343xf32, #tpu.memory_space<vmem>>, vector<16xf32>,
    %swap3A_214 = arith.constant 2 : i32
    %swap3A_215 = arith.index_cast %swap3A_214 : i32 to index
    %swap3A_216 = arith.constant 0 : index
    %swap3A_217 = tpu.vector_load %arg5[%swap3A_215, %swap3A_216] {strides = array<i32>} : memref<12x343xf32, #tpu.memory_space<vmem>>, vector<16xf32>,
    tpu.vector_store %arg5[%swap3A_215, %swap3A_216], %broadcast_in_dim3A_38 {strides = array<i32>} : memref<12x343xf32, #tpu.memory_space<vmem>>, vector<16xf32>,
    %swap3A_218 = arith.constant 2 : i32
    %swap3A_219 = arith.index_cast %swap3A_218 : i32 to index
    %swap3A_220 = arith.constant 16 : index
    %swap3A_221 = tpu.vector_load %arg5[%swap3A_219, %swap3A_220] {strides = array<i32>} : memref<12x343xf32, #tpu.memory_space<vmem>>, vector<16xf32>,
    tpu.vector_store %arg5[%swap3A_219, %swap3A_220], %broadcast_in_dim3A_38 {strides = array<i32>} : memref<12x343xf32, #tpu.memory_space<vmem>>, vector<16xf32>,
    %swap3A_222 = arith.constant 2 : i32
    %swap3A_223 = arith.index_cast %swap3A_222 : i32 to index
    %swap3A_224 = arith.constant 32 : index
    %swap3A_225 = tpu.vector_load %arg5[%swap3A_223, %swap3A_224] {strides = array<i32>} : memref<12x343xf32, #tpu.memory_space<vmem>>, vector<16xf32>,
    tpu.vector_store %arg5[%swap3A_223, %swap3A_224], %broadcast_in_dim3A_38 {strides = array<i32>} : memref<12x343xf32, #tpu.memory_space<vmem>>, vector<16xf32>,
    %swap3A_226 = arith.constant 2 : i32
    %swap3A_227 = arith.index_cast %swap3A_226 : i32 to index
    %swap3A_228 = arith.constant 48 : index
    %swap3A_229 = tpu.vector_load %arg5[%swap3A_227, %swap3A_228] {strides = array<i32>} : memref<12x343xf32, #tpu.memory_space<vmem>>, vector<16xf32>,
    tpu.vector_store %arg5[%swap3A_227, %swap3A_228], %broadcast_in_dim3A_38 {strides = array<i32>} : memref<12x343xf32, #tpu.memory_space<vmem>>, vector<16xf32>,
    %swap3A_230 = arith.constant 2 : i32
    %swap3A_231 = arith.index_cast %swap3A_230 : i32 to index
    %swap3A_232 = arith.constant 64 : index
    %swap3A_233 = tpu.vector_load %arg5[%swap3A_231, %swap3A_232] {strides = array<i32>} : memref<12x343xf32, #tpu.memory_space<vmem>>, vector<16xf32>,
    tpu.vector_store %arg5[%swap3A_231, %swap3A_232], %broadcast_in_dim3A_38 {strides = array<i32>} : memref<12x343xf32, #tpu.memory_space<vmem>>, vector<16xf32>,
    %swap3A_234 = arith.constant 2 : i32
    %swap3A_235 = arith.index_cast %swap3A_234 : i32 to index
    %swap3A_236 = arith.constant 80 : index
    %swap3A_237 = tpu.vector_load %arg5[%swap3A_235, %swap3A_236] {strides = array<i32>} : memref<12x343xf32, #tpu.memory_space<vmem>>, vector<16xf32>,
    tpu.vector_store %arg5[%swap3A_235, %swap3A_236], %broadcast_in_dim3A_38 {strides = array<i32>} : memref<12x343xf32, #tpu.memory_space<vmem>>, vector<16xf32>,
    %swap3A_238 = arith.constant 2 : i32
    %swap3A_239 = arith.index_cast %swap3A_238 : i32 to index
    %swap3A_240 = arith.constant 96 : index
    %swap3A_241 = tpu.vector_load %arg5[%swap3A_239, %swap3A_240] {strides = array<i32>} : memref<12x343xf32, #tpu.memory_space<vmem>>, vector<16xf32>,
    tpu.vector_store %arg5[%swap3A_239, %swap3A_240], %broadcast_in_dim3A_38 {strides = array<i32>} : memref<12x343xf32, #tpu.memory_space<vmem>>, vector<16xf32>,
    %swap3A_242 = arith.constant 2 : i32
    %swap3A_243 = arith.index_cast %swap3A_242 : i32 to index
    %swap3A_244 = arith.constant 112 : index
    %swap3A_245 = tpu.vector_load %arg5[%swap3A_243, %swap3A_244] {strides = array<i32>} : memref<12x343xf32, #tpu.memory_space<vmem>>, vector<16xf32>,
    tpu.vector_store %arg5[%swap3A_243, %swap3A_244], %broadcast_in_dim3A_38 {strides = array<i32>} : memref<12x343xf32, #tpu.memory_space<vmem>>, vector<16xf32>,
    %swap3A_246 = arith.constant 2 : i32
    %swap3A_247 = arith.index_cast %swap3A_246 : i32 to index
    %swap3A_248 = arith.constant 128 : index
    %swap3A_249 = tpu.vector_load %arg5[%swap3A_247, %swap3A_248] {strides = array<i32>} : memref<12x343xf32, #tpu.memory_space<vmem>>, vector<16xf32>,
    tpu.vector_store %arg5[%swap3A_247, %swap3A_248], %broadcast_in_dim3A_38 {strides = array<i32>} : memref<12x343xf32, #tpu.memory_space<vmem>>, vector<16xf32>,
    %swap3A_250 = arith.constant 2 : i32
    %swap3A_251 = arith.index_cast %swap3A_250 : i32 to index
    %swap3A_252 = arith.constant 144 : index
    %swap3A_253 = tpu.vector_load %arg5[%swap3A_251, %swap3A_252] {strides = array<i32>} : memref<12x343xf32, #tpu.memory_space<vmem>>, vector<16xf32>,
    tpu.vector_store %arg5[%swap3A_251, %swap3A_252], %broadcast_in_dim3A_38 {strides = array<i32>} : memref<12x343xf32, #tpu.memory_space<vmem>>, vector<16xf32>,
    %swap3A_254 = arith.constant 2 : i32
    %swap3A_255 = arith.index_cast %swap3A_254 : i32 to index
    %swap3A_256 = arith.constant 160 : index
    %swap3A_257 = tpu.vector_load %arg5[%swap3A_255, %swap3A_256] {strides = array<i32>} : memref<12x343xf32, #tpu.memory_space<vmem>>, vector<16xf32>,
    tpu.vector_store %arg5[%swap3A_255, %swap3A_256], %broadcast_in_dim3A_38 {strides = array<i32>} : memref<12x343xf32, #tpu.memory_space<vmem>>, vector<16xf32>,
    %swap3A_258 = arith.constant 2 : i32
    %swap3A_259 = arith.index_cast %swap3A_258 : i32 to index
    %swap3A_260 = arith.constant 176 : index
    %swap3A_261 = tpu.vector_load %arg5[%swap3A_259, %swap3A_260] {strides = array<i32>} : memref<12x343xf32, #tpu.memory_space<vmem>>, vector<16xf32>,
    tpu.vector_store %arg5[%swap3A_259, %swap3A_260], %broadcast_in_dim3A_38 {strides = array<i32>} : memref<12x343xf32, #tpu.memory_space<vmem>>, vector<16xf32>,
    %swap3A_262 = arith.constant 2 : i32
    %swap3A_263 = arith.index_cast %swap3A_262 : i32 to index
    %swap3A_264 = arith.constant 192 : index
    %swap3A_265 = tpu.vector_load %arg5[%swap3A_263, %swap3A_264] {strides = array<i32>} : memref<12x343xf32, #tpu.memory_space<vmem>>, vector<16xf32>,
    tpu.vector_store %arg5[%swap3A_263, %swap3A_264], %broadcast_in_dim3A_38 {strides = array<i32>} : memref<12x343xf32, #tpu.memory_space<vmem>>, vector<16xf32>,
    %swap3A_266 = arith.constant 2 : i32
    %swap3A_267 = arith.index_cast %swap3A_266 : i32 to index
    %swap3A_268 = arith.constant 208 : index
    %swap3A_269 = tpu.vector_load %arg5[%swap3A_267, %swap3A_268] {strides = array<i32>} : memref<12x343xf32, #tpu.memory_space<vmem>>, vector<16xf32>,
    tpu.vector_store %arg5[%swap3A_267, %swap3A_268], %broadcast_in_dim3A_38 {strides = array<i32>} : memref<12x343xf32, #tpu.memory_space<vmem>>, vector<16xf32>,
    %swap3A_270 = arith.constant 2 : i32
    %swap3A_271 = arith.index_cast %swap3A_270 : i32 to index
    %swap3A_272 = arith.constant 224 : index
    %swap3A_273 = tpu.vector_load %arg5[%swap3A_271, %swap3A_272] {strides = array<i32>} : memref<12x343xf32, #tpu.memory_space<vmem>>, vector<16xf32>,
    tpu.vector_store %arg5[%swap3A_271, %swap3A_272], %broadcast_in_dim3A_38 {strides = array<i32>} : memref<12x343xf32, #tpu.memory_space<vmem>>, vector<16xf32>,
    %swap3A_274 = arith.constant 2 : i32
    %swap3A_275 = arith.index_cast %swap3A_274 : i32 to index
    %swap3A_276 = arith.constant 240 : index
    %swap3A_277 = tpu.vector_load %arg5[%swap3A_275, %swap3A_276] {strides = array<i32>} : memref<12x343xf32, #tpu.memory_space<vmem>>, vector<16xf32>,
    tpu.vector_store %arg5[%swap3A_275, %swap3A_276], %broadcast_in_dim3A_38 {strides = array<i32>} : memref<12x343xf32, #tpu.memory_space<vmem>>, vector<16xf32>,
    %swap3A_278 = arith.constant 2 : i32
    %swap3A_279 = arith.index_cast %swap3A_278 : i32 to index
    %swap3A_280 = arith.constant 256 : index
    %swap3A_281 = tpu.vector_load %arg5[%swap3A_279, %swap3A_280] {strides = array<i32>} : memref<12x343xf32, #tpu.memory_space<vmem>>, vector<16xf32>,
    tpu.vector_store %arg5[%swap3A_279, %swap3A_280], %broadcast_in_dim3A_38 {strides = array<i32>} : memref<12x343xf32, #tpu.memory_space<vmem>>, vector<16xf32>,
    %swap3A_282 = arith.constant 2 : i32
    %swap3A_283 = arith.index_cast %swap3A_282 : i32 to index
    %swap3A_284 = arith.constant 272 : index
    %swap3A_285 = tpu.vector_load %arg5[%swap3A_283, %swap3A_284] {strides = array<i32>} : memref<12x343xf32, #tpu.memory_space<vmem>>, vector<16xf32>,
    tpu.vector_store %arg5[%swap3A_283, %swap3A_284], %broadcast_in_dim3A_38 {strides = array<i32>} : memref<12x343xf32, #tpu.memory_space<vmem>>, vector<16xf32>,
    %swap3A_286 = arith.constant 2 : i32
    %swap3A_287 = arith.index_cast %swap3A_286 : i32 to index
    %swap3A_288 = arith.constant 288 : index
    %swap3A_289 = tpu.vector_load %arg5[%swap3A_287, %swap3A_288] {strides = array<i32>} : memref<12x343xf32, #tpu.memory_space<vmem>>, vector<16xf32>,
    tpu.vector_store %arg5[%swap3A_287, %swap3A_288], %broadcast_in_dim3A_38 {strides = array<i32>} : memref<12x343xf32, #tpu.memory_space<vmem>>, vector<16xf32>,
    %swap3A_290 = arith.constant 2 : i32
    %swap3A_291 = arith.index_cast %swap3A_290 : i32 to index
    %swap3A_292 = arith.constant 304 : index
    %swap3A_293 = tpu.vector_load %arg5[%swap3A_291, %swap3A_292] {strides = array<i32>} : memref<12x343xf32, #tpu.memory_space<vmem>>, vector<16xf32>,
    tpu.vector_store %arg5[%swap3A_291, %swap3A_292], %broadcast_in_dim3A_38 {strides = array<i32>} : memref<12x343xf32, #tpu.memory_space<vmem>>, vector<16xf32>,
    %swap3A_294 = arith.constant 2 : i32
    %swap3A_295 = arith.index_cast %swap3A_294 : i32 to index
    %swap3A_296 = arith.constant 320 : index
    %swap3A_297 = tpu.vector_load %arg5[%swap3A_295, %swap3A_296] {strides = array<i32>} : memref<12x343xf32, #tpu.memory_space<vmem>>, vector<16xf32>,
    tpu.vector_store %arg5[%swap3A_295, %swap3A_296], %broadcast_in_dim3A_38 {strides = array<i32>} : memref<12x343xf32, #tpu.memory_space<vmem>>, vector<16xf32>,
    %swap3A_298 = arith.constant 2 : i32
    %swap3A_299 = arith.index_cast %swap3A_298 : i32 to index
    %swap3A_300 = arith.constant 327 : index
    %swap3A_301 = tpu.vector_load %arg5[%swap3A_299, %swap3A_300] {strides = array<i32>} : memref<12x343xf32, #tpu.memory_space<vmem>>, vector<16xf32>,
    tpu.vector_store %arg5[%swap3A_299, %swap3A_300], %broadcast_in_dim3A_38 {strides = array<i32>} : memref<12x343xf32, #tpu.memory_space<vmem>>, vector<16xf32>,
    %swap3A_302 = arith.constant 3 : i32
    %swap3A_303 = arith.index_cast %swap3A_302 : i32 to index
    %swap3A_304 = arith.constant 0 : index
    %swap3A_305 = tpu.vector_load %arg5[%swap3A_303, %swap3A_304] {strides = array<i32>} : memref<12x343xf32, #tpu.memory_space<vmem>>, vector<16xf32>,
    tpu.vector_store %arg5[%swap3A_303, %swap3A_304], %broadcast_in_dim3A_38 {strides = array<i32>} : memref<12x343xf32, #tpu.memory_space<vmem>>, vector<16xf32>,
    %swap3A_306 = arith.constant 3 : i32
    %swap3A_307 = arith.index_cast %swap3A_306 : i32 to index
    %swap3A_308 = arith.constant 16 : index
    %swap3A_309 = tpu.vector_load %arg5[%swap3A_307, %swap3A_308] {strides = array<i32>} : memref<12x343xf32, #tpu.memory_space<vmem>>, vector<16xf32>,
    tpu.vector_store %arg5[%swap3A_307, %swap3A_308], %broadcast_in_dim3A_38 {strides = array<i32>} : memref<12x343xf32, #tpu.memory_space<vmem>>, vector<16xf32>,
    %swap3A_310 = arith.constant 3 : i32
    %swap3A_311 = arith.index_cast %swap3A_310 : i32 to index
    %swap3A_312 = arith.constant 32 : index
    %swap3A_313 = tpu.vector_load %arg5[%swap3A_311, %swap3A_312] {strides = array<i32>} : memref<12x343xf32, #tpu.memory_space<vmem>>, vector<16xf32>,
    tpu.vector_store %arg5[%swap3A_311, %swap3A_312], %broadcast_in_dim3A_38 {strides = array<i32>} : memref<12x343xf32, #tpu.memory_space<vmem>>, vector<16xf32>,
    %swap3A_314 = arith.constant 3 : i32
    %swap3A_315 = arith.index_cast %swap3A_314 : i32 to index
    %swap3A_316 = arith.constant 48 : index
    %swap3A_317 = tpu.vector_load %arg5[%swap3A_315, %swap3A_316] {strides = array<i32>} : memref<12x343xf32, #tpu.memory_space<vmem>>, vector<16xf32>,
    tpu.vector_store %arg5[%swap3A_315, %swap3A_316], %broadcast_in_dim3A_38 {strides = array<i32>} : memref<12x343xf32, #tpu.memory_space<vmem>>, vector<16xf32>,
    %swap3A_318 = arith.constant 3 : i32
    %swap3A_319 = arith.index_cast %swap3A_318 : i32 to index
    %swap3A_320 = arith.constant 64 : index
    %swap3A_321 = tpu.vector_load %arg5[%swap3A_319, %swap3A_320] {strides = array<i32>} : memref<12x343xf32, #tpu.memory_space<vmem>>, vector<16xf32>,
    tpu.vector_store %arg5[%swap3A_319, %swap3A_320], %broadcast_in_dim3A_38 {strides = array<i32>} : memref<12x343xf32, #tpu.memory_space<vmem>>, vector<16xf32>,
    %swap3A_322 = arith.constant 3 : i32
    %swap3A_323 = arith.index_cast %swap3A_322 : i32 to index
    %swap3A_324 = arith.constant 80 : index
    %swap3A_325 = tpu.vector_load %arg5[%swap3A_323, %swap3A_324] {strides = array<i32>} : memref<12x343xf32, #tpu.memory_space<vmem>>, vector<16xf32>,
    tpu.vector_store %arg5[%swap3A_323, %swap3A_324], %broadcast_in_dim3A_38 {strides = array<i32>} : memref<12x343xf32, #tpu.memory_space<vmem>>, vector<16xf32>,
    %swap3A_326 = arith.constant 3 : i32
    %swap3A_327 = arith.index_cast %swap3A_326 : i32 to index
    %swap3A_328 = arith.constant 96 : index
    %swap3A_329 = tpu.vector_load %arg5[%swap3A_327, %swap3A_328] {strides = array<i32>} : memref<12x343xf32, #tpu.memory_space<vmem>>, vector<16xf32>,
    tpu.vector_store %arg5[%swap3A_327, %swap3A_328], %broadcast_in_dim3A_38 {strides = array<i32>} : memref<12x343xf32, #tpu.memory_space<vmem>>, vector<16xf32>,
    %swap3A_330 = arith.constant 3 : i32
    %swap3A_331 = arith.index_cast %swap3A_330 : i32 to index
    %swap3A_332 = arith.constant 112 : index
    %swap3A_333 = tpu.vector_load %arg5[%swap3A_331, %swap3A_332] {strides = array<i32>} : memref<12x343xf32, #tpu.memory_space<vmem>>, vector<16xf32>,
    tpu.vector_store %arg5[%swap3A_331, %swap3A_332], %broadcast_in_dim3A_38 {strides = array<i32>} : memref<12x343xf32, #tpu.memory_space<vmem>>, vector<16xf32>,
    %swap3A_334 = arith.constant 3 : i32
    %swap3A_335 = arith.index_cast %swap3A_334 : i32 to index
    %swap3A_336 = arith.constant 128 : index
    %swap3A_337 = tpu.vector_load %arg5[%swap3A_335, %swap3A_336] {strides = array<i32>} : memref<12x343xf32, #tpu.memory_space<vmem>>, vector<16xf32>,
    tpu.vector_store %arg5[%swap3A_335, %swap3A_336], %broadcast_in_dim3A_38 {strides = array<i32>} : memref<12x343xf32, #tpu.memory_space<vmem>>, vector<16xf32>,
    %swap3A_338 = arith.constant 3 : i32
    %swap3A_339 = arith.index_cast %swap3A_338 : i32 to index
    %swap3A_340 = arith.constant 144 : index
    %swap3A_341 = tpu.vector_load %arg5[%swap3A_339, %swap3A_340] {strides = array<i32>} : memref<12x343xf32, #tpu.memory_space<vmem>>, vector<16xf32>,
    tpu.vector_store %arg5[%swap3A_339, %swap3A_340], %broadcast_in_dim3A_38 {strides = array<i32>} : memref<12x343xf32, #tpu.memory_space<vmem>>, vector<16xf32>,
    %swap3A_342 = arith.constant 3 : i32
    %swap3A_343 = arith.index_cast %swap3A_342 : i32 to index
    %swap3A_344 = arith.constant 160 : index
    %swap3A_345 = tpu.vector_load %arg5[%swap3A_343, %swap3A_344] {strides = array<i32>} : memref<12x343xf32, #tpu.memory_space<vmem>>, vector<16xf32>,
    tpu.vector_store %arg5[%swap3A_343, %swap3A_344], %broadcast_in_dim3A_38 {strides = array<i32>} : memref<12x343xf32, #tpu.memory_space<vmem>>, vector<16xf32>,
    %swap3A_346 = arith.constant 3 : i32
    %swap3A_347 = arith.index_cast %swap3A_346 : i32 to index
    %swap3A_348 = arith.constant 176 : index
    %swap3A_349 = tpu.vector_load %arg5[%swap3A_347, %swap3A_348] {strides = array<i32>} : memref<12x343xf32, #tpu.memory_space<vmem>>, vector<16xf32>,
    tpu.vector_store %arg5[%swap3A_347, %swap3A_348], %broadcast_in_dim3A_38 {strides = array<i32>} : memref<12x343xf32, #tpu.memory_space<vmem>>, vector<16xf32>,
    %swap3A_350 = arith.constant 3 : i32
    %swap3A_351 = arith.index_cast %swap3A_350 : i32 to index
    %swap3A_352 = arith.constant 192 : index
    %swap3A_353 = tpu.vector_load %arg5[%swap3A_351, %swap3A_352] {strides = array<i32>} : memref<12x343xf32, #tpu.memory_space<vmem>>, vector<16xf32>,
    tpu.vector_store %arg5[%swap3A_351, %swap3A_352], %broadcast_in_dim3A_38 {strides = array<i32>} : memref<12x343xf32, #tpu.memory_space<vmem>>, vector<16xf32>,
    %swap3A_354 = arith.constant 3 : i32
    %swap3A_355 = arith.index_cast %swap3A_354 : i32 to index
    %swap3A_356 = arith.constant 208 : index
    %swap3A_357 = tpu.vector_load %arg5[%swap3A_355, %swap3A_356] {strides = array<i32>} : memref<12x343xf32, #tpu.memory_space<vmem>>, vector<16xf32>,
    tpu.vector_store %arg5[%swap3A_355, %swap3A_356], %broadcast_in_dim3A_38 {strides = array<i32>} : memref<12x343xf32, #tpu.memory_space<vmem>>, vector<16xf32>,
    %swap3A_358 = arith.constant 3 : i32
    %swap3A_359 = arith.index_cast %swap3A_358 : i32 to index
    %swap3A_360 = arith.constant 224 : index
    %swap3A_361 = tpu.vector_load %arg5[%swap3A_359, %swap3A_360] {strides = array<i32>} : memref<12x343xf32, #tpu.memory_space<vmem>>, vector<16xf32>,
    tpu.vector_store %arg5[%swap3A_359, %swap3A_360], %broadcast_in_dim3A_38 {strides = array<i32>} : memref<12x343xf32, #tpu.memory_space<vmem>>, vector<16xf32>,
    %swap3A_362 = arith.constant 3 : i32
    %swap3A_363 = arith.index_cast %swap3A_362 : i32 to index
    %swap3A_364 = arith.constant 240 : index
    %swap3A_365 = tpu.vector_load %arg5[%swap3A_363, %swap3A_364] {strides = array<i32>} : memref<12x343xf32, #tpu.memory_space<vmem>>, vector<16xf32>,
    tpu.vector_store %arg5[%swap3A_363, %swap3A_364], %broadcast_in_dim3A_38 {strides = array<i32>} : memref<12x343xf32, #tpu.memory_space<vmem>>, vector<16xf32>,
    %swap3A_366 = arith.constant 3 : i32
    %swap3A_367 = arith.index_cast %swap3A_366 : i32 to index
    %swap3A_368 = arith.constant 256 : index
    %swap3A_369 = tpu.vector_load %arg5[%swap3A_367, %swap3A_368] {strides = array<i32>} : memref<12x343xf32, #tpu.memory_space<vmem>>, vector<16xf32>,
    tpu.vector_store %arg5[%swap3A_367, %swap3A_368], %broadcast_in_dim3A_38 {strides = array<i32>} : memref<12x343xf32, #tpu.memory_space<vmem>>, vector<16xf32>,
    %swap3A_370 = arith.constant 3 : i32
    %swap3A_371 = arith.index_cast %swap3A_370 : i32 to index
    %swap3A_372 = arith.constant 272 : index
    %swap3A_373 = tpu.vector_load %arg5[%swap3A_371, %swap3A_372] {strides = array<i32>} : memref<12x343xf32, #tpu.memory_space<vmem>>, vector<16xf32>,
    tpu.vector_store %arg5[%swap3A_371, %swap3A_372], %broadcast_in_dim3A_38 {strides = array<i32>} : memref<12x343xf32, #tpu.memory_space<vmem>>, vector<16xf32>,
    %swap3A_374 = arith.constant 3 : i32
    %swap3A_375 = arith.index_cast %swap3A_374 : i32 to index
    %swap3A_376 = arith.constant 288 : index
    %swap3A_377 = tpu.vector_load %arg5[%swap3A_375, %swap3A_376] {strides = array<i32>} : memref<12x343xf32, #tpu.memory_space<vmem>>, vector<16xf32>,
    tpu.vector_store %arg5[%swap3A_375, %swap3A_376], %broadcast_in_dim3A_38 {strides = array<i32>} : memref<12x343xf32, #tpu.memory_space<vmem>>, vector<16xf32>,
    %swap3A_378 = arith.constant 3 : i32
    %swap3A_379 = arith.index_cast %swap3A_378 : i32 to index
    %swap3A_380 = arith.constant 304 : index
    %swap3A_381 = tpu.vector_load %arg5[%swap3A_379, %swap3A_380] {strides = array<i32>} : memref<12x343xf32, #tpu.memory_space<vmem>>, vector<16xf32>,
    tpu.vector_store %arg5[%swap3A_379, %swap3A_380], %broadcast_in_dim3A_38 {strides = array<i32>} : memref<12x343xf32, #tpu.memory_space<vmem>>, vector<16xf32>,
    %swap3A_382 = arith.constant 3 : i32
    %swap3A_383 = arith.index_cast %swap3A_382 : i32 to index
    %swap3A_384 = arith.constant 320 : index
    %swap3A_385 = tpu.vector_load %arg5[%swap3A_383, %swap3A_384] {strides = array<i32>} : memref<12x343xf32, #tpu.memory_space<vmem>>, vector<16xf32>,
    tpu.vector_store %arg5[%swap3A_383, %swap3A_384], %broadcast_in_dim3A_38 {strides = array<i32>} : memref<12x343xf32, #tpu.memory_space<vmem>>, vector<16xf32>,
    %swap3A_386 = arith.constant 3 : i32
    %swap3A_387 = arith.index_cast %swap3A_386 : i32 to index
    %swap3A_388 = arith.constant 327 : index
    %swap3A_389 = tpu.vector_load %arg5[%swap3A_387, %swap3A_388] {strides = array<i32>} : memref<12x343xf32, #tpu.memory_space<vmem>>, vector<16xf32>,
    tpu.vector_store %arg5[%swap3A_387, %swap3A_388], %broadcast_in_dim3A_38 {strides = array<i32>} : memref<12x343xf32, #tpu.memory_space<vmem>>, vector<16xf32>,
    %swap3A_390 = arith.constant 4 : i32
    %swap3A_391 = arith.index_cast %swap3A_390 : i32 to index
    %swap3A_392 = arith.constant 0 : index
    %swap3A_393 = tpu.vector_load %arg5[%swap3A_391, %swap3A_392] {strides = array<i32>} : memref<12x343xf32, #tpu.memory_space<vmem>>, vector<16xf32>,
    tpu.vector_store %arg5[%swap3A_391, %swap3A_392], %broadcast_in_dim3A_38 {strides = array<i32>} : memref<12x343xf32, #tpu.memory_space<vmem>>, vector<16xf32>,
    %swap3A_394 = arith.constant 4 : i32
    %swap3A_395 = arith.index_cast %swap3A_394 : i32 to index
    %swap3A_396 = arith.constant 16 : index
    %swap3A_397 = tpu.vector_load %arg5[%swap3A_395, %swap3A_396] {strides = array<i32>} : memref<12x343xf32, #tpu.memory_space<vmem>>, vector<16xf32>,
    tpu.vector_store %arg5[%swap3A_395, %swap3A_396], %broadcast_in_dim3A_38 {strides = array<i32>} : memref<12x343xf32, #tpu.memory_space<vmem>>, vector<16xf32>,
    %swap3A_398 = arith.constant 4 : i32
    %swap3A_399 = arith.index_cast %swap3A_398 : i32 to index
    %swap3A_400 = arith.constant 32 : index
    %swap3A_401 = tpu.vector_load %arg5[%swap3A_399, %swap3A_400] {strides = array<i32>} : memref<12x343xf32, #tpu.memory_space<vmem>>, vector<16xf32>,
    tpu.vector_store %arg5[%swap3A_399, %swap3A_400], %broadcast_in_dim3A_38 {strides = array<i32>} : memref<12x343xf32, #tpu.memory_space<vmem>>, vector<16xf32>,
    %swap3A_402 = arith.constant 4 : i32
    %swap3A_403 = arith.index_cast %swap3A_402 : i32 to index
    %swap3A_404 = arith.constant 48 : index
    %swap3A_405 = tpu.vector_load %arg5[%swap3A_403, %swap3A_404] {strides = array<i32>} : memref<12x343xf32, #tpu.memory_space<vmem>>, vector<16xf32>,
    tpu.vector_store %arg5[%swap3A_403, %swap3A_404], %broadcast_in_dim3A_38 {strides = array<i32>} : memref<12x343xf32, #tpu.memory_space<vmem>>, vector<16xf32>,
    %swap3A_406 = arith.constant 4 : i32
    %swap3A_407 = arith.index_cast %swap3A_406 : i32 to index
    %swap3A_408 = arith.constant 64 : index
    %swap3A_409 = tpu.vector_load %arg5[%swap3A_407, %swap3A_408] {strides = array<i32>} : memref<12x343xf32, #tpu.memory_space<vmem>>, vector<16xf32>,
    tpu.vector_store %arg5[%swap3A_407, %swap3A_408], %broadcast_in_dim3A_38 {strides = array<i32>} : memref<12x343xf32, #tpu.memory_space<vmem>>, vector<16xf32>,
    %swap3A_410 = arith.constant 4 : i32
    %swap3A_411 = arith.index_cast %swap3A_410 : i32 to index
    %swap3A_412 = arith.constant 80 : index
    %swap3A_413 = tpu.vector_load %arg5[%swap3A_411, %swap3A_412] {strides = array<i32>} : memref<12x343xf32, #tpu.memory_space<vmem>>, vector<16xf32>,
    tpu.vector_store %arg5[%swap3A_411, %swap3A_412], %broadcast_in_dim3A_38 {strides = array<i32>} : memref<12x343xf32, #tpu.memory_space<vmem>>, vector<16xf32>,
    %swap3A_414 = arith.constant 4 : i32
    %swap3A_415 = arith.index_cast %swap3A_414 : i32 to index
    %swap3A_416 = arith.constant 96 : index
    %swap3A_417 = tpu.vector_load %arg5[%swap3A_415, %swap3A_416] {strides = array<i32>} : memref<12x343xf32, #tpu.memory_space<vmem>>, vector<16xf32>,
    tpu.vector_store %arg5[%swap3A_415, %swap3A_416], %broadcast_in_dim3A_38 {strides = array<i32>} : memref<12x343xf32, #tpu.memory_space<vmem>>, vector<16xf32>,
    %swap3A_418 = arith.constant 4 : i32
    %swap3A_419 = arith.index_cast %swap3A_418 : i32 to index
    %swap3A_420 = arith.constant 112 : index
    %swap3A_421 = tpu.vector_load %arg5[%swap3A_419, %swap3A_420] {strides = array<i32>} : memref<12x343xf32, #tpu.memory_space<vmem>>, vector<16xf32>,
    tpu.vector_store %arg5[%swap3A_419, %swap3A_420], %broadcast_in_dim3A_38 {strides = array<i32>} : memref<12x343xf32, #tpu.memory_space<vmem>>, vector<16xf32>,
    %swap3A_422 = arith.constant 4 : i32
    %swap3A_423 = arith.index_cast %swap3A_422 : i32 to index
    %swap3A_424 = arith.constant 128 : index
    %swap3A_425 = tpu.vector_load %arg5[%swap3A_423, %swap3A_424] {strides = array<i32>} : memref<12x343xf32, #tpu.memory_space<vmem>>, vector<16xf32>,
    tpu.vector_store %arg5[%swap3A_423, %swap3A_424], %broadcast_in_dim3A_38 {strides = array<i32>} : memref<12x343xf32, #tpu.memory_space<vmem>>, vector<16xf32>,
    %swap3A_426 = arith.constant 4 : i32
    %swap3A_427 = arith.index_cast %swap3A_426 : i32 to index
    %swap3A_428 = arith.constant 144 : index
    %swap3A_429 = tpu.vector_load %arg5[%swap3A_427, %swap3A_428] {strides = array<i32>} : memref<12x343xf32, #tpu.memory_space<vmem>>, vector<16xf32>,
    tpu.vector_store %arg5[%swap3A_427, %swap3A_428], %broadcast_in_dim3A_38 {strides = array<i32>} : memref<12x343xf32, #tpu.memory_space<vmem>>, vector<16xf32>,
    %swap3A_430 = arith.constant 4 : i32
    %swap3A_431 = arith.index_cast %swap3A_430 : i32 to index
    %swap3A_432 = arith.constant 160 : index
    %swap3A_433 = tpu.vector_load %arg5[%swap3A_431, %swap3A_432] {strides = array<i32>} : memref<12x343xf32, #tpu.memory_space<vmem>>, vector<16xf32>,
    tpu.vector_store %arg5[%swap3A_431, %swap3A_432], %broadcast_in_dim3A_38 {strides = array<i32>} : memref<12x343xf32, #tpu.memory_space<vmem>>, vector<16xf32>,
    %swap3A_434 = arith.constant 4 : i32
    %swap3A_435 = arith.index_cast %swap3A_434 : i32 to index
    %swap3A_436 = arith.constant 176 : index
    %swap3A_437 = tpu.vector_load %arg5[%swap3A_435, %swap3A_436] {strides = array<i32>} : memref<12x343xf32, #tpu.memory_space<vmem>>, vector<16xf32>,
    tpu.vector_store %arg5[%swap3A_435, %swap3A_436], %broadcast_in_dim3A_38 {strides = array<i32>} : memref<12x343xf32, #tpu.memory_space<vmem>>, vector<16xf32>,
    %swap3A_438 = arith.constant 4 : i32
    %swap3A_439 = arith.index_cast %swap3A_438 : i32 to index
    %swap3A_440 = arith.constant 192 : index
    %swap3A_441 = tpu.vector_load %arg5[%swap3A_439, %swap3A_440] {strides = array<i32>} : memref<12x343xf32, #tpu.memory_space<vmem>>, vector<16xf32>,
    tpu.vector_store %arg5[%swap3A_439, %swap3A_440], %broadcast_in_dim3A_38 {strides = array<i32>} : memref<12x343xf32, #tpu.memory_space<vmem>>, vector<16xf32>,
    %swap3A_442 = arith.constant 4 : i32
    %swap3A_443 = arith.index_cast %swap3A_442 : i32 to index
    %swap3A_444 = arith.constant 208 : index
    %swap3A_445 = tpu.vector_load %arg5[%swap3A_443, %swap3A_444] {strides = array<i32>} : memref<12x343xf32, #tpu.memory_space<vmem>>, vector<16xf32>,
    tpu.vector_store %arg5[%swap3A_443, %swap3A_444], %broadcast_in_dim3A_38 {strides = array<i32>} : memref<12x343xf32, #tpu.memory_space<vmem>>, vector<16xf32>,
    %swap3A_446 = arith.constant 4 : i32
    %swap3A_447 = arith.index_cast %swap3A_446 : i32 to index
    %swap3A_448 = arith.constant 224 : index
    %swap3A_449 = tpu.vector_load %arg5[%swap3A_447, %swap3A_448] {strides = array<i32>} : memref<12x343xf32, #tpu.memory_space<vmem>>, vector<16xf32>,
    tpu.vector_store %arg5[%swap3A_447, %swap3A_448], %broadcast_in_dim3A_38 {strides = array<i32>} : memref<12x343xf32, #tpu.memory_space<vmem>>, vector<16xf32>,
    %swap3A_450 = arith.constant 4 : i32
    %swap3A_451 = arith.index_cast %swap3A_450 : i32 to index
    %swap3A_452 = arith.constant 240 : index
    %swap3A_453 = tpu.vector_load %arg5[%swap3A_451, %swap3A_452] {strides = array<i32>} : memref<12x343xf32, #tpu.memory_space<vmem>>, vector<16xf32>,
    tpu.vector_store %arg5[%swap3A_451, %swap3A_452], %broadcast_in_dim3A_38 {strides = array<i32>} : memref<12x343xf32, #tpu.memory_space<vmem>>, vector<16xf32>,
    %swap3A_454 = arith.constant 4 : i32
    %swap3A_455 = arith.index_cast %swap3A_454 : i32 to index
    %swap3A_456 = arith.constant 256 : index
    %swap3A_457 = tpu.vector_load %arg5[%swap3A_455, %swap3A_456] {strides = array<i32>} : memref<12x343xf32, #tpu.memory_space<vmem>>, vector<16xf32>,
    tpu.vector_store %arg5[%swap3A_455, %swap3A_456], %broadcast_in_dim3A_38 {strides = array<i32>} : memref<12x343xf32, #tpu.memory_space<vmem>>, vector<16xf32>,
    %swap3A_458 = arith.constant 4 : i32
    %swap3A_459 = arith.index_cast %swap3A_458 : i32 to index
    %swap3A_460 = arith.constant 272 : index
    %swap3A_461 = tpu.vector_load %arg5[%swap3A_459, %swap3A_460] {strides = array<i32>} : memref<12x343xf32, #tpu.memory_space<vmem>>, vector<16xf32>,
    tpu.vector_store %arg5[%swap3A_459, %swap3A_460], %broadcast_in_dim3A_38 {strides = array<i32>} : memref<12x343xf32, #tpu.memory_space<vmem>>, vector<16xf32>,
    %swap3A_462 = arith.constant 4 : i32
    %swap3A_463 = arith.index_cast %swap3A_462 : i32 to index
    %swap3A_464 = arith.constant 288 : index
    %swap3A_465 = tpu.vector_load %arg5[%swap3A_463, %swap3A_464] {strides = array<i32>} : memref<12x343xf32, #tpu.memory_space<vmem>>, vector<16xf32>,
    tpu.vector_store %arg5[%swap3A_463, %swap3A_464], %broadcast_in_dim3A_38 {strides = array<i32>} : memref<12x343xf32, #tpu.memory_space<vmem>>, vector<16xf32>,
    %swap3A_466 = arith.constant 4 : i32
    %swap3A_467 = arith.index_cast %swap3A_466 : i32 to index
    %swap3A_468 = arith.constant 304 : index
    %swap3A_469 = tpu.vector_load %arg5[%swap3A_467, %swap3A_468] {strides = array<i32>} : memref<12x343xf32, #tpu.memory_space<vmem>>, vector<16xf32>,
    tpu.vector_store %arg5[%swap3A_467, %swap3A_468], %broadcast_in_dim3A_38 {strides = array<i32>} : memref<12x343xf32, #tpu.memory_space<vmem>>, vector<16xf32>,
    %swap3A_470 = arith.constant 4 : i32
    %swap3A_471 = arith.index_cast %swap3A_470 : i32 to index
    %swap3A_472 = arith.constant 320 : index
    %swap3A_473 = tpu.vector_load %arg5[%swap3A_471, %swap3A_472] {strides = array<i32>} : memref<12x343xf32, #tpu.memory_space<vmem>>, vector<16xf32>,
    tpu.vector_store %arg5[%swap3A_471, %swap3A_472], %broadcast_in_dim3A_38 {strides = array<i32>} : memref<12x343xf32, #tpu.memory_space<vmem>>, vector<16xf32>,
    %swap3A_474 = arith.constant 4 : i32
    %swap3A_475 = arith.index_cast %swap3A_474 : i32 to index
    %swap3A_476 = arith.constant 327 : index
    %swap3A_477 = tpu.vector_load %arg5[%swap3A_475, %swap3A_476] {strides = array<i32>} : memref<12x343xf32, #tpu.memory_space<vmem>>, vector<16xf32>,
    tpu.vector_store %arg5[%swap3A_475, %swap3A_476], %broadcast_in_dim3A_38 {strides = array<i32>} : memref<12x343xf32, #tpu.memory_space<vmem>>, vector<16xf32>,
    %swap3A_478 = arith.constant 5 : i32
    %swap3A_479 = arith.index_cast %swap3A_478 : i32 to index
    %swap3A_480 = arith.constant 0 : index
    %swap3A_481 = tpu.vector_load %arg5[%swap3A_479, %swap3A_480] {strides = array<i32>} : memref<12x343xf32, #tpu.memory_space<vmem>>, vector<16xf32>,
    tpu.vector_store %arg5[%swap3A_479, %swap3A_480], %broadcast_in_dim3A_38 {strides = array<i32>} : memref<12x343xf32, #tpu.memory_space<vmem>>, vector<16xf32>,
    %swap3A_482 = arith.constant 5 : i32
    %swap3A_483 = arith.index_cast %swap3A_482 : i32 to index
    %swap3A_484 = arith.constant 16 : index
    %swap3A_485 = tpu.vector_load %arg5[%swap3A_483, %swap3A_484] {strides = array<i32>} : memref<12x343xf32, #tpu.memory_space<vmem>>, vector<16xf32>,
    tpu.vector_store %arg5[%swap3A_483, %swap3A_484], %broadcast_in_dim3A_38 {strides = array<i32>} : memref<12x343xf32, #tpu.memory_space<vmem>>, vector<16xf32>,
    %swap3A_486 = arith.constant 5 : i32
    %swap3A_487 = arith.index_cast %swap3A_486 : i32 to index
    %swap3A_488 = arith.constant 32 : index
    %swap3A_489 = tpu.vector_load %arg5[%swap3A_487, %swap3A_488] {strides = array<i32>} : memref<12x343xf32, #tpu.memory_space<vmem>>, vector<16xf32>,
    tpu.vector_store %arg5[%swap3A_487, %swap3A_488], %broadcast_in_dim3A_38 {strides = array<i32>} : memref<12x343xf32, #tpu.memory_space<vmem>>, vector<16xf32>,
    %swap3A_490 = arith.constant 5 : i32
    %swap3A_491 = arith.index_cast %swap3A_490 : i32 to index
    %swap3A_492 = arith.constant 48 : index
    %swap3A_493 = tpu.vector_load %arg5[%swap3A_491, %swap3A_492] {strides = array<i32>} : memref<12x343xf32, #tpu.memory_space<vmem>>, vector<16xf32>,
    tpu.vector_store %arg5[%swap3A_491, %swap3A_492], %broadcast_in_dim3A_38 {strides = array<i32>} : memref<12x343xf32, #tpu.memory_space<vmem>>, vector<16xf32>,
    %swap3A_494 = arith.constant 5 : i32
    %swap3A_495 = arith.index_cast %swap3A_494 : i32 to index
    %swap3A_496 = arith.constant 64 : index
    %swap3A_497 = tpu.vector_load %arg5[%swap3A_495, %swap3A_496] {strides = array<i32>} : memref<12x343xf32, #tpu.memory_space<vmem>>, vector<16xf32>,
    tpu.vector_store %arg5[%swap3A_495, %swap3A_496], %broadcast_in_dim3A_38 {strides = array<i32>} : memref<12x343xf32, #tpu.memory_space<vmem>>, vector<16xf32>,
    %swap3A_498 = arith.constant 5 : i32
    %swap3A_499 = arith.index_cast %swap3A_498 : i32 to index
    %swap3A_500 = arith.constant 80 : index
    %swap3A_501 = tpu.vector_load %arg5[%swap3A_499, %swap3A_500] {strides = array<i32>} : memref<12x343xf32, #tpu.memory_space<vmem>>, vector<16xf32>,
    tpu.vector_store %arg5[%swap3A_499, %swap3A_500], %broadcast_in_dim3A_38 {strides = array<i32>} : memref<12x343xf32, #tpu.memory_space<vmem>>, vector<16xf32>,
    %swap3A_502 = arith.constant 5 : i32
    %swap3A_503 = arith.index_cast %swap3A_502 : i32 to index
    %swap3A_504 = arith.constant 96 : index
    %swap3A_505 = tpu.vector_load %arg5[%swap3A_503, %swap3A_504] {strides = array<i32>} : memref<12x343xf32, #tpu.memory_space<vmem>>, vector<16xf32>,
    tpu.vector_store %arg5[%swap3A_503, %swap3A_504], %broadcast_in_dim3A_38 {strides = array<i32>} : memref<12x343xf32, #tpu.memory_space<vmem>>, vector<16xf32>,
    %swap3A_506 = arith.constant 5 : i32
    %swap3A_507 = arith.index_cast %swap3A_506 : i32 to index
    %swap3A_508 = arith.constant 112 : index
    %swap3A_509 = tpu.vector_load %arg5[%swap3A_507, %swap3A_508] {strides = array<i32>} : memref<12x343xf32, #tpu.memory_space<vmem>>, vector<16xf32>,
    tpu.vector_store %arg5[%swap3A_507, %swap3A_508], %broadcast_in_dim3A_38 {strides = array<i32>} : memref<12x343xf32, #tpu.memory_space<vmem>>, vector<16xf32>,
    %swap3A_510 = arith.constant 5 : i32
    %swap3A_511 = arith.index_cast %swap3A_510 : i32 to index
    %swap3A_512 = arith.constant 128 : index
    %swap3A_513 = tpu.vector_load %arg5[%swap3A_511, %swap3A_512] {strides = array<i32>} : memref<12x343xf32, #tpu.memory_space<vmem>>, vector<16xf32>,
    tpu.vector_store %arg5[%swap3A_511, %swap3A_512], %broadcast_in_dim3A_38 {strides = array<i32>} : memref<12x343xf32, #tpu.memory_space<vmem>>, vector<16xf32>,
    %swap3A_514 = arith.constant 5 : i32
    %swap3A_515 = arith.index_cast %swap3A_514 : i32 to index
    %swap3A_516 = arith.constant 144 : index
    %swap3A_517 = tpu.vector_load %arg5[%swap3A_515, %swap3A_516] {strides = array<i32>} : memref<12x343xf32, #tpu.memory_space<vmem>>, vector<16xf32>,
    tpu.vector_store %arg5[%swap3A_515, %swap3A_516], %broadcast_in_dim3A_38 {strides = array<i32>} : memref<12x343xf32, #tpu.memory_space<vmem>>, vector<16xf32>,
    %swap3A_518 = arith.constant 5 : i32
    %swap3A_519 = arith.index_cast %swap3A_518 : i32 to index
    %swap3A_520 = arith.constant 160 : index
    %swap3A_521 = tpu.vector_load %arg5[%swap3A_519, %swap3A_520] {strides = array<i32>} : memref<12x343xf32, #tpu.memory_space<vmem>>, vector<16xf32>,
    tpu.vector_store %arg5[%swap3A_519, %swap3A_520], %broadcast_in_dim3A_38 {strides = array<i32>} : memref<12x343xf32, #tpu.memory_space<vmem>>, vector<16xf32>,
    %swap3A_522 = arith.constant 5 : i32
    %swap3A_523 = arith.index_cast %swap3A_522 : i32 to index
    %swap3A_524 = arith.constant 176 : index
    %swap3A_525 = tpu.vector_load %arg5[%swap3A_523, %swap3A_524] {strides = array<i32>} : memref<12x343xf32, #tpu.memory_space<vmem>>, vector<16xf32>,
    tpu.vector_store %arg5[%swap3A_523, %swap3A_524], %broadcast_in_dim3A_38 {strides = array<i32>} : memref<12x343xf32, #tpu.memory_space<vmem>>, vector<16xf32>,
    %swap3A_526 = arith.constant 5 : i32
    %swap3A_527 = arith.index_cast %swap3A_526 : i32 to index
    %swap3A_528 = arith.constant 192 : index
    %swap3A_529 = tpu.vector_load %arg5[%swap3A_527, %swap3A_528] {strides = array<i32>} : memref<12x343xf32, #tpu.memory_space<vmem>>, vector<16xf32>,
    tpu.vector_store %arg5[%swap3A_527, %swap3A_528], %broadcast_in_dim3A_38 {strides = array<i32>} : memref<12x343xf32, #tpu.memory_space<vmem>>, vector<16xf32>,
    %swap3A_530 = arith.constant 5 : i32
    %swap3A_531 = arith.index_cast %swap3A_530 : i32 to index
    %swap3A_532 = arith.constant 208 : index
    %swap3A_533 = tpu.vector_load %arg5[%swap3A_531, %swap3A_532] {strides = array<i32>} : memref<12x343xf32, #tpu.memory_space<vmem>>, vector<16xf32>,
    tpu.vector_store %arg5[%swap3A_531, %swap3A_532], %broadcast_in_dim3A_38 {strides = array<i32>} : memref<12x343xf32, #tpu.memory_space<vmem>>, vector<16xf32>,
    %swap3A_534 = arith.constant 5 : i32
    %swap3A_535 = arith.index_cast %swap3A_534 : i32 to index
    %swap3A_536 = arith.constant 224 : index
    %swap3A_537 = tpu.vector_load %arg5[%swap3A_535, %swap3A_536] {strides = array<i32>} : memref<12x343xf32, #tpu.memory_space<vmem>>, vector<16xf32>,
    tpu.vector_store %arg5[%swap3A_535, %swap3A_536], %broadcast_in_dim3A_38 {strides = array<i32>} : memref<12x343xf32, #tpu.memory_space<vmem>>, vector<16xf32>,
    %swap3A_538 = arith.constant 5 : i32
    %swap3A_539 = arith.index_cast %swap3A_538 : i32 to index
    %swap3A_540 = arith.constant 240 : index
    %swap3A_541 = tpu.vector_load %arg5[%swap3A_539, %swap3A_540] {strides = array<i32>} : memref<12x343xf32, #tpu.memory_space<vmem>>, vector<16xf32>,
    tpu.vector_store %arg5[%swap3A_539, %swap3A_540], %broadcast_in_dim3A_38 {strides = array<i32>} : memref<12x343xf32, #tpu.memory_space<vmem>>, vector<16xf32>,
    %swap3A_542 = arith.constant 5 : i32
    %swap3A_543 = arith.index_cast %swap3A_542 : i32 to index
    %swap3A_544 = arith.constant 256 : index
    %swap3A_545 = tpu.vector_load %arg5[%swap3A_543, %swap3A_544] {strides = array<i32>} : memref<12x343xf32, #tpu.memory_space<vmem>>, vector<16xf32>,
    tpu.vector_store %arg5[%swap3A_543, %swap3A_544], %broadcast_in_dim3A_38 {strides = array<i32>} : memref<12x343xf32, #tpu.memory_space<vmem>>, vector<16xf32>,
    %swap3A_546 = arith.constant 5 : i32
    %swap3A_547 = arith.index_cast %swap3A_546 : i32 to index
    %swap3A_548 = arith.constant 272 : index
    %swap3A_549 = tpu.vector_load %arg5[%swap3A_547, %swap3A_548] {strides = array<i32>} : memref<12x343xf32, #tpu.memory_space<vmem>>, vector<16xf32>,
    tpu.vector_store %arg5[%swap3A_547, %swap3A_548], %broadcast_in_dim3A_38 {strides = array<i32>} : memref<12x343xf32, #tpu.memory_space<vmem>>, vector<16xf32>,
    %swap3A_550 = arith.constant 5 : i32
    %swap3A_551 = arith.index_cast %swap3A_550 : i32 to index
    %swap3A_552 = arith.constant 288 : index
    %swap3A_553 = tpu.vector_load %arg5[%swap3A_551, %swap3A_552] {strides = array<i32>} : memref<12x343xf32, #tpu.memory_space<vmem>>, vector<16xf32>,
    tpu.vector_store %arg5[%swap3A_551, %swap3A_552], %broadcast_in_dim3A_38 {strides = array<i32>} : memref<12x343xf32, #tpu.memory_space<vmem>>, vector<16xf32>,
    %swap3A_554 = arith.constant 5 : i32
    %swap3A_555 = arith.index_cast %swap3A_554 : i32 to index
    %swap3A_556 = arith.constant 304 : index
    %swap3A_557 = tpu.vector_load %arg5[%swap3A_555, %swap3A_556] {strides = array<i32>} : memref<12x343xf32, #tpu.memory_space<vmem>>, vector<16xf32>,
    tpu.vector_store %arg5[%swap3A_555, %swap3A_556], %broadcast_in_dim3A_38 {strides = array<i32>} : memref<12x343xf32, #tpu.memory_space<vmem>>, vector<16xf32>,
    %swap3A_558 = arith.constant 5 : i32
    %swap3A_559 = arith.index_cast %swap3A_558 : i32 to index
    %swap3A_560 = arith.constant 320 : index
    %swap3A_561 = tpu.vector_load %arg5[%swap3A_559, %swap3A_560] {strides = array<i32>} : memref<12x343xf32, #tpu.memory_space<vmem>>, vector<16xf32>,
    tpu.vector_store %arg5[%swap3A_559, %swap3A_560], %broadcast_in_dim3A_38 {strides = array<i32>} : memref<12x343xf32, #tpu.memory_space<vmem>>, vector<16xf32>,
    %swap3A_562 = arith.constant 5 : i32
    %swap3A_563 = arith.index_cast %swap3A_562 : i32 to index
    %swap3A_564 = arith.constant 327 : index
    %swap3A_565 = tpu.vector_load %arg5[%swap3A_563, %swap3A_564] {strides = array<i32>} : memref<12x343xf32, #tpu.memory_space<vmem>>, vector<16xf32>,
    tpu.vector_store %arg5[%swap3A_563, %swap3A_564], %broadcast_in_dim3A_38 {strides = array<i32>} : memref<12x343xf32, #tpu.memory_space<vmem>>, vector<16xf32>,
    %swap3A_566 = arith.constant 6 : i32
    %swap3A_567 = arith.index_cast %swap3A_566 : i32 to index
    %swap3A_568 = arith.constant 0 : index
    %swap3A_569 = tpu.vector_load %arg5[%swap3A_567, %swap3A_568] {strides = array<i32>} : memref<12x343xf32, #tpu.memory_space<vmem>>, vector<16xf32>,
    tpu.vector_store %arg5[%swap3A_567, %swap3A_568], %broadcast_in_dim3A_38 {strides = array<i32>} : memref<12x343xf32, #tpu.memory_space<vmem>>, vector<16xf32>,
    %swap3A_570 = arith.constant 6 : i32
    %swap3A_571 = arith.index_cast %swap3A_570 : i32 to index
    %swap3A_572 = arith.constant 16 : index
    %swap3A_573 = tpu.vector_load %arg5[%swap3A_571, %swap3A_572] {strides = array<i32>} : memref<12x343xf32, #tpu.memory_space<vmem>>, vector<16xf32>,
    tpu.vector_store %arg5[%swap3A_571, %swap3A_572], %broadcast_in_dim3A_38 {strides = array<i32>} : memref<12x343xf32, #tpu.memory_space<vmem>>, vector<16xf32>,
    %swap3A_574 = arith.constant 6 : i32
    %swap3A_575 = arith.index_cast %swap3A_574 : i32 to index
    %swap3A_576 = arith.constant 32 : index
    %swap3A_577 = tpu.vector_load %arg5[%swap3A_575, %swap3A_576] {strides = array<i32>} : memref<12x343xf32, #tpu.memory_space<vmem>>, vector<16xf32>,
    tpu.vector_store %arg5[%swap3A_575, %swap3A_576], %broadcast_in_dim3A_38 {strides = array<i32>} : memref<12x343xf32, #tpu.memory_space<vmem>>, vector<16xf32>,
    %swap3A_578 = arith.constant 6 : i32
    %swap3A_579 = arith.index_cast %swap3A_578 : i32 to index
    %swap3A_580 = arith.constant 48 : index
    %swap3A_581 = tpu.vector_load %arg5[%swap3A_579, %swap3A_580] {strides = array<i32>} : memref<12x343xf32, #tpu.memory_space<vmem>>, vector<16xf32>,
    tpu.vector_store %arg5[%swap3A_579, %swap3A_580], %broadcast_in_dim3A_38 {strides = array<i32>} : memref<12x343xf32, #tpu.memory_space<vmem>>, vector<16xf32>,
    %swap3A_582 = arith.constant 6 : i32
    %swap3A_583 = arith.index_cast %swap3A_582 : i32 to index
    %swap3A_584 = arith.constant 64 : index
    %swap3A_585 = tpu.vector_load %arg5[%swap3A_583, %swap3A_584] {strides = array<i32>} : memref<12x343xf32, #tpu.memory_space<vmem>>, vector<16xf32>,
    tpu.vector_store %arg5[%swap3A_583, %swap3A_584], %broadcast_in_dim3A_38 {strides = array<i32>} : memref<12x343xf32, #tpu.memory_space<vmem>>, vector<16xf32>,
    %swap3A_586 = arith.constant 6 : i32
    %swap3A_587 = arith.index_cast %swap3A_586 : i32 to index
    %swap3A_588 = arith.constant 80 : index
    %swap3A_589 = tpu.vector_load %arg5[%swap3A_587, %swap3A_588] {strides = array<i32>} : memref<12x343xf32, #tpu.memory_space<vmem>>, vector<16xf32>,
    tpu.vector_store %arg5[%swap3A_587, %swap3A_588], %broadcast_in_dim3A_38 {strides = array<i32>} : memref<12x343xf32, #tpu.memory_space<vmem>>, vector<16xf32>,
    %swap3A_590 = arith.constant 6 : i32
    %swap3A_591 = arith.index_cast %swap3A_590 : i32 to index
    %swap3A_592 = arith.constant 96 : index
    %swap3A_593 = tpu.vector_load %arg5[%swap3A_591, %swap3A_592] {strides = array<i32>} : memref<12x343xf32, #tpu.memory_space<vmem>>, vector<16xf32>,
    tpu.vector_store %arg5[%swap3A_591, %swap3A_592], %broadcast_in_dim3A_38 {strides = array<i32>} : memref<12x343xf32, #tpu.memory_space<vmem>>, vector<16xf32>,
    %swap3A_594 = arith.constant 6 : i32
    %swap3A_595 = arith.index_cast %swap3A_594 : i32 to index
    %swap3A_596 = arith.constant 112 : index
    %swap3A_597 = tpu.vector_load %arg5[%swap3A_595, %swap3A_596] {strides = array<i32>} : memref<12x343xf32, #tpu.memory_space<vmem>>, vector<16xf32>,
    tpu.vector_store %arg5[%swap3A_595, %swap3A_596], %broadcast_in_dim3A_38 {strides = array<i32>} : memref<12x343xf32, #tpu.memory_space<vmem>>, vector<16xf32>,
    %swap3A_598 = arith.constant 6 : i32
    %swap3A_599 = arith.index_cast %swap3A_598 : i32 to index
    %swap3A_600 = arith.constant 128 : index
    %swap3A_601 = tpu.vector_load %arg5[%swap3A_599, %swap3A_600] {strides = array<i32>} : memref<12x343xf32, #tpu.memory_space<vmem>>, vector<16xf32>,
    tpu.vector_store %arg5[%swap3A_599, %swap3A_600], %broadcast_in_dim3A_38 {strides = array<i32>} : memref<12x343xf32, #tpu.memory_space<vmem>>, vector<16xf32>,
    %swap3A_602 = arith.constant 6 : i32
    %swap3A_603 = arith.index_cast %swap3A_602 : i32 to index
    %swap3A_604 = arith.constant 144 : index
    %swap3A_605 = tpu.vector_load %arg5[%swap3A_603, %swap3A_604] {strides = array<i32>} : memref<12x343xf32, #tpu.memory_space<vmem>>, vector<16xf32>,
    tpu.vector_store %arg5[%swap3A_603, %swap3A_604], %broadcast_in_dim3A_38 {strides = array<i32>} : memref<12x343xf32, #tpu.memory_space<vmem>>, vector<16xf32>,
    %swap3A_606 = arith.constant 6 : i32
    %swap3A_607 = arith.index_cast %swap3A_606 : i32 to index
    %swap3A_608 = arith.constant 160 : index
    %swap3A_609 = tpu.vector_load %arg5[%swap3A_607, %swap3A_608] {strides = array<i32>} : memref<12x343xf32, #tpu.memory_space<vmem>>, vector<16xf32>,
    tpu.vector_store %arg5[%swap3A_607, %swap3A_608], %broadcast_in_dim3A_38 {strides = array<i32>} : memref<12x343xf32, #tpu.memory_space<vmem>>, vector<16xf32>,
    %swap3A_610 = arith.constant 6 : i32
    %swap3A_611 = arith.index_cast %swap3A_610 : i32 to index
    %swap3A_612 = arith.constant 176 : index
    %swap3A_613 = tpu.vector_load %arg5[%swap3A_611, %swap3A_612] {strides = array<i32>} : memref<12x343xf32, #tpu.memory_space<vmem>>, vector<16xf32>,
    tpu.vector_store %arg5[%swap3A_611, %swap3A_612], %broadcast_in_dim3A_38 {strides = array<i32>} : memref<12x343xf32, #tpu.memory_space<vmem>>, vector<16xf32>,
    %swap3A_614 = arith.constant 6 : i32
    %swap3A_615 = arith.index_cast %swap3A_614 : i32 to index
    %swap3A_616 = arith.constant 192 : index
    %swap3A_617 = tpu.vector_load %arg5[%swap3A_615, %swap3A_616] {strides = array<i32>} : memref<12x343xf32, #tpu.memory_space<vmem>>, vector<16xf32>,
    tpu.vector_store %arg5[%swap3A_615, %swap3A_616], %broadcast_in_dim3A_38 {strides = array<i32>} : memref<12x343xf32, #tpu.memory_space<vmem>>, vector<16xf32>,
    %swap3A_618 = arith.constant 6 : i32
    %swap3A_619 = arith.index_cast %swap3A_618 : i32 to index
    %swap3A_620 = arith.constant 208 : index
    %swap3A_621 = tpu.vector_load %arg5[%swap3A_619, %swap3A_620] {strides = array<i32>} : memref<12x343xf32, #tpu.memory_space<vmem>>, vector<16xf32>,
    tpu.vector_store %arg5[%swap3A_619, %swap3A_620], %broadcast_in_dim3A_38 {strides = array<i32>} : memref<12x343xf32, #tpu.memory_space<vmem>>, vector<16xf32>,
    %swap3A_622 = arith.constant 6 : i32
    %swap3A_623 = arith.index_cast %swap3A_622 : i32 to index
    %swap3A_624 = arith.constant 224 : index
    %swap3A_625 = tpu.vector_load %arg5[%swap3A_623, %swap3A_624] {strides = array<i32>} : memref<12x343xf32, #tpu.memory_space<vmem>>, vector<16xf32>,
    tpu.vector_store %arg5[%swap3A_623, %swap3A_624], %broadcast_in_dim3A_38 {strides = array<i32>} : memref<12x343xf32, #tpu.memory_space<vmem>>, vector<16xf32>,
    %swap3A_626 = arith.constant 6 : i32
    %swap3A_627 = arith.index_cast %swap3A_626 : i32 to index
    %swap3A_628 = arith.constant 240 : index
    %swap3A_629 = tpu.vector_load %arg5[%swap3A_627, %swap3A_628] {strides = array<i32>} : memref<12x343xf32, #tpu.memory_space<vmem>>, vector<16xf32>,
    tpu.vector_store %arg5[%swap3A_627, %swap3A_628], %broadcast_in_dim3A_38 {strides = array<i32>} : memref<12x343xf32, #tpu.memory_space<vmem>>, vector<16xf32>,
    %swap3A_630 = arith.constant 6 : i32
    %swap3A_631 = arith.index_cast %swap3A_630 : i32 to index
    %swap3A_632 = arith.constant 256 : index
    %swap3A_633 = tpu.vector_load %arg5[%swap3A_631, %swap3A_632] {strides = array<i32>} : memref<12x343xf32, #tpu.memory_space<vmem>>, vector<16xf32>,
    tpu.vector_store %arg5[%swap3A_631, %swap3A_632], %broadcast_in_dim3A_38 {strides = array<i32>} : memref<12x343xf32, #tpu.memory_space<vmem>>, vector<16xf32>,
    %swap3A_634 = arith.constant 6 : i32
    %swap3A_635 = arith.index_cast %swap3A_634 : i32 to index
    %swap3A_636 = arith.constant 272 : index
    %swap3A_637 = tpu.vector_load %arg5[%swap3A_635, %swap3A_636] {strides = array<i32>} : memref<12x343xf32, #tpu.memory_space<vmem>>, vector<16xf32>,
    tpu.vector_store %arg5[%swap3A_635, %swap3A_636], %broadcast_in_dim3A_38 {strides = array<i32>} : memref<12x343xf32, #tpu.memory_space<vmem>>, vector<16xf32>,
    %swap3A_638 = arith.constant 6 : i32
    %swap3A_639 = arith.index_cast %swap3A_638 : i32 to index
    %swap3A_640 = arith.constant 288 : index
    %swap3A_641 = tpu.vector_load %arg5[%swap3A_639, %swap3A_640] {strides = array<i32>} : memref<12x343xf32, #tpu.memory_space<vmem>>, vector<16xf32>,
    tpu.vector_store %arg5[%swap3A_639, %swap3A_640], %broadcast_in_dim3A_38 {strides = array<i32>} : memref<12x343xf32, #tpu.memory_space<vmem>>, vector<16xf32>,
    %swap3A_642 = arith.constant 6 : i32
    %swap3A_643 = arith.index_cast %swap3A_642 : i32 to index
    %swap3A_644 = arith.constant 304 : index
    %swap3A_645 = tpu.vector_load %arg5[%swap3A_643, %swap3A_644] {strides = array<i32>} : memref<12x343xf32, #tpu.memory_space<vmem>>, vector<16xf32>,
    tpu.vector_store %arg5[%swap3A_643, %swap3A_644], %broadcast_in_dim3A_38 {strides = array<i32>} : memref<12x343xf32, #tpu.memory_space<vmem>>, vector<16xf32>,
    %swap3A_646 = arith.constant 6 : i32
    %swap3A_647 = arith.index_cast %swap3A_646 : i32 to index
    %swap3A_648 = arith.constant 320 : index
    %swap3A_649 = tpu.vector_load %arg5[%swap3A_647, %swap3A_648] {strides = array<i32>} : memref<12x343xf32, #tpu.memory_space<vmem>>, vector<16xf32>,
    tpu.vector_store %arg5[%swap3A_647, %swap3A_648], %broadcast_in_dim3A_38 {strides = array<i32>} : memref<12x343xf32, #tpu.memory_space<vmem>>, vector<16xf32>,
    %swap3A_650 = arith.constant 6 : i32
    %swap3A_651 = arith.index_cast %swap3A_650 : i32 to index
    %swap3A_652 = arith.constant 327 : index
    %swap3A_653 = tpu.vector_load %arg5[%swap3A_651, %swap3A_652] {strides = array<i32>} : memref<12x343xf32, #tpu.memory_space<vmem>>, vector<16xf32>,
    tpu.vector_store %arg5[%swap3A_651, %swap3A_652], %broadcast_in_dim3A_38 {strides = array<i32>} : memref<12x343xf32, #tpu.memory_space<vmem>>, vector<16xf32>,
    %swap3A_654 = arith.constant 7 : i32
    %swap3A_655 = arith.index_cast %swap3A_654 : i32 to index
    %swap3A_656 = arith.constant 0 : index
    %swap3A_657 = tpu.vector_load %arg5[%swap3A_655, %swap3A_656] {strides = array<i32>} : memref<12x343xf32, #tpu.memory_space<vmem>>, vector<16xf32>,
    tpu.vector_store %arg5[%swap3A_655, %swap3A_656], %broadcast_in_dim3A_38 {strides = array<i32>} : memref<12x343xf32, #tpu.memory_space<vmem>>, vector<16xf32>,
    %swap3A_658 = arith.constant 7 : i32
    %swap3A_659 = arith.index_cast %swap3A_658 : i32 to index
    %swap3A_660 = arith.constant 16 : index
    %swap3A_661 = tpu.vector_load %arg5[%swap3A_659, %swap3A_660] {strides = array<i32>} : memref<12x343xf32, #tpu.memory_space<vmem>>, vector<16xf32>,
    tpu.vector_store %arg5[%swap3A_659, %swap3A_660], %broadcast_in_dim3A_38 {strides = array<i32>} : memref<12x343xf32, #tpu.memory_space<vmem>>, vector<16xf32>,
    %swap3A_662 = arith.constant 7 : i32
    %swap3A_663 = arith.index_cast %swap3A_662 : i32 to index
    %swap3A_664 = arith.constant 32 : index
    %swap3A_665 = tpu.vector_load %arg5[%swap3A_663, %swap3A_664] {strides = array<i32>} : memref<12x343xf32, #tpu.memory_space<vmem>>, vector<16xf32>,
    tpu.vector_store %arg5[%swap3A_663, %swap3A_664], %broadcast_in_dim3A_38 {strides = array<i32>} : memref<12x343xf32, #tpu.memory_space<vmem>>, vector<16xf32>,
    %swap3A_666 = arith.constant 7 : i32
    %swap3A_667 = arith.index_cast %swap3A_666 : i32 to index
    %swap3A_668 = arith.constant 48 : index
    %swap3A_669 = tpu.vector_load %arg5[%swap3A_667, %swap3A_668] {strides = array<i32>} : memref<12x343xf32, #tpu.memory_space<vmem>>, vector<16xf32>,
    tpu.vector_store %arg5[%swap3A_667, %swap3A_668], %broadcast_in_dim3A_38 {strides = array<i32>} : memref<12x343xf32, #tpu.memory_space<vmem>>, vector<16xf32>,
    %swap3A_670 = arith.constant 7 : i32
    %swap3A_671 = arith.index_cast %swap3A_670 : i32 to index
    %swap3A_672 = arith.constant 64 : index
    %swap3A_673 = tpu.vector_load %arg5[%swap3A_671, %swap3A_672] {strides = array<i32>} : memref<12x343xf32, #tpu.memory_space<vmem>>, vector<16xf32>,
    tpu.vector_store %arg5[%swap3A_671, %swap3A_672], %broadcast_in_dim3A_38 {strides = array<i32>} : memref<12x343xf32, #tpu.memory_space<vmem>>, vector<16xf32>,
    %swap3A_674 = arith.constant 7 : i32
    %swap3A_675 = arith.index_cast %swap3A_674 : i32 to index
    %swap3A_676 = arith.constant 80 : index
    %swap3A_677 = tpu.vector_load %arg5[%swap3A_675, %swap3A_676] {strides = array<i32>} : memref<12x343xf32, #tpu.memory_space<vmem>>, vector<16xf32>,
    tpu.vector_store %arg5[%swap3A_675, %swap3A_676], %broadcast_in_dim3A_38 {strides = array<i32>} : memref<12x343xf32, #tpu.memory_space<vmem>>, vector<16xf32>,
    %swap3A_678 = arith.constant 7 : i32
    %swap3A_679 = arith.index_cast %swap3A_678 : i32 to index
    %swap3A_680 = arith.constant 96 : index
    %swap3A_681 = tpu.vector_load %arg5[%swap3A_679, %swap3A_680] {strides = array<i32>} : memref<12x343xf32, #tpu.memory_space<vmem>>, vector<16xf32>,
    tpu.vector_store %arg5[%swap3A_679, %swap3A_680], %broadcast_in_dim3A_38 {strides = array<i32>} : memref<12x343xf32, #tpu.memory_space<vmem>>, vector<16xf32>,
    %swap3A_682 = arith.constant 7 : i32
    %swap3A_683 = arith.index_cast %swap3A_682 : i32 to index
    %swap3A_684 = arith.constant 112 : index
    %swap3A_685 = tpu.vector_load %arg5[%swap3A_683, %swap3A_684] {strides = array<i32>} : memref<12x343xf32, #tpu.memory_space<vmem>>, vector<16xf32>,
    tpu.vector_store %arg5[%swap3A_683, %swap3A_684], %broadcast_in_dim3A_38 {strides = array<i32>} : memref<12x343xf32, #tpu.memory_space<vmem>>, vector<16xf32>,
    %swap3A_686 = arith.constant 7 : i32
    %swap3A_687 = arith.index_cast %swap3A_686 : i32 to index
    %swap3A_688 = arith.constant 128 : index
    %swap3A_689 = tpu.vector_load %arg5[%swap3A_687, %swap3A_688] {strides = array<i32>} : memref<12x343xf32, #tpu.memory_space<vmem>>, vector<16xf32>,
    tpu.vector_store %arg5[%swap3A_687, %swap3A_688], %broadcast_in_dim3A_38 {strides = array<i32>} : memref<12x343xf32, #tpu.memory_space<vmem>>, vector<16xf32>,
    %swap3A_690 = arith.constant 7 : i32
    %swap3A_691 = arith.index_cast %swap3A_690 : i32 to index
    %swap3A_692 = arith.constant 144 : index
    %swap3A_693 = tpu.vector_load %arg5[%swap3A_691, %swap3A_692] {strides = array<i32>} : memref<12x343xf32, #tpu.memory_space<vmem>>, vector<16xf32>,
    tpu.vector_store %arg5[%swap3A_691, %swap3A_692], %broadcast_in_dim3A_38 {strides = array<i32>} : memref<12x343xf32, #tpu.memory_space<vmem>>, vector<16xf32>,
    %swap3A_694 = arith.constant 7 : i32
    %swap3A_695 = arith.index_cast %swap3A_694 : i32 to index
    %swap3A_696 = arith.constant 160 : index
    %swap3A_697 = tpu.vector_load %arg5[%swap3A_695, %swap3A_696] {strides = array<i32>} : memref<12x343xf32, #tpu.memory_space<vmem>>, vector<16xf32>,
    tpu.vector_store %arg5[%swap3A_695, %swap3A_696], %broadcast_in_dim3A_38 {strides = array<i32>} : memref<12x343xf32, #tpu.memory_space<vmem>>, vector<16xf32>,
    %swap3A_698 = arith.constant 7 : i32
    %swap3A_699 = arith.index_cast %swap3A_698 : i32 to index
    %swap3A_700 = arith.constant 176 : index
    %swap3A_701 = tpu.vector_load %arg5[%swap3A_699, %swap3A_700] {strides = array<i32>} : memref<12x343xf32, #tpu.memory_space<vmem>>, vector<16xf32>,
    tpu.vector_store %arg5[%swap3A_699, %swap3A_700], %broadcast_in_dim3A_38 {strides = array<i32>} : memref<12x343xf32, #tpu.memory_space<vmem>>, vector<16xf32>,
    %swap3A_702 = arith.constant 7 : i32
    %swap3A_703 = arith.index_cast %swap3A_702 : i32 to index
    %swap3A_704 = arith.constant 192 : index
    %swap3A_705 = tpu.vector_load %arg5[%swap3A_703, %swap3A_704] {strides = array<i32>} : memref<12x343xf32, #tpu.memory_space<vmem>>, vector<16xf32>,
    tpu.vector_store %arg5[%swap3A_703, %swap3A_704], %broadcast_in_dim3A_38 {strides = array<i32>} : memref<12x343xf32, #tpu.memory_space<vmem>>, vector<16xf32>,
    %swap3A_706 = arith.constant 7 : i32
    %swap3A_707 = arith.index_cast %swap3A_706 : i32 to index
    %swap3A_708 = arith.constant 208 : index
    %swap3A_709 = tpu.vector_load %arg5[%swap3A_707, %swap3A_708] {strides = array<i32>} : memref<12x343xf32, #tpu.memory_space<vmem>>, vector<16xf32>,
    tpu.vector_store %arg5[%swap3A_707, %swap3A_708], %broadcast_in_dim3A_38 {strides = array<i32>} : memref<12x343xf32, #tpu.memory_space<vmem>>, vector<16xf32>,
    %swap3A_710 = arith.constant 7 : i32
    %swap3A_711 = arith.index_cast %swap3A_710 : i32 to index
    %swap3A_712 = arith.constant 224 : index
    %swap3A_713 = tpu.vector_load %arg5[%swap3A_711, %swap3A_712] {strides = array<i32>} : memref<12x343xf32, #tpu.memory_space<vmem>>, vector<16xf32>,
    tpu.vector_store %arg5[%swap3A_711, %swap3A_712], %broadcast_in_dim3A_38 {strides = array<i32>} : memref<12x343xf32, #tpu.memory_space<vmem>>, vector<16xf32>,
    %swap3A_714 = arith.constant 7 : i32
    %swap3A_715 = arith.index_cast %swap3A_714 : i32 to index
    %swap3A_716 = arith.constant 240 : index
    %swap3A_717 = tpu.vector_load %arg5[%swap3A_715, %swap3A_716] {strides = array<i32>} : memref<12x343xf32, #tpu.memory_space<vmem>>, vector<16xf32>,
    tpu.vector_store %arg5[%swap3A_715, %swap3A_716], %broadcast_in_dim3A_38 {strides = array<i32>} : memref<12x343xf32, #tpu.memory_space<vmem>>, vector<16xf32>,
    %swap3A_718 = arith.constant 7 : i32
    %swap3A_719 = arith.index_cast %swap3A_718 : i32 to index
    %swap3A_720 = arith.constant 256 : index
    %swap3A_721 = tpu.vector_load %arg5[%swap3A_719, %swap3A_720] {strides = array<i32>} : memref<12x343xf32, #tpu.memory_space<vmem>>, vector<16xf32>,
    tpu.vector_store %arg5[%swap3A_719, %swap3A_720], %broadcast_in_dim3A_38 {strides = array<i32>} : memref<12x343xf32, #tpu.memory_space<vmem>>, vector<16xf32>,
    %swap3A_722 = arith.constant 7 : i32
    %swap3A_723 = arith.index_cast %swap3A_722 : i32 to index
    %swap3A_724 = arith.constant 272 : index
    %swap3A_725 = tpu.vector_load %arg5[%swap3A_723, %swap3A_724] {strides = array<i32>} : memref<12x343xf32, #tpu.memory_space<vmem>>, vector<16xf32>,
    tpu.vector_store %arg5[%swap3A_723, %swap3A_724], %broadcast_in_dim3A_38 {strides = array<i32>} : memref<12x343xf32, #tpu.memory_space<vmem>>, vector<16xf32>,
    %swap3A_726 = arith.constant 7 : i32
    %swap3A_727 = arith.index_cast %swap3A_726 : i32 to index
    %swap3A_728 = arith.constant 288 : index
    %swap3A_729 = tpu.vector_load %arg5[%swap3A_727, %swap3A_728] {strides = array<i32>} : memref<12x343xf32, #tpu.memory_space<vmem>>, vector<16xf32>,
    tpu.vector_store %arg5[%swap3A_727, %swap3A_728], %broadcast_in_dim3A_38 {strides = array<i32>} : memref<12x343xf32, #tpu.memory_space<vmem>>, vector<16xf32>,
    %swap3A_730 = arith.constant 7 : i32
    %swap3A_731 = arith.index_cast %swap3A_730 : i32 to index
    %swap3A_732 = arith.constant 304 : index
    %swap3A_733 = tpu.vector_load %arg5[%swap3A_731, %swap3A_732] {strides = array<i32>} : memref<12x343xf32, #tpu.memory_space<vmem>>, vector<16xf32>,
    tpu.vector_store %arg5[%swap3A_731, %swap3A_732], %broadcast_in_dim3A_38 {strides = array<i32>} : memref<12x343xf32, #tpu.memory_space<vmem>>, vector<16xf32>,
    %swap3A_734 = arith.constant 7 : i32
    %swap3A_735 = arith.index_cast %swap3A_734 : i32 to index
    %swap3A_736 = arith.constant 320 : index
    %swap3A_737 = tpu.vector_load %arg5[%swap3A_735, %swap3A_736] {strides = array<i32>} : memref<12x343xf32, #tpu.memory_space<vmem>>, vector<16xf32>,
    tpu.vector_store %arg5[%swap3A_735, %swap3A_736], %broadcast_in_dim3A_38 {strides = array<i32>} : memref<12x343xf32, #tpu.memory_space<vmem>>, vector<16xf32>,
    %swap3A_738 = arith.constant 7 : i32
    %swap3A_739 = arith.index_cast %swap3A_738 : i32 to index
    %swap3A_740 = arith.constant 327 : index
    %swap3A_741 = tpu.vector_load %arg5[%swap3A_739, %swap3A_740] {strides = array<i32>} : memref<12x343xf32, #tpu.memory_space<vmem>>, vector<16xf32>,
    tpu.vector_store %arg5[%swap3A_739, %swap3A_740], %broadcast_in_dim3A_38 {strides = array<i32>} : memref<12x343xf32, #tpu.memory_space<vmem>>, vector<16xf32>,
    %swap3A_742 = arith.constant 8 : i32
    %swap3A_743 = arith.index_cast %swap3A_742 : i32 to index
    %swap3A_744 = arith.constant 0 : index
    %swap3A_745 = tpu.vector_load %arg5[%swap3A_743, %swap3A_744] {strides = array<i32>} : memref<12x343xf32, #tpu.memory_space<vmem>>, vector<16xf32>,
    tpu.vector_store %arg5[%swap3A_743, %swap3A_744], %broadcast_in_dim3A_38 {strides = array<i32>} : memref<12x343xf32, #tpu.memory_space<vmem>>, vector<16xf32>,
    %swap3A_746 = arith.constant 8 : i32
    %swap3A_747 = arith.index_cast %swap3A_746 : i32 to index
    %swap3A_748 = arith.constant 16 : index
    %swap3A_749 = tpu.vector_load %arg5[%swap3A_747, %swap3A_748] {strides = array<i32>} : memref<12x343xf32, #tpu.memory_space<vmem>>, vector<16xf32>,
    tpu.vector_store %arg5[%swap3A_747, %swap3A_748], %broadcast_in_dim3A_38 {strides = array<i32>} : memref<12x343xf32, #tpu.memory_space<vmem>>, vector<16xf32>,
    %swap3A_750 = arith.constant 8 : i32
    %swap3A_751 = arith.index_cast %swap3A_750 : i32 to index
    %swap3A_752 = arith.constant 32 : index
    %swap3A_753 = tpu.vector_load %arg5[%swap3A_751, %swap3A_752] {strides = array<i32>} : memref<12x343xf32, #tpu.memory_space<vmem>>, vector<16xf32>,
    tpu.vector_store %arg5[%swap3A_751, %swap3A_752], %broadcast_in_dim3A_38 {strides = array<i32>} : memref<12x343xf32, #tpu.memory_space<vmem>>, vector<16xf32>,
    %swap3A_754 = arith.constant 8 : i32
    %swap3A_755 = arith.index_cast %swap3A_754 : i32 to index
    %swap3A_756 = arith.constant 48 : index
    %swap3A_757 = tpu.vector_load %arg5[%swap3A_755, %swap3A_756] {strides = array<i32>} : memref<12x343xf32, #tpu.memory_space<vmem>>, vector<16xf32>,
    tpu.vector_store %arg5[%swap3A_755, %swap3A_756], %broadcast_in_dim3A_38 {strides = array<i32>} : memref<12x343xf32, #tpu.memory_space<vmem>>, vector<16xf32>,
    %swap3A_758 = arith.constant 8 : i32
    %swap3A_759 = arith.index_cast %swap3A_758 : i32 to index
    %swap3A_760 = arith.constant 64 : index
    %swap3A_761 = tpu.vector_load %arg5[%swap3A_759, %swap3A_760] {strides = array<i32>} : memref<12x343xf32, #tpu.memory_space<vmem>>, vector<16xf32>,
    tpu.vector_store %arg5[%swap3A_759, %swap3A_760], %broadcast_in_dim3A_38 {strides = array<i32>} : memref<12x343xf32, #tpu.memory_space<vmem>>, vector<16xf32>,
    %swap3A_762 = arith.constant 8 : i32
    %swap3A_763 = arith.index_cast %swap3A_762 : i32 to index
    %swap3A_764 = arith.constant 80 : index
    %swap3A_765 = tpu.vector_load %arg5[%swap3A_763, %swap3A_764] {strides = array<i32>} : memref<12x343xf32, #tpu.memory_space<vmem>>, vector<16xf32>,
    tpu.vector_store %arg5[%swap3A_763, %swap3A_764], %broadcast_in_dim3A_38 {strides = array<i32>} : memref<12x343xf32, #tpu.memory_space<vmem>>, vector<16xf32>,
    %swap3A_766 = arith.constant 8 : i32
    %swap3A_767 = arith.index_cast %swap3A_766 : i32 to index
    %swap3A_768 = arith.constant 96 : index
    %swap3A_769 = tpu.vector_load %arg5[%swap3A_767, %swap3A_768] {strides = array<i32>} : memref<12x343xf32, #tpu.memory_space<vmem>>, vector<16xf32>,
    tpu.vector_store %arg5[%swap3A_767, %swap3A_768], %broadcast_in_dim3A_38 {strides = array<i32>} : memref<12x343xf32, #tpu.memory_space<vmem>>, vector<16xf32>,
    %swap3A_770 = arith.constant 8 : i32
    %swap3A_771 = arith.index_cast %swap3A_770 : i32 to index
    %swap3A_772 = arith.constant 112 : index
    %swap3A_773 = tpu.vector_load %arg5[%swap3A_771, %swap3A_772] {strides = array<i32>} : memref<12x343xf32, #tpu.memory_space<vmem>>, vector<16xf32>,
    tpu.vector_store %arg5[%swap3A_771, %swap3A_772], %broadcast_in_dim3A_38 {strides = array<i32>} : memref<12x343xf32, #tpu.memory_space<vmem>>, vector<16xf32>,
    %swap3A_774 = arith.constant 8 : i32
    %swap3A_775 = arith.index_cast %swap3A_774 : i32 to index
    %swap3A_776 = arith.constant 128 : index
    %swap3A_777 = tpu.vector_load %arg5[%swap3A_775, %swap3A_776] {strides = array<i32>} : memref<12x343xf32, #tpu.memory_space<vmem>>, vector<16xf32>,
    tpu.vector_store %arg5[%swap3A_775, %swap3A_776], %broadcast_in_dim3A_38 {strides = array<i32>} : memref<12x343xf32, #tpu.memory_space<vmem>>, vector<16xf32>,
    %swap3A_778 = arith.constant 8 : i32
    %swap3A_779 = arith.index_cast %swap3A_778 : i32 to index
    %swap3A_780 = arith.constant 144 : index
    %swap3A_781 = tpu.vector_load %arg5[%swap3A_779, %swap3A_780] {strides = array<i32>} : memref<12x343xf32, #tpu.memory_space<vmem>>, vector<16xf32>,
    tpu.vector_store %arg5[%swap3A_779, %swap3A_780], %broadcast_in_dim3A_38 {strides = array<i32>} : memref<12x343xf32, #tpu.memory_space<vmem>>, vector<16xf32>,
    %swap3A_782 = arith.constant 8 : i32
    %swap3A_783 = arith.index_cast %swap3A_782 : i32 to index
    %swap3A_784 = arith.constant 160 : index
    %swap3A_785 = tpu.vector_load %arg5[%swap3A_783, %swap3A_784] {strides = array<i32>} : memref<12x343xf32, #tpu.memory_space<vmem>>, vector<16xf32>,
    tpu.vector_store %arg5[%swap3A_783, %swap3A_784], %broadcast_in_dim3A_38 {strides = array<i32>} : memref<12x343xf32, #tpu.memory_space<vmem>>, vector<16xf32>,
    %swap3A_786 = arith.constant 8 : i32
    %swap3A_787 = arith.index_cast %swap3A_786 : i32 to index
    %swap3A_788 = arith.constant 176 : index
    %swap3A_789 = tpu.vector_load %arg5[%swap3A_787, %swap3A_788] {strides = array<i32>} : memref<12x343xf32, #tpu.memory_space<vmem>>, vector<16xf32>,
    tpu.vector_store %arg5[%swap3A_787, %swap3A_788], %broadcast_in_dim3A_38 {strides = array<i32>} : memref<12x343xf32, #tpu.memory_space<vmem>>, vector<16xf32>,
    %swap3A_790 = arith.constant 8 : i32
    %swap3A_791 = arith.index_cast %swap3A_790 : i32 to index
    %swap3A_792 = arith.constant 192 : index
    %swap3A_793 = tpu.vector_load %arg5[%swap3A_791, %swap3A_792] {strides = array<i32>} : memref<12x343xf32, #tpu.memory_space<vmem>>, vector<16xf32>,
    tpu.vector_store %arg5[%swap3A_791, %swap3A_792], %broadcast_in_dim3A_38 {strides = array<i32>} : memref<12x343xf32, #tpu.memory_space<vmem>>, vector<16xf32>,
    %swap3A_794 = arith.constant 8 : i32
    %swap3A_795 = arith.index_cast %swap3A_794 : i32 to index
    %swap3A_796 = arith.constant 208 : index
    %swap3A_797 = tpu.vector_load %arg5[%swap3A_795, %swap3A_796] {strides = array<i32>} : memref<12x343xf32, #tpu.memory_space<vmem>>, vector<16xf32>,
    tpu.vector_store %arg5[%swap3A_795, %swap3A_796], %broadcast_in_dim3A_38 {strides = array<i32>} : memref<12x343xf32, #tpu.memory_space<vmem>>, vector<16xf32>,
    %swap3A_798 = arith.constant 8 : i32
    %swap3A_799 = arith.index_cast %swap3A_798 : i32 to index
    %swap3A_800 = arith.constant 224 : index
    %swap3A_801 = tpu.vector_load %arg5[%swap3A_799, %swap3A_800] {strides = array<i32>} : memref<12x343xf32, #tpu.memory_space<vmem>>, vector<16xf32>,
    tpu.vector_store %arg5[%swap3A_799, %swap3A_800], %broadcast_in_dim3A_38 {strides = array<i32>} : memref<12x343xf32, #tpu.memory_space<vmem>>, vector<16xf32>,
    %swap3A_802 = arith.constant 8 : i32
    %swap3A_803 = arith.index_cast %swap3A_802 : i32 to index
    %swap3A_804 = arith.constant 240 : index
    %swap3A_805 = tpu.vector_load %arg5[%swap3A_803, %swap3A_804] {strides = array<i32>} : memref<12x343xf32, #tpu.memory_space<vmem>>, vector<16xf32>,
    tpu.vector_store %arg5[%swap3A_803, %swap3A_804], %broadcast_in_dim3A_38 {strides = array<i32>} : memref<12x343xf32, #tpu.memory_space<vmem>>, vector<16xf32>,
    %swap3A_806 = arith.constant 8 : i32
    %swap3A_807 = arith.index_cast %swap3A_806 : i32 to index
    %swap3A_808 = arith.constant 256 : index
    %swap3A_809 = tpu.vector_load %arg5[%swap3A_807, %swap3A_808] {strides = array<i32>} : memref<12x343xf32, #tpu.memory_space<vmem>>, vector<16xf32>,
    tpu.vector_store %arg5[%swap3A_807, %swap3A_808], %broadcast_in_dim3A_38 {strides = array<i32>} : memref<12x343xf32, #tpu.memory_space<vmem>>, vector<16xf32>,
    %swap3A_810 = arith.constant 8 : i32
    %swap3A_811 = arith.index_cast %swap3A_810 : i32 to index
    %swap3A_812 = arith.constant 272 : index
    %swap3A_813 = tpu.vector_load %arg5[%swap3A_811, %swap3A_812] {strides = array<i32>} : memref<12x343xf32, #tpu.memory_space<vmem>>, vector<16xf32>,
    tpu.vector_store %arg5[%swap3A_811, %swap3A_812], %broadcast_in_dim3A_38 {strides = array<i32>} : memref<12x343xf32, #tpu.memory_space<vmem>>, vector<16xf32>,
    %swap3A_814 = arith.constant 8 : i32
    %swap3A_815 = arith.index_cast %swap3A_814 : i32 to index
    %swap3A_816 = arith.constant 288 : index
    %swap3A_817 = tpu.vector_load %arg5[%swap3A_815, %swap3A_816] {strides = array<i32>} : memref<12x343xf32, #tpu.memory_space<vmem>>, vector<16xf32>,
    tpu.vector_store %arg5[%swap3A_815, %swap3A_816], %broadcast_in_dim3A_38 {strides = array<i32>} : memref<12x343xf32, #tpu.memory_space<vmem>>, vector<16xf32>,
    %swap3A_818 = arith.constant 8 : i32
    %swap3A_819 = arith.index_cast %swap3A_818 : i32 to index
    %swap3A_820 = arith.constant 304 : index
    %swap3A_821 = tpu.vector_load %arg5[%swap3A_819, %swap3A_820] {strides = array<i32>} : memref<12x343xf32, #tpu.memory_space<vmem>>, vector<16xf32>,
    tpu.vector_store %arg5[%swap3A_819, %swap3A_820], %broadcast_in_dim3A_38 {strides = array<i32>} : memref<12x343xf32, #tpu.memory_space<vmem>>, vector<16xf32>,
    %swap3A_822 = arith.constant 8 : i32
    %swap3A_823 = arith.index_cast %swap3A_822 : i32 to index
    %swap3A_824 = arith.constant 320 : index
    %swap3A_825 = tpu.vector_load %arg5[%swap3A_823, %swap3A_824] {strides = array<i32>} : memref<12x343xf32, #tpu.memory_space<vmem>>, vector<16xf32>,
    tpu.vector_store %arg5[%swap3A_823, %swap3A_824], %broadcast_in_dim3A_38 {strides = array<i32>} : memref<12x343xf32, #tpu.memory_space<vmem>>, vector<16xf32>,
    %swap3A_826 = arith.constant 8 : i32
    %swap3A_827 = arith.index_cast %swap3A_826 : i32 to index
    %swap3A_828 = arith.constant 327 : index
    %swap3A_829 = tpu.vector_load %arg5[%swap3A_827, %swap3A_828] {strides = array<i32>} : memref<12x343xf32, #tpu.memory_space<vmem>>, vector<16xf32>,
    tpu.vector_store %arg5[%swap3A_827, %swap3A_828], %broadcast_in_dim3A_38 {strides = array<i32>} : memref<12x343xf32, #tpu.memory_space<vmem>>, vector<16xf32>,
    %swap3A_830 = arith.constant 9 : i32
    %swap3A_831 = arith.index_cast %swap3A_830 : i32 to index
    %swap3A_832 = arith.constant 0 : index
    %swap3A_833 = tpu.vector_load %arg5[%swap3A_831, %swap3A_832] {strides = array<i32>} : memref<12x343xf32, #tpu.memory_space<vmem>>, vector<16xf32>,
    tpu.vector_store %arg5[%swap3A_831, %swap3A_832], %broadcast_in_dim3A_38 {strides = array<i32>} : memref<12x343xf32, #tpu.memory_space<vmem>>, vector<16xf32>,
    %swap3A_834 = arith.constant 9 : i32
    %swap3A_835 = arith.index_cast %swap3A_834 : i32 to index
    %swap3A_836 = arith.constant 16 : index
    %swap3A_837 = tpu.vector_load %arg5[%swap3A_835, %swap3A_836] {strides = array<i32>} : memref<12x343xf32, #tpu.memory_space<vmem>>, vector<16xf32>,
    tpu.vector_store %arg5[%swap3A_835, %swap3A_836], %broadcast_in_dim3A_38 {strides = array<i32>} : memref<12x343xf32, #tpu.memory_space<vmem>>, vector<16xf32>,
    %swap3A_838 = arith.constant 9 : i32
    %swap3A_839 = arith.index_cast %swap3A_838 : i32 to index
    %swap3A_840 = arith.constant 32 : index
    %swap3A_841 = tpu.vector_load %arg5[%swap3A_839, %swap3A_840] {strides = array<i32>} : memref<12x343xf32, #tpu.memory_space<vmem>>, vector<16xf32>,
    tpu.vector_store %arg5[%swap3A_839, %swap3A_840], %broadcast_in_dim3A_38 {strides = array<i32>} : memref<12x343xf32, #tpu.memory_space<vmem>>, vector<16xf32>,
    %swap3A_842 = arith.constant 9 : i32
    %swap3A_843 = arith.index_cast %swap3A_842 : i32 to index
    %swap3A_844 = arith.constant 48 : index
    %swap3A_845 = tpu.vector_load %arg5[%swap3A_843, %swap3A_844] {strides = array<i32>} : memref<12x343xf32, #tpu.memory_space<vmem>>, vector<16xf32>,
    tpu.vector_store %arg5[%swap3A_843, %swap3A_844], %broadcast_in_dim3A_38 {strides = array<i32>} : memref<12x343xf32, #tpu.memory_space<vmem>>, vector<16xf32>,
    %swap3A_846 = arith.constant 9 : i32
    %swap3A_847 = arith.index_cast %swap3A_846 : i32 to index
    %swap3A_848 = arith.constant 64 : index
    %swap3A_849 = tpu.vector_load %arg5[%swap3A_847, %swap3A_848] {strides = array<i32>} : memref<12x343xf32, #tpu.memory_space<vmem>>, vector<16xf32>,
    tpu.vector_store %arg5[%swap3A_847, %swap3A_848], %broadcast_in_dim3A_38 {strides = array<i32>} : memref<12x343xf32, #tpu.memory_space<vmem>>, vector<16xf32>,
    %swap3A_850 = arith.constant 9 : i32
    %swap3A_851 = arith.index_cast %swap3A_850 : i32 to index
    %swap3A_852 = arith.constant 80 : index
    %swap3A_853 = tpu.vector_load %arg5[%swap3A_851, %swap3A_852] {strides = array<i32>} : memref<12x343xf32, #tpu.memory_space<vmem>>, vector<16xf32>,
    tpu.vector_store %arg5[%swap3A_851, %swap3A_852], %broadcast_in_dim3A_38 {strides = array<i32>} : memref<12x343xf32, #tpu.memory_space<vmem>>, vector<16xf32>,
    %swap3A_854 = arith.constant 9 : i32
    %swap3A_855 = arith.index_cast %swap3A_854 : i32 to index
    %swap3A_856 = arith.constant 96 : index
    %swap3A_857 = tpu.vector_load %arg5[%swap3A_855, %swap3A_856] {strides = array<i32>} : memref<12x343xf32, #tpu.memory_space<vmem>>, vector<16xf32>,
    tpu.vector_store %arg5[%swap3A_855, %swap3A_856], %broadcast_in_dim3A_38 {strides = array<i32>} : memref<12x343xf32, #tpu.memory_space<vmem>>, vector<16xf32>,
    %swap3A_858 = arith.constant 9 : i32
    %swap3A_859 = arith.index_cast %swap3A_858 : i32 to index
    %swap3A_860 = arith.constant 112 : index
    %swap3A_861 = tpu.vector_load %arg5[%swap3A_859, %swap3A_860] {strides = array<i32>} : memref<12x343xf32, #tpu.memory_space<vmem>>, vector<16xf32>,
    tpu.vector_store %arg5[%swap3A_859, %swap3A_860], %broadcast_in_dim3A_38 {strides = array<i32>} : memref<12x343xf32, #tpu.memory_space<vmem>>, vector<16xf32>,
    %swap3A_862 = arith.constant 9 : i32
    %swap3A_863 = arith.index_cast %swap3A_862 : i32 to index
    %swap3A_864 = arith.constant 128 : index
    %swap3A_865 = tpu.vector_load %arg5[%swap3A_863, %swap3A_864] {strides = array<i32>} : memref<12x343xf32, #tpu.memory_space<vmem>>, vector<16xf32>,
    tpu.vector_store %arg5[%swap3A_863, %swap3A_864], %broadcast_in_dim3A_38 {strides = array<i32>} : memref<12x343xf32, #tpu.memory_space<vmem>>, vector<16xf32>,
    %swap3A_866 = arith.constant 9 : i32
    %swap3A_867 = arith.index_cast %swap3A_866 : i32 to index
    %swap3A_868 = arith.constant 144 : index
    %swap3A_869 = tpu.vector_load %arg5[%swap3A_867, %swap3A_868] {strides = array<i32>} : memref<12x343xf32, #tpu.memory_space<vmem>>, vector<16xf32>,
    tpu.vector_store %arg5[%swap3A_867, %swap3A_868], %broadcast_in_dim3A_38 {strides = array<i32>} : memref<12x343xf32, #tpu.memory_space<vmem>>, vector<16xf32>,
    %swap3A_870 = arith.constant 9 : i32
    %swap3A_871 = arith.index_cast %swap3A_870 : i32 to index
    %swap3A_872 = arith.constant 160 : index
    %swap3A_873 = tpu.vector_load %arg5[%swap3A_871, %swap3A_872] {strides = array<i32>} : memref<12x343xf32, #tpu.memory_space<vmem>>, vector<16xf32>,
    tpu.vector_store %arg5[%swap3A_871, %swap3A_872], %broadcast_in_dim3A_38 {strides = array<i32>} : memref<12x343xf32, #tpu.memory_space<vmem>>, vector<16xf32>,
    %swap3A_874 = arith.constant 9 : i32
    %swap3A_875 = arith.index_cast %swap3A_874 : i32 to index
    %swap3A_876 = arith.constant 176 : index
    %swap3A_877 = tpu.vector_load %arg5[%swap3A_875, %swap3A_876] {strides = array<i32>} : memref<12x343xf32, #tpu.memory_space<vmem>>, vector<16xf32>,
    tpu.vector_store %arg5[%swap3A_875, %swap3A_876], %broadcast_in_dim3A_38 {strides = array<i32>} : memref<12x343xf32, #tpu.memory_space<vmem>>, vector<16xf32>,
    %swap3A_878 = arith.constant 9 : i32
    %swap3A_879 = arith.index_cast %swap3A_878 : i32 to index
    %swap3A_880 = arith.constant 192 : index
    %swap3A_881 = tpu.vector_load %arg5[%swap3A_879, %swap3A_880] {strides = array<i32>} : memref<12x343xf32, #tpu.memory_space<vmem>>, vector<16xf32>,
    tpu.vector_store %arg5[%swap3A_879, %swap3A_880], %broadcast_in_dim3A_38 {strides = array<i32>} : memref<12x343xf32, #tpu.memory_space<vmem>>, vector<16xf32>,
    %swap3A_882 = arith.constant 9 : i32
    %swap3A_883 = arith.index_cast %swap3A_882 : i32 to index
    %swap3A_884 = arith.constant 208 : index
    %swap3A_885 = tpu.vector_load %arg5[%swap3A_883, %swap3A_884] {strides = array<i32>} : memref<12x343xf32, #tpu.memory_space<vmem>>, vector<16xf32>,
    tpu.vector_store %arg5[%swap3A_883, %swap3A_884], %broadcast_in_dim3A_38 {strides = array<i32>} : memref<12x343xf32, #tpu.memory_space<vmem>>, vector<16xf32>,
    %swap3A_886 = arith.constant 9 : i32
    %swap3A_887 = arith.index_cast %swap3A_886 : i32 to index
    %swap3A_888 = arith.constant 224 : index
    %swap3A_889 = tpu.vector_load %arg5[%swap3A_887, %swap3A_888] {strides = array<i32>} : memref<12x343xf32, #tpu.memory_space<vmem>>, vector<16xf32>,
    tpu.vector_store %arg5[%swap3A_887, %swap3A_888], %broadcast_in_dim3A_38 {strides = array<i32>} : memref<12x343xf32, #tpu.memory_space<vmem>>, vector<16xf32>,
    %swap3A_890 = arith.constant 9 : i32
    %swap3A_891 = arith.index_cast %swap3A_890 : i32 to index
    %swap3A_892 = arith.constant 240 : index
    %swap3A_893 = tpu.vector_load %arg5[%swap3A_891, %swap3A_892] {strides = array<i32>} : memref<12x343xf32, #tpu.memory_space<vmem>>, vector<16xf32>,
    tpu.vector_store %arg5[%swap3A_891, %swap3A_892], %broadcast_in_dim3A_38 {strides = array<i32>} : memref<12x343xf32, #tpu.memory_space<vmem>>, vector<16xf32>,
    %swap3A_894 = arith.constant 9 : i32
    %swap3A_895 = arith.index_cast %swap3A_894 : i32 to index
    %swap3A_896 = arith.constant 256 : index
    %swap3A_897 = tpu.vector_load %arg5[%swap3A_895, %swap3A_896] {strides = array<i32>} : memref<12x343xf32, #tpu.memory_space<vmem>>, vector<16xf32>,
    tpu.vector_store %arg5[%swap3A_895, %swap3A_896], %broadcast_in_dim3A_38 {strides = array<i32>} : memref<12x343xf32, #tpu.memory_space<vmem>>, vector<16xf32>,
    %swap3A_898 = arith.constant 9 : i32
    %swap3A_899 = arith.index_cast %swap3A_898 : i32 to index
    %swap3A_900 = arith.constant 272 : index
    %swap3A_901 = tpu.vector_load %arg5[%swap3A_899, %swap3A_900] {strides = array<i32>} : memref<12x343xf32, #tpu.memory_space<vmem>>, vector<16xf32>,
    tpu.vector_store %arg5[%swap3A_899, %swap3A_900], %broadcast_in_dim3A_38 {strides = array<i32>} : memref<12x343xf32, #tpu.memory_space<vmem>>, vector<16xf32>,
    %swap3A_902 = arith.constant 9 : i32
    %swap3A_903 = arith.index_cast %swap3A_902 : i32 to index
    %swap3A_904 = arith.constant 288 : index
    %swap3A_905 = tpu.vector_load %arg5[%swap3A_903, %swap3A_904] {strides = array<i32>} : memref<12x343xf32, #tpu.memory_space<vmem>>, vector<16xf32>,
    tpu.vector_store %arg5[%swap3A_903, %swap3A_904], %broadcast_in_dim3A_38 {strides = array<i32>} : memref<12x343xf32, #tpu.memory_space<vmem>>, vector<16xf32>,
    %swap3A_906 = arith.constant 9 : i32
    %swap3A_907 = arith.index_cast %swap3A_906 : i32 to index
    %swap3A_908 = arith.constant 304 : index
    %swap3A_909 = tpu.vector_load %arg5[%swap3A_907, %swap3A_908] {strides = array<i32>} : memref<12x343xf32, #tpu.memory_space<vmem>>, vector<16xf32>,
    tpu.vector_store %arg5[%swap3A_907, %swap3A_908], %broadcast_in_dim3A_38 {strides = array<i32>} : memref<12x343xf32, #tpu.memory_space<vmem>>, vector<16xf32>,
    %swap3A_910 = arith.constant 9 : i32
    %swap3A_911 = arith.index_cast %swap3A_910 : i32 to index
    %swap3A_912 = arith.constant 320 : index
    %swap3A_913 = tpu.vector_load %arg5[%swap3A_911, %swap3A_912] {strides = array<i32>} : memref<12x343xf32, #tpu.memory_space<vmem>>, vector<16xf32>,
    tpu.vector_store %arg5[%swap3A_911, %swap3A_912], %broadcast_in_dim3A_38 {strides = array<i32>} : memref<12x343xf32, #tpu.memory_space<vmem>>, vector<16xf32>,
    %swap3A_914 = arith.constant 9 : i32
    %swap3A_915 = arith.index_cast %swap3A_914 : i32 to index
    %swap3A_916 = arith.constant 327 : index
    %swap3A_917 = tpu.vector_load %arg5[%swap3A_915, %swap3A_916] {strides = array<i32>} : memref<12x343xf32, #tpu.memory_space<vmem>>, vector<16xf32>,
    tpu.vector_store %arg5[%swap3A_915, %swap3A_916], %broadcast_in_dim3A_38 {strides = array<i32>} : memref<12x343xf32, #tpu.memory_space<vmem>>, vector<16xf32>,
    %swap3A_918 = arith.constant 10 : i32
    %swap3A_919 = arith.index_cast %swap3A_918 : i32 to index
    %swap3A_920 = arith.constant 0 : index
    %swap3A_921 = tpu.vector_load %arg5[%swap3A_919, %swap3A_920] {strides = array<i32>} : memref<12x343xf32, #tpu.memory_space<vmem>>, vector<16xf32>,
    tpu.vector_store %arg5[%swap3A_919, %swap3A_920], %broadcast_in_dim3A_38 {strides = array<i32>} : memref<12x343xf32, #tpu.memory_space<vmem>>, vector<16xf32>,
    %swap3A_922 = arith.constant 10 : i32
    %swap3A_923 = arith.index_cast %swap3A_922 : i32 to index
    %swap3A_924 = arith.constant 16 : index
    %swap3A_925 = tpu.vector_load %arg5[%swap3A_923, %swap3A_924] {strides = array<i32>} : memref<12x343xf32, #tpu.memory_space<vmem>>, vector<16xf32>,
    tpu.vector_store %arg5[%swap3A_923, %swap3A_924], %broadcast_in_dim3A_38 {strides = array<i32>} : memref<12x343xf32, #tpu.memory_space<vmem>>, vector<16xf32>,
    %swap3A_926 = arith.constant 10 : i32
    %swap3A_927 = arith.index_cast %swap3A_926 : i32 to index
    %swap3A_928 = arith.constant 32 : index
    %swap3A_929 = tpu.vector_load %arg5[%swap3A_927, %swap3A_928] {strides = array<i32>} : memref<12x343xf32, #tpu.memory_space<vmem>>, vector<16xf32>,
    tpu.vector_store %arg5[%swap3A_927, %swap3A_928], %broadcast_in_dim3A_38 {strides = array<i32>} : memref<12x343xf32, #tpu.memory_space<vmem>>, vector<16xf32>,
    %swap3A_930 = arith.constant 10 : i32
    %swap3A_931 = arith.index_cast %swap3A_930 : i32 to index
    %swap3A_932 = arith.constant 48 : index
    %swap3A_933 = tpu.vector_load %arg5[%swap3A_931, %swap3A_932] {strides = array<i32>} : memref<12x343xf32, #tpu.memory_space<vmem>>, vector<16xf32>,
    tpu.vector_store %arg5[%swap3A_931, %swap3A_932], %broadcast_in_dim3A_38 {strides = array<i32>} : memref<12x343xf32, #tpu.memory_space<vmem>>, vector<16xf32>,
    %swap3A_934 = arith.constant 10 : i32
    %swap3A_935 = arith.index_cast %swap3A_934 : i32 to index
    %swap3A_936 = arith.constant 64 : index
    %swap3A_937 = tpu.vector_load %arg5[%swap3A_935, %swap3A_936] {strides = array<i32>} : memref<12x343xf32, #tpu.memory_space<vmem>>, vector<16xf32>,
    tpu.vector_store %arg5[%swap3A_935, %swap3A_936], %broadcast_in_dim3A_38 {strides = array<i32>} : memref<12x343xf32, #tpu.memory_space<vmem>>, vector<16xf32>,
    %swap3A_938 = arith.constant 10 : i32
    %swap3A_939 = arith.index_cast %swap3A_938 : i32 to index
    %swap3A_940 = arith.constant 80 : index
    %swap3A_941 = tpu.vector_load %arg5[%swap3A_939, %swap3A_940] {strides = array<i32>} : memref<12x343xf32, #tpu.memory_space<vmem>>, vector<16xf32>,
    tpu.vector_store %arg5[%swap3A_939, %swap3A_940], %broadcast_in_dim3A_38 {strides = array<i32>} : memref<12x343xf32, #tpu.memory_space<vmem>>, vector<16xf32>,
    %swap3A_942 = arith.constant 10 : i32
    %swap3A_943 = arith.index_cast %swap3A_942 : i32 to index
    %swap3A_944 = arith.constant 96 : index
    %swap3A_945 = tpu.vector_load %arg5[%swap3A_943, %swap3A_944] {strides = array<i32>} : memref<12x343xf32, #tpu.memory_space<vmem>>, vector<16xf32>,
    tpu.vector_store %arg5[%swap3A_943, %swap3A_944], %broadcast_in_dim3A_38 {strides = array<i32>} : memref<12x343xf32, #tpu.memory_space<vmem>>, vector<16xf32>,
    %swap3A_946 = arith.constant 10 : i32
    %swap3A_947 = arith.index_cast %swap3A_946 : i32 to index
    %swap3A_948 = arith.constant 112 : index
    %swap3A_949 = tpu.vector_load %arg5[%swap3A_947, %swap3A_948] {strides = array<i32>} : memref<12x343xf32, #tpu.memory_space<vmem>>, vector<16xf32>,
    tpu.vector_store %arg5[%swap3A_947, %swap3A_948], %broadcast_in_dim3A_38 {strides = array<i32>} : memref<12x343xf32, #tpu.memory_space<vmem>>, vector<16xf32>,
    %swap3A_950 = arith.constant 10 : i32
    %swap3A_951 = arith.index_cast %swap3A_950 : i32 to index
    %swap3A_952 = arith.constant 128 : index
    %swap3A_953 = tpu.vector_load %arg5[%swap3A_951, %swap3A_952] {strides = array<i32>} : memref<12x343xf32, #tpu.memory_space<vmem>>, vector<16xf32>,
    tpu.vector_store %arg5[%swap3A_951, %swap3A_952], %broadcast_in_dim3A_38 {strides = array<i32>} : memref<12x343xf32, #tpu.memory_space<vmem>>, vector<16xf32>,
    %swap3A_954 = arith.constant 10 : i32
    %swap3A_955 = arith.index_cast %swap3A_954 : i32 to index
    %swap3A_956 = arith.constant 144 : index
    %swap3A_957 = tpu.vector_load %arg5[%swap3A_955, %swap3A_956] {strides = array<i32>} : memref<12x343xf32, #tpu.memory_space<vmem>>, vector<16xf32>,
    tpu.vector_store %arg5[%swap3A_955, %swap3A_956], %broadcast_in_dim3A_38 {strides = array<i32>} : memref<12x343xf32, #tpu.memory_space<vmem>>, vector<16xf32>,
    %swap3A_958 = arith.constant 10 : i32
    %swap3A_959 = arith.index_cast %swap3A_958 : i32 to index
    %swap3A_960 = arith.constant 160 : index
    %swap3A_961 = tpu.vector_load %arg5[%swap3A_959, %swap3A_960] {strides = array<i32>} : memref<12x343xf32, #tpu.memory_space<vmem>>, vector<16xf32>,
    tpu.vector_store %arg5[%swap3A_959, %swap3A_960], %broadcast_in_dim3A_38 {strides = array<i32>} : memref<12x343xf32, #tpu.memory_space<vmem>>, vector<16xf32>,
    %swap3A_962 = arith.constant 10 : i32
    %swap3A_963 = arith.index_cast %swap3A_962 : i32 to index
    %swap3A_964 = arith.constant 176 : index
    %swap3A_965 = tpu.vector_load %arg5[%swap3A_963, %swap3A_964] {strides = array<i32>} : memref<12x343xf32, #tpu.memory_space<vmem>>, vector<16xf32>,
    tpu.vector_store %arg5[%swap3A_963, %swap3A_964], %broadcast_in_dim3A_38 {strides = array<i32>} : memref<12x343xf32, #tpu.memory_space<vmem>>, vector<16xf32>,
    %swap3A_966 = arith.constant 10 : i32
    %swap3A_967 = arith.index_cast %swap3A_966 : i32 to index
    %swap3A_968 = arith.constant 192 : index
    %swap3A_969 = tpu.vector_load %arg5[%swap3A_967, %swap3A_968] {strides = array<i32>} : memref<12x343xf32, #tpu.memory_space<vmem>>, vector<16xf32>,
    tpu.vector_store %arg5[%swap3A_967, %swap3A_968], %broadcast_in_dim3A_38 {strides = array<i32>} : memref<12x343xf32, #tpu.memory_space<vmem>>, vector<16xf32>,
    %swap3A_970 = arith.constant 10 : i32
    %swap3A_971 = arith.index_cast %swap3A_970 : i32 to index
    %swap3A_972 = arith.constant 208 : index
    %swap3A_973 = tpu.vector_load %arg5[%swap3A_971, %swap3A_972] {strides = array<i32>} : memref<12x343xf32, #tpu.memory_space<vmem>>, vector<16xf32>,
    tpu.vector_store %arg5[%swap3A_971, %swap3A_972], %broadcast_in_dim3A_38 {strides = array<i32>} : memref<12x343xf32, #tpu.memory_space<vmem>>, vector<16xf32>,
    %swap3A_974 = arith.constant 10 : i32
    %swap3A_975 = arith.index_cast %swap3A_974 : i32 to index
    %swap3A_976 = arith.constant 224 : index
    %swap3A_977 = tpu.vector_load %arg5[%swap3A_975, %swap3A_976] {strides = array<i32>} : memref<12x343xf32, #tpu.memory_space<vmem>>, vector<16xf32>,
    tpu.vector_store %arg5[%swap3A_975, %swap3A_976], %broadcast_in_dim3A_38 {strides = array<i32>} : memref<12x343xf32, #tpu.memory_space<vmem>>, vector<16xf32>,
    %swap3A_978 = arith.constant 10 : i32
    %swap3A_979 = arith.index_cast %swap3A_978 : i32 to index
    %swap3A_980 = arith.constant 240 : index
    %swap3A_981 = tpu.vector_load %arg5[%swap3A_979, %swap3A_980] {strides = array<i32>} : memref<12x343xf32, #tpu.memory_space<vmem>>, vector<16xf32>,
    tpu.vector_store %arg5[%swap3A_979, %swap3A_980], %broadcast_in_dim3A_38 {strides = array<i32>} : memref<12x343xf32, #tpu.memory_space<vmem>>, vector<16xf32>,
    %swap3A_982 = arith.constant 10 : i32
    %swap3A_983 = arith.index_cast %swap3A_982 : i32 to index
    %swap3A_984 = arith.constant 256 : index
    %swap3A_985 = tpu.vector_load %arg5[%swap3A_983, %swap3A_984] {strides = array<i32>} : memref<12x343xf32, #tpu.memory_space<vmem>>, vector<16xf32>,
    tpu.vector_store %arg5[%swap3A_983, %swap3A_984], %broadcast_in_dim3A_38 {strides = array<i32>} : memref<12x343xf32, #tpu.memory_space<vmem>>, vector<16xf32>,
    %swap3A_986 = arith.constant 10 : i32
    %swap3A_987 = arith.index_cast %swap3A_986 : i32 to index
    %swap3A_988 = arith.constant 272 : index
    %swap3A_989 = tpu.vector_load %arg5[%swap3A_987, %swap3A_988] {strides = array<i32>} : memref<12x343xf32, #tpu.memory_space<vmem>>, vector<16xf32>,
    tpu.vector_store %arg5[%swap3A_987, %swap3A_988], %broadcast_in_dim3A_38 {strides = array<i32>} : memref<12x343xf32, #tpu.memory_space<vmem>>, vector<16xf32>,
    %swap3A_990 = arith.constant 10 : i32
    %swap3A_991 = arith.index_cast %swap3A_990 : i32 to index
    %swap3A_992 = arith.constant 288 : index
    %swap3A_993 = tpu.vector_load %arg5[%swap3A_991, %swap3A_992] {strides = array<i32>} : memref<12x343xf32, #tpu.memory_space<vmem>>, vector<16xf32>,
    tpu.vector_store %arg5[%swap3A_991, %swap3A_992], %broadcast_in_dim3A_38 {strides = array<i32>} : memref<12x343xf32, #tpu.memory_space<vmem>>, vector<16xf32>,
    %swap3A_994 = arith.constant 10 : i32
    %swap3A_995 = arith.index_cast %swap3A_994 : i32 to index
    %swap3A_996 = arith.constant 304 : index
    %swap3A_997 = tpu.vector_load %arg5[%swap3A_995, %swap3A_996] {strides = array<i32>} : memref<12x343xf32, #tpu.memory_space<vmem>>, vector<16xf32>,
    tpu.vector_store %arg5[%swap3A_995, %swap3A_996], %broadcast_in_dim3A_38 {strides = array<i32>} : memref<12x343xf32, #tpu.memory_space<vmem>>, vector<16xf32>,
    %swap3A_998 = arith.constant 10 : i32
    %swap3A_999 = arith.index_cast %swap3A_998 : i32 to index
    %swap3A_1000 = arith.constant 320 : index
    %swap3A_1001 = tpu.vector_load %arg5[%swap3A_999, %swap3A_1000] {strides = array<i32>} : memref<12x343xf32, #tpu.memory_space<vmem>>, vector<16xf32>,
    tpu.vector_store %arg5[%swap3A_999, %swap3A_1000], %broadcast_in_dim3A_38 {strides = array<i32>} : memref<12x343xf32, #tpu.memory_space<vmem>>, vector<16xf32>,
    %swap3A_1002 = arith.constant 10 : i32
    %swap3A_1003 = arith.index_cast %swap3A_1002 : i32 to index
    %swap3A_1004 = arith.constant 327 : index
    %swap3A_1005 = tpu.vector_load %arg5[%swap3A_1003, %swap3A_1004] {strides = array<i32>} : memref<12x343xf32, #tpu.memory_space<vmem>>, vector<16xf32>,
    tpu.vector_store %arg5[%swap3A_1003, %swap3A_1004], %broadcast_in_dim3A_38 {strides = array<i32>} : memref<12x343xf32, #tpu.memory_space<vmem>>, vector<16xf32>,
    %swap3A_1006 = arith.constant 11 : i32
    %swap3A_1007 = arith.index_cast %swap3A_1006 : i32 to index
    %swap3A_1008 = arith.constant 0 : index
    %swap3A_1009 = tpu.vector_load %arg5[%swap3A_1007, %swap3A_1008] {strides = array<i32>} : memref<12x343xf32, #tpu.memory_space<vmem>>, vector<16xf32>,
    tpu.vector_store %arg5[%swap3A_1007, %swap3A_1008], %broadcast_in_dim3A_38 {strides = array<i32>} : memref<12x343xf32, #tpu.memory_space<vmem>>, vector<16xf32>,
    %swap3A_1010 = arith.constant 11 : i32
    %swap3A_1011 = arith.index_cast %swap3A_1010 : i32 to index
    %swap3A_1012 = arith.constant 16 : index
    %swap3A_1013 = tpu.vector_load %arg5[%swap3A_1011, %swap3A_1012] {strides = array<i32>} : memref<12x343xf32, #tpu.memory_space<vmem>>, vector<16xf32>,
    tpu.vector_store %arg5[%swap3A_1011, %swap3A_1012], %broadcast_in_dim3A_38 {strides = array<i32>} : memref<12x343xf32, #tpu.memory_space<vmem>>, vector<16xf32>,
    %swap3A_1014 = arith.constant 11 : i32
    %swap3A_1015 = arith.index_cast %swap3A_1014 : i32 to index
    %swap3A_1016 = arith.constant 32 : index
    %swap3A_1017 = tpu.vector_load %arg5[%swap3A_1015, %swap3A_1016] {strides = array<i32>} : memref<12x343xf32, #tpu.memory_space<vmem>>, vector<16xf32>,
    tpu.vector_store %arg5[%swap3A_1015, %swap3A_1016], %broadcast_in_dim3A_38 {strides = array<i32>} : memref<12x343xf32, #tpu.memory_space<vmem>>, vector<16xf32>,
    %swap3A_1018 = arith.constant 11 : i32
    %swap3A_1019 = arith.index_cast %swap3A_1018 : i32 to index
    %swap3A_1020 = arith.constant 48 : index
    %swap3A_1021 = tpu.vector_load %arg5[%swap3A_1019, %swap3A_1020] {strides = array<i32>} : memref<12x343xf32, #tpu.memory_space<vmem>>, vector<16xf32>,
    tpu.vector_store %arg5[%swap3A_1019, %swap3A_1020], %broadcast_in_dim3A_38 {strides = array<i32>} : memref<12x343xf32, #tpu.memory_space<vmem>>, vector<16xf32>,
    %swap3A_1022 = arith.constant 11 : i32
    %swap3A_1023 = arith.index_cast %swap3A_1022 : i32 to index
    %swap3A_1024 = arith.constant 64 : index
    %swap3A_1025 = tpu.vector_load %arg5[%swap3A_1023, %swap3A_1024] {strides = array<i32>} : memref<12x343xf32, #tpu.memory_space<vmem>>, vector<16xf32>,
    tpu.vector_store %arg5[%swap3A_1023, %swap3A_1024], %broadcast_in_dim3A_38 {strides = array<i32>} : memref<12x343xf32, #tpu.memory_space<vmem>>, vector<16xf32>,
    %swap3A_1026 = arith.constant 11 : i32
    %swap3A_1027 = arith.index_cast %swap3A_1026 : i32 to index
    %swap3A_1028 = arith.constant 80 : index
    %swap3A_1029 = tpu.vector_load %arg5[%swap3A_1027, %swap3A_1028] {strides = array<i32>} : memref<12x343xf32, #tpu.memory_space<vmem>>, vector<16xf32>,
    tpu.vector_store %arg5[%swap3A_1027, %swap3A_1028], %broadcast_in_dim3A_38 {strides = array<i32>} : memref<12x343xf32, #tpu.memory_space<vmem>>, vector<16xf32>,
    %swap3A_1030 = arith.constant 11 : i32
    %swap3A_1031 = arith.index_cast %swap3A_1030 : i32 to index
    %swap3A_1032 = arith.constant 96 : index
    %swap3A_1033 = tpu.vector_load %arg5[%swap3A_1031, %swap3A_1032] {strides = array<i32>} : memref<12x343xf32, #tpu.memory_space<vmem>>, vector<16xf32>,
    tpu.vector_store %arg5[%swap3A_1031, %swap3A_1032], %broadcast_in_dim3A_38 {strides = array<i32>} : memref<12x343xf32, #tpu.memory_space<vmem>>, vector<16xf32>,
    %swap3A_1034 = arith.constant 11 : i32
    %swap3A_1035 = arith.index_cast %swap3A_1034 : i32 to index
    %swap3A_1036 = arith.constant 112 : index
    %swap3A_1037 = tpu.vector_load %arg5[%swap3A_1035, %swap3A_1036] {strides = array<i32>} : memref<12x343xf32, #tpu.memory_space<vmem>>, vector<16xf32>,
    tpu.vector_store %arg5[%swap3A_1035, %swap3A_1036], %broadcast_in_dim3A_38 {strides = array<i32>} : memref<12x343xf32, #tpu.memory_space<vmem>>, vector<16xf32>,
    %swap3A_1038 = arith.constant 11 : i32
    %swap3A_1039 = arith.index_cast %swap3A_1038 : i32 to index
    %swap3A_1040 = arith.constant 128 : index
    %swap3A_1041 = tpu.vector_load %arg5[%swap3A_1039, %swap3A_1040] {strides = array<i32>} : memref<12x343xf32, #tpu.memory_space<vmem>>, vector<16xf32>,
    tpu.vector_store %arg5[%swap3A_1039, %swap3A_1040], %broadcast_in_dim3A_38 {strides = array<i32>} : memref<12x343xf32, #tpu.memory_space<vmem>>, vector<16xf32>,
    %swap3A_1042 = arith.constant 11 : i32
    %swap3A_1043 = arith.index_cast %swap3A_1042 : i32 to index
    %swap3A_1044 = arith.constant 144 : index
    %swap3A_1045 = tpu.vector_load %arg5[%swap3A_1043, %swap3A_1044] {strides = array<i32>} : memref<12x343xf32, #tpu.memory_space<vmem>>, vector<16xf32>,
    tpu.vector_store %arg5[%swap3A_1043, %swap3A_1044], %broadcast_in_dim3A_38 {strides = array<i32>} : memref<12x343xf32, #tpu.memory_space<vmem>>, vector<16xf32>,
    %swap3A_1046 = arith.constant 11 : i32
    %swap3A_1047 = arith.index_cast %swap3A_1046 : i32 to index
    %swap3A_1048 = arith.constant 160 : index
    %swap3A_1049 = tpu.vector_load %arg5[%swap3A_1047, %swap3A_1048] {strides = array<i32>} : memref<12x343xf32, #tpu.memory_space<vmem>>, vector<16xf32>,
    tpu.vector_store %arg5[%swap3A_1047, %swap3A_1048], %broadcast_in_dim3A_38 {strides = array<i32>} : memref<12x343xf32, #tpu.memory_space<vmem>>, vector<16xf32>,
    %swap3A_1050 = arith.constant 11 : i32
    %swap3A_1051 = arith.index_cast %swap3A_1050 : i32 to index
    %swap3A_1052 = arith.constant 176 : index
    %swap3A_1053 = tpu.vector_load %arg5[%swap3A_1051, %swap3A_1052] {strides = array<i32>} : memref<12x343xf32, #tpu.memory_space<vmem>>, vector<16xf32>,
    tpu.vector_store %arg5[%swap3A_1051, %swap3A_1052], %broadcast_in_dim3A_38 {strides = array<i32>} : memref<12x343xf32, #tpu.memory_space<vmem>>, vector<16xf32>,
    %swap3A_1054 = arith.constant 11 : i32
    %swap3A_1055 = arith.index_cast %swap3A_1054 : i32 to index
    %swap3A_1056 = arith.constant 192 : index
    %swap3A_1057 = tpu.vector_load %arg5[%swap3A_1055, %swap3A_1056] {strides = array<i32>} : memref<12x343xf32, #tpu.memory_space<vmem>>, vector<16xf32>,
    tpu.vector_store %arg5[%swap3A_1055, %swap3A_1056], %broadcast_in_dim3A_38 {strides = array<i32>} : memref<12x343xf32, #tpu.memory_space<vmem>>, vector<16xf32>,
    %swap3A_1058 = arith.constant 11 : i32
    %swap3A_1059 = arith.index_cast %swap3A_1058 : i32 to index
    %swap3A_1060 = arith.constant 208 : index
    %swap3A_1061 = tpu.vector_load %arg5[%swap3A_1059, %swap3A_1060] {strides = array<i32>} : memref<12x343xf32, #tpu.memory_space<vmem>>, vector<16xf32>,
    tpu.vector_store %arg5[%swap3A_1059, %swap3A_1060], %broadcast_in_dim3A_38 {strides = array<i32>} : memref<12x343xf32, #tpu.memory_space<vmem>>, vector<16xf32>,
    %swap3A_1062 = arith.constant 11 : i32
    %swap3A_1063 = arith.index_cast %swap3A_1062 : i32 to index
    %swap3A_1064 = arith.constant 224 : index
    %swap3A_1065 = tpu.vector_load %arg5[%swap3A_1063, %swap3A_1064] {strides = array<i32>} : memref<12x343xf32, #tpu.memory_space<vmem>>, vector<16xf32>,
    tpu.vector_store %arg5[%swap3A_1063, %swap3A_1064], %broadcast_in_dim3A_38 {strides = array<i32>} : memref<12x343xf32, #tpu.memory_space<vmem>>, vector<16xf32>,
    %swap3A_1066 = arith.constant 11 : i32
    %swap3A_1067 = arith.index_cast %swap3A_1066 : i32 to index
    %swap3A_1068 = arith.constant 240 : index
    %swap3A_1069 = tpu.vector_load %arg5[%swap3A_1067, %swap3A_1068] {strides = array<i32>} : memref<12x343xf32, #tpu.memory_space<vmem>>, vector<16xf32>,
    tpu.vector_store %arg5[%swap3A_1067, %swap3A_1068], %broadcast_in_dim3A_38 {strides = array<i32>} : memref<12x343xf32, #tpu.memory_space<vmem>>, vector<16xf32>,
    %swap3A_1070 = arith.constant 11 : i32
    %swap3A_1071 = arith.index_cast %swap3A_1070 : i32 to index
    %swap3A_1072 = arith.constant 256 : index
    %swap3A_1073 = tpu.vector_load %arg5[%swap3A_1071, %swap3A_1072] {strides = array<i32>} : memref<12x343xf32, #tpu.memory_space<vmem>>, vector<16xf32>,
    tpu.vector_store %arg5[%swap3A_1071, %swap3A_1072], %broadcast_in_dim3A_38 {strides = array<i32>} : memref<12x343xf32, #tpu.memory_space<vmem>>, vector<16xf32>,
    %swap3A_1074 = arith.constant 11 : i32
    %swap3A_1075 = arith.index_cast %swap3A_1074 : i32 to index
    %swap3A_1076 = arith.constant 272 : index
    %swap3A_1077 = tpu.vector_load %arg5[%swap3A_1075, %swap3A_1076] {strides = array<i32>} : memref<12x343xf32, #tpu.memory_space<vmem>>, vector<16xf32>,
    tpu.vector_store %arg5[%swap3A_1075, %swap3A_1076], %broadcast_in_dim3A_38 {strides = array<i32>} : memref<12x343xf32, #tpu.memory_space<vmem>>, vector<16xf32>,
    %swap3A_1078 = arith.constant 11 : i32
    %swap3A_1079 = arith.index_cast %swap3A_1078 : i32 to index
    %swap3A_1080 = arith.constant 288 : index
    %swap3A_1081 = tpu.vector_load %arg5[%swap3A_1079, %swap3A_1080] {strides = array<i32>} : memref<12x343xf32, #tpu.memory_space<vmem>>, vector<16xf32>,
    tpu.vector_store %arg5[%swap3A_1079, %swap3A_1080], %broadcast_in_dim3A_38 {strides = array<i32>} : memref<12x343xf32, #tpu.memory_space<vmem>>, vector<16xf32>,
    %swap3A_1082 = arith.constant 11 : i32
    %swap3A_1083 = arith.index_cast %swap3A_1082 : i32 to index
    %swap3A_1084 = arith.constant 304 : index
    %swap3A_1085 = tpu.vector_load %arg5[%swap3A_1083, %swap3A_1084] {strides = array<i32>} : memref<12x343xf32, #tpu.memory_space<vmem>>, vector<16xf32>,
    tpu.vector_store %arg5[%swap3A_1083, %swap3A_1084], %broadcast_in_dim3A_38 {strides = array<i32>} : memref<12x343xf32, #tpu.memory_space<vmem>>, vector<16xf32>,
    %swap3A_1086 = arith.constant 11 : i32
    %swap3A_1087 = arith.index_cast %swap3A_1086 : i32 to index
    %swap3A_1088 = arith.constant 320 : index
    %swap3A_1089 = tpu.vector_load %arg5[%swap3A_1087, %swap3A_1088] {strides = array<i32>} : memref<12x343xf32, #tpu.memory_space<vmem>>, vector<16xf32>,
    tpu.vector_store %arg5[%swap3A_1087, %swap3A_1088], %broadcast_in_dim3A_38 {strides = array<i32>} : memref<12x343xf32, #tpu.memory_space<vmem>>, vector<16xf32>,
    %swap3A_1090 = arith.constant 11 : i32
    %swap3A_1091 = arith.index_cast %swap3A_1090 : i32 to index
    %swap3A_1092 = arith.constant 327 : index
    %swap3A_1093 = tpu.vector_load %arg5[%swap3A_1091, %swap3A_1092] {strides = array<i32>} : memref<12x343xf32, #tpu.memory_space<vmem>>, vector<16xf32>,
    tpu.vector_store %arg5[%swap3A_1091, %swap3A_1092], %broadcast_in_dim3A_38 {strides = array<i32>} : memref<12x343xf32, #tpu.memory_space<vmem>>, vector<16xf32>,
    %dma_wait3A = arith.constant 0 : i32
    %dma_wait3A_1094 = tpu.memref_slice %arg2[%mul3A_34, %dma_wait3A] : memref<16x128xi32, #tpu.memory_space<hbm>> -> memref<4x128xi32, #tpu.memory_space<hbm>>
    %dma_wait3A_1095 = arith.constant 0 : i32
    %dma_wait3A_1096 = tpu.memref_slice %arg2[%mul3A_34, %dma_wait3A_1095] : memref<16x128xi32, #tpu.memory_space<hbm>> -> memref<4x128xi32, #tpu.memory_space<hbm>>
    tpu.wait_dma2 semaphore(%arg6 : memref<!tpu.dma_semaphore, #tpu.memory_space<semaphore_mem>>) src(%dma_wait3A_1096 : memref<4x128xi32, #tpu.memory_space<hbm>>) dst(%arg4 : memref<4x128xi32, #tpu.memory_space<vmem>>)
    %iota3A = tpu.iota {dimensions = array<i32: 0>} : vector<16xi32>
    %mul3A_1097 = arith.constant 3 : i32
    %mul3A_1098 = vector.broadcast %mul3A_1097 : i32 to vector<16xi32>
    %mul3A_1099 = arith.muli %iota3A, %mul3A_1098 : vector<16xi32>
    %add3A_1100 = arith.constant 0 : i32
    %add3A_1101 = vector.broadcast %add3A_1100 : i32 to vector<16xi32>
    %add3A_1102 = arith.addi %add3A_1101, %mul3A_1099 : vector<16xi32>
    %shift_right_arithmetic3A = arith.constant 7 : i32
    %shift_right_arithmetic3A_1103 = vector.broadcast %shift_right_arithmetic3A : i32 to vector<16xi32>
    %shift_right_arithmetic3A_1104 = arith.shrsi %add3A_1102, %shift_right_arithmetic3A_1103 : vector<16xi32>
    %add3A_1105 = arith.constant 1 : i32
    %add3A_1106 = vector.broadcast %add3A_1105 : i32 to vector<16xi32>
    %add3A_1107 = arith.addi %shift_right_arithmetic3A_1104, %add3A_1106 : vector<16xi32>
    %and3A_1108 = arith.constant 127 : i32
    %and3A_1109 = vector.broadcast %and3A_1108 : i32 to vector<16xi32>
    %and3A_1110 = arith.andi %add3A_1102, %and3A_1109 : vector<16xi32>
    %gather3A = tpu.vector_load_idx %arg4[%add3A_1107, %and3A_1110] : memref<4x128xi32, #tpu.memory_space<vmem>>[vector<16xi32>, vector<16xi32>], vector<16xi32>,
    %add3A_1111 = arith.constant 47 : i32
    %add3A_1112 = vector.broadcast %add3A_1111 : i32 to vector<16xi32>
    %add3A_1113 = arith.addi %gather3A, %add3A_1112 : vector<16xi32>
    %mul3A_1114 = arith.constant 2 : i32
    %mul3A_1115 = vector.broadcast %mul3A_1114 : i32 to vector<16xi32>
    %mul3A_1116 = arith.muli %mul3A_1115, %add3A_1113 : vector<16xi32>
    %add3A_1117 = arith.constant 1 : i32
    %add3A_1118 = vector.broadcast %add3A_1117 : i32 to vector<16xi32>
    %add3A_1119 = arith.addi %add3A_1102, %add3A_1118 : vector<16xi32>
    %shift_right_arithmetic3A_1120 = arith.constant 7 : i32
    %shift_right_arithmetic3A_1121 = vector.broadcast %shift_right_arithmetic3A_1120 : i32 to vector<16xi32>
    %shift_right_arithmetic3A_1122 = arith.shrsi %add3A_1119, %shift_right_arithmetic3A_1121 : vector<16xi32>
    %add3A_1123 = arith.constant 1 : i32
    %add3A_1124 = vector.broadcast %add3A_1123 : i32 to vector<16xi32>
    %add3A_1125 = arith.addi %shift_right_arithmetic3A_1122, %add3A_1124 : vector<16xi32>
    %and3A_1126 = arith.constant 127 : i32
    %and3A_1127 = vector.broadcast %and3A_1126 : i32 to vector<16xi32>
    %and3A_1128 = arith.andi %add3A_1119, %and3A_1127 : vector<16xi32>
    %gather3A_1129 = tpu.vector_load_idx %arg4[%add3A_1125, %and3A_1128] : memref<4x128xi32, #tpu.memory_space<vmem>>[vector<16xi32>, vector<16xi32>], vector<16xi32>,
    %add3A_1130 = arith.constant 47 : i32
    %add3A_1131 = vector.broadcast %add3A_1130 : i32 to vector<16xi32>
    %add3A_1132 = arith.addi %gather3A_1129, %add3A_1131 : vector<16xi32>
    %mul3A_1133 = arith.constant 2 : i32
    %mul3A_1134 = vector.broadcast %mul3A_1133 : i32 to vector<16xi32>
    %mul3A_1135 = arith.muli %mul3A_1134, %add3A_1132 : vector<16xi32>
    %add3A_1136 = arith.constant 2 : i32
    %add3A_1137 = vector.broadcast %add3A_1136 : i32 to vector<16xi32>
    %add3A_1138 = arith.addi %add3A_1102, %add3A_1137 : vector<16xi32>
    %shift_right_arithmetic3A_1139 = arith.constant 7 : i32
    %shift_right_arithmetic3A_1140 = vector.broadcast %shift_right_arithmetic3A_1139 : i32 to vector<16xi32>
    %shift_right_arithmetic3A_1141 = arith.shrsi %add3A_1138, %shift_right_arithmetic3A_1140 : vector<16xi32>
    %add3A_1142 = arith.constant 1 : i32
    %add3A_1143 = vector.broadcast %add3A_1142 : i32 to vector<16xi32>
    %add3A_1144 = arith.addi %shift_right_arithmetic3A_1141, %add3A_1143 : vector<16xi32>
    %and3A_1145 = arith.constant 127 : i32
    %and3A_1146 = vector.broadcast %and3A_1145 : i32 to vector<16xi32>
    %and3A_1147 = arith.andi %add3A_1138, %and3A_1146 : vector<16xi32>
    %gather3A_1148 = tpu.vector_load_idx %arg4[%add3A_1144, %and3A_1147] : memref<4x128xi32, #tpu.memory_space<vmem>>[vector<16xi32>, vector<16xi32>], vector<16xi32>,
    %add3A_1149 = arith.constant 47 : i32
    %add3A_1150 = vector.broadcast %add3A_1149 : i32 to vector<16xi32>
    %add3A_1151 = arith.addi %gather3A_1148, %add3A_1150 : vector<16xi32>
    %mul3A_1152 = arith.constant 2 : i32
    %mul3A_1153 = vector.broadcast %mul3A_1152 : i32 to vector<16xi32>
    %mul3A_1154 = arith.muli %mul3A_1153, %add3A_1151 : vector<16xi32>
    %get3A = arith.constant 0 : i32
    %get3A_1155 = arith.index_cast %get3A : i32 to index
    %get3A_1156 = arith.constant 0 : index
    %get3A_1157 = tpu.vector_load %arg4[%get3A_1155, %get3A_1156] {strides = array<i32>} : memref<4x128xi32, #tpu.memory_space<vmem>>, vector<16xi32>,
    %bitcast3A = vector.bitcast %get3A_1157 : vector<16xi32> to vector<16xf32>
    %get3A_1158 = arith.constant 0 : i32
    %get3A_1159 = arith.index_cast %get3A_1158 : i32 to index
    %get3A_1160 = arith.constant 64 : index
    %get3A_1161 = tpu.vector_load %arg4[%get3A_1159, %get3A_1160] {strides = array<i32>} : memref<4x128xi32, #tpu.memory_space<vmem>>, vector<16xi32>,
    %bitcast3A_1162 = vector.bitcast %get3A_1161 : vector<16xi32> to vector<16xf32>
    %mul3A_1163 = arith.mulf %bitcast3A, %bitcast3A_1162 : vector<16xf32>
    %lt3A_1164 = arith.constant 16 : i32
    %lt3A_1165 = vector.broadcast %lt3A_1164 : i32 to vector<16xi32>
    %lt3A_1166 = arith.cmpi slt, %iota3A, %lt3A_1165 : vector<16xi32>
    %mul3A_1167 = arith.constant 3 : i32
    %mul3A_1168 = vector.broadcast %mul3A_1167 : i32 to vector<16xi32>
    %mul3A_1169 = arith.muli %iota3A, %mul3A_1168 : vector<16xi32>
    %add3A_1170 = arith.constant 48 : i32
    %add3A_1171 = vector.broadcast %add3A_1170 : i32 to vector<16xi32>
    %add3A_1172 = arith.addi %add3A_1171, %mul3A_1169 : vector<16xi32>
    %shift_right_arithmetic3A_1173 = arith.constant 7 : i32
    %shift_right_arithmetic3A_1174 = vector.broadcast %shift_right_arithmetic3A_1173 : i32 to vector<16xi32>
    %shift_right_arithmetic3A_1175 = arith.shrsi %add3A_1172, %shift_right_arithmetic3A_1174 : vector<16xi32>
    %add3A_1176 = arith.constant 1 : i32
    %add3A_1177 = vector.broadcast %add3A_1176 : i32 to vector<16xi32>
    %add3A_1178 = arith.addi %shift_right_arithmetic3A_1175, %add3A_1177 : vector<16xi32>
    %and3A_1179 = arith.constant 127 : i32
    %and3A_1180 = vector.broadcast %and3A_1179 : i32 to vector<16xi32>
    %and3A_1181 = arith.andi %add3A_1172, %and3A_1180 : vector<16xi32>
    %gather3A_1182 = tpu.vector_load_idx %arg4[%add3A_1178, %and3A_1181] : memref<4x128xi32, #tpu.memory_space<vmem>>[vector<16xi32>, vector<16xi32>], vector<16xi32>,
    %add3A_1183 = arith.constant 47 : i32
    %add3A_1184 = vector.broadcast %add3A_1183 : i32 to vector<16xi32>
    %add3A_1185 = arith.addi %gather3A_1182, %add3A_1184 : vector<16xi32>
    %mul3A_1186 = arith.constant 2 : i32
    %mul3A_1187 = vector.broadcast %mul3A_1186 : i32 to vector<16xi32>
    %mul3A_1188 = arith.muli %mul3A_1187, %add3A_1185 : vector<16xi32>
    %add3A_1189 = arith.constant 1 : i32
    %add3A_1190 = vector.broadcast %add3A_1189 : i32 to vector<16xi32>
    %add3A_1191 = arith.addi %add3A_1172, %add3A_1190 : vector<16xi32>
    %shift_right_arithmetic3A_1192 = arith.constant 7 : i32
    %shift_right_arithmetic3A_1193 = vector.broadcast %shift_right_arithmetic3A_1192 : i32 to vector<16xi32>
    %shift_right_arithmetic3A_1194 = arith.shrsi %add3A_1191, %shift_right_arithmetic3A_1193 : vector<16xi32>
    %add3A_1195 = arith.constant 1 : i32
    %add3A_1196 = vector.broadcast %add3A_1195 : i32 to vector<16xi32>
    %add3A_1197 = arith.addi %shift_right_arithmetic3A_1194, %add3A_1196 : vector<16xi32>
    %and3A_1198 = arith.constant 127 : i32
    %and3A_1199 = vector.broadcast %and3A_1198 : i32 to vector<16xi32>
    %and3A_1200 = arith.andi %add3A_1191, %and3A_1199 : vector<16xi32>
    %gather3A_1201 = tpu.vector_load_idx %arg4[%add3A_1197, %and3A_1200] : memref<4x128xi32, #tpu.memory_space<vmem>>[vector<16xi32>, vector<16xi32>], vector<16xi32>,
    %add3A_1202 = arith.constant 47 : i32
    %add3A_1203 = vector.broadcast %add3A_1202 : i32 to vector<16xi32>
    %add3A_1204 = arith.addi %gather3A_1201, %add3A_1203 : vector<16xi32>
    %mul3A_1205 = arith.constant 2 : i32
    %mul3A_1206 = vector.broadcast %mul3A_1205 : i32 to vector<16xi32>
    %mul3A_1207 = arith.muli %mul3A_1206, %add3A_1204 : vector<16xi32>
    %add3A_1208 = arith.constant 2 : i32
    %add3A_1209 = vector.broadcast %add3A_1208 : i32 to vector<16xi32>
    %add3A_1210 = arith.addi %add3A_1172, %add3A_1209 : vector<16xi32>
    %shift_right_arithmetic3A_1211 = arith.constant 7 : i32
    %shift_right_arithmetic3A_1212 = vector.broadcast %shift_right_arithmetic3A_1211 : i32 to vector<16xi32>
    %shift_right_arithmetic3A_1213 = arith.shrsi %add3A_1210, %shift_right_arithmetic3A_1212 : vector<16xi32>
    %add3A_1214 = arith.constant 1 : i32
    %add3A_1215 = vector.broadcast %add3A_1214 : i32 to vector<16xi32>
    %add3A_1216 = arith.addi %shift_right_arithmetic3A_1213, %add3A_1215 : vector<16xi32>
    %and3A_1217 = arith.constant 127 : i32
    %and3A_1218 = vector.broadcast %and3A_1217 : i32 to vector<16xi32>
    %and3A_1219 = arith.andi %add3A_1210, %and3A_1218 : vector<16xi32>
    %gather3A_1220 = tpu.vector_load_idx %arg4[%add3A_1216, %and3A_1219] : memref<4x128xi32, #tpu.memory_space<vmem>>[vector<16xi32>, vector<16xi32>], vector<16xi32>,
    %add3A_1221 = arith.constant 47 : i32
    %add3A_1222 = vector.broadcast %add3A_1221 : i32 to vector<16xi32>
    %add3A_1223 = arith.addi %gather3A_1220, %add3A_1222 : vector<16xi32>
    %mul3A_1224 = arith.constant 2 : i32
    %mul3A_1225 = vector.broadcast %mul3A_1224 : i32 to vector<16xi32>
    %mul3A_1226 = arith.muli %mul3A_1225, %add3A_1223 : vector<16xi32>
    %get3A_1227 = arith.constant 0 : i32
    %get3A_1228 = arith.index_cast %get3A_1227 : i32 to index
    %get3A_1229 = arith.constant 16 : index
    %get3A_1230 = tpu.vector_load %arg4[%get3A_1228, %get3A_1229] {strides = array<i32>} : memref<4x128xi32, #tpu.memory_space<vmem>>, vector<16xi32>,
    %bitcast3A_1231 = vector.bitcast %get3A_1230 : vector<16xi32> to vector<16xf32>
    %get3A_1232 = arith.constant 0 : i32
    %get3A_1233 = arith.index_cast %get3A_1232 : i32 to index
    %get3A_1234 = arith.constant 80 : index
    %get3A_1235 = tpu.vector_load %arg4[%get3A_1233, %get3A_1234] {strides = array<i32>} : memref<4x128xi32, #tpu.memory_space<vmem>>, vector<16xi32>,
    %bitcast3A_1236 = vector.bitcast %get3A_1235 : vector<16xi32> to vector<16xf32>
    %mul3A_1237 = arith.mulf %bitcast3A_1231, %bitcast3A_1236 : vector<16xf32>
    %lt3A_1238 = arith.constant 16 : i32
    %lt3A_1239 = vector.broadcast %lt3A_1238 : i32 to vector<16xi32>
    %lt3A_1240 = arith.cmpi slt, %iota3A, %lt3A_1239 : vector<16xi32>
    %mul3A_1241 = arith.constant 3 : i32
    %mul3A_1242 = vector.broadcast %mul3A_1241 : i32 to vector<16xi32>
    %mul3A_1243 = arith.muli %iota3A, %mul3A_1242 : vector<16xi32>
    %add3A_1244 = arith.constant 96 : i32
    %add3A_1245 = vector.broadcast %add3A_1244 : i32 to vector<16xi32>
    %add3A_1246 = arith.addi %add3A_1245, %mul3A_1243 : vector<16xi32>
    %shift_right_arithmetic3A_1247 = arith.constant 7 : i32
    %shift_right_arithmetic3A_1248 = vector.broadcast %shift_right_arithmetic3A_1247 : i32 to vector<16xi32>
    %shift_right_arithmetic3A_1249 = arith.shrsi %add3A_1246, %shift_right_arithmetic3A_1248 : vector<16xi32>
    %add3A_1250 = arith.constant 1 : i32
    %add3A_1251 = vector.broadcast %add3A_1250 : i32 to vector<16xi32>
    %add3A_1252 = arith.addi %shift_right_arithmetic3A_1249, %add3A_1251 : vector<16xi32>
    %and3A_1253 = arith.constant 127 : i32
    %and3A_1254 = vector.broadcast %and3A_1253 : i32 to vector<16xi32>
    %and3A_1255 = arith.andi %add3A_1246, %and3A_1254 : vector<16xi32>
    %gather3A_1256 = tpu.vector_load_idx %arg4[%add3A_1252, %and3A_1255] : memref<4x128xi32, #tpu.memory_space<vmem>>[vector<16xi32>, vector<16xi32>], vector<16xi32>,
    %add3A_1257 = arith.constant 47 : i32
    %add3A_1258 = vector.broadcast %add3A_1257 : i32 to vector<16xi32>
    %add3A_1259 = arith.addi %gather3A_1256, %add3A_1258 : vector<16xi32>
    %mul3A_1260 = arith.constant 2 : i32
    %mul3A_1261 = vector.broadcast %mul3A_1260 : i32 to vector<16xi32>
    %mul3A_1262 = arith.muli %mul3A_1261, %add3A_1259 : vector<16xi32>
    %add3A_1263 = arith.constant 1 : i32
    %add3A_1264 = vector.broadcast %add3A_1263 : i32 to vector<16xi32>
    %add3A_1265 = arith.addi %add3A_1246, %add3A_1264 : vector<16xi32>
    %shift_right_arithmetic3A_1266 = arith.constant 7 : i32
    %shift_right_arithmetic3A_1267 = vector.broadcast %shift_right_arithmetic3A_1266 : i32 to vector<16xi32>
    %shift_right_arithmetic3A_1268 = arith.shrsi %add3A_1265, %shift_right_arithmetic3A_1267 : vector<16xi32>
    %add3A_1269 = arith.constant 1 : i32
    %add3A_1270 = vector.broadcast %add3A_1269 : i32 to vector<16xi32>
    %add3A_1271 = arith.addi %shift_right_arithmetic3A_1268, %add3A_1270 : vector<16xi32>
    %and3A_1272 = arith.constant 127 : i32
    %and3A_1273 = vector.broadcast %and3A_1272 : i32 to vector<16xi32>
    %and3A_1274 = arith.andi %add3A_1265, %and3A_1273 : vector<16xi32>
    %gather3A_1275 = tpu.vector_load_idx %arg4[%add3A_1271, %and3A_1274] : memref<4x128xi32, #tpu.memory_space<vmem>>[vector<16xi32>, vector<16xi32>], vector<16xi32>,
    %add3A_1276 = arith.constant 47 : i32
    %add3A_1277 = vector.broadcast %add3A_1276 : i32 to vector<16xi32>
    %add3A_1278 = arith.addi %gather3A_1275, %add3A_1277 : vector<16xi32>
    %mul3A_1279 = arith.constant 2 : i32
    %mul3A_1280 = vector.broadcast %mul3A_1279 : i32 to vector<16xi32>
    %mul3A_1281 = arith.muli %mul3A_1280, %add3A_1278 : vector<16xi32>
    %add3A_1282 = arith.constant 2 : i32
    %add3A_1283 = vector.broadcast %add3A_1282 : i32 to vector<16xi32>
    %add3A_1284 = arith.addi %add3A_1246, %add3A_1283 : vector<16xi32>
    %shift_right_arithmetic3A_1285 = arith.constant 7 : i32
    %shift_right_arithmetic3A_1286 = vector.broadcast %shift_right_arithmetic3A_1285 : i32 to vector<16xi32>
    %shift_right_arithmetic3A_1287 = arith.shrsi %add3A_1284, %shift_right_arithmetic3A_1286 : vector<16xi32>
    %add3A_1288 = arith.constant 1 : i32
    %add3A_1289 = vector.broadcast %add3A_1288 : i32 to vector<16xi32>
    %add3A_1290 = arith.addi %shift_right_arithmetic3A_1287, %add3A_1289 : vector<16xi32>
    %and3A_1291 = arith.constant 127 : i32
    %and3A_1292 = vector.broadcast %and3A_1291 : i32 to vector<16xi32>
    %and3A_1293 = arith.andi %add3A_1284, %and3A_1292 : vector<16xi32>
    %gather3A_1294 = tpu.vector_load_idx %arg4[%add3A_1290, %and3A_1293] : memref<4x128xi32, #tpu.memory_space<vmem>>[vector<16xi32>, vector<16xi32>], vector<16xi32>,
    %add3A_1295 = arith.constant 47 : i32
    %add3A_1296 = vector.broadcast %add3A_1295 : i32 to vector<16xi32>
    %add3A_1297 = arith.addi %gather3A_1294, %add3A_1296 : vector<16xi32>
    %mul3A_1298 = arith.constant 2 : i32
    %mul3A_1299 = vector.broadcast %mul3A_1298 : i32 to vector<16xi32>
    %mul3A_1300 = arith.muli %mul3A_1299, %add3A_1297 : vector<16xi32>
    %get3A_1301 = arith.constant 0 : i32
    %get3A_1302 = arith.index_cast %get3A_1301 : i32 to index
    %get3A_1303 = arith.constant 32 : index
    %get3A_1304 = tpu.vector_load %arg4[%get3A_1302, %get3A_1303] {strides = array<i32>} : memref<4x128xi32, #tpu.memory_space<vmem>>, vector<16xi32>,
    %bitcast3A_1305 = vector.bitcast %get3A_1304 : vector<16xi32> to vector<16xf32>
    %get3A_1306 = arith.constant 0 : i32
    %get3A_1307 = arith.index_cast %get3A_1306 : i32 to index
    %get3A_1308 = arith.constant 96 : index
    %get3A_1309 = tpu.vector_load %arg4[%get3A_1307, %get3A_1308] {strides = array<i32>} : memref<4x128xi32, #tpu.memory_space<vmem>>, vector<16xi32>,
    %bitcast3A_1310 = vector.bitcast %get3A_1309 : vector<16xi32> to vector<16xf32>
    %mul3A_1311 = arith.mulf %bitcast3A_1305, %bitcast3A_1310 : vector<16xf32>
    %lt3A_1312 = arith.constant 16 : i32
    %lt3A_1313 = vector.broadcast %lt3A_1312 : i32 to vector<16xi32>
    %lt3A_1314 = arith.cmpi slt, %iota3A, %lt3A_1313 : vector<16xi32>
    %add3A_1315 = arith.constant 0 : i32
    %add3A_1316 = vector.broadcast %add3A_1315 : i32 to vector<16xi32>
    %add3A_1317 = arith.addi %add3A_1316, %iota3A : vector<16xi32>
    %lt3A_1318 = arith.constant 47 : i32
    %lt3A_1319 = vector.broadcast %lt3A_1318 : i32 to vector<16xi32>
    %lt3A_1320 = arith.cmpi slt, %add3A_1317, %lt3A_1319 : vector<16xi32>
    %jit3A_1321 = arith.constant 46 : i32
    %broadcast_in_dim3A_1322 = vector.broadcast %jit3A_1321 : i32 to vector<16xi32>
    %select_n3A_1323 = arith.select %lt3A_1320, %add3A_1317, %broadcast_in_dim3A_1322 : vector<16xi1>, vector<16xi32>
    %mul3A_1324 = arith.constant 3 : i32
    %mul3A_1325 = vector.broadcast %mul3A_1324 : i32 to vector<16xi32>
    %mul3A_1326 = arith.muli %select_n3A_1323, %mul3A_1325 : vector<16xi32>
    %shift_right_arithmetic3A_1327 = arith.constant 7 : i32
    %shift_right_arithmetic3A_1328 = vector.broadcast %shift_right_arithmetic3A_1327 : i32 to vector<16xi32>
    %shift_right_arithmetic3A_1329 = arith.shrsi %mul3A_1326, %shift_right_arithmetic3A_1328 : vector<16xi32>
    %add3A_1330 = arith.constant 1 : i32
    %add3A_1331 = vector.broadcast %add3A_1330 : i32 to vector<16xi32>
    %add3A_1332 = arith.addi %shift_right_arithmetic3A_1329, %add3A_1331 : vector<16xi32>
    %and3A_1333 = arith.constant 127 : i32
    %and3A_1334 = vector.broadcast %and3A_1333 : i32 to vector<16xi32>
    %and3A_1335 = arith.andi %mul3A_1326, %and3A_1334 : vector<16xi32>
    %gather3A_1336 = tpu.vector_load_idx %arg4[%add3A_1332, %and3A_1335] : memref<4x128xi32, #tpu.memory_space<vmem>>[vector<16xi32>, vector<16xi32>], vector<16xi32>,
    %add3A_1337 = arith.constant 3 : i32
    %add3A_1338 = vector.broadcast %add3A_1337 : i32 to vector<16xi32>
    %add3A_1339 = arith.addi %mul3A_1326, %add3A_1338 : vector<16xi32>
    %shift_right_arithmetic3A_1340 = arith.constant 7 : i32
    %shift_right_arithmetic3A_1341 = vector.broadcast %shift_right_arithmetic3A_1340 : i32 to vector<16xi32>
    %shift_right_arithmetic3A_1342 = arith.shrsi %add3A_1339, %shift_right_arithmetic3A_1341 : vector<16xi32>
    %add3A_1343 = arith.constant 1 : i32
    %add3A_1344 = vector.broadcast %add3A_1343 : i32 to vector<16xi32>
    %add3A_1345 = arith.addi %shift_right_arithmetic3A_1342, %add3A_1344 : vector<16xi32>
    %and3A_1346 = arith.constant 127 : i32
    %and3A_1347 = vector.broadcast %and3A_1346 : i32 to vector<16xi32>
    %and3A_1348 = arith.andi %add3A_1339, %and3A_1347 : vector<16xi32>
    %gather3A_1349 = tpu.vector_load_idx %arg4[%add3A_1345, %and3A_1348] : memref<4x128xi32, #tpu.memory_space<vmem>>[vector<16xi32>, vector<16xi32>], vector<16xi32>,
    %add3A_1350 = arith.addi %gather3A_1336, %gather3A_1349 : vector<16xi32>
    %add3A_1351 = arith.constant 94 : i32
    %add3A_1352 = vector.broadcast %add3A_1351 : i32 to vector<16xi32>
    %add3A_1353 = arith.addi %add3A_1350, %add3A_1352 : vector<16xi32>
    %add3A_1354 = arith.constant 1 : i32
    %add3A_1355 = vector.broadcast %add3A_1354 : i32 to vector<16xi32>
    %add3A_1356 = arith.addi %mul3A_1326, %add3A_1355 : vector<16xi32>
    %shift_right_arithmetic3A_1357 = arith.constant 7 : i32
    %shift_right_arithmetic3A_1358 = vector.broadcast %shift_right_arithmetic3A_1357 : i32 to vector<16xi32>
    %shift_right_arithmetic3A_1359 = arith.shrsi %add3A_1356, %shift_right_arithmetic3A_1358 : vector<16xi32>
    %add3A_1360 = arith.constant 1 : i32
    %add3A_1361 = vector.broadcast %add3A_1360 : i32 to vector<16xi32>
    %add3A_1362 = arith.addi %shift_right_arithmetic3A_1359, %add3A_1361 : vector<16xi32>
    %and3A_1363 = arith.constant 127 : i32
    %and3A_1364 = vector.broadcast %and3A_1363 : i32 to vector<16xi32>
    %and3A_1365 = arith.andi %add3A_1356, %and3A_1364 : vector<16xi32>
    %gather3A_1366 = tpu.vector_load_idx %arg4[%add3A_1362, %and3A_1365] : memref<4x128xi32, #tpu.memory_space<vmem>>[vector<16xi32>, vector<16xi32>], vector<16xi32>,
    %add3A_1367 = arith.constant 4 : i32
    %add3A_1368 = vector.broadcast %add3A_1367 : i32 to vector<16xi32>
    %add3A_1369 = arith.addi %mul3A_1326, %add3A_1368 : vector<16xi32>
    %shift_right_arithmetic3A_1370 = arith.constant 7 : i32
    %shift_right_arithmetic3A_1371 = vector.broadcast %shift_right_arithmetic3A_1370 : i32 to vector<16xi32>
    %shift_right_arithmetic3A_1372 = arith.shrsi %add3A_1369, %shift_right_arithmetic3A_1371 : vector<16xi32>
    %add3A_1373 = arith.constant 1 : i32
    %add3A_1374 = vector.broadcast %add3A_1373 : i32 to vector<16xi32>
    %add3A_1375 = arith.addi %shift_right_arithmetic3A_1372, %add3A_1374 : vector<16xi32>
    %and3A_1376 = arith.constant 127 : i32
    %and3A_1377 = vector.broadcast %and3A_1376 : i32 to vector<16xi32>
    %and3A_1378 = arith.andi %add3A_1369, %and3A_1377 : vector<16xi32>
    %gather3A_1379 = tpu.vector_load_idx %arg4[%add3A_1375, %and3A_1378] : memref<4x128xi32, #tpu.memory_space<vmem>>[vector<16xi32>, vector<16xi32>], vector<16xi32>,
    %add3A_1380 = arith.addi %gather3A_1366, %gather3A_1379 : vector<16xi32>
    %add3A_1381 = arith.constant 94 : i32
    %add3A_1382 = vector.broadcast %add3A_1381 : i32 to vector<16xi32>
    %add3A_1383 = arith.addi %add3A_1380, %add3A_1382 : vector<16xi32>
    %add3A_1384 = arith.constant 2 : i32
    %add3A_1385 = vector.broadcast %add3A_1384 : i32 to vector<16xi32>
    %add3A_1386 = arith.addi %mul3A_1326, %add3A_1385 : vector<16xi32>
    %shift_right_arithmetic3A_1387 = arith.constant 7 : i32
    %shift_right_arithmetic3A_1388 = vector.broadcast %shift_right_arithmetic3A_1387 : i32 to vector<16xi32>
    %shift_right_arithmetic3A_1389 = arith.shrsi %add3A_1386, %shift_right_arithmetic3A_1388 : vector<16xi32>
    %add3A_1390 = arith.constant 1 : i32
    %add3A_1391 = vector.broadcast %add3A_1390 : i32 to vector<16xi32>
    %add3A_1392 = arith.addi %shift_right_arithmetic3A_1389, %add3A_1391 : vector<16xi32>
    %and3A_1393 = arith.constant 127 : i32
    %and3A_1394 = vector.broadcast %and3A_1393 : i32 to vector<16xi32>
    %and3A_1395 = arith.andi %add3A_1386, %and3A_1394 : vector<16xi32>
    %gather3A_1396 = tpu.vector_load_idx %arg4[%add3A_1392, %and3A_1395] : memref<4x128xi32, #tpu.memory_space<vmem>>[vector<16xi32>, vector<16xi32>], vector<16xi32>,
    %add3A_1397 = arith.constant 5 : i32
    %add3A_1398 = vector.broadcast %add3A_1397 : i32 to vector<16xi32>
    %add3A_1399 = arith.addi %mul3A_1326, %add3A_1398 : vector<16xi32>
    %shift_right_arithmetic3A_1400 = arith.constant 7 : i32
    %shift_right_arithmetic3A_1401 = vector.broadcast %shift_right_arithmetic3A_1400 : i32 to vector<16xi32>
    %shift_right_arithmetic3A_1402 = arith.shrsi %add3A_1399, %shift_right_arithmetic3A_1401 : vector<16xi32>
    %add3A_1403 = arith.constant 1 : i32
    %add3A_1404 = vector.broadcast %add3A_1403 : i32 to vector<16xi32>
    %add3A_1405 = arith.addi %shift_right_arithmetic3A_1402, %add3A_1404 : vector<16xi32>
    %and3A_1406 = arith.constant 127 : i32
    %and3A_1407 = vector.broadcast %and3A_1406 : i32 to vector<16xi32>
    %and3A_1408 = arith.andi %add3A_1399, %and3A_1407 : vector<16xi32>
    %gather3A_1409 = tpu.vector_load_idx %arg4[%add3A_1405, %and3A_1408] : memref<4x128xi32, #tpu.memory_space<vmem>>[vector<16xi32>, vector<16xi32>], vector<16xi32>,
    %add3A_1410 = arith.addi %gather3A_1396, %gather3A_1409 : vector<16xi32>
    %add3A_1411 = arith.constant 94 : i32
    %add3A_1412 = vector.broadcast %add3A_1411 : i32 to vector<16xi32>
    %add3A_1413 = arith.addi %add3A_1410, %add3A_1412 : vector<16xi32>
    %get3A_1414 = arith.constant 0 : i32
    %get3A_1415 = arith.index_cast %get3A_1414 : i32 to index
    %get3A_1416 = arith.constant 0 : index
    %get3A_1417 = tpu.vector_load %arg4[%get3A_1415, %get3A_1416] {strides = array<i32>} : memref<4x128xi32, #tpu.memory_space<vmem>>, vector<16xi32>,
    %bitcast3A_1418 = vector.bitcast %get3A_1417 : vector<16xi32> to vector<16xf32>
    %get3A_1419 = arith.constant 0 : i32
    %get3A_1420 = arith.index_cast %get3A_1419 : i32 to index
    %get3A_1421 = arith.constant 1 : index
    %get3A_1422 = tpu.vector_load %arg4[%get3A_1420, %get3A_1421] {strides = array<i32>} : memref<4x128xi32, #tpu.memory_space<vmem>>, vector<16xi32>,
    %bitcast3A_1423 = vector.bitcast %get3A_1422 : vector<16xi32> to vector<16xf32>
    %add3A_1424 = arith.addf %bitcast3A_1418, %bitcast3A_1423 : vector<16xf32>
    %add3A_1425 = arith.constant 1.000000e+00 : f32
    %add3A_1426 = vector.broadcast %add3A_1425 : f32 to vector<16xf32>
    %add3A_1427 = arith.addf %add3A_1424, %add3A_1426 : vector<16xf32>
    %get3A_1428 = arith.constant 0 : i32
    %get3A_1429 = arith.index_cast %get3A_1428 : i32 to index
    %get3A_1430 = arith.constant 65 : index
    %get3A_1431 = tpu.vector_load %arg4[%get3A_1429, %get3A_1430] {strides = array<i32>} : memref<4x128xi32, #tpu.memory_space<vmem>>, vector<16xi32>,
    %bitcast3A_1432 = vector.bitcast %get3A_1431 : vector<16xi32> to vector<16xf32>
    %mul3A_1433 = arith.mulf %add3A_1427, %bitcast3A_1432 : vector<16xf32>
    %add3A_1434 = arith.constant 16 : i32
    %add3A_1435 = vector.broadcast %add3A_1434 : i32 to vector<16xi32>
    %add3A_1436 = arith.addi %add3A_1435, %iota3A : vector<16xi32>
    %lt3A_1437 = arith.constant 47 : i32
    %lt3A_1438 = vector.broadcast %lt3A_1437 : i32 to vector<16xi32>
    %lt3A_1439 = arith.cmpi slt, %add3A_1436, %lt3A_1438 : vector<16xi32>
    %jit3A_1440 = arith.constant 46 : i32
    %broadcast_in_dim3A_1441 = vector.broadcast %jit3A_1440 : i32 to vector<16xi32>
    %select_n3A_1442 = arith.select %lt3A_1439, %add3A_1436, %broadcast_in_dim3A_1441 : vector<16xi1>, vector<16xi32>
    %mul3A_1443 = arith.constant 3 : i32
    %mul3A_1444 = vector.broadcast %mul3A_1443 : i32 to vector<16xi32>
    %mul3A_1445 = arith.muli %select_n3A_1442, %mul3A_1444 : vector<16xi32>
    %shift_right_arithmetic3A_1446 = arith.constant 7 : i32
    %shift_right_arithmetic3A_1447 = vector.broadcast %shift_right_arithmetic3A_1446 : i32 to vector<16xi32>
    %shift_right_arithmetic3A_1448 = arith.shrsi %mul3A_1445, %shift_right_arithmetic3A_1447 : vector<16xi32>
    %add3A_1449 = arith.constant 1 : i32
    %add3A_1450 = vector.broadcast %add3A_1449 : i32 to vector<16xi32>
    %add3A_1451 = arith.addi %shift_right_arithmetic3A_1448, %add3A_1450 : vector<16xi32>
    %and3A_1452 = arith.constant 127 : i32
    %and3A_1453 = vector.broadcast %and3A_1452 : i32 to vector<16xi32>
    %and3A_1454 = arith.andi %mul3A_1445, %and3A_1453 : vector<16xi32>
    %gather3A_1455 = tpu.vector_load_idx %arg4[%add3A_1451, %and3A_1454] : memref<4x128xi32, #tpu.memory_space<vmem>>[vector<16xi32>, vector<16xi32>], vector<16xi32>,
    %add3A_1456 = arith.constant 3 : i32
    %add3A_1457 = vector.broadcast %add3A_1456 : i32 to vector<16xi32>
    %add3A_1458 = arith.addi %mul3A_1445, %add3A_1457 : vector<16xi32>
    %shift_right_arithmetic3A_1459 = arith.constant 7 : i32
    %shift_right_arithmetic3A_1460 = vector.broadcast %shift_right_arithmetic3A_1459 : i32 to vector<16xi32>
    %shift_right_arithmetic3A_1461 = arith.shrsi %add3A_1458, %shift_right_arithmetic3A_1460 : vector<16xi32>
    %add3A_1462 = arith.constant 1 : i32
    %add3A_1463 = vector.broadcast %add3A_1462 : i32 to vector<16xi32>
    %add3A_1464 = arith.addi %shift_right_arithmetic3A_1461, %add3A_1463 : vector<16xi32>
    %and3A_1465 = arith.constant 127 : i32
    %and3A_1466 = vector.broadcast %and3A_1465 : i32 to vector<16xi32>
    %and3A_1467 = arith.andi %add3A_1458, %and3A_1466 : vector<16xi32>
    %gather3A_1468 = tpu.vector_load_idx %arg4[%add3A_1464, %and3A_1467] : memref<4x128xi32, #tpu.memory_space<vmem>>[vector<16xi32>, vector<16xi32>], vector<16xi32>,
    %add3A_1469 = arith.addi %gather3A_1455, %gather3A_1468 : vector<16xi32>
    %add3A_1470 = arith.constant 94 : i32
    %add3A_1471 = vector.broadcast %add3A_1470 : i32 to vector<16xi32>
    %add3A_1472 = arith.addi %add3A_1469, %add3A_1471 : vector<16xi32>
    %add3A_1473 = arith.constant 1 : i32
    %add3A_1474 = vector.broadcast %add3A_1473 : i32 to vector<16xi32>
    %add3A_1475 = arith.addi %mul3A_1445, %add3A_1474 : vector<16xi32>
    %shift_right_arithmetic3A_1476 = arith.constant 7 : i32
    %shift_right_arithmetic3A_1477 = vector.broadcast %shift_right_arithmetic3A_1476 : i32 to vector<16xi32>
    %shift_right_arithmetic3A_1478 = arith.shrsi %add3A_1475, %shift_right_arithmetic3A_1477 : vector<16xi32>
    %add3A_1479 = arith.constant 1 : i32
    %add3A_1480 = vector.broadcast %add3A_1479 : i32 to vector<16xi32>
    %add3A_1481 = arith.addi %shift_right_arithmetic3A_1478, %add3A_1480 : vector<16xi32>
    %and3A_1482 = arith.constant 127 : i32
    %and3A_1483 = vector.broadcast %and3A_1482 : i32 to vector<16xi32>
    %and3A_1484 = arith.andi %add3A_1475, %and3A_1483 : vector<16xi32>
    %gather3A_1485 = tpu.vector_load_idx %arg4[%add3A_1481, %and3A_1484] : memref<4x128xi32, #tpu.memory_space<vmem>>[vector<16xi32>, vector<16xi32>], vector<16xi32>,
    %add3A_1486 = arith.constant 4 : i32
    %add3A_1487 = vector.broadcast %add3A_1486 : i32 to vector<16xi32>
    %add3A_1488 = arith.addi %mul3A_1445, %add3A_1487 : vector<16xi32>
    %shift_right_arithmetic3A_1489 = arith.constant 7 : i32
    %shift_right_arithmetic3A_1490 = vector.broadcast %shift_right_arithmetic3A_1489 : i32 to vector<16xi32>
    %shift_right_arithmetic3A_1491 = arith.shrsi %add3A_1488, %shift_right_arithmetic3A_1490 : vector<16xi32>
    %add3A_1492 = arith.constant 1 : i32
    %add3A_1493 = vector.broadcast %add3A_1492 : i32 to vector<16xi32>
    %add3A_1494 = arith.addi %shift_right_arithmetic3A_1491, %add3A_1493 : vector<16xi32>
    %and3A_1495 = arith.constant 127 : i32
    %and3A_1496 = vector.broadcast %and3A_1495 : i32 to vector<16xi32>
    %and3A_1497 = arith.andi %add3A_1488, %and3A_1496 : vector<16xi32>
    %gather3A_1498 = tpu.vector_load_idx %arg4[%add3A_1494, %and3A_1497] : memref<4x128xi32, #tpu.memory_space<vmem>>[vector<16xi32>, vector<16xi32>], vector<16xi32>,
    %add3A_1499 = arith.addi %gather3A_1485, %gather3A_1498 : vector<16xi32>
    %add3A_1500 = arith.constant 94 : i32
    %add3A_1501 = vector.broadcast %add3A_1500 : i32 to vector<16xi32>
    %add3A_1502 = arith.addi %add3A_1499, %add3A_1501 : vector<16xi32>
    %add3A_1503 = arith.constant 2 : i32
    %add3A_1504 = vector.broadcast %add3A_1503 : i32 to vector<16xi32>
    %add3A_1505 = arith.addi %mul3A_1445, %add3A_1504 : vector<16xi32>
    %shift_right_arithmetic3A_1506 = arith.constant 7 : i32
    %shift_right_arithmetic3A_1507 = vector.broadcast %shift_right_arithmetic3A_1506 : i32 to vector<16xi32>
    %shift_right_arithmetic3A_1508 = arith.shrsi %add3A_1505, %shift_right_arithmetic3A_1507 : vector<16xi32>
    %add3A_1509 = arith.constant 1 : i32
    %add3A_1510 = vector.broadcast %add3A_1509 : i32 to vector<16xi32>
    %add3A_1511 = arith.addi %shift_right_arithmetic3A_1508, %add3A_1510 : vector<16xi32>
    %and3A_1512 = arith.constant 127 : i32
    %and3A_1513 = vector.broadcast %and3A_1512 : i32 to vector<16xi32>
    %and3A_1514 = arith.andi %add3A_1505, %and3A_1513 : vector<16xi32>
    %gather3A_1515 = tpu.vector_load_idx %arg4[%add3A_1511, %and3A_1514] : memref<4x128xi32, #tpu.memory_space<vmem>>[vector<16xi32>, vector<16xi32>], vector<16xi32>,
    %add3A_1516 = arith.constant 5 : i32
    %add3A_1517 = vector.broadcast %add3A_1516 : i32 to vector<16xi32>
    %add3A_1518 = arith.addi %mul3A_1445, %add3A_1517 : vector<16xi32>
    %shift_right_arithmetic3A_1519 = arith.constant 7 : i32
    %shift_right_arithmetic3A_1520 = vector.broadcast %shift_right_arithmetic3A_1519 : i32 to vector<16xi32>
    %shift_right_arithmetic3A_1521 = arith.shrsi %add3A_1518, %shift_right_arithmetic3A_1520 : vector<16xi32>
    %add3A_1522 = arith.constant 1 : i32
    %add3A_1523 = vector.broadcast %add3A_1522 : i32 to vector<16xi32>
    %add3A_1524 = arith.addi %shift_right_arithmetic3A_1521, %add3A_1523 : vector<16xi32>
    %and3A_1525 = arith.constant 127 : i32
    %and3A_1526 = vector.broadcast %and3A_1525 : i32 to vector<16xi32>
    %and3A_1527 = arith.andi %add3A_1518, %and3A_1526 : vector<16xi32>
    %gather3A_1528 = tpu.vector_load_idx %arg4[%add3A_1524, %and3A_1527] : memref<4x128xi32, #tpu.memory_space<vmem>>[vector<16xi32>, vector<16xi32>], vector<16xi32>,
    %add3A_1529 = arith.addi %gather3A_1515, %gather3A_1528 : vector<16xi32>
    %add3A_1530 = arith.constant 94 : i32
    %add3A_1531 = vector.broadcast %add3A_1530 : i32 to vector<16xi32>
    %add3A_1532 = arith.addi %add3A_1529, %add3A_1531 : vector<16xi32>
    %get3A_1533 = arith.constant 0 : i32
    %get3A_1534 = arith.index_cast %get3A_1533 : i32 to index
    %get3A_1535 = arith.constant 16 : index
    %get3A_1536 = tpu.vector_load %arg4[%get3A_1534, %get3A_1535] {strides = array<i32>} : memref<4x128xi32, #tpu.memory_space<vmem>>, vector<16xi32>,
    %bitcast3A_1537 = vector.bitcast %get3A_1536 : vector<16xi32> to vector<16xf32>
    %get3A_1538 = arith.constant 0 : i32
    %get3A_1539 = arith.index_cast %get3A_1538 : i32 to index
    %get3A_1540 = arith.constant 17 : index
    %get3A_1541 = tpu.vector_load %arg4[%get3A_1539, %get3A_1540] {strides = array<i32>} : memref<4x128xi32, #tpu.memory_space<vmem>>, vector<16xi32>,
    %bitcast3A_1542 = vector.bitcast %get3A_1541 : vector<16xi32> to vector<16xf32>
    %add3A_1543 = arith.addf %bitcast3A_1537, %bitcast3A_1542 : vector<16xf32>
    %add3A_1544 = arith.constant 1.000000e+00 : f32
    %add3A_1545 = vector.broadcast %add3A_1544 : f32 to vector<16xf32>
    %add3A_1546 = arith.addf %add3A_1543, %add3A_1545 : vector<16xf32>
    %get3A_1547 = arith.constant 0 : i32
    %get3A_1548 = arith.index_cast %get3A_1547 : i32 to index
    %get3A_1549 = arith.constant 81 : index
    %get3A_1550 = tpu.vector_load %arg4[%get3A_1548, %get3A_1549] {strides = array<i32>} : memref<4x128xi32, #tpu.memory_space<vmem>>, vector<16xi32>,
    %bitcast3A_1551 = vector.bitcast %get3A_1550 : vector<16xi32> to vector<16xf32>
    %mul3A_1552 = arith.mulf %add3A_1546, %bitcast3A_1551 : vector<16xf32>
    %add3A_1553 = arith.constant 32 : i32
    %add3A_1554 = vector.broadcast %add3A_1553 : i32 to vector<16xi32>
    %add3A_1555 = arith.addi %add3A_1554, %iota3A : vector<16xi32>
    %lt3A_1556 = arith.constant 47 : i32
    %lt3A_1557 = vector.broadcast %lt3A_1556 : i32 to vector<16xi32>
    %lt3A_1558 = arith.cmpi slt, %add3A_1555, %lt3A_1557 : vector<16xi32>
    %jit3A_1559 = arith.constant 46 : i32
    %broadcast_in_dim3A_1560 = vector.broadcast %jit3A_1559 : i32 to vector<16xi32>
    %select_n3A_1561 = arith.select %lt3A_1558, %add3A_1555, %broadcast_in_dim3A_1560 : vector<16xi1>, vector<16xi32>
    %mul3A_1562 = arith.constant 3 : i32
    %mul3A_1563 = vector.broadcast %mul3A_1562 : i32 to vector<16xi32>
    %mul3A_1564 = arith.muli %select_n3A_1561, %mul3A_1563 : vector<16xi32>
    %shift_right_arithmetic3A_1565 = arith.constant 7 : i32
    %shift_right_arithmetic3A_1566 = vector.broadcast %shift_right_arithmetic3A_1565 : i32 to vector<16xi32>
    %shift_right_arithmetic3A_1567 = arith.shrsi %mul3A_1564, %shift_right_arithmetic3A_1566 : vector<16xi32>
    %add3A_1568 = arith.constant 1 : i32
    %add3A_1569 = vector.broadcast %add3A_1568 : i32 to vector<16xi32>
    %add3A_1570 = arith.addi %shift_right_arithmetic3A_1567, %add3A_1569 : vector<16xi32>
    %and3A_1571 = arith.constant 127 : i32
    %and3A_1572 = vector.broadcast %and3A_1571 : i32 to vector<16xi32>
    %and3A_1573 = arith.andi %mul3A_1564, %and3A_1572 : vector<16xi32>
    %gather3A_1574 = tpu.vector_load_idx %arg4[%add3A_1570, %and3A_1573] : memref<4x128xi32, #tpu.memory_space<vmem>>[vector<16xi32>, vector<16xi32>], vector<16xi32>,
    %add3A_1575 = arith.constant 3 : i32
    %add3A_1576 = vector.broadcast %add3A_1575 : i32 to vector<16xi32>
    %add3A_1577 = arith.addi %mul3A_1564, %add3A_1576 : vector<16xi32>
    %shift_right_arithmetic3A_1578 = arith.constant 7 : i32
    %shift_right_arithmetic3A_1579 = vector.broadcast %shift_right_arithmetic3A_1578 : i32 to vector<16xi32>
    %shift_right_arithmetic3A_1580 = arith.shrsi %add3A_1577, %shift_right_arithmetic3A_1579 : vector<16xi32>
    %add3A_1581 = arith.constant 1 : i32
    %add3A_1582 = vector.broadcast %add3A_1581 : i32 to vector<16xi32>
    %add3A_1583 = arith.addi %shift_right_arithmetic3A_1580, %add3A_1582 : vector<16xi32>
    %and3A_1584 = arith.constant 127 : i32
    %and3A_1585 = vector.broadcast %and3A_1584 : i32 to vector<16xi32>
    %and3A_1586 = arith.andi %add3A_1577, %and3A_1585 : vector<16xi32>
    %gather3A_1587 = tpu.vector_load_idx %arg4[%add3A_1583, %and3A_1586] : memref<4x128xi32, #tpu.memory_space<vmem>>[vector<16xi32>, vector<16xi32>], vector<16xi32>,
    %add3A_1588 = arith.addi %gather3A_1574, %gather3A_1587 : vector<16xi32>
    %add3A_1589 = arith.constant 94 : i32
    %add3A_1590 = vector.broadcast %add3A_1589 : i32 to vector<16xi32>
    %add3A_1591 = arith.addi %add3A_1588, %add3A_1590 : vector<16xi32>
    %add3A_1592 = arith.constant 1 : i32
    %add3A_1593 = vector.broadcast %add3A_1592 : i32 to vector<16xi32>
    %add3A_1594 = arith.addi %mul3A_1564, %add3A_1593 : vector<16xi32>
    %shift_right_arithmetic3A_1595 = arith.constant 7 : i32
    %shift_right_arithmetic3A_1596 = vector.broadcast %shift_right_arithmetic3A_1595 : i32 to vector<16xi32>
    %shift_right_arithmetic3A_1597 = arith.shrsi %add3A_1594, %shift_right_arithmetic3A_1596 : vector<16xi32>
    %add3A_1598 = arith.constant 1 : i32
    %add3A_1599 = vector.broadcast %add3A_1598 : i32 to vector<16xi32>
    %add3A_1600 = arith.addi %shift_right_arithmetic3A_1597, %add3A_1599 : vector<16xi32>
    %and3A_1601 = arith.constant 127 : i32
    %and3A_1602 = vector.broadcast %and3A_1601 : i32 to vector<16xi32>
    %and3A_1603 = arith.andi %add3A_1594, %and3A_1602 : vector<16xi32>
    %gather3A_1604 = tpu.vector_load_idx %arg4[%add3A_1600, %and3A_1603] : memref<4x128xi32, #tpu.memory_space<vmem>>[vector<16xi32>, vector<16xi32>], vector<16xi32>,
    %add3A_1605 = arith.constant 4 : i32
    %add3A_1606 = vector.broadcast %add3A_1605 : i32 to vector<16xi32>
    %add3A_1607 = arith.addi %mul3A_1564, %add3A_1606 : vector<16xi32>
    %shift_right_arithmetic3A_1608 = arith.constant 7 : i32
    %shift_right_arithmetic3A_1609 = vector.broadcast %shift_right_arithmetic3A_1608 : i32 to vector<16xi32>
    %shift_right_arithmetic3A_1610 = arith.shrsi %add3A_1607, %shift_right_arithmetic3A_1609 : vector<16xi32>
    %add3A_1611 = arith.constant 1 : i32
    %add3A_1612 = vector.broadcast %add3A_1611 : i32 to vector<16xi32>
    %add3A_1613 = arith.addi %shift_right_arithmetic3A_1610, %add3A_1612 : vector<16xi32>
    %and3A_1614 = arith.constant 127 : i32
    %and3A_1615 = vector.broadcast %and3A_1614 : i32 to vector<16xi32>
    %and3A_1616 = arith.andi %add3A_1607, %and3A_1615 : vector<16xi32>
    %gather3A_1617 = tpu.vector_load_idx %arg4[%add3A_1613, %and3A_1616] : memref<4x128xi32, #tpu.memory_space<vmem>>[vector<16xi32>, vector<16xi32>], vector<16xi32>,
    %add3A_1618 = arith.addi %gather3A_1604, %gather3A_1617 : vector<16xi32>
    %add3A_1619 = arith.constant 94 : i32
    %add3A_1620 = vector.broadcast %add3A_1619 : i32 to vector<16xi32>
    %add3A_1621 = arith.addi %add3A_1618, %add3A_1620 : vector<16xi32>
    %add3A_1622 = arith.constant 2 : i32
    %add3A_1623 = vector.broadcast %add3A_1622 : i32 to vector<16xi32>
    %add3A_1624 = arith.addi %mul3A_1564, %add3A_1623 : vector<16xi32>
    %shift_right_arithmetic3A_1625 = arith.constant 7 : i32
    %shift_right_arithmetic3A_1626 = vector.broadcast %shift_right_arithmetic3A_1625 : i32 to vector<16xi32>
    %shift_right_arithmetic3A_1627 = arith.shrsi %add3A_1624, %shift_right_arithmetic3A_1626 : vector<16xi32>
    %add3A_1628 = arith.constant 1 : i32
    %add3A_1629 = vector.broadcast %add3A_1628 : i32 to vector<16xi32>
    %add3A_1630 = arith.addi %shift_right_arithmetic3A_1627, %add3A_1629 : vector<16xi32>
    %and3A_1631 = arith.constant 127 : i32
    %and3A_1632 = vector.broadcast %and3A_1631 : i32 to vector<16xi32>
    %and3A_1633 = arith.andi %add3A_1624, %and3A_1632 : vector<16xi32>
    %gather3A_1634 = tpu.vector_load_idx %arg4[%add3A_1630, %and3A_1633] : memref<4x128xi32, #tpu.memory_space<vmem>>[vector<16xi32>, vector<16xi32>], vector<16xi32>,
    %add3A_1635 = arith.constant 5 : i32
    %add3A_1636 = vector.broadcast %add3A_1635 : i32 to vector<16xi32>
    %add3A_1637 = arith.addi %mul3A_1564, %add3A_1636 : vector<16xi32>
    %shift_right_arithmetic3A_1638 = arith.constant 7 : i32
    %shift_right_arithmetic3A_1639 = vector.broadcast %shift_right_arithmetic3A_1638 : i32 to vector<16xi32>
    %shift_right_arithmetic3A_1640 = arith.shrsi %add3A_1637, %shift_right_arithmetic3A_1639 : vector<16xi32>
    %add3A_1641 = arith.constant 1 : i32
    %add3A_1642 = vector.broadcast %add3A_1641 : i32 to vector<16xi32>
    %add3A_1643 = arith.addi %shift_right_arithmetic3A_1640, %add3A_1642 : vector<16xi32>
    %and3A_1644 = arith.constant 127 : i32
    %and3A_1645 = vector.broadcast %and3A_1644 : i32 to vector<16xi32>
    %and3A_1646 = arith.andi %add3A_1637, %and3A_1645 : vector<16xi32>
    %gather3A_1647 = tpu.vector_load_idx %arg4[%add3A_1643, %and3A_1646] : memref<4x128xi32, #tpu.memory_space<vmem>>[vector<16xi32>, vector<16xi32>], vector<16xi32>,
    %add3A_1648 = arith.addi %gather3A_1634, %gather3A_1647 : vector<16xi32>
    %add3A_1649 = arith.constant 94 : i32
    %add3A_1650 = vector.broadcast %add3A_1649 : i32 to vector<16xi32>
    %add3A_1651 = arith.addi %add3A_1648, %add3A_1650 : vector<16xi32>
    %get3A_1652 = arith.constant 0 : i32
    %get3A_1653 = arith.index_cast %get3A_1652 : i32 to index
    %get3A_1654 = arith.constant 32 : index
    %get3A_1655 = tpu.vector_load %arg4[%get3A_1653, %get3A_1654] {strides = array<i32>} : memref<4x128xi32, #tpu.memory_space<vmem>>, vector<16xi32>,
    %bitcast3A_1656 = vector.bitcast %get3A_1655 : vector<16xi32> to vector<16xf32>
    %get3A_1657 = arith.constant 0 : i32
    %get3A_1658 = arith.index_cast %get3A_1657 : i32 to index
    %get3A_1659 = arith.constant 33 : index
    %get3A_1660 = tpu.vector_load %arg4[%get3A_1658, %get3A_1659] {strides = array<i32>} : memref<4x128xi32, #tpu.memory_space<vmem>>, vector<16xi32>,
    %bitcast3A_1661 = vector.bitcast %get3A_1660 : vector<16xi32> to vector<16xf32>
    %add3A_1662 = arith.addf %bitcast3A_1656, %bitcast3A_1661 : vector<16xf32>
    %add3A_1663 = arith.constant 1.000000e+00 : f32
    %add3A_1664 = vector.broadcast %add3A_1663 : f32 to vector<16xf32>
    %add3A_1665 = arith.addf %add3A_1662, %add3A_1664 : vector<16xf32>
    %get3A_1666 = arith.constant 0 : i32
    %get3A_1667 = arith.index_cast %get3A_1666 : i32 to index
    %get3A_1668 = arith.constant 97 : index
    %get3A_1669 = tpu.vector_load %arg4[%get3A_1667, %get3A_1668] {strides = array<i32>} : memref<4x128xi32, #tpu.memory_space<vmem>>, vector<16xi32>,
    %bitcast3A_1670 = vector.bitcast %get3A_1669 : vector<16xi32> to vector<16xf32>
    %mul3A_1671 = arith.mulf %add3A_1665, %bitcast3A_1670 : vector<16xf32>
    %add3A_1672 = arith.constant 0 : i32
    %add3A_1673 = arith.addi %mul3A_32, %add3A_1672 : i32
    %mul3A_1674 = arith.constant 3 : i32
    %mul3A_1675 = arith.muli %add3A_1673, %mul3A_1674 : i32
    %broadcast_in_dim3A_1676 = vector.broadcast %mul3A_1675 : i32 to vector<16xi32>
    %shift_right_arithmetic3A_1677 = arith.constant 7 : i32
    %shift_right_arithmetic3A_1678 = vector.broadcast %shift_right_arithmetic3A_1677 : i32 to vector<16xi32>
    %shift_right_arithmetic3A_1679 = arith.shrsi %broadcast_in_dim3A_1676, %shift_right_arithmetic3A_1678 : vector<16xi32>
    %add3A_1680 = arith.constant 1 : i32
    %add3A_1681 = vector.broadcast %add3A_1680 : i32 to vector<16xi32>
    %add3A_1682 = arith.addi %shift_right_arithmetic3A_1679, %add3A_1681 : vector<16xi32>
    %and3A_1683 = arith.constant 127 : i32
    %and3A_1684 = vector.broadcast %and3A_1683 : i32 to vector<16xi32>
    %and3A_1685 = arith.andi %broadcast_in_dim3A_1676, %and3A_1684 : vector<16xi32>
    %gather3A_1686 = tpu.vector_load_idx %arg4[%add3A_1682, %and3A_1685] : memref<4x128xi32, #tpu.memory_space<vmem>>[vector<16xi32>, vector<16xi32>], vector<16xi32>,
    %add3A_1687 = arith.constant 47 : i32
    %add3A_1688 = vector.broadcast %add3A_1687 : i32 to vector<16xi32>
    %add3A_1689 = arith.addi %gather3A_1686, %add3A_1688 : vector<16xi32>
    %mul3A_1690 = arith.constant 2 : i32
    %mul3A_1691 = vector.broadcast %mul3A_1690 : i32 to vector<16xi32>
    %mul3A_1692 = arith.muli %mul3A_1691, %add3A_1689 : vector<16xi32>
    %sub3A_1693 = arith.constant 3 : i32
    %sub3A_1694 = vector.broadcast %sub3A_1693 : i32 to vector<16xi32>
    %sub3A_1695 = arith.subi %mul3A_1692, %sub3A_1694 : vector<16xi32>
    %jit3A_1696 = arith.constant 0 : i32
    %jit3A_1697 = arith.constant 182 : i32
    %max3A = vector.broadcast %jit3A_1696 : i32 to vector<16xi32>
    %max3A_1698 = arith.maxsi %max3A, %sub3A_1695 : vector<16xi32>
    %min3A = vector.broadcast %jit3A_1697 : i32 to vector<16xi32>
    %min3A_1699 = arith.minsi %min3A, %max3A_1698 : vector<16xi32>
    %add3A_1700 = arith.constant 1 : i32
    %add3A_1701 = arith.addi %mul3A_1675, %add3A_1700 : i32
    %broadcast_in_dim3A_1702 = vector.broadcast %add3A_1701 : i32 to vector<16xi32>
    %shift_right_arithmetic3A_1703 = arith.constant 7 : i32
    %shift_right_arithmetic3A_1704 = vector.broadcast %shift_right_arithmetic3A_1703 : i32 to vector<16xi32>
    %shift_right_arithmetic3A_1705 = arith.shrsi %broadcast_in_dim3A_1702, %shift_right_arithmetic3A_1704 : vector<16xi32>
    %add3A_1706 = arith.constant 1 : i32
    %add3A_1707 = vector.broadcast %add3A_1706 : i32 to vector<16xi32>
    %add3A_1708 = arith.addi %shift_right_arithmetic3A_1705, %add3A_1707 : vector<16xi32>
    %and3A_1709 = arith.constant 127 : i32
    %and3A_1710 = vector.broadcast %and3A_1709 : i32 to vector<16xi32>
    %and3A_1711 = arith.andi %broadcast_in_dim3A_1702, %and3A_1710 : vector<16xi32>
    %gather3A_1712 = tpu.vector_load_idx %arg4[%add3A_1708, %and3A_1711] : memref<4x128xi32, #tpu.memory_space<vmem>>[vector<16xi32>, vector<16xi32>], vector<16xi32>,
    %add3A_1713 = arith.constant 47 : i32
    %add3A_1714 = vector.broadcast %add3A_1713 : i32 to vector<16xi32>
    %add3A_1715 = arith.addi %gather3A_1712, %add3A_1714 : vector<16xi32>
    %mul3A_1716 = arith.constant 2 : i32
    %mul3A_1717 = vector.broadcast %mul3A_1716 : i32 to vector<16xi32>
    %mul3A_1718 = arith.muli %mul3A_1717, %add3A_1715 : vector<16xi32>
    %sub3A_1719 = arith.constant 3 : i32
    %sub3A_1720 = vector.broadcast %sub3A_1719 : i32 to vector<16xi32>
    %sub3A_1721 = arith.subi %mul3A_1718, %sub3A_1720 : vector<16xi32>
    %jit3A_1722 = arith.constant 0 : i32
    %jit3A_1723 = arith.constant 182 : i32
    %max3A_1724 = vector.broadcast %jit3A_1722 : i32 to vector<16xi32>
    %max3A_1725 = arith.maxsi %max3A_1724, %sub3A_1721 : vector<16xi32>
    %min3A_1726 = vector.broadcast %jit3A_1723 : i32 to vector<16xi32>
    %min3A_1727 = arith.minsi %min3A_1726, %max3A_1725 : vector<16xi32>
    %add3A_1728 = arith.constant 2 : i32
    %add3A_1729 = arith.addi %mul3A_1675, %add3A_1728 : i32
    %broadcast_in_dim3A_1730 = vector.broadcast %add3A_1729 : i32 to vector<16xi32>
    %shift_right_arithmetic3A_1731 = arith.constant 7 : i32
    %shift_right_arithmetic3A_1732 = vector.broadcast %shift_right_arithmetic3A_1731 : i32 to vector<16xi32>
    %shift_right_arithmetic3A_1733 = arith.shrsi %broadcast_in_dim3A_1730, %shift_right_arithmetic3A_1732 : vector<16xi32>
    %add3A_1734 = arith.constant 1 : i32
    %add3A_1735 = vector.broadcast %add3A_1734 : i32 to vector<16xi32>
    %add3A_1736 = arith.addi %shift_right_arithmetic3A_1733, %add3A_1735 : vector<16xi32>
    %and3A_1737 = arith.constant 127 : i32
    %and3A_1738 = vector.broadcast %and3A_1737 : i32 to vector<16xi32>
    %and3A_1739 = arith.andi %broadcast_in_dim3A_1730, %and3A_1738 : vector<16xi32>
    %gather3A_1740 = tpu.vector_load_idx %arg4[%add3A_1736, %and3A_1739] : memref<4x128xi32, #tpu.memory_space<vmem>>[vector<16xi32>, vector<16xi32>], vector<16xi32>,
    %add3A_1741 = arith.constant 47 : i32
    %add3A_1742 = vector.broadcast %add3A_1741 : i32 to vector<16xi32>
    %add3A_1743 = arith.addi %gather3A_1740, %add3A_1742 : vector<16xi32>
    %mul3A_1744 = arith.constant 2 : i32
    %mul3A_1745 = vector.broadcast %mul3A_1744 : i32 to vector<16xi32>
    %mul3A_1746 = arith.muli %mul3A_1745, %add3A_1743 : vector<16xi32>
    %sub3A_1747 = arith.constant 3 : i32
    %sub3A_1748 = vector.broadcast %sub3A_1747 : i32 to vector<16xi32>
    %sub3A_1749 = arith.subi %mul3A_1746, %sub3A_1748 : vector<16xi32>
    %jit3A_1750 = arith.constant 0 : i32
    %jit3A_1751 = arith.constant 182 : i32
    %max3A_1752 = vector.broadcast %jit3A_1750 : i32 to vector<16xi32>
    %max3A_1753 = arith.maxsi %max3A_1752, %sub3A_1749 : vector<16xi32>
    %min3A_1754 = vector.broadcast %jit3A_1751 : i32 to vector<16xi32>
    %min3A_1755 = arith.minsi %min3A_1754, %max3A_1753 : vector<16xi32>
    %broadcast_in_dim3A_1756 = arith.constant 0 : i32
    %broadcast_in_dim3A_1757 = vector.broadcast %broadcast_in_dim3A_1756 : i32 to vector<16xi32>
    %sub3A_1758 = arith.subi %mul3A_1116, %min3A_1699 : vector<16xi32>
    %sub3A_1759 = arith.subi %mul3A_1135, %min3A_1727 : vector<16xi32>
    %sub3A_1760 = arith.subi %mul3A_1154, %min3A_1755 : vector<16xi32>
    %ge3A = arith.constant 0 : i32
    %ge3A_1761 = vector.broadcast %ge3A : i32 to vector<16xi32>
    %ge3A_1762 = arith.cmpi sge, %sub3A_1758, %ge3A_1761 : vector<16xi32>
    %lt3A_1763 = arith.constant 7 : i32
    %lt3A_1764 = vector.broadcast %lt3A_1763 : i32 to vector<16xi32>
    %lt3A_1765 = arith.cmpi slt, %sub3A_1758, %lt3A_1764 : vector<16xi32>
    %and3A_1766 = arith.andi %ge3A_1762, %lt3A_1765 : vector<16xi1>
    %ge3A_1767 = arith.constant 0 : i32
    %ge3A_1768 = vector.broadcast %ge3A_1767 : i32 to vector<16xi32>
    %ge3A_1769 = arith.cmpi sge, %sub3A_1759, %ge3A_1768 : vector<16xi32>
    %and3A_1770 = arith.andi %and3A_1766, %ge3A_1769 : vector<16xi1>
    %lt3A_1771 = arith.constant 7 : i32
    %lt3A_1772 = vector.broadcast %lt3A_1771 : i32 to vector<16xi32>
    %lt3A_1773 = arith.cmpi slt, %sub3A_1759, %lt3A_1772 : vector<16xi32>
    %and3A_1774 = arith.andi %and3A_1770, %lt3A_1773 : vector<16xi1>
    %ge3A_1775 = arith.constant 0 : i32
    %ge3A_1776 = vector.broadcast %ge3A_1775 : i32 to vector<16xi32>
    %ge3A_1777 = arith.cmpi sge, %sub3A_1760, %ge3A_1776 : vector<16xi32>
    %and3A_1778 = arith.andi %and3A_1774, %ge3A_1777 : vector<16xi1>
    %lt3A_1779 = arith.constant 7 : i32
    %lt3A_1780 = vector.broadcast %lt3A_1779 : i32 to vector<16xi32>
    %lt3A_1781 = arith.cmpi slt, %sub3A_1760, %lt3A_1780 : vector<16xi32>
    %and3A_1782 = arith.andi %and3A_1778, %lt3A_1781 : vector<16xi1>
    %and3A_1783 = arith.andi %and3A_1782, %lt3A_1166 : vector<16xi1>
    %mul3A_1784 = arith.constant 49 : i32
    %mul3A_1785 = vector.broadcast %mul3A_1784 : i32 to vector<16xi32>
    %mul3A_1786 = arith.muli %sub3A_1758, %mul3A_1785 : vector<16xi32>
    %mul3A_1787 = arith.constant 7 : i32
    %mul3A_1788 = vector.broadcast %mul3A_1787 : i32 to vector<16xi32>
    %mul3A_1789 = arith.muli %sub3A_1759, %mul3A_1788 : vector<16xi32>
    %add3A_1790 = arith.addi %mul3A_1786, %mul3A_1789 : vector<16xi32>
    %add3A_1791 = arith.addi %add3A_1790, %sub3A_1760 : vector<16xi32>
    %jit3A_1792 = arith.constant 0 : i32
    %broadcast_in_dim3A_1793 = vector.broadcast %jit3A_1792 : i32 to vector<16xi32>
    %select_n3A_1794 = arith.select %and3A_1783, %add3A_1791, %broadcast_in_dim3A_1793 : vector<16xi1>, vector<16xi32>
    tpu.vector_store_idx %arg5[%broadcast_in_dim3A_1757, %select_n3A_1794], %mul3A_1163 masked %and3A_1783 {add = true} : memref<12x343xf32, #tpu.memory_space<vmem>>[vector<16xi32>, vector<16xi32>], vector<16xf32>, vector<16xi1>
    %sub3A_1795 = arith.subi %mul3A_1188, %min3A_1699 : vector<16xi32>
    %sub3A_1796 = arith.subi %mul3A_1207, %min3A_1727 : vector<16xi32>
    %sub3A_1797 = arith.subi %mul3A_1226, %min3A_1755 : vector<16xi32>
    %ge3A_1798 = arith.constant 0 : i32
    %ge3A_1799 = vector.broadcast %ge3A_1798 : i32 to vector<16xi32>
    %ge3A_1800 = arith.cmpi sge, %sub3A_1795, %ge3A_1799 : vector<16xi32>
    %lt3A_1801 = arith.constant 7 : i32
    %lt3A_1802 = vector.broadcast %lt3A_1801 : i32 to vector<16xi32>
    %lt3A_1803 = arith.cmpi slt, %sub3A_1795, %lt3A_1802 : vector<16xi32>
    %and3A_1804 = arith.andi %ge3A_1800, %lt3A_1803 : vector<16xi1>
    %ge3A_1805 = arith.constant 0 : i32
    %ge3A_1806 = vector.broadcast %ge3A_1805 : i32 to vector<16xi32>
    %ge3A_1807 = arith.cmpi sge, %sub3A_1796, %ge3A_1806 : vector<16xi32>
    %and3A_1808 = arith.andi %and3A_1804, %ge3A_1807 : vector<16xi1>
    %lt3A_1809 = arith.constant 7 : i32
    %lt3A_1810 = vector.broadcast %lt3A_1809 : i32 to vector<16xi32>
    %lt3A_1811 = arith.cmpi slt, %sub3A_1796, %lt3A_1810 : vector<16xi32>
    %and3A_1812 = arith.andi %and3A_1808, %lt3A_1811 : vector<16xi1>
    %ge3A_1813 = arith.constant 0 : i32
    %ge3A_1814 = vector.broadcast %ge3A_1813 : i32 to vector<16xi32>
    %ge3A_1815 = arith.cmpi sge, %sub3A_1797, %ge3A_1814 : vector<16xi32>
    %and3A_1816 = arith.andi %and3A_1812, %ge3A_1815 : vector<16xi1>
    %lt3A_1817 = arith.constant 7 : i32
    %lt3A_1818 = vector.broadcast %lt3A_1817 : i32 to vector<16xi32>
    %lt3A_1819 = arith.cmpi slt, %sub3A_1797, %lt3A_1818 : vector<16xi32>
    %and3A_1820 = arith.andi %and3A_1816, %lt3A_1819 : vector<16xi1>
    %and3A_1821 = arith.andi %and3A_1820, %lt3A_1240 : vector<16xi1>
    %mul3A_1822 = arith.constant 49 : i32
    %mul3A_1823 = vector.broadcast %mul3A_1822 : i32 to vector<16xi32>
    %mul3A_1824 = arith.muli %sub3A_1795, %mul3A_1823 : vector<16xi32>
    %mul3A_1825 = arith.constant 7 : i32
    %mul3A_1826 = vector.broadcast %mul3A_1825 : i32 to vector<16xi32>
    %mul3A_1827 = arith.muli %sub3A_1796, %mul3A_1826 : vector<16xi32>
    %add3A_1828 = arith.addi %mul3A_1824, %mul3A_1827 : vector<16xi32>
    %add3A_1829 = arith.addi %add3A_1828, %sub3A_1797 : vector<16xi32>
    %jit3A_1830 = arith.constant 0 : i32
    %broadcast_in_dim3A_1831 = vector.broadcast %jit3A_1830 : i32 to vector<16xi32>
    %select_n3A_1832 = arith.select %and3A_1821, %add3A_1829, %broadcast_in_dim3A_1831 : vector<16xi1>, vector<16xi32>
    tpu.vector_store_idx %arg5[%broadcast_in_dim3A_1757, %select_n3A_1832], %mul3A_1237 masked %and3A_1821 {add = true} : memref<12x343xf32, #tpu.memory_space<vmem>>[vector<16xi32>, vector<16xi32>], vector<16xf32>, vector<16xi1>
    %sub3A_1833 = arith.subi %mul3A_1262, %min3A_1699 : vector<16xi32>
    %sub3A_1834 = arith.subi %mul3A_1281, %min3A_1727 : vector<16xi32>
    %sub3A_1835 = arith.subi %mul3A_1300, %min3A_1755 : vector<16xi32>
    %ge3A_1836 = arith.constant 0 : i32
    %ge3A_1837 = vector.broadcast %ge3A_1836 : i32 to vector<16xi32>
    %ge3A_1838 = arith.cmpi sge, %sub3A_1833, %ge3A_1837 : vector<16xi32>
    %lt3A_1839 = arith.constant 7 : i32
    %lt3A_1840 = vector.broadcast %lt3A_1839 : i32 to vector<16xi32>
    %lt3A_1841 = arith.cmpi slt, %sub3A_1833, %lt3A_1840 : vector<16xi32>
    %and3A_1842 = arith.andi %ge3A_1838, %lt3A_1841 : vector<16xi1>
    %ge3A_1843 = arith.constant 0 : i32
    %ge3A_1844 = vector.broadcast %ge3A_1843 : i32 to vector<16xi32>
    %ge3A_1845 = arith.cmpi sge, %sub3A_1834, %ge3A_1844 : vector<16xi32>
    %and3A_1846 = arith.andi %and3A_1842, %ge3A_1845 : vector<16xi1>
    %lt3A_1847 = arith.constant 7 : i32
    %lt3A_1848 = vector.broadcast %lt3A_1847 : i32 to vector<16xi32>
    %lt3A_1849 = arith.cmpi slt, %sub3A_1834, %lt3A_1848 : vector<16xi32>
    %and3A_1850 = arith.andi %and3A_1846, %lt3A_1849 : vector<16xi1>
    %ge3A_1851 = arith.constant 0 : i32
    %ge3A_1852 = vector.broadcast %ge3A_1851 : i32 to vector<16xi32>
    %ge3A_1853 = arith.cmpi sge, %sub3A_1835, %ge3A_1852 : vector<16xi32>
    %and3A_1854 = arith.andi %and3A_1850, %ge3A_1853 : vector<16xi1>
    %lt3A_1855 = arith.constant 7 : i32
    %lt3A_1856 = vector.broadcast %lt3A_1855 : i32 to vector<16xi32>
    %lt3A_1857 = arith.cmpi slt, %sub3A_1835, %lt3A_1856 : vector<16xi32>
    %and3A_1858 = arith.andi %and3A_1854, %lt3A_1857 : vector<16xi1>
    %and3A_1859 = arith.andi %and3A_1858, %lt3A_1314 : vector<16xi1>
    %mul3A_1860 = arith.constant 49 : i32
    %mul3A_1861 = vector.broadcast %mul3A_1860 : i32 to vector<16xi32>
    %mul3A_1862 = arith.muli %sub3A_1833, %mul3A_1861 : vector<16xi32>
    %mul3A_1863 = arith.constant 7 : i32
    %mul3A_1864 = vector.broadcast %mul3A_1863 : i32 to vector<16xi32>
    %mul3A_1865 = arith.muli %sub3A_1834, %mul3A_1864 : vector<16xi32>
    %add3A_1866 = arith.addi %mul3A_1862, %mul3A_1865 : vector<16xi32>
    %add3A_1867 = arith.addi %add3A_1866, %sub3A_1835 : vector<16xi32>
    %jit3A_1868 = arith.constant 0 : i32
    %broadcast_in_dim3A_1869 = vector.broadcast %jit3A_1868 : i32 to vector<16xi32>
    %select_n3A_1870 = arith.select %and3A_1859, %add3A_1867, %broadcast_in_dim3A_1869 : vector<16xi1>, vector<16xi32>
    tpu.vector_store_idx %arg5[%broadcast_in_dim3A_1757, %select_n3A_1870], %mul3A_1311 masked %and3A_1859 {add = true} : memref<12x343xf32, #tpu.memory_space<vmem>>[vector<16xi32>, vector<16xi32>], vector<16xf32>, vector<16xi1>
    %sub3A_1871 = arith.subi %add3A_1353, %min3A_1699 : vector<16xi32>
    %sub3A_1872 = arith.subi %add3A_1383, %min3A_1727 : vector<16xi32>
    %sub3A_1873 = arith.subi %add3A_1413, %min3A_1755 : vector<16xi32>
    %ge3A_1874 = arith.constant 0 : i32
    %ge3A_1875 = vector.broadcast %ge3A_1874 : i32 to vector<16xi32>
    %ge3A_1876 = arith.cmpi sge, %sub3A_1871, %ge3A_1875 : vector<16xi32>
    %lt3A_1877 = arith.constant 7 : i32
    %lt3A_1878 = vector.broadcast %lt3A_1877 : i32 to vector<16xi32>
    %lt3A_1879 = arith.cmpi slt, %sub3A_1871, %lt3A_1878 : vector<16xi32>
    %and3A_1880 = arith.andi %ge3A_1876, %lt3A_1879 : vector<16xi1>
    %ge3A_1881 = arith.constant 0 : i32
    %ge3A_1882 = vector.broadcast %ge3A_1881 : i32 to vector<16xi32>
    %ge3A_1883 = arith.cmpi sge, %sub3A_1872, %ge3A_1882 : vector<16xi32>
    %and3A_1884 = arith.andi %and3A_1880, %ge3A_1883 : vector<16xi1>
    %lt3A_1885 = arith.constant 7 : i32
    %lt3A_1886 = vector.broadcast %lt3A_1885 : i32 to vector<16xi32>
    %lt3A_1887 = arith.cmpi slt, %sub3A_1872, %lt3A_1886 : vector<16xi32>
    %and3A_1888 = arith.andi %and3A_1884, %lt3A_1887 : vector<16xi1>
    %ge3A_1889 = arith.constant 0 : i32
    %ge3A_1890 = vector.broadcast %ge3A_1889 : i32 to vector<16xi32>
    %ge3A_1891 = arith.cmpi sge, %sub3A_1873, %ge3A_1890 : vector<16xi32>
    %and3A_1892 = arith.andi %and3A_1888, %ge3A_1891 : vector<16xi1>
    %lt3A_1893 = arith.constant 7 : i32
    %lt3A_1894 = vector.broadcast %lt3A_1893 : i32 to vector<16xi32>
    %lt3A_1895 = arith.cmpi slt, %sub3A_1873, %lt3A_1894 : vector<16xi32>
    %and3A_1896 = arith.andi %and3A_1892, %lt3A_1895 : vector<16xi1>
    %and3A_1897 = arith.andi %and3A_1896, %lt3A_1320 : vector<16xi1>
    %mul3A_1898 = arith.constant 49 : i32
    %mul3A_1899 = vector.broadcast %mul3A_1898 : i32 to vector<16xi32>
    %mul3A_1900 = arith.muli %sub3A_1871, %mul3A_1899 : vector<16xi32>
    %mul3A_1901 = arith.constant 7 : i32
    %mul3A_1902 = vector.broadcast %mul3A_1901 : i32 to vector<16xi32>
    %mul3A_1903 = arith.muli %sub3A_1872, %mul3A_1902 : vector<16xi32>
    %add3A_1904 = arith.addi %mul3A_1900, %mul3A_1903 : vector<16xi32>
    %add3A_1905 = arith.addi %add3A_1904, %sub3A_1873 : vector<16xi32>
    %jit3A_1906 = arith.constant 0 : i32
    %broadcast_in_dim3A_1907 = vector.broadcast %jit3A_1906 : i32 to vector<16xi32>
    %select_n3A_1908 = arith.select %and3A_1897, %add3A_1905, %broadcast_in_dim3A_1907 : vector<16xi1>, vector<16xi32>
    tpu.vector_store_idx %arg5[%broadcast_in_dim3A_1757, %select_n3A_1908], %mul3A_1433 masked %and3A_1897 {add = true} : memref<12x343xf32, #tpu.memory_space<vmem>>[vector<16xi32>, vector<16xi32>], vector<16xf32>, vector<16xi1>
    %sub3A_1909 = arith.subi %add3A_1472, %min3A_1699 : vector<16xi32>
    %sub3A_1910 = arith.subi %add3A_1502, %min3A_1727 : vector<16xi32>
    %sub3A_1911 = arith.subi %add3A_1532, %min3A_1755 : vector<16xi32>
    %ge3A_1912 = arith.constant 0 : i32
    %ge3A_1913 = vector.broadcast %ge3A_1912 : i32 to vector<16xi32>
    %ge3A_1914 = arith.cmpi sge, %sub3A_1909, %ge3A_1913 : vector<16xi32>
    %lt3A_1915 = arith.constant 7 : i32
    %lt3A_1916 = vector.broadcast %lt3A_1915 : i32 to vector<16xi32>
    %lt3A_1917 = arith.cmpi slt, %sub3A_1909, %lt3A_1916 : vector<16xi32>
    %and3A_1918 = arith.andi %ge3A_1914, %lt3A_1917 : vector<16xi1>
    %ge3A_1919 = arith.constant 0 : i32
    %ge3A_1920 = vector.broadcast %ge3A_1919 : i32 to vector<16xi32>
    %ge3A_1921 = arith.cmpi sge, %sub3A_1910, %ge3A_1920 : vector<16xi32>
    %and3A_1922 = arith.andi %and3A_1918, %ge3A_1921 : vector<16xi1>
    %lt3A_1923 = arith.constant 7 : i32
    %lt3A_1924 = vector.broadcast %lt3A_1923 : i32 to vector<16xi32>
    %lt3A_1925 = arith.cmpi slt, %sub3A_1910, %lt3A_1924 : vector<16xi32>
    %and3A_1926 = arith.andi %and3A_1922, %lt3A_1925 : vector<16xi1>
    %ge3A_1927 = arith.constant 0 : i32
    %ge3A_1928 = vector.broadcast %ge3A_1927 : i32 to vector<16xi32>
    %ge3A_1929 = arith.cmpi sge, %sub3A_1911, %ge3A_1928 : vector<16xi32>
    %and3A_1930 = arith.andi %and3A_1926, %ge3A_1929 : vector<16xi1>
    %lt3A_1931 = arith.constant 7 : i32
    %lt3A_1932 = vector.broadcast %lt3A_1931 : i32 to vector<16xi32>
    %lt3A_1933 = arith.cmpi slt, %sub3A_1911, %lt3A_1932 : vector<16xi32>
    %and3A_1934 = arith.andi %and3A_1930, %lt3A_1933 : vector<16xi1>
    %and3A_1935 = arith.andi %and3A_1934, %lt3A_1439 : vector<16xi1>
    %mul3A_1936 = arith.constant 49 : i32
    %mul3A_1937 = vector.broadcast %mul3A_1936 : i32 to vector<16xi32>
    %mul3A_1938 = arith.muli %sub3A_1909, %mul3A_1937 : vector<16xi32>
    %mul3A_1939 = arith.constant 7 : i32
    %mul3A_1940 = vector.broadcast %mul3A_1939 : i32 to vector<16xi32>
    %mul3A_1941 = arith.muli %sub3A_1910, %mul3A_1940 : vector<16xi32>
    %add3A_1942 = arith.addi %mul3A_1938, %mul3A_1941 : vector<16xi32>
    %add3A_1943 = arith.addi %add3A_1942, %sub3A_1911 : vector<16xi32>
    %jit3A_1944 = arith.constant 0 : i32
    %broadcast_in_dim3A_1945 = vector.broadcast %jit3A_1944 : i32 to vector<16xi32>
    %select_n3A_1946 = arith.select %and3A_1935, %add3A_1943, %broadcast_in_dim3A_1945 : vector<16xi1>, vector<16xi32>
    tpu.vector_store_idx %arg5[%broadcast_in_dim3A_1757, %select_n3A_1946], %mul3A_1552 masked %and3A_1935 {add = true} : memref<12x343xf32, #tpu.memory_space<vmem>>[vector<16xi32>, vector<16xi32>], vector<16xf32>, vector<16xi1>
    %sub3A_1947 = arith.subi %add3A_1591, %min3A_1699 : vector<16xi32>
    %sub3A_1948 = arith.subi %add3A_1621, %min3A_1727 : vector<16xi32>
    %sub3A_1949 = arith.subi %add3A_1651, %min3A_1755 : vector<16xi32>
    %ge3A_1950 = arith.constant 0 : i32
    %ge3A_1951 = vector.broadcast %ge3A_1950 : i32 to vector<16xi32>
    %ge3A_1952 = arith.cmpi sge, %sub3A_1947, %ge3A_1951 : vector<16xi32>
    %lt3A_1953 = arith.constant 7 : i32
    %lt3A_1954 = vector.broadcast %lt3A_1953 : i32 to vector<16xi32>
    %lt3A_1955 = arith.cmpi slt, %sub3A_1947, %lt3A_1954 : vector<16xi32>
    %and3A_1956 = arith.andi %ge3A_1952, %lt3A_1955 : vector<16xi1>
    %ge3A_1957 = arith.constant 0 : i32
    %ge3A_1958 = vector.broadcast %ge3A_1957 : i32 to vector<16xi32>
    %ge3A_1959 = arith.cmpi sge, %sub3A_1948, %ge3A_1958 : vector<16xi32>
    %and3A_1960 = arith.andi %and3A_1956, %ge3A_1959 : vector<16xi1>
    %lt3A_1961 = arith.constant 7 : i32
    %lt3A_1962 = vector.broadcast %lt3A_1961 : i32 to vector<16xi32>
    %lt3A_1963 = arith.cmpi slt, %sub3A_1948, %lt3A_1962 : vector<16xi32>
    %and3A_1964 = arith.andi %and3A_1960, %lt3A_1963 : vector<16xi1>
    %ge3A_1965 = arith.constant 0 : i32
    %ge3A_1966 = vector.broadcast %ge3A_1965 : i32 to vector<16xi32>
    %ge3A_1967 = arith.cmpi sge, %sub3A_1949, %ge3A_1966 : vector<16xi32>
    %and3A_1968 = arith.andi %and3A_1964, %ge3A_1967 : vector<16xi1>
    %lt3A_1969 = arith.constant 7 : i32
    %lt3A_1970 = vector.broadcast %lt3A_1969 : i32 to vector<16xi32>
    %lt3A_1971 = arith.cmpi slt, %sub3A_1949, %lt3A_1970 : vector<16xi32>
    %and3A_1972 = arith.andi %and3A_1968, %lt3A_1971 : vector<16xi1>
    %and3A_1973 = arith.andi %and3A_1972, %lt3A_1558 : vector<16xi1>
    %mul3A_1974 = arith.constant 49 : i32
    %mul3A_1975 = vector.broadcast %mul3A_1974 : i32 to vector<16xi32>
    %mul3A_1976 = arith.muli %sub3A_1947, %mul3A_1975 : vector<16xi32>
    %mul3A_1977 = arith.constant 7 : i32
    %mul3A_1978 = vector.broadcast %mul3A_1977 : i32 to vector<16xi32>
    %mul3A_1979 = arith.muli %sub3A_1948, %mul3A_1978 : vector<16xi32>
    %add3A_1980 = arith.addi %mul3A_1976, %mul3A_1979 : vector<16xi32>
    %add3A_1981 = arith.addi %add3A_1980, %sub3A_1949 : vector<16xi32>
    %jit3A_1982 = arith.constant 0 : i32
    %broadcast_in_dim3A_1983 = vector.broadcast %jit3A_1982 : i32 to vector<16xi32>
    %select_n3A_1984 = arith.select %and3A_1973, %add3A_1981, %broadcast_in_dim3A_1983 : vector<16xi1>, vector<16xi32>
    tpu.vector_store_idx %arg5[%broadcast_in_dim3A_1757, %select_n3A_1984], %mul3A_1671 masked %and3A_1973 {add = true} : memref<12x343xf32, #tpu.memory_space<vmem>>[vector<16xi32>, vector<16xi32>], vector<16xf32>, vector<16xi1>
    %add3A_1985 = arith.constant 1 : i32
    %add3A_1986 = arith.addi %mul3A_32, %add3A_1985 : i32
    %mul3A_1987 = arith.constant 3 : i32
    %mul3A_1988 = arith.muli %add3A_1986, %mul3A_1987 : i32
    %broadcast_in_dim3A_1989 = vector.broadcast %mul3A_1988 : i32 to vector<16xi32>
    %shift_right_arithmetic3A_1990 = arith.constant 7 : i32
    %shift_right_arithmetic3A_1991 = vector.broadcast %shift_right_arithmetic3A_1990 : i32 to vector<16xi32>
    %shift_right_arithmetic3A_1992 = arith.shrsi %broadcast_in_dim3A_1989, %shift_right_arithmetic3A_1991 : vector<16xi32>
    %add3A_1993 = arith.constant 1 : i32
    %add3A_1994 = vector.broadcast %add3A_1993 : i32 to vector<16xi32>
    %add3A_1995 = arith.addi %shift_right_arithmetic3A_1992, %add3A_1994 : vector<16xi32>
    %and3A_1996 = arith.constant 127 : i32
    %and3A_1997 = vector.broadcast %and3A_1996 : i32 to vector<16xi32>
    %and3A_1998 = arith.andi %broadcast_in_dim3A_1989, %and3A_1997 : vector<16xi32>
    %gather3A_1999 = tpu.vector_load_idx %arg4[%add3A_1995, %and3A_1998] : memref<4x128xi32, #tpu.memory_space<vmem>>[vector<16xi32>, vector<16xi32>], vector<16xi32>,
    %add3A_2000 = arith.constant 47 : i32
    %add3A_2001 = vector.broadcast %add3A_2000 : i32 to vector<16xi32>
    %add3A_2002 = arith.addi %gather3A_1999, %add3A_2001 : vector<16xi32>
    %mul3A_2003 = arith.constant 2 : i32
    %mul3A_2004 = vector.broadcast %mul3A_2003 : i32 to vector<16xi32>
    %mul3A_2005 = arith.muli %mul3A_2004, %add3A_2002 : vector<16xi32>
    %sub3A_2006 = arith.constant 3 : i32
    %sub3A_2007 = vector.broadcast %sub3A_2006 : i32 to vector<16xi32>
    %sub3A_2008 = arith.subi %mul3A_2005, %sub3A_2007 : vector<16xi32>
    %jit3A_2009 = arith.constant 0 : i32
    %jit3A_2010 = arith.constant 182 : i32
    %max3A_2011 = vector.broadcast %jit3A_2009 : i32 to vector<16xi32>
    %max3A_2012 = arith.maxsi %max3A_2011, %sub3A_2008 : vector<16xi32>
    %min3A_2013 = vector.broadcast %jit3A_2010 : i32 to vector<16xi32>
    %min3A_2014 = arith.minsi %min3A_2013, %max3A_2012 : vector<16xi32>
    %add3A_2015 = arith.constant 1 : i32
    %add3A_2016 = arith.addi %mul3A_1988, %add3A_2015 : i32
    %broadcast_in_dim3A_2017 = vector.broadcast %add3A_2016 : i32 to vector<16xi32>
    %shift_right_arithmetic3A_2018 = arith.constant 7 : i32
    %shift_right_arithmetic3A_2019 = vector.broadcast %shift_right_arithmetic3A_2018 : i32 to vector<16xi32>
    %shift_right_arithmetic3A_2020 = arith.shrsi %broadcast_in_dim3A_2017, %shift_right_arithmetic3A_2019 : vector<16xi32>
    %add3A_2021 = arith.constant 1 : i32
    %add3A_2022 = vector.broadcast %add3A_2021 : i32 to vector<16xi32>
    %add3A_2023 = arith.addi %shift_right_arithmetic3A_2020, %add3A_2022 : vector<16xi32>
    %and3A_2024 = arith.constant 127 : i32
    %and3A_2025 = vector.broadcast %and3A_2024 : i32 to vector<16xi32>
    %and3A_2026 = arith.andi %broadcast_in_dim3A_2017, %and3A_2025 : vector<16xi32>
    %gather3A_2027 = tpu.vector_load_idx %arg4[%add3A_2023, %and3A_2026] : memref<4x128xi32, #tpu.memory_space<vmem>>[vector<16xi32>, vector<16xi32>], vector<16xi32>,
    %add3A_2028 = arith.constant 47 : i32
    %add3A_2029 = vector.broadcast %add3A_2028 : i32 to vector<16xi32>
    %add3A_2030 = arith.addi %gather3A_2027, %add3A_2029 : vector<16xi32>
    %mul3A_2031 = arith.constant 2 : i32
    %mul3A_2032 = vector.broadcast %mul3A_2031 : i32 to vector<16xi32>
    %mul3A_2033 = arith.muli %mul3A_2032, %add3A_2030 : vector<16xi32>
    %sub3A_2034 = arith.constant 3 : i32
    %sub3A_2035 = vector.broadcast %sub3A_2034 : i32 to vector<16xi32>
    %sub3A_2036 = arith.subi %mul3A_2033, %sub3A_2035 : vector<16xi32>
    %jit3A_2037 = arith.constant 0 : i32
    %jit3A_2038 = arith.constant 182 : i32
    %max3A_2039 = vector.broadcast %jit3A_2037 : i32 to vector<16xi32>
    %max3A_2040 = arith.maxsi %max3A_2039, %sub3A_2036 : vector<16xi32>
    %min3A_2041 = vector.broadcast %jit3A_2038 : i32 to vector<16xi32>
    %min3A_2042 = arith.minsi %min3A_2041, %max3A_2040 : vector<16xi32>
    %add3A_2043 = arith.constant 2 : i32
    %add3A_2044 = arith.addi %mul3A_1988, %add3A_2043 : i32
    %broadcast_in_dim3A_2045 = vector.broadcast %add3A_2044 : i32 to vector<16xi32>
    %shift_right_arithmetic3A_2046 = arith.constant 7 : i32
    %shift_right_arithmetic3A_2047 = vector.broadcast %shift_right_arithmetic3A_2046 : i32 to vector<16xi32>
    %shift_right_arithmetic3A_2048 = arith.shrsi %broadcast_in_dim3A_2045, %shift_right_arithmetic3A_2047 : vector<16xi32>
    %add3A_2049 = arith.constant 1 : i32
    %add3A_2050 = vector.broadcast %add3A_2049 : i32 to vector<16xi32>
    %add3A_2051 = arith.addi %shift_right_arithmetic3A_2048, %add3A_2050 : vector<16xi32>
    %and3A_2052 = arith.constant 127 : i32
    %and3A_2053 = vector.broadcast %and3A_2052 : i32 to vector<16xi32>
    %and3A_2054 = arith.andi %broadcast_in_dim3A_2045, %and3A_2053 : vector<16xi32>
    %gather3A_2055 = tpu.vector_load_idx %arg4[%add3A_2051, %and3A_2054] : memref<4x128xi32, #tpu.memory_space<vmem>>[vector<16xi32>, vector<16xi32>], vector<16xi32>,
    %add3A_2056 = arith.constant 47 : i32
    %add3A_2057 = vector.broadcast %add3A_2056 : i32 to vector<16xi32>
    %add3A_2058 = arith.addi %gather3A_2055, %add3A_2057 : vector<16xi32>
    %mul3A_2059 = arith.constant 2 : i32
    %mul3A_2060 = vector.broadcast %mul3A_2059 : i32 to vector<16xi32>
    %mul3A_2061 = arith.muli %mul3A_2060, %add3A_2058 : vector<16xi32>
    %sub3A_2062 = arith.constant 3 : i32
    %sub3A_2063 = vector.broadcast %sub3A_2062 : i32 to vector<16xi32>
    %sub3A_2064 = arith.subi %mul3A_2061, %sub3A_2063 : vector<16xi32>
    %jit3A_2065 = arith.constant 0 : i32
    %jit3A_2066 = arith.constant 182 : i32
    %max3A_2067 = vector.broadcast %jit3A_2065 : i32 to vector<16xi32>
    %max3A_2068 = arith.maxsi %max3A_2067, %sub3A_2064 : vector<16xi32>
    %min3A_2069 = vector.broadcast %jit3A_2066 : i32 to vector<16xi32>
    %min3A_2070 = arith.minsi %min3A_2069, %max3A_2068 : vector<16xi32>
    %broadcast_in_dim3A_2071 = arith.constant 1 : i32
    %broadcast_in_dim3A_2072 = vector.broadcast %broadcast_in_dim3A_2071 : i32 to vector<16xi32>
    %sub3A_2073 = arith.subi %mul3A_1116, %min3A_2014 : vector<16xi32>
    %sub3A_2074 = arith.subi %mul3A_1135, %min3A_2042 : vector<16xi32>
    %sub3A_2075 = arith.subi %mul3A_1154, %min3A_2070 : vector<16xi32>
    %ge3A_2076 = arith.constant 0 : i32
    %ge3A_2077 = vector.broadcast %ge3A_2076 : i32 to vector<16xi32>
    %ge3A_2078 = arith.cmpi sge, %sub3A_2073, %ge3A_2077 : vector<16xi32>
    %lt3A_2079 = arith.constant 7 : i32
    %lt3A_2080 = vector.broadcast %lt3A_2079 : i32 to vector<16xi32>
    %lt3A_2081 = arith.cmpi slt, %sub3A_2073, %lt3A_2080 : vector<16xi32>
    %and3A_2082 = arith.andi %ge3A_2078, %lt3A_2081 : vector<16xi1>
    %ge3A_2083 = arith.constant 0 : i32
    %ge3A_2084 = vector.broadcast %ge3A_2083 : i32 to vector<16xi32>
    %ge3A_2085 = arith.cmpi sge, %sub3A_2074, %ge3A_2084 : vector<16xi32>
    %and3A_2086 = arith.andi %and3A_2082, %ge3A_2085 : vector<16xi1>
    %lt3A_2087 = arith.constant 7 : i32
    %lt3A_2088 = vector.broadcast %lt3A_2087 : i32 to vector<16xi32>
    %lt3A_2089 = arith.cmpi slt, %sub3A_2074, %lt3A_2088 : vector<16xi32>
    %and3A_2090 = arith.andi %and3A_2086, %lt3A_2089 : vector<16xi1>
    %ge3A_2091 = arith.constant 0 : i32
    %ge3A_2092 = vector.broadcast %ge3A_2091 : i32 to vector<16xi32>
    %ge3A_2093 = arith.cmpi sge, %sub3A_2075, %ge3A_2092 : vector<16xi32>
    %and3A_2094 = arith.andi %and3A_2090, %ge3A_2093 : vector<16xi1>
    %lt3A_2095 = arith.constant 7 : i32
    %lt3A_2096 = vector.broadcast %lt3A_2095 : i32 to vector<16xi32>
    %lt3A_2097 = arith.cmpi slt, %sub3A_2075, %lt3A_2096 : vector<16xi32>
    %and3A_2098 = arith.andi %and3A_2094, %lt3A_2097 : vector<16xi1>
    %and3A_2099 = arith.andi %and3A_2098, %lt3A_1166 : vector<16xi1>
    %mul3A_2100 = arith.constant 49 : i32
    %mul3A_2101 = vector.broadcast %mul3A_2100 : i32 to vector<16xi32>
    %mul3A_2102 = arith.muli %sub3A_2073, %mul3A_2101 : vector<16xi32>
    %mul3A_2103 = arith.constant 7 : i32
    %mul3A_2104 = vector.broadcast %mul3A_2103 : i32 to vector<16xi32>
    %mul3A_2105 = arith.muli %sub3A_2074, %mul3A_2104 : vector<16xi32>
    %add3A_2106 = arith.addi %mul3A_2102, %mul3A_2105 : vector<16xi32>
    %add3A_2107 = arith.addi %add3A_2106, %sub3A_2075 : vector<16xi32>
    %jit3A_2108 = arith.constant 0 : i32
    %broadcast_in_dim3A_2109 = vector.broadcast %jit3A_2108 : i32 to vector<16xi32>
    %select_n3A_2110 = arith.select %and3A_2099, %add3A_2107, %broadcast_in_dim3A_2109 : vector<16xi1>, vector<16xi32>
    tpu.vector_store_idx %arg5[%broadcast_in_dim3A_2072, %select_n3A_2110], %mul3A_1163 masked %and3A_2099 {add = true} : memref<12x343xf32, #tpu.memory_space<vmem>>[vector<16xi32>, vector<16xi32>], vector<16xf32>, vector<16xi1>
    %sub3A_2111 = arith.subi %mul3A_1188, %min3A_2014 : vector<16xi32>
    %sub3A_2112 = arith.subi %mul3A_1207, %min3A_2042 : vector<16xi32>
    %sub3A_2113 = arith.subi %mul3A_1226, %min3A_2070 : vector<16xi32>
    %ge3A_2114 = arith.constant 0 : i32
    %ge3A_2115 = vector.broadcast %ge3A_2114 : i32 to vector<16xi32>
    %ge3A_2116 = arith.cmpi sge, %sub3A_2111, %ge3A_2115 : vector<16xi32>
    %lt3A_2117 = arith.constant 7 : i32
    %lt3A_2118 = vector.broadcast %lt3A_2117 : i32 to vector<16xi32>
    %lt3A_2119 = arith.cmpi slt, %sub3A_2111, %lt3A_2118 : vector<16xi32>
    %and3A_2120 = arith.andi %ge3A_2116, %lt3A_2119 : vector<16xi1>
    %ge3A_2121 = arith.constant 0 : i32
    %ge3A_2122 = vector.broadcast %ge3A_2121 : i32 to vector<16xi32>
    %ge3A_2123 = arith.cmpi sge, %sub3A_2112, %ge3A_2122 : vector<16xi32>
    %and3A_2124 = arith.andi %and3A_2120, %ge3A_2123 : vector<16xi1>
    %lt3A_2125 = arith.constant 7 : i32
    %lt3A_2126 = vector.broadcast %lt3A_2125 : i32 to vector<16xi32>
    %lt3A_2127 = arith.cmpi slt, %sub3A_2112, %lt3A_2126 : vector<16xi32>
    %and3A_2128 = arith.andi %and3A_2124, %lt3A_2127 : vector<16xi1>
    %ge3A_2129 = arith.constant 0 : i32
    %ge3A_2130 = vector.broadcast %ge3A_2129 : i32 to vector<16xi32>
    %ge3A_2131 = arith.cmpi sge, %sub3A_2113, %ge3A_2130 : vector<16xi32>
    %and3A_2132 = arith.andi %and3A_2128, %ge3A_2131 : vector<16xi1>
    %lt3A_2133 = arith.constant 7 : i32
    %lt3A_2134 = vector.broadcast %lt3A_2133 : i32 to vector<16xi32>
    %lt3A_2135 = arith.cmpi slt, %sub3A_2113, %lt3A_2134 : vector<16xi32>
    %and3A_2136 = arith.andi %and3A_2132, %lt3A_2135 : vector<16xi1>
    %and3A_2137 = arith.andi %and3A_2136, %lt3A_1240 : vector<16xi1>
    %mul3A_2138 = arith.constant 49 : i32
    %mul3A_2139 = vector.broadcast %mul3A_2138 : i32 to vector<16xi32>
    %mul3A_2140 = arith.muli %sub3A_2111, %mul3A_2139 : vector<16xi32>
    %mul3A_2141 = arith.constant 7 : i32
    %mul3A_2142 = vector.broadcast %mul3A_2141 : i32 to vector<16xi32>
    %mul3A_2143 = arith.muli %sub3A_2112, %mul3A_2142 : vector<16xi32>
    %add3A_2144 = arith.addi %mul3A_2140, %mul3A_2143 : vector<16xi32>
    %add3A_2145 = arith.addi %add3A_2144, %sub3A_2113 : vector<16xi32>
    %jit3A_2146 = arith.constant 0 : i32
    %broadcast_in_dim3A_2147 = vector.broadcast %jit3A_2146 : i32 to vector<16xi32>
    %select_n3A_2148 = arith.select %and3A_2137, %add3A_2145, %broadcast_in_dim3A_2147 : vector<16xi1>, vector<16xi32>
    tpu.vector_store_idx %arg5[%broadcast_in_dim3A_2072, %select_n3A_2148], %mul3A_1237 masked %and3A_2137 {add = true} : memref<12x343xf32, #tpu.memory_space<vmem>>[vector<16xi32>, vector<16xi32>], vector<16xf32>, vector<16xi1>
    %sub3A_2149 = arith.subi %mul3A_1262, %min3A_2014 : vector<16xi32>
    %sub3A_2150 = arith.subi %mul3A_1281, %min3A_2042 : vector<16xi32>
    %sub3A_2151 = arith.subi %mul3A_1300, %min3A_2070 : vector<16xi32>
    %ge3A_2152 = arith.constant 0 : i32
    %ge3A_2153 = vector.broadcast %ge3A_2152 : i32 to vector<16xi32>
    %ge3A_2154 = arith.cmpi sge, %sub3A_2149, %ge3A_2153 : vector<16xi32>
    %lt3A_2155 = arith.constant 7 : i32
    %lt3A_2156 = vector.broadcast %lt3A_2155 : i32 to vector<16xi32>
    %lt3A_2157 = arith.cmpi slt, %sub3A_2149, %lt3A_2156 : vector<16xi32>
    %and3A_2158 = arith.andi %ge3A_2154, %lt3A_2157 : vector<16xi1>
    %ge3A_2159 = arith.constant 0 : i32
    %ge3A_2160 = vector.broadcast %ge3A_2159 : i32 to vector<16xi32>
    %ge3A_2161 = arith.cmpi sge, %sub3A_2150, %ge3A_2160 : vector<16xi32>
    %and3A_2162 = arith.andi %and3A_2158, %ge3A_2161 : vector<16xi1>
    %lt3A_2163 = arith.constant 7 : i32
    %lt3A_2164 = vector.broadcast %lt3A_2163 : i32 to vector<16xi32>
    %lt3A_2165 = arith.cmpi slt, %sub3A_2150, %lt3A_2164 : vector<16xi32>
    %and3A_2166 = arith.andi %and3A_2162, %lt3A_2165 : vector<16xi1>
    %ge3A_2167 = arith.constant 0 : i32
    %ge3A_2168 = vector.broadcast %ge3A_2167 : i32 to vector<16xi32>
    %ge3A_2169 = arith.cmpi sge, %sub3A_2151, %ge3A_2168 : vector<16xi32>
    %and3A_2170 = arith.andi %and3A_2166, %ge3A_2169 : vector<16xi1>
    %lt3A_2171 = arith.constant 7 : i32
    %lt3A_2172 = vector.broadcast %lt3A_2171 : i32 to vector<16xi32>
    %lt3A_2173 = arith.cmpi slt, %sub3A_2151, %lt3A_2172 : vector<16xi32>
    %and3A_2174 = arith.andi %and3A_2170, %lt3A_2173 : vector<16xi1>
    %and3A_2175 = arith.andi %and3A_2174, %lt3A_1314 : vector<16xi1>
    %mul3A_2176 = arith.constant 49 : i32
    %mul3A_2177 = vector.broadcast %mul3A_2176 : i32 to vector<16xi32>
    %mul3A_2178 = arith.muli %sub3A_2149, %mul3A_2177 : vector<16xi32>
    %mul3A_2179 = arith.constant 7 : i32
    %mul3A_2180 = vector.broadcast %mul3A_2179 : i32 to vector<16xi32>
    %mul3A_2181 = arith.muli %sub3A_2150, %mul3A_2180 : vector<16xi32>
    %add3A_2182 = arith.addi %mul3A_2178, %mul3A_2181 : vector<16xi32>
    %add3A_2183 = arith.addi %add3A_2182, %sub3A_2151 : vector<16xi32>
    %jit3A_2184 = arith.constant 0 : i32
    %broadcast_in_dim3A_2185 = vector.broadcast %jit3A_2184 : i32 to vector<16xi32>
    %select_n3A_2186 = arith.select %and3A_2175, %add3A_2183, %broadcast_in_dim3A_2185 : vector<16xi1>, vector<16xi32>
    tpu.vector_store_idx %arg5[%broadcast_in_dim3A_2072, %select_n3A_2186], %mul3A_1311 masked %and3A_2175 {add = true} : memref<12x343xf32, #tpu.memory_space<vmem>>[vector<16xi32>, vector<16xi32>], vector<16xf32>, vector<16xi1>
    %sub3A_2187 = arith.subi %add3A_1353, %min3A_2014 : vector<16xi32>
    %sub3A_2188 = arith.subi %add3A_1383, %min3A_2042 : vector<16xi32>
    %sub3A_2189 = arith.subi %add3A_1413, %min3A_2070 : vector<16xi32>
    %ge3A_2190 = arith.constant 0 : i32
    %ge3A_2191 = vector.broadcast %ge3A_2190 : i32 to vector<16xi32>
    %ge3A_2192 = arith.cmpi sge, %sub3A_2187, %ge3A_2191 : vector<16xi32>
    %lt3A_2193 = arith.constant 7 : i32
    %lt3A_2194 = vector.broadcast %lt3A_2193 : i32 to vector<16xi32>
    %lt3A_2195 = arith.cmpi slt, %sub3A_2187, %lt3A_2194 : vector<16xi32>
    %and3A_2196 = arith.andi %ge3A_2192, %lt3A_2195 : vector<16xi1>
    %ge3A_2197 = arith.constant 0 : i32
    %ge3A_2198 = vector.broadcast %ge3A_2197 : i32 to vector<16xi32>
    %ge3A_2199 = arith.cmpi sge, %sub3A_2188, %ge3A_2198 : vector<16xi32>
    %and3A_2200 = arith.andi %and3A_2196, %ge3A_2199 : vector<16xi1>
    %lt3A_2201 = arith.constant 7 : i32
    %lt3A_2202 = vector.broadcast %lt3A_2201 : i32 to vector<16xi32>
    %lt3A_2203 = arith.cmpi slt, %sub3A_2188, %lt3A_2202 : vector<16xi32>
    %and3A_2204 = arith.andi %and3A_2200, %lt3A_2203 : vector<16xi1>
    %ge3A_2205 = arith.constant 0 : i32
    %ge3A_2206 = vector.broadcast %ge3A_2205 : i32 to vector<16xi32>
    %ge3A_2207 = arith.cmpi sge, %sub3A_2189, %ge3A_2206 : vector<16xi32>
    %and3A_2208 = arith.andi %and3A_2204, %ge3A_2207 : vector<16xi1>
    %lt3A_2209 = arith.constant 7 : i32
    %lt3A_2210 = vector.broadcast %lt3A_2209 : i32 to vector<16xi32>
    %lt3A_2211 = arith.cmpi slt, %sub3A_2189, %lt3A_2210 : vector<16xi32>
    %and3A_2212 = arith.andi %and3A_2208, %lt3A_2211 : vector<16xi1>
    %and3A_2213 = arith.andi %and3A_2212, %lt3A_1320 : vector<16xi1>
    %mul3A_2214 = arith.constant 49 : i32
    %mul3A_2215 = vector.broadcast %mul3A_2214 : i32 to vector<16xi32>
    %mul3A_2216 = arith.muli %sub3A_2187, %mul3A_2215 : vector<16xi32>
    %mul3A_2217 = arith.constant 7 : i32
    %mul3A_2218 = vector.broadcast %mul3A_2217 : i32 to vector<16xi32>
    %mul3A_2219 = arith.muli %sub3A_2188, %mul3A_2218 : vector<16xi32>
    %add3A_2220 = arith.addi %mul3A_2216, %mul3A_2219 : vector<16xi32>
    %add3A_2221 = arith.addi %add3A_2220, %sub3A_2189 : vector<16xi32>
    %jit3A_2222 = arith.constant 0 : i32
    %broadcast_in_dim3A_2223 = vector.broadcast %jit3A_2222 : i32 to vector<16xi32>
    %select_n3A_2224 = arith.select %and3A_2213, %add3A_2221, %broadcast_in_dim3A_2223 : vector<16xi1>, vector<16xi32>
    tpu.vector_store_idx %arg5[%broadcast_in_dim3A_2072, %select_n3A_2224], %mul3A_1433 masked %and3A_2213 {add = true} : memref<12x343xf32, #tpu.memory_space<vmem>>[vector<16xi32>, vector<16xi32>], vector<16xf32>, vector<16xi1>
    %sub3A_2225 = arith.subi %add3A_1472, %min3A_2014 : vector<16xi32>
    %sub3A_2226 = arith.subi %add3A_1502, %min3A_2042 : vector<16xi32>
    %sub3A_2227 = arith.subi %add3A_1532, %min3A_2070 : vector<16xi32>
    %ge3A_2228 = arith.constant 0 : i32
    %ge3A_2229 = vector.broadcast %ge3A_2228 : i32 to vector<16xi32>
    %ge3A_2230 = arith.cmpi sge, %sub3A_2225, %ge3A_2229 : vector<16xi32>
    %lt3A_2231 = arith.constant 7 : i32
    %lt3A_2232 = vector.broadcast %lt3A_2231 : i32 to vector<16xi32>
    %lt3A_2233 = arith.cmpi slt, %sub3A_2225, %lt3A_2232 : vector<16xi32>
    %and3A_2234 = arith.andi %ge3A_2230, %lt3A_2233 : vector<16xi1>
    %ge3A_2235 = arith.constant 0 : i32
    %ge3A_2236 = vector.broadcast %ge3A_2235 : i32 to vector<16xi32>
    %ge3A_2237 = arith.cmpi sge, %sub3A_2226, %ge3A_2236 : vector<16xi32>
    %and3A_2238 = arith.andi %and3A_2234, %ge3A_2237 : vector<16xi1>
    %lt3A_2239 = arith.constant 7 : i32
    %lt3A_2240 = vector.broadcast %lt3A_2239 : i32 to vector<16xi32>
    %lt3A_2241 = arith.cmpi slt, %sub3A_2226, %lt3A_2240 : vector<16xi32>
    %and3A_2242 = arith.andi %and3A_2238, %lt3A_2241 : vector<16xi1>
    %ge3A_2243 = arith.constant 0 : i32
    %ge3A_2244 = vector.broadcast %ge3A_2243 : i32 to vector<16xi32>
    %ge3A_2245 = arith.cmpi sge, %sub3A_2227, %ge3A_2244 : vector<16xi32>
    %and3A_2246 = arith.andi %and3A_2242, %ge3A_2245 : vector<16xi1>
    %lt3A_2247 = arith.constant 7 : i32
    %lt3A_2248 = vector.broadcast %lt3A_2247 : i32 to vector<16xi32>
    %lt3A_2249 = arith.cmpi slt, %sub3A_2227, %lt3A_2248 : vector<16xi32>
    %and3A_2250 = arith.andi %and3A_2246, %lt3A_2249 : vector<16xi1>
    %and3A_2251 = arith.andi %and3A_2250, %lt3A_1439 : vector<16xi1>
    %mul3A_2252 = arith.constant 49 : i32
    %mul3A_2253 = vector.broadcast %mul3A_2252 : i32 to vector<16xi32>
    %mul3A_2254 = arith.muli %sub3A_2225, %mul3A_2253 : vector<16xi32>
    %mul3A_2255 = arith.constant 7 : i32
    %mul3A_2256 = vector.broadcast %mul3A_2255 : i32 to vector<16xi32>
    %mul3A_2257 = arith.muli %sub3A_2226, %mul3A_2256 : vector<16xi32>
    %add3A_2258 = arith.addi %mul3A_2254, %mul3A_2257 : vector<16xi32>
    %add3A_2259 = arith.addi %add3A_2258, %sub3A_2227 : vector<16xi32>
    %jit3A_2260 = arith.constant 0 : i32
    %broadcast_in_dim3A_2261 = vector.broadcast %jit3A_2260 : i32 to vector<16xi32>
    %select_n3A_2262 = arith.select %and3A_2251, %add3A_2259, %broadcast_in_dim3A_2261 : vector<16xi1>, vector<16xi32>
    tpu.vector_store_idx %arg5[%broadcast_in_dim3A_2072, %select_n3A_2262], %mul3A_1552 masked %and3A_2251 {add = true} : memref<12x343xf32, #tpu.memory_space<vmem>>[vector<16xi32>, vector<16xi32>], vector<16xf32>, vector<16xi1>
    %sub3A_2263 = arith.subi %add3A_1591, %min3A_2014 : vector<16xi32>
    %sub3A_2264 = arith.subi %add3A_1621, %min3A_2042 : vector<16xi32>
    %sub3A_2265 = arith.subi %add3A_1651, %min3A_2070 : vector<16xi32>
    %ge3A_2266 = arith.constant 0 : i32
    %ge3A_2267 = vector.broadcast %ge3A_2266 : i32 to vector<16xi32>
    %ge3A_2268 = arith.cmpi sge, %sub3A_2263, %ge3A_2267 : vector<16xi32>
    %lt3A_2269 = arith.constant 7 : i32
    %lt3A_2270 = vector.broadcast %lt3A_2269 : i32 to vector<16xi32>
    %lt3A_2271 = arith.cmpi slt, %sub3A_2263, %lt3A_2270 : vector<16xi32>
    %and3A_2272 = arith.andi %ge3A_2268, %lt3A_2271 : vector<16xi1>
    %ge3A_2273 = arith.constant 0 : i32
    %ge3A_2274 = vector.broadcast %ge3A_2273 : i32 to vector<16xi32>
    %ge3A_2275 = arith.cmpi sge, %sub3A_2264, %ge3A_2274 : vector<16xi32>
    %and3A_2276 = arith.andi %and3A_2272, %ge3A_2275 : vector<16xi1>
    %lt3A_2277 = arith.constant 7 : i32
    %lt3A_2278 = vector.broadcast %lt3A_2277 : i32 to vector<16xi32>
    %lt3A_2279 = arith.cmpi slt, %sub3A_2264, %lt3A_2278 : vector<16xi32>
    %and3A_2280 = arith.andi %and3A_2276, %lt3A_2279 : vector<16xi1>
    %ge3A_2281 = arith.constant 0 : i32
    %ge3A_2282 = vector.broadcast %ge3A_2281 : i32 to vector<16xi32>
    %ge3A_2283 = arith.cmpi sge, %sub3A_2265, %ge3A_2282 : vector<16xi32>
    %and3A_2284 = arith.andi %and3A_2280, %ge3A_2283 : vector<16xi1>
    %lt3A_2285 = arith.constant 7 : i32
    %lt3A_2286 = vector.broadcast %lt3A_2285 : i32 to vector<16xi32>
    %lt3A_2287 = arith.cmpi slt, %sub3A_2265, %lt3A_2286 : vector<16xi32>
    %and3A_2288 = arith.andi %and3A_2284, %lt3A_2287 : vector<16xi1>
    %and3A_2289 = arith.andi %and3A_2288, %lt3A_1558 : vector<16xi1>
    %mul3A_2290 = arith.constant 49 : i32
    %mul3A_2291 = vector.broadcast %mul3A_2290 : i32 to vector<16xi32>
    %mul3A_2292 = arith.muli %sub3A_2263, %mul3A_2291 : vector<16xi32>
    %mul3A_2293 = arith.constant 7 : i32
    %mul3A_2294 = vector.broadcast %mul3A_2293 : i32 to vector<16xi32>
    %mul3A_2295 = arith.muli %sub3A_2264, %mul3A_2294 : vector<16xi32>
    %add3A_2296 = arith.addi %mul3A_2292, %mul3A_2295 : vector<16xi32>
    %add3A_2297 = arith.addi %add3A_2296, %sub3A_2265 : vector<16xi32>
    %jit3A_2298 = arith.constant 0 : i32
    %broadcast_in_dim3A_2299 = vector.broadcast %jit3A_2298 : i32 to vector<16xi32>
    %select_n3A_2300 = arith.select %and3A_2289, %add3A_2297, %broadcast_in_dim3A_2299 : vector<16xi1>, vector<16xi32>
    tpu.vector_store_idx %arg5[%broadcast_in_dim3A_2072, %select_n3A_2300], %mul3A_1671 masked %and3A_2289 {add = true} : memref<12x343xf32, #tpu.memory_space<vmem>>[vector<16xi32>, vector<16xi32>], vector<16xf32>, vector<16xi1>
    %add3A_2301 = arith.constant 2 : i32
    %add3A_2302 = arith.addi %mul3A_32, %add3A_2301 : i32
    %mul3A_2303 = arith.constant 3 : i32
    %mul3A_2304 = arith.muli %add3A_2302, %mul3A_2303 : i32
    %broadcast_in_dim3A_2305 = vector.broadcast %mul3A_2304 : i32 to vector<16xi32>
    %shift_right_arithmetic3A_2306 = arith.constant 7 : i32
    %shift_right_arithmetic3A_2307 = vector.broadcast %shift_right_arithmetic3A_2306 : i32 to vector<16xi32>
    %shift_right_arithmetic3A_2308 = arith.shrsi %broadcast_in_dim3A_2305, %shift_right_arithmetic3A_2307 : vector<16xi32>
    %add3A_2309 = arith.constant 1 : i32
    %add3A_2310 = vector.broadcast %add3A_2309 : i32 to vector<16xi32>
    %add3A_2311 = arith.addi %shift_right_arithmetic3A_2308, %add3A_2310 : vector<16xi32>
    %and3A_2312 = arith.constant 127 : i32
    %and3A_2313 = vector.broadcast %and3A_2312 : i32 to vector<16xi32>
    %and3A_2314 = arith.andi %broadcast_in_dim3A_2305, %and3A_2313 : vector<16xi32>
    %gather3A_2315 = tpu.vector_load_idx %arg4[%add3A_2311, %and3A_2314] : memref<4x128xi32, #tpu.memory_space<vmem>>[vector<16xi32>, vector<16xi32>], vector<16xi32>,
    %add3A_2316 = arith.constant 47 : i32
    %add3A_2317 = vector.broadcast %add3A_2316 : i32 to vector<16xi32>
    %add3A_2318 = arith.addi %gather3A_2315, %add3A_2317 : vector<16xi32>
    %mul3A_2319 = arith.constant 2 : i32
    %mul3A_2320 = vector.broadcast %mul3A_2319 : i32 to vector<16xi32>
    %mul3A_2321 = arith.muli %mul3A_2320, %add3A_2318 : vector<16xi32>
    %sub3A_2322 = arith.constant 3 : i32
    %sub3A_2323 = vector.broadcast %sub3A_2322 : i32 to vector<16xi32>
    %sub3A_2324 = arith.subi %mul3A_2321, %sub3A_2323 : vector<16xi32>
    %jit3A_2325 = arith.constant 0 : i32
    %jit3A_2326 = arith.constant 182 : i32
    %max3A_2327 = vector.broadcast %jit3A_2325 : i32 to vector<16xi32>
    %max3A_2328 = arith.maxsi %max3A_2327, %sub3A_2324 : vector<16xi32>
    %min3A_2329 = vector.broadcast %jit3A_2326 : i32 to vector<16xi32>
    %min3A_2330 = arith.minsi %min3A_2329, %max3A_2328 : vector<16xi32>
    %add3A_2331 = arith.constant 1 : i32
    %add3A_2332 = arith.addi %mul3A_2304, %add3A_2331 : i32
    %broadcast_in_dim3A_2333 = vector.broadcast %add3A_2332 : i32 to vector<16xi32>
    %shift_right_arithmetic3A_2334 = arith.constant 7 : i32
    %shift_right_arithmetic3A_2335 = vector.broadcast %shift_right_arithmetic3A_2334 : i32 to vector<16xi32>
    %shift_right_arithmetic3A_2336 = arith.shrsi %broadcast_in_dim3A_2333, %shift_right_arithmetic3A_2335 : vector<16xi32>
    %add3A_2337 = arith.constant 1 : i32
    %add3A_2338 = vector.broadcast %add3A_2337 : i32 to vector<16xi32>
    %add3A_2339 = arith.addi %shift_right_arithmetic3A_2336, %add3A_2338 : vector<16xi32>
    %and3A_2340 = arith.constant 127 : i32
    %and3A_2341 = vector.broadcast %and3A_2340 : i32 to vector<16xi32>
    %and3A_2342 = arith.andi %broadcast_in_dim3A_2333, %and3A_2341 : vector<16xi32>
    %gather3A_2343 = tpu.vector_load_idx %arg4[%add3A_2339, %and3A_2342] : memref<4x128xi32, #tpu.memory_space<vmem>>[vector<16xi32>, vector<16xi32>], vector<16xi32>,
    %add3A_2344 = arith.constant 47 : i32
    %add3A_2345 = vector.broadcast %add3A_2344 : i32 to vector<16xi32>
    %add3A_2346 = arith.addi %gather3A_2343, %add3A_2345 : vector<16xi32>
    %mul3A_2347 = arith.constant 2 : i32
    %mul3A_2348 = vector.broadcast %mul3A_2347 : i32 to vector<16xi32>
    %mul3A_2349 = arith.muli %mul3A_2348, %add3A_2346 : vector<16xi32>
    %sub3A_2350 = arith.constant 3 : i32
    %sub3A_2351 = vector.broadcast %sub3A_2350 : i32 to vector<16xi32>
    %sub3A_2352 = arith.subi %mul3A_2349, %sub3A_2351 : vector<16xi32>
    %jit3A_2353 = arith.constant 0 : i32
    %jit3A_2354 = arith.constant 182 : i32
    %max3A_2355 = vector.broadcast %jit3A_2353 : i32 to vector<16xi32>
    %max3A_2356 = arith.maxsi %max3A_2355, %sub3A_2352 : vector<16xi32>
    %min3A_2357 = vector.broadcast %jit3A_2354 : i32 to vector<16xi32>
    %min3A_2358 = arith.minsi %min3A_2357, %max3A_2356 : vector<16xi32>
    %add3A_2359 = arith.constant 2 : i32
    %add3A_2360 = arith.addi %mul3A_2304, %add3A_2359 : i32
    %broadcast_in_dim3A_2361 = vector.broadcast %add3A_2360 : i32 to vector<16xi32>
    %shift_right_arithmetic3A_2362 = arith.constant 7 : i32
    %shift_right_arithmetic3A_2363 = vector.broadcast %shift_right_arithmetic3A_2362 : i32 to vector<16xi32>
    %shift_right_arithmetic3A_2364 = arith.shrsi %broadcast_in_dim3A_2361, %shift_right_arithmetic3A_2363 : vector<16xi32>
    %add3A_2365 = arith.constant 1 : i32
    %add3A_2366 = vector.broadcast %add3A_2365 : i32 to vector<16xi32>
    %add3A_2367 = arith.addi %shift_right_arithmetic3A_2364, %add3A_2366 : vector<16xi32>
    %and3A_2368 = arith.constant 127 : i32
    %and3A_2369 = vector.broadcast %and3A_2368 : i32 to vector<16xi32>
    %and3A_2370 = arith.andi %broadcast_in_dim3A_2361, %and3A_2369 : vector<16xi32>
    %gather3A_2371 = tpu.vector_load_idx %arg4[%add3A_2367, %and3A_2370] : memref<4x128xi32, #tpu.memory_space<vmem>>[vector<16xi32>, vector<16xi32>], vector<16xi32>,
    %add3A_2372 = arith.constant 47 : i32
    %add3A_2373 = vector.broadcast %add3A_2372 : i32 to vector<16xi32>
    %add3A_2374 = arith.addi %gather3A_2371, %add3A_2373 : vector<16xi32>
    %mul3A_2375 = arith.constant 2 : i32
    %mul3A_2376 = vector.broadcast %mul3A_2375 : i32 to vector<16xi32>
    %mul3A_2377 = arith.muli %mul3A_2376, %add3A_2374 : vector<16xi32>
    %sub3A_2378 = arith.constant 3 : i32
    %sub3A_2379 = vector.broadcast %sub3A_2378 : i32 to vector<16xi32>
    %sub3A_2380 = arith.subi %mul3A_2377, %sub3A_2379 : vector<16xi32>
    %jit3A_2381 = arith.constant 0 : i32
    %jit3A_2382 = arith.constant 182 : i32
    %max3A_2383 = vector.broadcast %jit3A_2381 : i32 to vector<16xi32>
    %max3A_2384 = arith.maxsi %max3A_2383, %sub3A_2380 : vector<16xi32>
    %min3A_2385 = vector.broadcast %jit3A_2382 : i32 to vector<16xi32>
    %min3A_2386 = arith.minsi %min3A_2385, %max3A_2384 : vector<16xi32>
    %broadcast_in_dim3A_2387 = arith.constant 2 : i32
    %broadcast_in_dim3A_2388 = vector.broadcast %broadcast_in_dim3A_2387 : i32 to vector<16xi32>
    %sub3A_2389 = arith.subi %mul3A_1116, %min3A_2330 : vector<16xi32>
    %sub3A_2390 = arith.subi %mul3A_1135, %min3A_2358 : vector<16xi32>
    %sub3A_2391 = arith.subi %mul3A_1154, %min3A_2386 : vector<16xi32>
    %ge3A_2392 = arith.constant 0 : i32
    %ge3A_2393 = vector.broadcast %ge3A_2392 : i32 to vector<16xi32>
    %ge3A_2394 = arith.cmpi sge, %sub3A_2389, %ge3A_2393 : vector<16xi32>
    %lt3A_2395 = arith.constant 7 : i32
    %lt3A_2396 = vector.broadcast %lt3A_2395 : i32 to vector<16xi32>
    %lt3A_2397 = arith.cmpi slt, %sub3A_2389, %lt3A_2396 : vector<16xi32>
    %and3A_2398 = arith.andi %ge3A_2394, %lt3A_2397 : vector<16xi1>
    %ge3A_2399 = arith.constant 0 : i32
    %ge3A_2400 = vector.broadcast %ge3A_2399 : i32 to vector<16xi32>
    %ge3A_2401 = arith.cmpi sge, %sub3A_2390, %ge3A_2400 : vector<16xi32>
    %and3A_2402 = arith.andi %and3A_2398, %ge3A_2401 : vector<16xi1>
    %lt3A_2403 = arith.constant 7 : i32
    %lt3A_2404 = vector.broadcast %lt3A_2403 : i32 to vector<16xi32>
    %lt3A_2405 = arith.cmpi slt, %sub3A_2390, %lt3A_2404 : vector<16xi32>
    %and3A_2406 = arith.andi %and3A_2402, %lt3A_2405 : vector<16xi1>
    %ge3A_2407 = arith.constant 0 : i32
    %ge3A_2408 = vector.broadcast %ge3A_2407 : i32 to vector<16xi32>
    %ge3A_2409 = arith.cmpi sge, %sub3A_2391, %ge3A_2408 : vector<16xi32>
    %and3A_2410 = arith.andi %and3A_2406, %ge3A_2409 : vector<16xi1>
    %lt3A_2411 = arith.constant 7 : i32
    %lt3A_2412 = vector.broadcast %lt3A_2411 : i32 to vector<16xi32>
    %lt3A_2413 = arith.cmpi slt, %sub3A_2391, %lt3A_2412 : vector<16xi32>
    %and3A_2414 = arith.andi %and3A_2410, %lt3A_2413 : vector<16xi1>
    %and3A_2415 = arith.andi %and3A_2414, %lt3A_1166 : vector<16xi1>
    %mul3A_2416 = arith.constant 49 : i32
    %mul3A_2417 = vector.broadcast %mul3A_2416 : i32 to vector<16xi32>
    %mul3A_2418 = arith.muli %sub3A_2389, %mul3A_2417 : vector<16xi32>
    %mul3A_2419 = arith.constant 7 : i32
    %mul3A_2420 = vector.broadcast %mul3A_2419 : i32 to vector<16xi32>
    %mul3A_2421 = arith.muli %sub3A_2390, %mul3A_2420 : vector<16xi32>
    %add3A_2422 = arith.addi %mul3A_2418, %mul3A_2421 : vector<16xi32>
    %add3A_2423 = arith.addi %add3A_2422, %sub3A_2391 : vector<16xi32>
    %jit3A_2424 = arith.constant 0 : i32
    %broadcast_in_dim3A_2425 = vector.broadcast %jit3A_2424 : i32 to vector<16xi32>
    %select_n3A_2426 = arith.select %and3A_2415, %add3A_2423, %broadcast_in_dim3A_2425 : vector<16xi1>, vector<16xi32>
    tpu.vector_store_idx %arg5[%broadcast_in_dim3A_2388, %select_n3A_2426], %mul3A_1163 masked %and3A_2415 {add = true} : memref<12x343xf32, #tpu.memory_space<vmem>>[vector<16xi32>, vector<16xi32>], vector<16xf32>, vector<16xi1>
    %sub3A_2427 = arith.subi %mul3A_1188, %min3A_2330 : vector<16xi32>
    %sub3A_2428 = arith.subi %mul3A_1207, %min3A_2358 : vector<16xi32>
    %sub3A_2429 = arith.subi %mul3A_1226, %min3A_2386 : vector<16xi32>
    %ge3A_2430 = arith.constant 0 : i32
    %ge3A_2431 = vector.broadcast %ge3A_2430 : i32 to vector<16xi32>
    %ge3A_2432 = arith.cmpi sge, %sub3A_2427, %ge3A_2431 : vector<16xi32>
    %lt3A_2433 = arith.constant 7 : i32
    %lt3A_2434 = vector.broadcast %lt3A_2433 : i32 to vector<16xi32>
    %lt3A_2435 = arith.cmpi slt, %sub3A_2427, %lt3A_2434 : vector<16xi32>
    %and3A_2436 = arith.andi %ge3A_2432, %lt3A_2435 : vector<16xi1>
    %ge3A_2437 = arith.constant 0 : i32
    %ge3A_2438 = vector.broadcast %ge3A_2437 : i32 to vector<16xi32>
    %ge3A_2439 = arith.cmpi sge, %sub3A_2428, %ge3A_2438 : vector<16xi32>
    %and3A_2440 = arith.andi %and3A_2436, %ge3A_2439 : vector<16xi1>
    %lt3A_2441 = arith.constant 7 : i32
    %lt3A_2442 = vector.broadcast %lt3A_2441 : i32 to vector<16xi32>
    %lt3A_2443 = arith.cmpi slt, %sub3A_2428, %lt3A_2442 : vector<16xi32>
    %and3A_2444 = arith.andi %and3A_2440, %lt3A_2443 : vector<16xi1>
    %ge3A_2445 = arith.constant 0 : i32
    %ge3A_2446 = vector.broadcast %ge3A_2445 : i32 to vector<16xi32>
    %ge3A_2447 = arith.cmpi sge, %sub3A_2429, %ge3A_2446 : vector<16xi32>
    %and3A_2448 = arith.andi %and3A_2444, %ge3A_2447 : vector<16xi1>
    %lt3A_2449 = arith.constant 7 : i32
    %lt3A_2450 = vector.broadcast %lt3A_2449 : i32 to vector<16xi32>
    %lt3A_2451 = arith.cmpi slt, %sub3A_2429, %lt3A_2450 : vector<16xi32>
    %and3A_2452 = arith.andi %and3A_2448, %lt3A_2451 : vector<16xi1>
    %and3A_2453 = arith.andi %and3A_2452, %lt3A_1240 : vector<16xi1>
    %mul3A_2454 = arith.constant 49 : i32
    %mul3A_2455 = vector.broadcast %mul3A_2454 : i32 to vector<16xi32>
    %mul3A_2456 = arith.muli %sub3A_2427, %mul3A_2455 : vector<16xi32>
    %mul3A_2457 = arith.constant 7 : i32
    %mul3A_2458 = vector.broadcast %mul3A_2457 : i32 to vector<16xi32>
    %mul3A_2459 = arith.muli %sub3A_2428, %mul3A_2458 : vector<16xi32>
    %add3A_2460 = arith.addi %mul3A_2456, %mul3A_2459 : vector<16xi32>
    %add3A_2461 = arith.addi %add3A_2460, %sub3A_2429 : vector<16xi32>
    %jit3A_2462 = arith.constant 0 : i32
    %broadcast_in_dim3A_2463 = vector.broadcast %jit3A_2462 : i32 to vector<16xi32>
    %select_n3A_2464 = arith.select %and3A_2453, %add3A_2461, %broadcast_in_dim3A_2463 : vector<16xi1>, vector<16xi32>
    tpu.vector_store_idx %arg5[%broadcast_in_dim3A_2388, %select_n3A_2464], %mul3A_1237 masked %and3A_2453 {add = true} : memref<12x343xf32, #tpu.memory_space<vmem>>[vector<16xi32>, vector<16xi32>], vector<16xf32>, vector<16xi1>
    %sub3A_2465 = arith.subi %mul3A_1262, %min3A_2330 : vector<16xi32>
    %sub3A_2466 = arith.subi %mul3A_1281, %min3A_2358 : vector<16xi32>
    %sub3A_2467 = arith.subi %mul3A_1300, %min3A_2386 : vector<16xi32>
    %ge3A_2468 = arith.constant 0 : i32
    %ge3A_2469 = vector.broadcast %ge3A_2468 : i32 to vector<16xi32>
    %ge3A_2470 = arith.cmpi sge, %sub3A_2465, %ge3A_2469 : vector<16xi32>
    %lt3A_2471 = arith.constant 7 : i32
    %lt3A_2472 = vector.broadcast %lt3A_2471 : i32 to vector<16xi32>
    %lt3A_2473 = arith.cmpi slt, %sub3A_2465, %lt3A_2472 : vector<16xi32>
    %and3A_2474 = arith.andi %ge3A_2470, %lt3A_2473 : vector<16xi1>
    %ge3A_2475 = arith.constant 0 : i32
    %ge3A_2476 = vector.broadcast %ge3A_2475 : i32 to vector<16xi32>
    %ge3A_2477 = arith.cmpi sge, %sub3A_2466, %ge3A_2476 : vector<16xi32>
    %and3A_2478 = arith.andi %and3A_2474, %ge3A_2477 : vector<16xi1>
    %lt3A_2479 = arith.constant 7 : i32
    %lt3A_2480 = vector.broadcast %lt3A_2479 : i32 to vector<16xi32>
    %lt3A_2481 = arith.cmpi slt, %sub3A_2466, %lt3A_2480 : vector<16xi32>
    %and3A_2482 = arith.andi %and3A_2478, %lt3A_2481 : vector<16xi1>
    %ge3A_2483 = arith.constant 0 : i32
    %ge3A_2484 = vector.broadcast %ge3A_2483 : i32 to vector<16xi32>
    %ge3A_2485 = arith.cmpi sge, %sub3A_2467, %ge3A_2484 : vector<16xi32>
    %and3A_2486 = arith.andi %and3A_2482, %ge3A_2485 : vector<16xi1>
    %lt3A_2487 = arith.constant 7 : i32
    %lt3A_2488 = vector.broadcast %lt3A_2487 : i32 to vector<16xi32>
    %lt3A_2489 = arith.cmpi slt, %sub3A_2467, %lt3A_2488 : vector<16xi32>
    %and3A_2490 = arith.andi %and3A_2486, %lt3A_2489 : vector<16xi1>
    %and3A_2491 = arith.andi %and3A_2490, %lt3A_1314 : vector<16xi1>
    %mul3A_2492 = arith.constant 49 : i32
    %mul3A_2493 = vector.broadcast %mul3A_2492 : i32 to vector<16xi32>
    %mul3A_2494 = arith.muli %sub3A_2465, %mul3A_2493 : vector<16xi32>
    %mul3A_2495 = arith.constant 7 : i32
    %mul3A_2496 = vector.broadcast %mul3A_2495 : i32 to vector<16xi32>
    %mul3A_2497 = arith.muli %sub3A_2466, %mul3A_2496 : vector<16xi32>
    %add3A_2498 = arith.addi %mul3A_2494, %mul3A_2497 : vector<16xi32>
    %add3A_2499 = arith.addi %add3A_2498, %sub3A_2467 : vector<16xi32>
    %jit3A_2500 = arith.constant 0 : i32
    %broadcast_in_dim3A_2501 = vector.broadcast %jit3A_2500 : i32 to vector<16xi32>
    %select_n3A_2502 = arith.select %and3A_2491, %add3A_2499, %broadcast_in_dim3A_2501 : vector<16xi1>, vector<16xi32>
    tpu.vector_store_idx %arg5[%broadcast_in_dim3A_2388, %select_n3A_2502], %mul3A_1311 masked %and3A_2491 {add = true} : memref<12x343xf32, #tpu.memory_space<vmem>>[vector<16xi32>, vector<16xi32>], vector<16xf32>, vector<16xi1>
    %sub3A_2503 = arith.subi %add3A_1353, %min3A_2330 : vector<16xi32>
    %sub3A_2504 = arith.subi %add3A_1383, %min3A_2358 : vector<16xi32>
    %sub3A_2505 = arith.subi %add3A_1413, %min3A_2386 : vector<16xi32>
    %ge3A_2506 = arith.constant 0 : i32
    %ge3A_2507 = vector.broadcast %ge3A_2506 : i32 to vector<16xi32>
    %ge3A_2508 = arith.cmpi sge, %sub3A_2503, %ge3A_2507 : vector<16xi32>
    %lt3A_2509 = arith.constant 7 : i32
    %lt3A_2510 = vector.broadcast %lt3A_2509 : i32 to vector<16xi32>
    %lt3A_2511 = arith.cmpi slt, %sub3A_2503, %lt3A_2510 : vector<16xi32>
    %and3A_2512 = arith.andi %ge3A_2508, %lt3A_2511 : vector<16xi1>
    %ge3A_2513 = arith.constant 0 : i32
    %ge3A_2514 = vector.broadcast %ge3A_2513 : i32 to vector<16xi32>
    %ge3A_2515 = arith.cmpi sge, %sub3A_2504, %ge3A_2514 : vector<16xi32>
    %and3A_2516 = arith.andi %and3A_2512, %ge3A_2515 : vector<16xi1>
    %lt3A_2517 = arith.constant 7 : i32
    %lt3A_2518 = vector.broadcast %lt3A_2517 : i32 to vector<16xi32>
    %lt3A_2519 = arith.cmpi slt, %sub3A_2504, %lt3A_2518 : vector<16xi32>
    %and3A_2520 = arith.andi %and3A_2516, %lt3A_2519 : vector<16xi1>
    %ge3A_2521 = arith.constant 0 : i32
    %ge3A_2522 = vector.broadcast %ge3A_2521 : i32 to vector<16xi32>
    %ge3A_2523 = arith.cmpi sge, %sub3A_2505, %ge3A_2522 : vector<16xi32>
    %and3A_2524 = arith.andi %and3A_2520, %ge3A_2523 : vector<16xi1>
    %lt3A_2525 = arith.constant 7 : i32
    %lt3A_2526 = vector.broadcast %lt3A_2525 : i32 to vector<16xi32>
    %lt3A_2527 = arith.cmpi slt, %sub3A_2505, %lt3A_2526 : vector<16xi32>
    %and3A_2528 = arith.andi %and3A_2524, %lt3A_2527 : vector<16xi1>
    %and3A_2529 = arith.andi %and3A_2528, %lt3A_1320 : vector<16xi1>
    %mul3A_2530 = arith.constant 49 : i32
    %mul3A_2531 = vector.broadcast %mul3A_2530 : i32 to vector<16xi32>
    %mul3A_2532 = arith.muli %sub3A_2503, %mul3A_2531 : vector<16xi32>
    %mul3A_2533 = arith.constant 7 : i32
    %mul3A_2534 = vector.broadcast %mul3A_2533 : i32 to vector<16xi32>
    %mul3A_2535 = arith.muli %sub3A_2504, %mul3A_2534 : vector<16xi32>
    %add3A_2536 = arith.addi %mul3A_2532, %mul3A_2535 : vector<16xi32>
    %add3A_2537 = arith.addi %add3A_2536, %sub3A_2505 : vector<16xi32>
    %jit3A_2538 = arith.constant 0 : i32
    %broadcast_in_dim3A_2539 = vector.broadcast %jit3A_2538 : i32 to vector<16xi32>
    %select_n3A_2540 = arith.select %and3A_2529, %add3A_2537, %broadcast_in_dim3A_2539 : vector<16xi1>, vector<16xi32>
    tpu.vector_store_idx %arg5[%broadcast_in_dim3A_2388, %select_n3A_2540], %mul3A_1433 masked %and3A_2529 {add = true} : memref<12x343xf32, #tpu.memory_space<vmem>>[vector<16xi32>, vector<16xi32>], vector<16xf32>, vector<16xi1>
    %sub3A_2541 = arith.subi %add3A_1472, %min3A_2330 : vector<16xi32>
    %sub3A_2542 = arith.subi %add3A_1502, %min3A_2358 : vector<16xi32>
    %sub3A_2543 = arith.subi %add3A_1532, %min3A_2386 : vector<16xi32>
    %ge3A_2544 = arith.constant 0 : i32
    %ge3A_2545 = vector.broadcast %ge3A_2544 : i32 to vector<16xi32>
    %ge3A_2546 = arith.cmpi sge, %sub3A_2541, %ge3A_2545 : vector<16xi32>
    %lt3A_2547 = arith.constant 7 : i32
    %lt3A_2548 = vector.broadcast %lt3A_2547 : i32 to vector<16xi32>
    %lt3A_2549 = arith.cmpi slt, %sub3A_2541, %lt3A_2548 : vector<16xi32>
    %and3A_2550 = arith.andi %ge3A_2546, %lt3A_2549 : vector<16xi1>
    %ge3A_2551 = arith.constant 0 : i32
    %ge3A_2552 = vector.broadcast %ge3A_2551 : i32 to vector<16xi32>
    %ge3A_2553 = arith.cmpi sge, %sub3A_2542, %ge3A_2552 : vector<16xi32>
    %and3A_2554 = arith.andi %and3A_2550, %ge3A_2553 : vector<16xi1>
    %lt3A_2555 = arith.constant 7 : i32
    %lt3A_2556 = vector.broadcast %lt3A_2555 : i32 to vector<16xi32>
    %lt3A_2557 = arith.cmpi slt, %sub3A_2542, %lt3A_2556 : vector<16xi32>
    %and3A_2558 = arith.andi %and3A_2554, %lt3A_2557 : vector<16xi1>
    %ge3A_2559 = arith.constant 0 : i32
    %ge3A_2560 = vector.broadcast %ge3A_2559 : i32 to vector<16xi32>
    %ge3A_2561 = arith.cmpi sge, %sub3A_2543, %ge3A_2560 : vector<16xi32>
    %and3A_2562 = arith.andi %and3A_2558, %ge3A_2561 : vector<16xi1>
    %lt3A_2563 = arith.constant 7 : i32
    %lt3A_2564 = vector.broadcast %lt3A_2563 : i32 to vector<16xi32>
    %lt3A_2565 = arith.cmpi slt, %sub3A_2543, %lt3A_2564 : vector<16xi32>
    %and3A_2566 = arith.andi %and3A_2562, %lt3A_2565 : vector<16xi1>
    %and3A_2567 = arith.andi %and3A_2566, %lt3A_1439 : vector<16xi1>
    %mul3A_2568 = arith.constant 49 : i32
    %mul3A_2569 = vector.broadcast %mul3A_2568 : i32 to vector<16xi32>
    %mul3A_2570 = arith.muli %sub3A_2541, %mul3A_2569 : vector<16xi32>
    %mul3A_2571 = arith.constant 7 : i32
    %mul3A_2572 = vector.broadcast %mul3A_2571 : i32 to vector<16xi32>
    %mul3A_2573 = arith.muli %sub3A_2542, %mul3A_2572 : vector<16xi32>
    %add3A_2574 = arith.addi %mul3A_2570, %mul3A_2573 : vector<16xi32>
    %add3A_2575 = arith.addi %add3A_2574, %sub3A_2543 : vector<16xi32>
    %jit3A_2576 = arith.constant 0 : i32
    %broadcast_in_dim3A_2577 = vector.broadcast %jit3A_2576 : i32 to vector<16xi32>
    %select_n3A_2578 = arith.select %and3A_2567, %add3A_2575, %broadcast_in_dim3A_2577 : vector<16xi1>, vector<16xi32>
    tpu.vector_store_idx %arg5[%broadcast_in_dim3A_2388, %select_n3A_2578], %mul3A_1552 masked %and3A_2567 {add = true} : memref<12x343xf32, #tpu.memory_space<vmem>>[vector<16xi32>, vector<16xi32>], vector<16xf32>, vector<16xi1>
    %sub3A_2579 = arith.subi %add3A_1591, %min3A_2330 : vector<16xi32>
    %sub3A_2580 = arith.subi %add3A_1621, %min3A_2358 : vector<16xi32>
    %sub3A_2581 = arith.subi %add3A_1651, %min3A_2386 : vector<16xi32>
    %ge3A_2582 = arith.constant 0 : i32
    %ge3A_2583 = vector.broadcast %ge3A_2582 : i32 to vector<16xi32>
    %ge3A_2584 = arith.cmpi sge, %sub3A_2579, %ge3A_2583 : vector<16xi32>
    %lt3A_2585 = arith.constant 7 : i32
    %lt3A_2586 = vector.broadcast %lt3A_2585 : i32 to vector<16xi32>
    %lt3A_2587 = arith.cmpi slt, %sub3A_2579, %lt3A_2586 : vector<16xi32>
    %and3A_2588 = arith.andi %ge3A_2584, %lt3A_2587 : vector<16xi1>
    %ge3A_2589 = arith.constant 0 : i32
    %ge3A_2590 = vector.broadcast %ge3A_2589 : i32 to vector<16xi32>
    %ge3A_2591 = arith.cmpi sge, %sub3A_2580, %ge3A_2590 : vector<16xi32>
    %and3A_2592 = arith.andi %and3A_2588, %ge3A_2591 : vector<16xi1>
    %lt3A_2593 = arith.constant 7 : i32
    %lt3A_2594 = vector.broadcast %lt3A_2593 : i32 to vector<16xi32>
    %lt3A_2595 = arith.cmpi slt, %sub3A_2580, %lt3A_2594 : vector<16xi32>
    %and3A_2596 = arith.andi %and3A_2592, %lt3A_2595 : vector<16xi1>
    %ge3A_2597 = arith.constant 0 : i32
    %ge3A_2598 = vector.broadcast %ge3A_2597 : i32 to vector<16xi32>
    %ge3A_2599 = arith.cmpi sge, %sub3A_2581, %ge3A_2598 : vector<16xi32>
    %and3A_2600 = arith.andi %and3A_2596, %ge3A_2599 : vector<16xi1>
    %lt3A_2601 = arith.constant 7 : i32
    %lt3A_2602 = vector.broadcast %lt3A_2601 : i32 to vector<16xi32>
    %lt3A_2603 = arith.cmpi slt, %sub3A_2581, %lt3A_2602 : vector<16xi32>
    %and3A_2604 = arith.andi %and3A_2600, %lt3A_2603 : vector<16xi1>
    %and3A_2605 = arith.andi %and3A_2604, %lt3A_1558 : vector<16xi1>
    %mul3A_2606 = arith.constant 49 : i32
    %mul3A_2607 = vector.broadcast %mul3A_2606 : i32 to vector<16xi32>
    %mul3A_2608 = arith.muli %sub3A_2579, %mul3A_2607 : vector<16xi32>
    %mul3A_2609 = arith.constant 7 : i32
    %mul3A_2610 = vector.broadcast %mul3A_2609 : i32 to vector<16xi32>
    %mul3A_2611 = arith.muli %sub3A_2580, %mul3A_2610 : vector<16xi32>
    %add3A_2612 = arith.addi %mul3A_2608, %mul3A_2611 : vector<16xi32>
    %add3A_2613 = arith.addi %add3A_2612, %sub3A_2581 : vector<16xi32>
    %jit3A_2614 = arith.constant 0 : i32
    %broadcast_in_dim3A_2615 = vector.broadcast %jit3A_2614 : i32 to vector<16xi32>
    %select_n3A_2616 = arith.select %and3A_2605, %add3A_2613, %broadcast_in_dim3A_2615 : vector<16xi1>, vector<16xi32>
    tpu.vector_store_idx %arg5[%broadcast_in_dim3A_2388, %select_n3A_2616], %mul3A_1671 masked %and3A_2605 {add = true} : memref<12x343xf32, #tpu.memory_space<vmem>>[vector<16xi32>, vector<16xi32>], vector<16xf32>, vector<16xi1>
    %add3A_2617 = arith.constant 3 : i32
    %add3A_2618 = arith.addi %mul3A_32, %add3A_2617 : i32
    %mul3A_2619 = arith.constant 3 : i32
    %mul3A_2620 = arith.muli %add3A_2618, %mul3A_2619 : i32
    %broadcast_in_dim3A_2621 = vector.broadcast %mul3A_2620 : i32 to vector<16xi32>
    %shift_right_arithmetic3A_2622 = arith.constant 7 : i32
    %shift_right_arithmetic3A_2623 = vector.broadcast %shift_right_arithmetic3A_2622 : i32 to vector<16xi32>
    %shift_right_arithmetic3A_2624 = arith.shrsi %broadcast_in_dim3A_2621, %shift_right_arithmetic3A_2623 : vector<16xi32>
    %add3A_2625 = arith.constant 1 : i32
    %add3A_2626 = vector.broadcast %add3A_2625 : i32 to vector<16xi32>
    %add3A_2627 = arith.addi %shift_right_arithmetic3A_2624, %add3A_2626 : vector<16xi32>
    %and3A_2628 = arith.constant 127 : i32
    %and3A_2629 = vector.broadcast %and3A_2628 : i32 to vector<16xi32>
    %and3A_2630 = arith.andi %broadcast_in_dim3A_2621, %and3A_2629 : vector<16xi32>
    %gather3A_2631 = tpu.vector_load_idx %arg4[%add3A_2627, %and3A_2630] : memref<4x128xi32, #tpu.memory_space<vmem>>[vector<16xi32>, vector<16xi32>], vector<16xi32>,
    %add3A_2632 = arith.constant 47 : i32
    %add3A_2633 = vector.broadcast %add3A_2632 : i32 to vector<16xi32>
    %add3A_2634 = arith.addi %gather3A_2631, %add3A_2633 : vector<16xi32>
    %mul3A_2635 = arith.constant 2 : i32
    %mul3A_2636 = vector.broadcast %mul3A_2635 : i32 to vector<16xi32>
    %mul3A_2637 = arith.muli %mul3A_2636, %add3A_2634 : vector<16xi32>
    %sub3A_2638 = arith.constant 3 : i32
    %sub3A_2639 = vector.broadcast %sub3A_2638 : i32 to vector<16xi32>
    %sub3A_2640 = arith.subi %mul3A_2637, %sub3A_2639 : vector<16xi32>
    %jit3A_2641 = arith.constant 0 : i32
    %jit3A_2642 = arith.constant 182 : i32
    %max3A_2643 = vector.broadcast %jit3A_2641 : i32 to vector<16xi32>
    %max3A_2644 = arith.maxsi %max3A_2643, %sub3A_2640 : vector<16xi32>
    %min3A_2645 = vector.broadcast %jit3A_2642 : i32 to vector<16xi32>
    %min3A_2646 = arith.minsi %min3A_2645, %max3A_2644 : vector<16xi32>
    %add3A_2647 = arith.constant 1 : i32
    %add3A_2648 = arith.addi %mul3A_2620, %add3A_2647 : i32
    %broadcast_in_dim3A_2649 = vector.broadcast %add3A_2648 : i32 to vector<16xi32>
    %shift_right_arithmetic3A_2650 = arith.constant 7 : i32
    %shift_right_arithmetic3A_2651 = vector.broadcast %shift_right_arithmetic3A_2650 : i32 to vector<16xi32>
    %shift_right_arithmetic3A_2652 = arith.shrsi %broadcast_in_dim3A_2649, %shift_right_arithmetic3A_2651 : vector<16xi32>
    %add3A_2653 = arith.constant 1 : i32
    %add3A_2654 = vector.broadcast %add3A_2653 : i32 to vector<16xi32>
    %add3A_2655 = arith.addi %shift_right_arithmetic3A_2652, %add3A_2654 : vector<16xi32>
    %and3A_2656 = arith.constant 127 : i32
    %and3A_2657 = vector.broadcast %and3A_2656 : i32 to vector<16xi32>
    %and3A_2658 = arith.andi %broadcast_in_dim3A_2649, %and3A_2657 : vector<16xi32>
    %gather3A_2659 = tpu.vector_load_idx %arg4[%add3A_2655, %and3A_2658] : memref<4x128xi32, #tpu.memory_space<vmem>>[vector<16xi32>, vector<16xi32>], vector<16xi32>,
    %add3A_2660 = arith.constant 47 : i32
    %add3A_2661 = vector.broadcast %add3A_2660 : i32 to vector<16xi32>
    %add3A_2662 = arith.addi %gather3A_2659, %add3A_2661 : vector<16xi32>
    %mul3A_2663 = arith.constant 2 : i32
    %mul3A_2664 = vector.broadcast %mul3A_2663 : i32 to vector<16xi32>
    %mul3A_2665 = arith.muli %mul3A_2664, %add3A_2662 : vector<16xi32>
    %sub3A_2666 = arith.constant 3 : i32
    %sub3A_2667 = vector.broadcast %sub3A_2666 : i32 to vector<16xi32>
    %sub3A_2668 = arith.subi %mul3A_2665, %sub3A_2667 : vector<16xi32>
    %jit3A_2669 = arith.constant 0 : i32
    %jit3A_2670 = arith.constant 182 : i32
    %max3A_2671 = vector.broadcast %jit3A_2669 : i32 to vector<16xi32>
    %max3A_2672 = arith.maxsi %max3A_2671, %sub3A_2668 : vector<16xi32>
    %min3A_2673 = vector.broadcast %jit3A_2670 : i32 to vector<16xi32>
    %min3A_2674 = arith.minsi %min3A_2673, %max3A_2672 : vector<16xi32>
    %add3A_2675 = arith.constant 2 : i32
    %add3A_2676 = arith.addi %mul3A_2620, %add3A_2675 : i32
    %broadcast_in_dim3A_2677 = vector.broadcast %add3A_2676 : i32 to vector<16xi32>
    %shift_right_arithmetic3A_2678 = arith.constant 7 : i32
    %shift_right_arithmetic3A_2679 = vector.broadcast %shift_right_arithmetic3A_2678 : i32 to vector<16xi32>
    %shift_right_arithmetic3A_2680 = arith.shrsi %broadcast_in_dim3A_2677, %shift_right_arithmetic3A_2679 : vector<16xi32>
    %add3A_2681 = arith.constant 1 : i32
    %add3A_2682 = vector.broadcast %add3A_2681 : i32 to vector<16xi32>
    %add3A_2683 = arith.addi %shift_right_arithmetic3A_2680, %add3A_2682 : vector<16xi32>
    %and3A_2684 = arith.constant 127 : i32
    %and3A_2685 = vector.broadcast %and3A_2684 : i32 to vector<16xi32>
    %and3A_2686 = arith.andi %broadcast_in_dim3A_2677, %and3A_2685 : vector<16xi32>
    %gather3A_2687 = tpu.vector_load_idx %arg4[%add3A_2683, %and3A_2686] : memref<4x128xi32, #tpu.memory_space<vmem>>[vector<16xi32>, vector<16xi32>], vector<16xi32>,
    %add3A_2688 = arith.constant 47 : i32
    %add3A_2689 = vector.broadcast %add3A_2688 : i32 to vector<16xi32>
    %add3A_2690 = arith.addi %gather3A_2687, %add3A_2689 : vector<16xi32>
    %mul3A_2691 = arith.constant 2 : i32
    %mul3A_2692 = vector.broadcast %mul3A_2691 : i32 to vector<16xi32>
    %mul3A_2693 = arith.muli %mul3A_2692, %add3A_2690 : vector<16xi32>
    %sub3A_2694 = arith.constant 3 : i32
    %sub3A_2695 = vector.broadcast %sub3A_2694 : i32 to vector<16xi32>
    %sub3A_2696 = arith.subi %mul3A_2693, %sub3A_2695 : vector<16xi32>
    %jit3A_2697 = arith.constant 0 : i32
    %jit3A_2698 = arith.constant 182 : i32
    %max3A_2699 = vector.broadcast %jit3A_2697 : i32 to vector<16xi32>
    %max3A_2700 = arith.maxsi %max3A_2699, %sub3A_2696 : vector<16xi32>
    %min3A_2701 = vector.broadcast %jit3A_2698 : i32 to vector<16xi32>
    %min3A_2702 = arith.minsi %min3A_2701, %max3A_2700 : vector<16xi32>
    %broadcast_in_dim3A_2703 = arith.constant 3 : i32
    %broadcast_in_dim3A_2704 = vector.broadcast %broadcast_in_dim3A_2703 : i32 to vector<16xi32>
    %sub3A_2705 = arith.subi %mul3A_1116, %min3A_2646 : vector<16xi32>
    %sub3A_2706 = arith.subi %mul3A_1135, %min3A_2674 : vector<16xi32>
    %sub3A_2707 = arith.subi %mul3A_1154, %min3A_2702 : vector<16xi32>
    %ge3A_2708 = arith.constant 0 : i32
    %ge3A_2709 = vector.broadcast %ge3A_2708 : i32 to vector<16xi32>
    %ge3A_2710 = arith.cmpi sge, %sub3A_2705, %ge3A_2709 : vector<16xi32>
    %lt3A_2711 = arith.constant 7 : i32
    %lt3A_2712 = vector.broadcast %lt3A_2711 : i32 to vector<16xi32>
    %lt3A_2713 = arith.cmpi slt, %sub3A_2705, %lt3A_2712 : vector<16xi32>
    %and3A_2714 = arith.andi %ge3A_2710, %lt3A_2713 : vector<16xi1>
    %ge3A_2715 = arith.constant 0 : i32
    %ge3A_2716 = vector.broadcast %ge3A_2715 : i32 to vector<16xi32>
    %ge3A_2717 = arith.cmpi sge, %sub3A_2706, %ge3A_2716 : vector<16xi32>
    %and3A_2718 = arith.andi %and3A_2714, %ge3A_2717 : vector<16xi1>
    %lt3A_2719 = arith.constant 7 : i32
    %lt3A_2720 = vector.broadcast %lt3A_2719 : i32 to vector<16xi32>
    %lt3A_2721 = arith.cmpi slt, %sub3A_2706, %lt3A_2720 : vector<16xi32>
    %and3A_2722 = arith.andi %and3A_2718, %lt3A_2721 : vector<16xi1>
    %ge3A_2723 = arith.constant 0 : i32
    %ge3A_2724 = vector.broadcast %ge3A_2723 : i32 to vector<16xi32>
    %ge3A_2725 = arith.cmpi sge, %sub3A_2707, %ge3A_2724 : vector<16xi32>
    %and3A_2726 = arith.andi %and3A_2722, %ge3A_2725 : vector<16xi1>
    %lt3A_2727 = arith.constant 7 : i32
    %lt3A_2728 = vector.broadcast %lt3A_2727 : i32 to vector<16xi32>
    %lt3A_2729 = arith.cmpi slt, %sub3A_2707, %lt3A_2728 : vector<16xi32>
    %and3A_2730 = arith.andi %and3A_2726, %lt3A_2729 : vector<16xi1>
    %and3A_2731 = arith.andi %and3A_2730, %lt3A_1166 : vector<16xi1>
    %mul3A_2732 = arith.constant 49 : i32
    %mul3A_2733 = vector.broadcast %mul3A_2732 : i32 to vector<16xi32>
    %mul3A_2734 = arith.muli %sub3A_2705, %mul3A_2733 : vector<16xi32>
    %mul3A_2735 = arith.constant 7 : i32
    %mul3A_2736 = vector.broadcast %mul3A_2735 : i32 to vector<16xi32>
    %mul3A_2737 = arith.muli %sub3A_2706, %mul3A_2736 : vector<16xi32>
    %add3A_2738 = arith.addi %mul3A_2734, %mul3A_2737 : vector<16xi32>
    %add3A_2739 = arith.addi %add3A_2738, %sub3A_2707 : vector<16xi32>
    %jit3A_2740 = arith.constant 0 : i32
    %broadcast_in_dim3A_2741 = vector.broadcast %jit3A_2740 : i32 to vector<16xi32>
    %select_n3A_2742 = arith.select %and3A_2731, %add3A_2739, %broadcast_in_dim3A_2741 : vector<16xi1>, vector<16xi32>
    tpu.vector_store_idx %arg5[%broadcast_in_dim3A_2704, %select_n3A_2742], %mul3A_1163 masked %and3A_2731 {add = true} : memref<12x343xf32, #tpu.memory_space<vmem>>[vector<16xi32>, vector<16xi32>], vector<16xf32>, vector<16xi1>
    %sub3A_2743 = arith.subi %mul3A_1188, %min3A_2646 : vector<16xi32>
    %sub3A_2744 = arith.subi %mul3A_1207, %min3A_2674 : vector<16xi32>
    %sub3A_2745 = arith.subi %mul3A_1226, %min3A_2702 : vector<16xi32>
    %ge3A_2746 = arith.constant 0 : i32
    %ge3A_2747 = vector.broadcast %ge3A_2746 : i32 to vector<16xi32>
    %ge3A_2748 = arith.cmpi sge, %sub3A_2743, %ge3A_2747 : vector<16xi32>
    %lt3A_2749 = arith.constant 7 : i32
    %lt3A_2750 = vector.broadcast %lt3A_2749 : i32 to vector<16xi32>
    %lt3A_2751 = arith.cmpi slt, %sub3A_2743, %lt3A_2750 : vector<16xi32>
    %and3A_2752 = arith.andi %ge3A_2748, %lt3A_2751 : vector<16xi1>
    %ge3A_2753 = arith.constant 0 : i32
    %ge3A_2754 = vector.broadcast %ge3A_2753 : i32 to vector<16xi32>
    %ge3A_2755 = arith.cmpi sge, %sub3A_2744, %ge3A_2754 : vector<16xi32>
    %and3A_2756 = arith.andi %and3A_2752, %ge3A_2755 : vector<16xi1>
    %lt3A_2757 = arith.constant 7 : i32
    %lt3A_2758 = vector.broadcast %lt3A_2757 : i32 to vector<16xi32>
    %lt3A_2759 = arith.cmpi slt, %sub3A_2744, %lt3A_2758 : vector<16xi32>
    %and3A_2760 = arith.andi %and3A_2756, %lt3A_2759 : vector<16xi1>
    %ge3A_2761 = arith.constant 0 : i32
    %ge3A_2762 = vector.broadcast %ge3A_2761 : i32 to vector<16xi32>
    %ge3A_2763 = arith.cmpi sge, %sub3A_2745, %ge3A_2762 : vector<16xi32>
    %and3A_2764 = arith.andi %and3A_2760, %ge3A_2763 : vector<16xi1>
    %lt3A_2765 = arith.constant 7 : i32
    %lt3A_2766 = vector.broadcast %lt3A_2765 : i32 to vector<16xi32>
    %lt3A_2767 = arith.cmpi slt, %sub3A_2745, %lt3A_2766 : vector<16xi32>
    %and3A_2768 = arith.andi %and3A_2764, %lt3A_2767 : vector<16xi1>
    %and3A_2769 = arith.andi %and3A_2768, %lt3A_1240 : vector<16xi1>
    %mul3A_2770 = arith.constant 49 : i32
    %mul3A_2771 = vector.broadcast %mul3A_2770 : i32 to vector<16xi32>
    %mul3A_2772 = arith.muli %sub3A_2743, %mul3A_2771 : vector<16xi32>
    %mul3A_2773 = arith.constant 7 : i32
    %mul3A_2774 = vector.broadcast %mul3A_2773 : i32 to vector<16xi32>
    %mul3A_2775 = arith.muli %sub3A_2744, %mul3A_2774 : vector<16xi32>
    %add3A_2776 = arith.addi %mul3A_2772, %mul3A_2775 : vector<16xi32>
    %add3A_2777 = arith.addi %add3A_2776, %sub3A_2745 : vector<16xi32>
    %jit3A_2778 = arith.constant 0 : i32
    %broadcast_in_dim3A_2779 = vector.broadcast %jit3A_2778 : i32 to vector<16xi32>
    %select_n3A_2780 = arith.select %and3A_2769, %add3A_2777, %broadcast_in_dim3A_2779 : vector<16xi1>, vector<16xi32>
    tpu.vector_store_idx %arg5[%broadcast_in_dim3A_2704, %select_n3A_2780], %mul3A_1237 masked %and3A_2769 {add = true} : memref<12x343xf32, #tpu.memory_space<vmem>>[vector<16xi32>, vector<16xi32>], vector<16xf32>, vector<16xi1>
    %sub3A_2781 = arith.subi %mul3A_1262, %min3A_2646 : vector<16xi32>
    %sub3A_2782 = arith.subi %mul3A_1281, %min3A_2674 : vector<16xi32>
    %sub3A_2783 = arith.subi %mul3A_1300, %min3A_2702 : vector<16xi32>
    %ge3A_2784 = arith.constant 0 : i32
    %ge3A_2785 = vector.broadcast %ge3A_2784 : i32 to vector<16xi32>
    %ge3A_2786 = arith.cmpi sge, %sub3A_2781, %ge3A_2785 : vector<16xi32>
    %lt3A_2787 = arith.constant 7 : i32
    %lt3A_2788 = vector.broadcast %lt3A_2787 : i32 to vector<16xi32>
    %lt3A_2789 = arith.cmpi slt, %sub3A_2781, %lt3A_2788 : vector<16xi32>
    %and3A_2790 = arith.andi %ge3A_2786, %lt3A_2789 : vector<16xi1>
    %ge3A_2791 = arith.constant 0 : i32
    %ge3A_2792 = vector.broadcast %ge3A_2791 : i32 to vector<16xi32>
    %ge3A_2793 = arith.cmpi sge, %sub3A_2782, %ge3A_2792 : vector<16xi32>
    %and3A_2794 = arith.andi %and3A_2790, %ge3A_2793 : vector<16xi1>
    %lt3A_2795 = arith.constant 7 : i32
    %lt3A_2796 = vector.broadcast %lt3A_2795 : i32 to vector<16xi32>
    %lt3A_2797 = arith.cmpi slt, %sub3A_2782, %lt3A_2796 : vector<16xi32>
    %and3A_2798 = arith.andi %and3A_2794, %lt3A_2797 : vector<16xi1>
    %ge3A_2799 = arith.constant 0 : i32
    %ge3A_2800 = vector.broadcast %ge3A_2799 : i32 to vector<16xi32>
    %ge3A_2801 = arith.cmpi sge, %sub3A_2783, %ge3A_2800 : vector<16xi32>
    %and3A_2802 = arith.andi %and3A_2798, %ge3A_2801 : vector<16xi1>
    %lt3A_2803 = arith.constant 7 : i32
    %lt3A_2804 = vector.broadcast %lt3A_2803 : i32 to vector<16xi32>
    %lt3A_2805 = arith.cmpi slt, %sub3A_2783, %lt3A_2804 : vector<16xi32>
    %and3A_2806 = arith.andi %and3A_2802, %lt3A_2805 : vector<16xi1>
    %and3A_2807 = arith.andi %and3A_2806, %lt3A_1314 : vector<16xi1>
    %mul3A_2808 = arith.constant 49 : i32
    %mul3A_2809 = vector.broadcast %mul3A_2808 : i32 to vector<16xi32>
    %mul3A_2810 = arith.muli %sub3A_2781, %mul3A_2809 : vector<16xi32>
    %mul3A_2811 = arith.constant 7 : i32
    %mul3A_2812 = vector.broadcast %mul3A_2811 : i32 to vector<16xi32>
    %mul3A_2813 = arith.muli %sub3A_2782, %mul3A_2812 : vector<16xi32>
    %add3A_2814 = arith.addi %mul3A_2810, %mul3A_2813 : vector<16xi32>
    %add3A_2815 = arith.addi %add3A_2814, %sub3A_2783 : vector<16xi32>
    %jit3A_2816 = arith.constant 0 : i32
    %broadcast_in_dim3A_2817 = vector.broadcast %jit3A_2816 : i32 to vector<16xi32>
    %select_n3A_2818 = arith.select %and3A_2807, %add3A_2815, %broadcast_in_dim3A_2817 : vector<16xi1>, vector<16xi32>
    tpu.vector_store_idx %arg5[%broadcast_in_dim3A_2704, %select_n3A_2818], %mul3A_1311 masked %and3A_2807 {add = true} : memref<12x343xf32, #tpu.memory_space<vmem>>[vector<16xi32>, vector<16xi32>], vector<16xf32>, vector<16xi1>
    %sub3A_2819 = arith.subi %add3A_1353, %min3A_2646 : vector<16xi32>
    %sub3A_2820 = arith.subi %add3A_1383, %min3A_2674 : vector<16xi32>
    %sub3A_2821 = arith.subi %add3A_1413, %min3A_2702 : vector<16xi32>
    %ge3A_2822 = arith.constant 0 : i32
    %ge3A_2823 = vector.broadcast %ge3A_2822 : i32 to vector<16xi32>
    %ge3A_2824 = arith.cmpi sge, %sub3A_2819, %ge3A_2823 : vector<16xi32>
    %lt3A_2825 = arith.constant 7 : i32
    %lt3A_2826 = vector.broadcast %lt3A_2825 : i32 to vector<16xi32>
    %lt3A_2827 = arith.cmpi slt, %sub3A_2819, %lt3A_2826 : vector<16xi32>
    %and3A_2828 = arith.andi %ge3A_2824, %lt3A_2827 : vector<16xi1>
    %ge3A_2829 = arith.constant 0 : i32
    %ge3A_2830 = vector.broadcast %ge3A_2829 : i32 to vector<16xi32>
    %ge3A_2831 = arith.cmpi sge, %sub3A_2820, %ge3A_2830 : vector<16xi32>
    %and3A_2832 = arith.andi %and3A_2828, %ge3A_2831 : vector<16xi1>
    %lt3A_2833 = arith.constant 7 : i32
    %lt3A_2834 = vector.broadcast %lt3A_2833 : i32 to vector<16xi32>
    %lt3A_2835 = arith.cmpi slt, %sub3A_2820, %lt3A_2834 : vector<16xi32>
    %and3A_2836 = arith.andi %and3A_2832, %lt3A_2835 : vector<16xi1>
    %ge3A_2837 = arith.constant 0 : i32
    %ge3A_2838 = vector.broadcast %ge3A_2837 : i32 to vector<16xi32>
    %ge3A_2839 = arith.cmpi sge, %sub3A_2821, %ge3A_2838 : vector<16xi32>
    %and3A_2840 = arith.andi %and3A_2836, %ge3A_2839 : vector<16xi1>
    %lt3A_2841 = arith.constant 7 : i32
    %lt3A_2842 = vector.broadcast %lt3A_2841 : i32 to vector<16xi32>
    %lt3A_2843 = arith.cmpi slt, %sub3A_2821, %lt3A_2842 : vector<16xi32>
    %and3A_2844 = arith.andi %and3A_2840, %lt3A_2843 : vector<16xi1>
    %and3A_2845 = arith.andi %and3A_2844, %lt3A_1320 : vector<16xi1>
    %mul3A_2846 = arith.constant 49 : i32
    %mul3A_2847 = vector.broadcast %mul3A_2846 : i32 to vector<16xi32>
    %mul3A_2848 = arith.muli %sub3A_2819, %mul3A_2847 : vector<16xi32>
    %mul3A_2849 = arith.constant 7 : i32
    %mul3A_2850 = vector.broadcast %mul3A_2849 : i32 to vector<16xi32>
    %mul3A_2851 = arith.muli %sub3A_2820, %mul3A_2850 : vector<16xi32>
    %add3A_2852 = arith.addi %mul3A_2848, %mul3A_2851 : vector<16xi32>
    %add3A_2853 = arith.addi %add3A_2852, %sub3A_2821 : vector<16xi32>
    %jit3A_2854 = arith.constant 0 : i32
    %broadcast_in_dim3A_2855 = vector.broadcast %jit3A_2854 : i32 to vector<16xi32>
    %select_n3A_2856 = arith.select %and3A_2845, %add3A_2853, %broadcast_in_dim3A_2855 : vector<16xi1>, vector<16xi32>
    tpu.vector_store_idx %arg5[%broadcast_in_dim3A_2704, %select_n3A_2856], %mul3A_1433 masked %and3A_2845 {add = true} : memref<12x343xf32, #tpu.memory_space<vmem>>[vector<16xi32>, vector<16xi32>], vector<16xf32>, vector<16xi1>
    %sub3A_2857 = arith.subi %add3A_1472, %min3A_2646 : vector<16xi32>
    %sub3A_2858 = arith.subi %add3A_1502, %min3A_2674 : vector<16xi32>
    %sub3A_2859 = arith.subi %add3A_1532, %min3A_2702 : vector<16xi32>
    %ge3A_2860 = arith.constant 0 : i32
    %ge3A_2861 = vector.broadcast %ge3A_2860 : i32 to vector<16xi32>
    %ge3A_2862 = arith.cmpi sge, %sub3A_2857, %ge3A_2861 : vector<16xi32>
    %lt3A_2863 = arith.constant 7 : i32
    %lt3A_2864 = vector.broadcast %lt3A_2863 : i32 to vector<16xi32>
    %lt3A_2865 = arith.cmpi slt, %sub3A_2857, %lt3A_2864 : vector<16xi32>
    %and3A_2866 = arith.andi %ge3A_2862, %lt3A_2865 : vector<16xi1>
    %ge3A_2867 = arith.constant 0 : i32
    %ge3A_2868 = vector.broadcast %ge3A_2867 : i32 to vector<16xi32>
    %ge3A_2869 = arith.cmpi sge, %sub3A_2858, %ge3A_2868 : vector<16xi32>
    %and3A_2870 = arith.andi %and3A_2866, %ge3A_2869 : vector<16xi1>
    %lt3A_2871 = arith.constant 7 : i32
    %lt3A_2872 = vector.broadcast %lt3A_2871 : i32 to vector<16xi32>
    %lt3A_2873 = arith.cmpi slt, %sub3A_2858, %lt3A_2872 : vector<16xi32>
    %and3A_2874 = arith.andi %and3A_2870, %lt3A_2873 : vector<16xi1>
    %ge3A_2875 = arith.constant 0 : i32
    %ge3A_2876 = vector.broadcast %ge3A_2875 : i32 to vector<16xi32>
    %ge3A_2877 = arith.cmpi sge, %sub3A_2859, %ge3A_2876 : vector<16xi32>
    %and3A_2878 = arith.andi %and3A_2874, %ge3A_2877 : vector<16xi1>
    %lt3A_2879 = arith.constant 7 : i32
    %lt3A_2880 = vector.broadcast %lt3A_2879 : i32 to vector<16xi32>
    %lt3A_2881 = arith.cmpi slt, %sub3A_2859, %lt3A_2880 : vector<16xi32>
    %and3A_2882 = arith.andi %and3A_2878, %lt3A_2881 : vector<16xi1>
    %and3A_2883 = arith.andi %and3A_2882, %lt3A_1439 : vector<16xi1>
    %mul3A_2884 = arith.constant 49 : i32
    %mul3A_2885 = vector.broadcast %mul3A_2884 : i32 to vector<16xi32>
    %mul3A_2886 = arith.muli %sub3A_2857, %mul3A_2885 : vector<16xi32>
    %mul3A_2887 = arith.constant 7 : i32
    %mul3A_2888 = vector.broadcast %mul3A_2887 : i32 to vector<16xi32>
    %mul3A_2889 = arith.muli %sub3A_2858, %mul3A_2888 : vector<16xi32>
    %add3A_2890 = arith.addi %mul3A_2886, %mul3A_2889 : vector<16xi32>
    %add3A_2891 = arith.addi %add3A_2890, %sub3A_2859 : vector<16xi32>
    %jit3A_2892 = arith.constant 0 : i32
    %broadcast_in_dim3A_2893 = vector.broadcast %jit3A_2892 : i32 to vector<16xi32>
    %select_n3A_2894 = arith.select %and3A_2883, %add3A_2891, %broadcast_in_dim3A_2893 : vector<16xi1>, vector<16xi32>
    tpu.vector_store_idx %arg5[%broadcast_in_dim3A_2704, %select_n3A_2894], %mul3A_1552 masked %and3A_2883 {add = true} : memref<12x343xf32, #tpu.memory_space<vmem>>[vector<16xi32>, vector<16xi32>], vector<16xf32>, vector<16xi1>
    %sub3A_2895 = arith.subi %add3A_1591, %min3A_2646 : vector<16xi32>
    %sub3A_2896 = arith.subi %add3A_1621, %min3A_2674 : vector<16xi32>
    %sub3A_2897 = arith.subi %add3A_1651, %min3A_2702 : vector<16xi32>
    %ge3A_2898 = arith.constant 0 : i32
    %ge3A_2899 = vector.broadcast %ge3A_2898 : i32 to vector<16xi32>
    %ge3A_2900 = arith.cmpi sge, %sub3A_2895, %ge3A_2899 : vector<16xi32>
    %lt3A_2901 = arith.constant 7 : i32
    %lt3A_2902 = vector.broadcast %lt3A_2901 : i32 to vector<16xi32>
    %lt3A_2903 = arith.cmpi slt, %sub3A_2895, %lt3A_2902 : vector<16xi32>
    %and3A_2904 = arith.andi %ge3A_2900, %lt3A_2903 : vector<16xi1>
    %ge3A_2905 = arith.constant 0 : i32
    %ge3A_2906 = vector.broadcast %ge3A_2905 : i32 to vector<16xi32>
    %ge3A_2907 = arith.cmpi sge, %sub3A_2896, %ge3A_2906 : vector<16xi32>
    %and3A_2908 = arith.andi %and3A_2904, %ge3A_2907 : vector<16xi1>
    %lt3A_2909 = arith.constant 7 : i32
    %lt3A_2910 = vector.broadcast %lt3A_2909 : i32 to vector<16xi32>
    %lt3A_2911 = arith.cmpi slt, %sub3A_2896, %lt3A_2910 : vector<16xi32>
    %and3A_2912 = arith.andi %and3A_2908, %lt3A_2911 : vector<16xi1>
    %ge3A_2913 = arith.constant 0 : i32
    %ge3A_2914 = vector.broadcast %ge3A_2913 : i32 to vector<16xi32>
    %ge3A_2915 = arith.cmpi sge, %sub3A_2897, %ge3A_2914 : vector<16xi32>
    %and3A_2916 = arith.andi %and3A_2912, %ge3A_2915 : vector<16xi1>
    %lt3A_2917 = arith.constant 7 : i32
    %lt3A_2918 = vector.broadcast %lt3A_2917 : i32 to vector<16xi32>
    %lt3A_2919 = arith.cmpi slt, %sub3A_2897, %lt3A_2918 : vector<16xi32>
    %and3A_2920 = arith.andi %and3A_2916, %lt3A_2919 : vector<16xi1>
    %and3A_2921 = arith.andi %and3A_2920, %lt3A_1558 : vector<16xi1>
    %mul3A_2922 = arith.constant 49 : i32
    %mul3A_2923 = vector.broadcast %mul3A_2922 : i32 to vector<16xi32>
    %mul3A_2924 = arith.muli %sub3A_2895, %mul3A_2923 : vector<16xi32>
    %mul3A_2925 = arith.constant 7 : i32
    %mul3A_2926 = vector.broadcast %mul3A_2925 : i32 to vector<16xi32>
    %mul3A_2927 = arith.muli %sub3A_2896, %mul3A_2926 : vector<16xi32>
    %add3A_2928 = arith.addi %mul3A_2924, %mul3A_2927 : vector<16xi32>
    %add3A_2929 = arith.addi %add3A_2928, %sub3A_2897 : vector<16xi32>
    %jit3A_2930 = arith.constant 0 : i32
    %broadcast_in_dim3A_2931 = vector.broadcast %jit3A_2930 : i32 to vector<16xi32>
    %select_n3A_2932 = arith.select %and3A_2921, %add3A_2929, %broadcast_in_dim3A_2931 : vector<16xi1>, vector<16xi32>
    tpu.vector_store_idx %arg5[%broadcast_in_dim3A_2704, %select_n3A_2932], %mul3A_1671 masked %and3A_2921 {add = true} : memref<12x343xf32, #tpu.memory_space<vmem>>[vector<16xi32>, vector<16xi32>], vector<16xf32>, vector<16xi1>
    %add3A_2933 = arith.constant 4 : i32
    %add3A_2934 = arith.addi %mul3A_32, %add3A_2933 : i32
    %mul3A_2935 = arith.constant 3 : i32
    %mul3A_2936 = arith.muli %add3A_2934, %mul3A_2935 : i32
    %broadcast_in_dim3A_2937 = vector.broadcast %mul3A_2936 : i32 to vector<16xi32>
    %shift_right_arithmetic3A_2938 = arith.constant 7 : i32
    %shift_right_arithmetic3A_2939 = vector.broadcast %shift_right_arithmetic3A_2938 : i32 to vector<16xi32>
    %shift_right_arithmetic3A_2940 = arith.shrsi %broadcast_in_dim3A_2937, %shift_right_arithmetic3A_2939 : vector<16xi32>
    %add3A_2941 = arith.constant 1 : i32
    %add3A_2942 = vector.broadcast %add3A_2941 : i32 to vector<16xi32>
    %add3A_2943 = arith.addi %shift_right_arithmetic3A_2940, %add3A_2942 : vector<16xi32>
    %and3A_2944 = arith.constant 127 : i32
    %and3A_2945 = vector.broadcast %and3A_2944 : i32 to vector<16xi32>
    %and3A_2946 = arith.andi %broadcast_in_dim3A_2937, %and3A_2945 : vector<16xi32>
    %gather3A_2947 = tpu.vector_load_idx %arg4[%add3A_2943, %and3A_2946] : memref<4x128xi32, #tpu.memory_space<vmem>>[vector<16xi32>, vector<16xi32>], vector<16xi32>,
    %add3A_2948 = arith.constant 47 : i32
    %add3A_2949 = vector.broadcast %add3A_2948 : i32 to vector<16xi32>
    %add3A_2950 = arith.addi %gather3A_2947, %add3A_2949 : vector<16xi32>
    %mul3A_2951 = arith.constant 2 : i32
    %mul3A_2952 = vector.broadcast %mul3A_2951 : i32 to vector<16xi32>
    %mul3A_2953 = arith.muli %mul3A_2952, %add3A_2950 : vector<16xi32>
    %sub3A_2954 = arith.constant 3 : i32
    %sub3A_2955 = vector.broadcast %sub3A_2954 : i32 to vector<16xi32>
    %sub3A_2956 = arith.subi %mul3A_2953, %sub3A_2955 : vector<16xi32>
    %jit3A_2957 = arith.constant 0 : i32
    %jit3A_2958 = arith.constant 182 : i32
    %max3A_2959 = vector.broadcast %jit3A_2957 : i32 to vector<16xi32>
    %max3A_2960 = arith.maxsi %max3A_2959, %sub3A_2956 : vector<16xi32>
    %min3A_2961 = vector.broadcast %jit3A_2958 : i32 to vector<16xi32>
    %min3A_2962 = arith.minsi %min3A_2961, %max3A_2960 : vector<16xi32>
    %add3A_2963 = arith.constant 1 : i32
    %add3A_2964 = arith.addi %mul3A_2936, %add3A_2963 : i32
    %broadcast_in_dim3A_2965 = vector.broadcast %add3A_2964 : i32 to vector<16xi32>
    %shift_right_arithmetic3A_2966 = arith.constant 7 : i32
    %shift_right_arithmetic3A_2967 = vector.broadcast %shift_right_arithmetic3A_2966 : i32 to vector<16xi32>
    %shift_right_arithmetic3A_2968 = arith.shrsi %broadcast_in_dim3A_2965, %shift_right_arithmetic3A_2967 : vector<16xi32>
    %add3A_2969 = arith.constant 1 : i32
    %add3A_2970 = vector.broadcast %add3A_2969 : i32 to vector<16xi32>
    %add3A_2971 = arith.addi %shift_right_arithmetic3A_2968, %add3A_2970 : vector<16xi32>
    %and3A_2972 = arith.constant 127 : i32
    %and3A_2973 = vector.broadcast %and3A_2972 : i32 to vector<16xi32>
    %and3A_2974 = arith.andi %broadcast_in_dim3A_2965, %and3A_2973 : vector<16xi32>
    %gather3A_2975 = tpu.vector_load_idx %arg4[%add3A_2971, %and3A_2974] : memref<4x128xi32, #tpu.memory_space<vmem>>[vector<16xi32>, vector<16xi32>], vector<16xi32>,
    %add3A_2976 = arith.constant 47 : i32
    %add3A_2977 = vector.broadcast %add3A_2976 : i32 to vector<16xi32>
    %add3A_2978 = arith.addi %gather3A_2975, %add3A_2977 : vector<16xi32>
    %mul3A_2979 = arith.constant 2 : i32
    %mul3A_2980 = vector.broadcast %mul3A_2979 : i32 to vector<16xi32>
    %mul3A_2981 = arith.muli %mul3A_2980, %add3A_2978 : vector<16xi32>
    %sub3A_2982 = arith.constant 3 : i32
    %sub3A_2983 = vector.broadcast %sub3A_2982 : i32 to vector<16xi32>
    %sub3A_2984 = arith.subi %mul3A_2981, %sub3A_2983 : vector<16xi32>
    %jit3A_2985 = arith.constant 0 : i32
    %jit3A_2986 = arith.constant 182 : i32
    %max3A_2987 = vector.broadcast %jit3A_2985 : i32 to vector<16xi32>
    %max3A_2988 = arith.maxsi %max3A_2987, %sub3A_2984 : vector<16xi32>
    %min3A_2989 = vector.broadcast %jit3A_2986 : i32 to vector<16xi32>
    %min3A_2990 = arith.minsi %min3A_2989, %max3A_2988 : vector<16xi32>
    %add3A_2991 = arith.constant 2 : i32
    %add3A_2992 = arith.addi %mul3A_2936, %add3A_2991 : i32
    %broadcast_in_dim3A_2993 = vector.broadcast %add3A_2992 : i32 to vector<16xi32>
    %shift_right_arithmetic3A_2994 = arith.constant 7 : i32
    %shift_right_arithmetic3A_2995 = vector.broadcast %shift_right_arithmetic3A_2994 : i32 to vector<16xi32>
    %shift_right_arithmetic3A_2996 = arith.shrsi %broadcast_in_dim3A_2993, %shift_right_arithmetic3A_2995 : vector<16xi32>
    %add3A_2997 = arith.constant 1 : i32
    %add3A_2998 = vector.broadcast %add3A_2997 : i32 to vector<16xi32>
    %add3A_2999 = arith.addi %shift_right_arithmetic3A_2996, %add3A_2998 : vector<16xi32>
    %and3A_3000 = arith.constant 127 : i32
    %and3A_3001 = vector.broadcast %and3A_3000 : i32 to vector<16xi32>
    %and3A_3002 = arith.andi %broadcast_in_dim3A_2993, %and3A_3001 : vector<16xi32>
    %gather3A_3003 = tpu.vector_load_idx %arg4[%add3A_2999, %and3A_3002] : memref<4x128xi32, #tpu.memory_space<vmem>>[vector<16xi32>, vector<16xi32>], vector<16xi32>,
    %add3A_3004 = arith.constant 47 : i32
    %add3A_3005 = vector.broadcast %add3A_3004 : i32 to vector<16xi32>
    %add3A_3006 = arith.addi %gather3A_3003, %add3A_3005 : vector<16xi32>
    %mul3A_3007 = arith.constant 2 : i32
    %mul3A_3008 = vector.broadcast %mul3A_3007 : i32 to vector<16xi32>
    %mul3A_3009 = arith.muli %mul3A_3008, %add3A_3006 : vector<16xi32>
    %sub3A_3010 = arith.constant 3 : i32
    %sub3A_3011 = vector.broadcast %sub3A_3010 : i32 to vector<16xi32>
    %sub3A_3012 = arith.subi %mul3A_3009, %sub3A_3011 : vector<16xi32>
    %jit3A_3013 = arith.constant 0 : i32
    %jit3A_3014 = arith.constant 182 : i32
    %max3A_3015 = vector.broadcast %jit3A_3013 : i32 to vector<16xi32>
    %max3A_3016 = arith.maxsi %max3A_3015, %sub3A_3012 : vector<16xi32>
    %min3A_3017 = vector.broadcast %jit3A_3014 : i32 to vector<16xi32>
    %min3A_3018 = arith.minsi %min3A_3017, %max3A_3016 : vector<16xi32>
    %broadcast_in_dim3A_3019 = arith.constant 4 : i32
    %broadcast_in_dim3A_3020 = vector.broadcast %broadcast_in_dim3A_3019 : i32 to vector<16xi32>
    %sub3A_3021 = arith.subi %mul3A_1116, %min3A_2962 : vector<16xi32>
    %sub3A_3022 = arith.subi %mul3A_1135, %min3A_2990 : vector<16xi32>
    %sub3A_3023 = arith.subi %mul3A_1154, %min3A_3018 : vector<16xi32>
    %ge3A_3024 = arith.constant 0 : i32
    %ge3A_3025 = vector.broadcast %ge3A_3024 : i32 to vector<16xi32>
    %ge3A_3026 = arith.cmpi sge, %sub3A_3021, %ge3A_3025 : vector<16xi32>
    %lt3A_3027 = arith.constant 7 : i32
    %lt3A_3028 = vector.broadcast %lt3A_3027 : i32 to vector<16xi32>
    %lt3A_3029 = arith.cmpi slt, %sub3A_3021, %lt3A_3028 : vector<16xi32>
    %and3A_3030 = arith.andi %ge3A_3026, %lt3A_3029 : vector<16xi1>
    %ge3A_3031 = arith.constant 0 : i32
    %ge3A_3032 = vector.broadcast %ge3A_3031 : i32 to vector<16xi32>
    %ge3A_3033 = arith.cmpi sge, %sub3A_3022, %ge3A_3032 : vector<16xi32>
    %and3A_3034 = arith.andi %and3A_3030, %ge3A_3033 : vector<16xi1>
    %lt3A_3035 = arith.constant 7 : i32
    %lt3A_3036 = vector.broadcast %lt3A_3035 : i32 to vector<16xi32>
    %lt3A_3037 = arith.cmpi slt, %sub3A_3022, %lt3A_3036 : vector<16xi32>
    %and3A_3038 = arith.andi %and3A_3034, %lt3A_3037 : vector<16xi1>
    %ge3A_3039 = arith.constant 0 : i32
    %ge3A_3040 = vector.broadcast %ge3A_3039 : i32 to vector<16xi32>
    %ge3A_3041 = arith.cmpi sge, %sub3A_3023, %ge3A_3040 : vector<16xi32>
    %and3A_3042 = arith.andi %and3A_3038, %ge3A_3041 : vector<16xi1>
    %lt3A_3043 = arith.constant 7 : i32
    %lt3A_3044 = vector.broadcast %lt3A_3043 : i32 to vector<16xi32>
    %lt3A_3045 = arith.cmpi slt, %sub3A_3023, %lt3A_3044 : vector<16xi32>
    %and3A_3046 = arith.andi %and3A_3042, %lt3A_3045 : vector<16xi1>
    %and3A_3047 = arith.andi %and3A_3046, %lt3A_1166 : vector<16xi1>
    %mul3A_3048 = arith.constant 49 : i32
    %mul3A_3049 = vector.broadcast %mul3A_3048 : i32 to vector<16xi32>
    %mul3A_3050 = arith.muli %sub3A_3021, %mul3A_3049 : vector<16xi32>
    %mul3A_3051 = arith.constant 7 : i32
    %mul3A_3052 = vector.broadcast %mul3A_3051 : i32 to vector<16xi32>
    %mul3A_3053 = arith.muli %sub3A_3022, %mul3A_3052 : vector<16xi32>
    %add3A_3054 = arith.addi %mul3A_3050, %mul3A_3053 : vector<16xi32>
    %add3A_3055 = arith.addi %add3A_3054, %sub3A_3023 : vector<16xi32>
    %jit3A_3056 = arith.constant 0 : i32
    %broadcast_in_dim3A_3057 = vector.broadcast %jit3A_3056 : i32 to vector<16xi32>
    %select_n3A_3058 = arith.select %and3A_3047, %add3A_3055, %broadcast_in_dim3A_3057 : vector<16xi1>, vector<16xi32>
    tpu.vector_store_idx %arg5[%broadcast_in_dim3A_3020, %select_n3A_3058], %mul3A_1163 masked %and3A_3047 {add = true} : memref<12x343xf32, #tpu.memory_space<vmem>>[vector<16xi32>, vector<16xi32>], vector<16xf32>, vector<16xi1>
    %sub3A_3059 = arith.subi %mul3A_1188, %min3A_2962 : vector<16xi32>
    %sub3A_3060 = arith.subi %mul3A_1207, %min3A_2990 : vector<16xi32>
    %sub3A_3061 = arith.subi %mul3A_1226, %min3A_3018 : vector<16xi32>
    %ge3A_3062 = arith.constant 0 : i32
    %ge3A_3063 = vector.broadcast %ge3A_3062 : i32 to vector<16xi32>
    %ge3A_3064 = arith.cmpi sge, %sub3A_3059, %ge3A_3063 : vector<16xi32>
    %lt3A_3065 = arith.constant 7 : i32
    %lt3A_3066 = vector.broadcast %lt3A_3065 : i32 to vector<16xi32>
    %lt3A_3067 = arith.cmpi slt, %sub3A_3059, %lt3A_3066 : vector<16xi32>
    %and3A_3068 = arith.andi %ge3A_3064, %lt3A_3067 : vector<16xi1>
    %ge3A_3069 = arith.constant 0 : i32
    %ge3A_3070 = vector.broadcast %ge3A_3069 : i32 to vector<16xi32>
    %ge3A_3071 = arith.cmpi sge, %sub3A_3060, %ge3A_3070 : vector<16xi32>
    %and3A_3072 = arith.andi %and3A_3068, %ge3A_3071 : vector<16xi1>
    %lt3A_3073 = arith.constant 7 : i32
    %lt3A_3074 = vector.broadcast %lt3A_3073 : i32 to vector<16xi32>
    %lt3A_3075 = arith.cmpi slt, %sub3A_3060, %lt3A_3074 : vector<16xi32>
    %and3A_3076 = arith.andi %and3A_3072, %lt3A_3075 : vector<16xi1>
    %ge3A_3077 = arith.constant 0 : i32
    %ge3A_3078 = vector.broadcast %ge3A_3077 : i32 to vector<16xi32>
    %ge3A_3079 = arith.cmpi sge, %sub3A_3061, %ge3A_3078 : vector<16xi32>
    %and3A_3080 = arith.andi %and3A_3076, %ge3A_3079 : vector<16xi1>
    %lt3A_3081 = arith.constant 7 : i32
    %lt3A_3082 = vector.broadcast %lt3A_3081 : i32 to vector<16xi32>
    %lt3A_3083 = arith.cmpi slt, %sub3A_3061, %lt3A_3082 : vector<16xi32>
    %and3A_3084 = arith.andi %and3A_3080, %lt3A_3083 : vector<16xi1>
    %and3A_3085 = arith.andi %and3A_3084, %lt3A_1240 : vector<16xi1>
    %mul3A_3086 = arith.constant 49 : i32
    %mul3A_3087 = vector.broadcast %mul3A_3086 : i32 to vector<16xi32>
    %mul3A_3088 = arith.muli %sub3A_3059, %mul3A_3087 : vector<16xi32>
    %mul3A_3089 = arith.constant 7 : i32
    %mul3A_3090 = vector.broadcast %mul3A_3089 : i32 to vector<16xi32>
    %mul3A_3091 = arith.muli %sub3A_3060, %mul3A_3090 : vector<16xi32>
    %add3A_3092 = arith.addi %mul3A_3088, %mul3A_3091 : vector<16xi32>
    %add3A_3093 = arith.addi %add3A_3092, %sub3A_3061 : vector<16xi32>
    %jit3A_3094 = arith.constant 0 : i32
    %broadcast_in_dim3A_3095 = vector.broadcast %jit3A_3094 : i32 to vector<16xi32>
    %select_n3A_3096 = arith.select %and3A_3085, %add3A_3093, %broadcast_in_dim3A_3095 : vector<16xi1>, vector<16xi32>
    tpu.vector_store_idx %arg5[%broadcast_in_dim3A_3020, %select_n3A_3096], %mul3A_1237 masked %and3A_3085 {add = true} : memref<12x343xf32, #tpu.memory_space<vmem>>[vector<16xi32>, vector<16xi32>], vector<16xf32>, vector<16xi1>
    %sub3A_3097 = arith.subi %mul3A_1262, %min3A_2962 : vector<16xi32>
    %sub3A_3098 = arith.subi %mul3A_1281, %min3A_2990 : vector<16xi32>
    %sub3A_3099 = arith.subi %mul3A_1300, %min3A_3018 : vector<16xi32>
    %ge3A_3100 = arith.constant 0 : i32
    %ge3A_3101 = vector.broadcast %ge3A_3100 : i32 to vector<16xi32>
    %ge3A_3102 = arith.cmpi sge, %sub3A_3097, %ge3A_3101 : vector<16xi32>
    %lt3A_3103 = arith.constant 7 : i32
    %lt3A_3104 = vector.broadcast %lt3A_3103 : i32 to vector<16xi32>
    %lt3A_3105 = arith.cmpi slt, %sub3A_3097, %lt3A_3104 : vector<16xi32>
    %and3A_3106 = arith.andi %ge3A_3102, %lt3A_3105 : vector<16xi1>
    %ge3A_3107 = arith.constant 0 : i32
    %ge3A_3108 = vector.broadcast %ge3A_3107 : i32 to vector<16xi32>
    %ge3A_3109 = arith.cmpi sge, %sub3A_3098, %ge3A_3108 : vector<16xi32>
    %and3A_3110 = arith.andi %and3A_3106, %ge3A_3109 : vector<16xi1>
    %lt3A_3111 = arith.constant 7 : i32
    %lt3A_3112 = vector.broadcast %lt3A_3111 : i32 to vector<16xi32>
    %lt3A_3113 = arith.cmpi slt, %sub3A_3098, %lt3A_3112 : vector<16xi32>
    %and3A_3114 = arith.andi %and3A_3110, %lt3A_3113 : vector<16xi1>
    %ge3A_3115 = arith.constant 0 : i32
    %ge3A_3116 = vector.broadcast %ge3A_3115 : i32 to vector<16xi32>
    %ge3A_3117 = arith.cmpi sge, %sub3A_3099, %ge3A_3116 : vector<16xi32>
    %and3A_3118 = arith.andi %and3A_3114, %ge3A_3117 : vector<16xi1>
    %lt3A_3119 = arith.constant 7 : i32
    %lt3A_3120 = vector.broadcast %lt3A_3119 : i32 to vector<16xi32>
    %lt3A_3121 = arith.cmpi slt, %sub3A_3099, %lt3A_3120 : vector<16xi32>
    %and3A_3122 = arith.andi %and3A_3118, %lt3A_3121 : vector<16xi1>
    %and3A_3123 = arith.andi %and3A_3122, %lt3A_1314 : vector<16xi1>
    %mul3A_3124 = arith.constant 49 : i32
    %mul3A_3125 = vector.broadcast %mul3A_3124 : i32 to vector<16xi32>
    %mul3A_3126 = arith.muli %sub3A_3097, %mul3A_3125 : vector<16xi32>
    %mul3A_3127 = arith.constant 7 : i32
    %mul3A_3128 = vector.broadcast %mul3A_3127 : i32 to vector<16xi32>
    %mul3A_3129 = arith.muli %sub3A_3098, %mul3A_3128 : vector<16xi32>
    %add3A_3130 = arith.addi %mul3A_3126, %mul3A_3129 : vector<16xi32>
    %add3A_3131 = arith.addi %add3A_3130, %sub3A_3099 : vector<16xi32>
    %jit3A_3132 = arith.constant 0 : i32
    %broadcast_in_dim3A_3133 = vector.broadcast %jit3A_3132 : i32 to vector<16xi32>
    %select_n3A_3134 = arith.select %and3A_3123, %add3A_3131, %broadcast_in_dim3A_3133 : vector<16xi1>, vector<16xi32>
    tpu.vector_store_idx %arg5[%broadcast_in_dim3A_3020, %select_n3A_3134], %mul3A_1311 masked %and3A_3123 {add = true} : memref<12x343xf32, #tpu.memory_space<vmem>>[vector<16xi32>, vector<16xi32>], vector<16xf32>, vector<16xi1>
    %sub3A_3135 = arith.subi %add3A_1353, %min3A_2962 : vector<16xi32>
    %sub3A_3136 = arith.subi %add3A_1383, %min3A_2990 : vector<16xi32>
    %sub3A_3137 = arith.subi %add3A_1413, %min3A_3018 : vector<16xi32>
    %ge3A_3138 = arith.constant 0 : i32
    %ge3A_3139 = vector.broadcast %ge3A_3138 : i32 to vector<16xi32>
    %ge3A_3140 = arith.cmpi sge, %sub3A_3135, %ge3A_3139 : vector<16xi32>
    %lt3A_3141 = arith.constant 7 : i32
    %lt3A_3142 = vector.broadcast %lt3A_3141 : i32 to vector<16xi32>
    %lt3A_3143 = arith.cmpi slt, %sub3A_3135, %lt3A_3142 : vector<16xi32>
    %and3A_3144 = arith.andi %ge3A_3140, %lt3A_3143 : vector<16xi1>
    %ge3A_3145 = arith.constant 0 : i32
    %ge3A_3146 = vector.broadcast %ge3A_3145 : i32 to vector<16xi32>
    %ge3A_3147 = arith.cmpi sge, %sub3A_3136, %ge3A_3146 : vector<16xi32>
    %and3A_3148 = arith.andi %and3A_3144, %ge3A_3147 : vector<16xi1>
    %lt3A_3149 = arith.constant 7 : i32
    %lt3A_3150 = vector.broadcast %lt3A_3149 : i32 to vector<16xi32>
    %lt3A_3151 = arith.cmpi slt, %sub3A_3136, %lt3A_3150 : vector<16xi32>
    %and3A_3152 = arith.andi %and3A_3148, %lt3A_3151 : vector<16xi1>
    %ge3A_3153 = arith.constant 0 : i32
    %ge3A_3154 = vector.broadcast %ge3A_3153 : i32 to vector<16xi32>
    %ge3A_3155 = arith.cmpi sge, %sub3A_3137, %ge3A_3154 : vector<16xi32>
    %and3A_3156 = arith.andi %and3A_3152, %ge3A_3155 : vector<16xi1>
    %lt3A_3157 = arith.constant 7 : i32
    %lt3A_3158 = vector.broadcast %lt3A_3157 : i32 to vector<16xi32>
    %lt3A_3159 = arith.cmpi slt, %sub3A_3137, %lt3A_3158 : vector<16xi32>
    %and3A_3160 = arith.andi %and3A_3156, %lt3A_3159 : vector<16xi1>
    %and3A_3161 = arith.andi %and3A_3160, %lt3A_1320 : vector<16xi1>
    %mul3A_3162 = arith.constant 49 : i32
    %mul3A_3163 = vector.broadcast %mul3A_3162 : i32 to vector<16xi32>
    %mul3A_3164 = arith.muli %sub3A_3135, %mul3A_3163 : vector<16xi32>
    %mul3A_3165 = arith.constant 7 : i32
    %mul3A_3166 = vector.broadcast %mul3A_3165 : i32 to vector<16xi32>
    %mul3A_3167 = arith.muli %sub3A_3136, %mul3A_3166 : vector<16xi32>
    %add3A_3168 = arith.addi %mul3A_3164, %mul3A_3167 : vector<16xi32>
    %add3A_3169 = arith.addi %add3A_3168, %sub3A_3137 : vector<16xi32>
    %jit3A_3170 = arith.constant 0 : i32
    %broadcast_in_dim3A_3171 = vector.broadcast %jit3A_3170 : i32 to vector<16xi32>
    %select_n3A_3172 = arith.select %and3A_3161, %add3A_3169, %broadcast_in_dim3A_3171 : vector<16xi1>, vector<16xi32>
    tpu.vector_store_idx %arg5[%broadcast_in_dim3A_3020, %select_n3A_3172], %mul3A_1433 masked %and3A_3161 {add = true} : memref<12x343xf32, #tpu.memory_space<vmem>>[vector<16xi32>, vector<16xi32>], vector<16xf32>, vector<16xi1>
    %sub3A_3173 = arith.subi %add3A_1472, %min3A_2962 : vector<16xi32>
    %sub3A_3174 = arith.subi %add3A_1502, %min3A_2990 : vector<16xi32>
    %sub3A_3175 = arith.subi %add3A_1532, %min3A_3018 : vector<16xi32>
    %ge3A_3176 = arith.constant 0 : i32
    %ge3A_3177 = vector.broadcast %ge3A_3176 : i32 to vector<16xi32>
    %ge3A_3178 = arith.cmpi sge, %sub3A_3173, %ge3A_3177 : vector<16xi32>
    %lt3A_3179 = arith.constant 7 : i32
    %lt3A_3180 = vector.broadcast %lt3A_3179 : i32 to vector<16xi32>
    %lt3A_3181 = arith.cmpi slt, %sub3A_3173, %lt3A_3180 : vector<16xi32>
    %and3A_3182 = arith.andi %ge3A_3178, %lt3A_3181 : vector<16xi1>
    %ge3A_3183 = arith.constant 0 : i32
    %ge3A_3184 = vector.broadcast %ge3A_3183 : i32 to vector<16xi32>
    %ge3A_3185 = arith.cmpi sge, %sub3A_3174, %ge3A_3184 : vector<16xi32>
    %and3A_3186 = arith.andi %and3A_3182, %ge3A_3185 : vector<16xi1>
    %lt3A_3187 = arith.constant 7 : i32
    %lt3A_3188 = vector.broadcast %lt3A_3187 : i32 to vector<16xi32>
    %lt3A_3189 = arith.cmpi slt, %sub3A_3174, %lt3A_3188 : vector<16xi32>
    %and3A_3190 = arith.andi %and3A_3186, %lt3A_3189 : vector<16xi1>
    %ge3A_3191 = arith.constant 0 : i32
    %ge3A_3192 = vector.broadcast %ge3A_3191 : i32 to vector<16xi32>
    %ge3A_3193 = arith.cmpi sge, %sub3A_3175, %ge3A_3192 : vector<16xi32>
    %and3A_3194 = arith.andi %and3A_3190, %ge3A_3193 : vector<16xi1>
    %lt3A_3195 = arith.constant 7 : i32
    %lt3A_3196 = vector.broadcast %lt3A_3195 : i32 to vector<16xi32>
    %lt3A_3197 = arith.cmpi slt, %sub3A_3175, %lt3A_3196 : vector<16xi32>
    %and3A_3198 = arith.andi %and3A_3194, %lt3A_3197 : vector<16xi1>
    %and3A_3199 = arith.andi %and3A_3198, %lt3A_1439 : vector<16xi1>
    %mul3A_3200 = arith.constant 49 : i32
    %mul3A_3201 = vector.broadcast %mul3A_3200 : i32 to vector<16xi32>
    %mul3A_3202 = arith.muli %sub3A_3173, %mul3A_3201 : vector<16xi32>
    %mul3A_3203 = arith.constant 7 : i32
    %mul3A_3204 = vector.broadcast %mul3A_3203 : i32 to vector<16xi32>
    %mul3A_3205 = arith.muli %sub3A_3174, %mul3A_3204 : vector<16xi32>
    %add3A_3206 = arith.addi %mul3A_3202, %mul3A_3205 : vector<16xi32>
    %add3A_3207 = arith.addi %add3A_3206, %sub3A_3175 : vector<16xi32>
    %jit3A_3208 = arith.constant 0 : i32
    %broadcast_in_dim3A_3209 = vector.broadcast %jit3A_3208 : i32 to vector<16xi32>
    %select_n3A_3210 = arith.select %and3A_3199, %add3A_3207, %broadcast_in_dim3A_3209 : vector<16xi1>, vector<16xi32>
    tpu.vector_store_idx %arg5[%broadcast_in_dim3A_3020, %select_n3A_3210], %mul3A_1552 masked %and3A_3199 {add = true} : memref<12x343xf32, #tpu.memory_space<vmem>>[vector<16xi32>, vector<16xi32>], vector<16xf32>, vector<16xi1>
    %sub3A_3211 = arith.subi %add3A_1591, %min3A_2962 : vector<16xi32>
    %sub3A_3212 = arith.subi %add3A_1621, %min3A_2990 : vector<16xi32>
    %sub3A_3213 = arith.subi %add3A_1651, %min3A_3018 : vector<16xi32>
    %ge3A_3214 = arith.constant 0 : i32
    %ge3A_3215 = vector.broadcast %ge3A_3214 : i32 to vector<16xi32>
    %ge3A_3216 = arith.cmpi sge, %sub3A_3211, %ge3A_3215 : vector<16xi32>
    %lt3A_3217 = arith.constant 7 : i32
    %lt3A_3218 = vector.broadcast %lt3A_3217 : i32 to vector<16xi32>
    %lt3A_3219 = arith.cmpi slt, %sub3A_3211, %lt3A_3218 : vector<16xi32>
    %and3A_3220 = arith.andi %ge3A_3216, %lt3A_3219 : vector<16xi1>
    %ge3A_3221 = arith.constant 0 : i32
    %ge3A_3222 = vector.broadcast %ge3A_3221 : i32 to vector<16xi32>
    %ge3A_3223 = arith.cmpi sge, %sub3A_3212, %ge3A_3222 : vector<16xi32>
    %and3A_3224 = arith.andi %and3A_3220, %ge3A_3223 : vector<16xi1>
    %lt3A_3225 = arith.constant 7 : i32
    %lt3A_3226 = vector.broadcast %lt3A_3225 : i32 to vector<16xi32>
    %lt3A_3227 = arith.cmpi slt, %sub3A_3212, %lt3A_3226 : vector<16xi32>
    %and3A_3228 = arith.andi %and3A_3224, %lt3A_3227 : vector<16xi1>
    %ge3A_3229 = arith.constant 0 : i32
    %ge3A_3230 = vector.broadcast %ge3A_3229 : i32 to vector<16xi32>
    %ge3A_3231 = arith.cmpi sge, %sub3A_3213, %ge3A_3230 : vector<16xi32>
    %and3A_3232 = arith.andi %and3A_3228, %ge3A_3231 : vector<16xi1>
    %lt3A_3233 = arith.constant 7 : i32
    %lt3A_3234 = vector.broadcast %lt3A_3233 : i32 to vector<16xi32>
    %lt3A_3235 = arith.cmpi slt, %sub3A_3213, %lt3A_3234 : vector<16xi32>
    %and3A_3236 = arith.andi %and3A_3232, %lt3A_3235 : vector<16xi1>
    %and3A_3237 = arith.andi %and3A_3236, %lt3A_1558 : vector<16xi1>
    %mul3A_3238 = arith.constant 49 : i32
    %mul3A_3239 = vector.broadcast %mul3A_3238 : i32 to vector<16xi32>
    %mul3A_3240 = arith.muli %sub3A_3211, %mul3A_3239 : vector<16xi32>
    %mul3A_3241 = arith.constant 7 : i32
    %mul3A_3242 = vector.broadcast %mul3A_3241 : i32 to vector<16xi32>
    %mul3A_3243 = arith.muli %sub3A_3212, %mul3A_3242 : vector<16xi32>
    %add3A_3244 = arith.addi %mul3A_3240, %mul3A_3243 : vector<16xi32>
    %add3A_3245 = arith.addi %add3A_3244, %sub3A_3213 : vector<16xi32>
    %jit3A_3246 = arith.constant 0 : i32
    %broadcast_in_dim3A_3247 = vector.broadcast %jit3A_3246 : i32 to vector<16xi32>
    %select_n3A_3248 = arith.select %and3A_3237, %add3A_3245, %broadcast_in_dim3A_3247 : vector<16xi1>, vector<16xi32>
    tpu.vector_store_idx %arg5[%broadcast_in_dim3A_3020, %select_n3A_3248], %mul3A_1671 masked %and3A_3237 {add = true} : memref<12x343xf32, #tpu.memory_space<vmem>>[vector<16xi32>, vector<16xi32>], vector<16xf32>, vector<16xi1>
    %add3A_3249 = arith.constant 5 : i32
    %add3A_3250 = arith.addi %mul3A_32, %add3A_3249 : i32
    %mul3A_3251 = arith.constant 3 : i32
    %mul3A_3252 = arith.muli %add3A_3250, %mul3A_3251 : i32
    %broadcast_in_dim3A_3253 = vector.broadcast %mul3A_3252 : i32 to vector<16xi32>
    %shift_right_arithmetic3A_3254 = arith.constant 7 : i32
    %shift_right_arithmetic3A_3255 = vector.broadcast %shift_right_arithmetic3A_3254 : i32 to vector<16xi32>
    %shift_right_arithmetic3A_3256 = arith.shrsi %broadcast_in_dim3A_3253, %shift_right_arithmetic3A_3255 : vector<16xi32>
    %add3A_3257 = arith.constant 1 : i32
    %add3A_3258 = vector.broadcast %add3A_3257 : i32 to vector<16xi32>
    %add3A_3259 = arith.addi %shift_right_arithmetic3A_3256, %add3A_3258 : vector<16xi32>
    %and3A_3260 = arith.constant 127 : i32
    %and3A_3261 = vector.broadcast %and3A_3260 : i32 to vector<16xi32>
    %and3A_3262 = arith.andi %broadcast_in_dim3A_3253, %and3A_3261 : vector<16xi32>
    %gather3A_3263 = tpu.vector_load_idx %arg4[%add3A_3259, %and3A_3262] : memref<4x128xi32, #tpu.memory_space<vmem>>[vector<16xi32>, vector<16xi32>], vector<16xi32>,
    %add3A_3264 = arith.constant 47 : i32
    %add3A_3265 = vector.broadcast %add3A_3264 : i32 to vector<16xi32>
    %add3A_3266 = arith.addi %gather3A_3263, %add3A_3265 : vector<16xi32>
    %mul3A_3267 = arith.constant 2 : i32
    %mul3A_3268 = vector.broadcast %mul3A_3267 : i32 to vector<16xi32>
    %mul3A_3269 = arith.muli %mul3A_3268, %add3A_3266 : vector<16xi32>
    %sub3A_3270 = arith.constant 3 : i32
    %sub3A_3271 = vector.broadcast %sub3A_3270 : i32 to vector<16xi32>
    %sub3A_3272 = arith.subi %mul3A_3269, %sub3A_3271 : vector<16xi32>
    %jit3A_3273 = arith.constant 0 : i32
    %jit3A_3274 = arith.constant 182 : i32
    %max3A_3275 = vector.broadcast %jit3A_3273 : i32 to vector<16xi32>
    %max3A_3276 = arith.maxsi %max3A_3275, %sub3A_3272 : vector<16xi32>
    %min3A_3277 = vector.broadcast %jit3A_3274 : i32 to vector<16xi32>
    %min3A_3278 = arith.minsi %min3A_3277, %max3A_3276 : vector<16xi32>
    %add3A_3279 = arith.constant 1 : i32
    %add3A_3280 = arith.addi %mul3A_3252, %add3A_3279 : i32
    %broadcast_in_dim3A_3281 = vector.broadcast %add3A_3280 : i32 to vector<16xi32>
    %shift_right_arithmetic3A_3282 = arith.constant 7 : i32
    %shift_right_arithmetic3A_3283 = vector.broadcast %shift_right_arithmetic3A_3282 : i32 to vector<16xi32>
    %shift_right_arithmetic3A_3284 = arith.shrsi %broadcast_in_dim3A_3281, %shift_right_arithmetic3A_3283 : vector<16xi32>
    %add3A_3285 = arith.constant 1 : i32
    %add3A_3286 = vector.broadcast %add3A_3285 : i32 to vector<16xi32>
    %add3A_3287 = arith.addi %shift_right_arithmetic3A_3284, %add3A_3286 : vector<16xi32>
    %and3A_3288 = arith.constant 127 : i32
    %and3A_3289 = vector.broadcast %and3A_3288 : i32 to vector<16xi32>
    %and3A_3290 = arith.andi %broadcast_in_dim3A_3281, %and3A_3289 : vector<16xi32>
    %gather3A_3291 = tpu.vector_load_idx %arg4[%add3A_3287, %and3A_3290] : memref<4x128xi32, #tpu.memory_space<vmem>>[vector<16xi32>, vector<16xi32>], vector<16xi32>,
    %add3A_3292 = arith.constant 47 : i32
    %add3A_3293 = vector.broadcast %add3A_3292 : i32 to vector<16xi32>
    %add3A_3294 = arith.addi %gather3A_3291, %add3A_3293 : vector<16xi32>
    %mul3A_3295 = arith.constant 2 : i32
    %mul3A_3296 = vector.broadcast %mul3A_3295 : i32 to vector<16xi32>
    %mul3A_3297 = arith.muli %mul3A_3296, %add3A_3294 : vector<16xi32>
    %sub3A_3298 = arith.constant 3 : i32
    %sub3A_3299 = vector.broadcast %sub3A_3298 : i32 to vector<16xi32>
    %sub3A_3300 = arith.subi %mul3A_3297, %sub3A_3299 : vector<16xi32>
    %jit3A_3301 = arith.constant 0 : i32
    %jit3A_3302 = arith.constant 182 : i32
    %max3A_3303 = vector.broadcast %jit3A_3301 : i32 to vector<16xi32>
    %max3A_3304 = arith.maxsi %max3A_3303, %sub3A_3300 : vector<16xi32>
    %min3A_3305 = vector.broadcast %jit3A_3302 : i32 to vector<16xi32>
    %min3A_3306 = arith.minsi %min3A_3305, %max3A_3304 : vector<16xi32>
    %add3A_3307 = arith.constant 2 : i32
    %add3A_3308 = arith.addi %mul3A_3252, %add3A_3307 : i32
    %broadcast_in_dim3A_3309 = vector.broadcast %add3A_3308 : i32 to vector<16xi32>
    %shift_right_arithmetic3A_3310 = arith.constant 7 : i32
    %shift_right_arithmetic3A_3311 = vector.broadcast %shift_right_arithmetic3A_3310 : i32 to vector<16xi32>
    %shift_right_arithmetic3A_3312 = arith.shrsi %broadcast_in_dim3A_3309, %shift_right_arithmetic3A_3311 : vector<16xi32>
    %add3A_3313 = arith.constant 1 : i32
    %add3A_3314 = vector.broadcast %add3A_3313 : i32 to vector<16xi32>
    %add3A_3315 = arith.addi %shift_right_arithmetic3A_3312, %add3A_3314 : vector<16xi32>
    %and3A_3316 = arith.constant 127 : i32
    %and3A_3317 = vector.broadcast %and3A_3316 : i32 to vector<16xi32>
    %and3A_3318 = arith.andi %broadcast_in_dim3A_3309, %and3A_3317 : vector<16xi32>
    %gather3A_3319 = tpu.vector_load_idx %arg4[%add3A_3315, %and3A_3318] : memref<4x128xi32, #tpu.memory_space<vmem>>[vector<16xi32>, vector<16xi32>], vector<16xi32>,
    %add3A_3320 = arith.constant 47 : i32
    %add3A_3321 = vector.broadcast %add3A_3320 : i32 to vector<16xi32>
    %add3A_3322 = arith.addi %gather3A_3319, %add3A_3321 : vector<16xi32>
    %mul3A_3323 = arith.constant 2 : i32
    %mul3A_3324 = vector.broadcast %mul3A_3323 : i32 to vector<16xi32>
    %mul3A_3325 = arith.muli %mul3A_3324, %add3A_3322 : vector<16xi32>
    %sub3A_3326 = arith.constant 3 : i32
    %sub3A_3327 = vector.broadcast %sub3A_3326 : i32 to vector<16xi32>
    %sub3A_3328 = arith.subi %mul3A_3325, %sub3A_3327 : vector<16xi32>
    %jit3A_3329 = arith.constant 0 : i32
    %jit3A_3330 = arith.constant 182 : i32
    %max3A_3331 = vector.broadcast %jit3A_3329 : i32 to vector<16xi32>
    %max3A_3332 = arith.maxsi %max3A_3331, %sub3A_3328 : vector<16xi32>
    %min3A_3333 = vector.broadcast %jit3A_3330 : i32 to vector<16xi32>
    %min3A_3334 = arith.minsi %min3A_3333, %max3A_3332 : vector<16xi32>
    %broadcast_in_dim3A_3335 = arith.constant 5 : i32
    %broadcast_in_dim3A_3336 = vector.broadcast %broadcast_in_dim3A_3335 : i32 to vector<16xi32>
    %sub3A_3337 = arith.subi %mul3A_1116, %min3A_3278 : vector<16xi32>
    %sub3A_3338 = arith.subi %mul3A_1135, %min3A_3306 : vector<16xi32>
    %sub3A_3339 = arith.subi %mul3A_1154, %min3A_3334 : vector<16xi32>
    %ge3A_3340 = arith.constant 0 : i32
    %ge3A_3341 = vector.broadcast %ge3A_3340 : i32 to vector<16xi32>
    %ge3A_3342 = arith.cmpi sge, %sub3A_3337, %ge3A_3341 : vector<16xi32>
    %lt3A_3343 = arith.constant 7 : i32
    %lt3A_3344 = vector.broadcast %lt3A_3343 : i32 to vector<16xi32>
    %lt3A_3345 = arith.cmpi slt, %sub3A_3337, %lt3A_3344 : vector<16xi32>
    %and3A_3346 = arith.andi %ge3A_3342, %lt3A_3345 : vector<16xi1>
    %ge3A_3347 = arith.constant 0 : i32
    %ge3A_3348 = vector.broadcast %ge3A_3347 : i32 to vector<16xi32>
    %ge3A_3349 = arith.cmpi sge, %sub3A_3338, %ge3A_3348 : vector<16xi32>
    %and3A_3350 = arith.andi %and3A_3346, %ge3A_3349 : vector<16xi1>
    %lt3A_3351 = arith.constant 7 : i32
    %lt3A_3352 = vector.broadcast %lt3A_3351 : i32 to vector<16xi32>
    %lt3A_3353 = arith.cmpi slt, %sub3A_3338, %lt3A_3352 : vector<16xi32>
    %and3A_3354 = arith.andi %and3A_3350, %lt3A_3353 : vector<16xi1>
    %ge3A_3355 = arith.constant 0 : i32
    %ge3A_3356 = vector.broadcast %ge3A_3355 : i32 to vector<16xi32>
    %ge3A_3357 = arith.cmpi sge, %sub3A_3339, %ge3A_3356 : vector<16xi32>
    %and3A_3358 = arith.andi %and3A_3354, %ge3A_3357 : vector<16xi1>
    %lt3A_3359 = arith.constant 7 : i32
    %lt3A_3360 = vector.broadcast %lt3A_3359 : i32 to vector<16xi32>
    %lt3A_3361 = arith.cmpi slt, %sub3A_3339, %lt3A_3360 : vector<16xi32>
    %and3A_3362 = arith.andi %and3A_3358, %lt3A_3361 : vector<16xi1>
    %and3A_3363 = arith.andi %and3A_3362, %lt3A_1166 : vector<16xi1>
    %mul3A_3364 = arith.constant 49 : i32
    %mul3A_3365 = vector.broadcast %mul3A_3364 : i32 to vector<16xi32>
    %mul3A_3366 = arith.muli %sub3A_3337, %mul3A_3365 : vector<16xi32>
    %mul3A_3367 = arith.constant 7 : i32
    %mul3A_3368 = vector.broadcast %mul3A_3367 : i32 to vector<16xi32>
    %mul3A_3369 = arith.muli %sub3A_3338, %mul3A_3368 : vector<16xi32>
    %add3A_3370 = arith.addi %mul3A_3366, %mul3A_3369 : vector<16xi32>
    %add3A_3371 = arith.addi %add3A_3370, %sub3A_3339 : vector<16xi32>
    %jit3A_3372 = arith.constant 0 : i32
    %broadcast_in_dim3A_3373 = vector.broadcast %jit3A_3372 : i32 to vector<16xi32>
    %select_n3A_3374 = arith.select %and3A_3363, %add3A_3371, %broadcast_in_dim3A_3373 : vector<16xi1>, vector<16xi32>
    tpu.vector_store_idx %arg5[%broadcast_in_dim3A_3336, %select_n3A_3374], %mul3A_1163 masked %and3A_3363 {add = true} : memref<12x343xf32, #tpu.memory_space<vmem>>[vector<16xi32>, vector<16xi32>], vector<16xf32>, vector<16xi1>
    %sub3A_3375 = arith.subi %mul3A_1188, %min3A_3278 : vector<16xi32>
    %sub3A_3376 = arith.subi %mul3A_1207, %min3A_3306 : vector<16xi32>
    %sub3A_3377 = arith.subi %mul3A_1226, %min3A_3334 : vector<16xi32>
    %ge3A_3378 = arith.constant 0 : i32
    %ge3A_3379 = vector.broadcast %ge3A_3378 : i32 to vector<16xi32>
    %ge3A_3380 = arith.cmpi sge, %sub3A_3375, %ge3A_3379 : vector<16xi32>
    %lt3A_3381 = arith.constant 7 : i32
    %lt3A_3382 = vector.broadcast %lt3A_3381 : i32 to vector<16xi32>
    %lt3A_3383 = arith.cmpi slt, %sub3A_3375, %lt3A_3382 : vector<16xi32>
    %and3A_3384 = arith.andi %ge3A_3380, %lt3A_3383 : vector<16xi1>
    %ge3A_3385 = arith.constant 0 : i32
    %ge3A_3386 = vector.broadcast %ge3A_3385 : i32 to vector<16xi32>
    %ge3A_3387 = arith.cmpi sge, %sub3A_3376, %ge3A_3386 : vector<16xi32>
    %and3A_3388 = arith.andi %and3A_3384, %ge3A_3387 : vector<16xi1>
    %lt3A_3389 = arith.constant 7 : i32
    %lt3A_3390 = vector.broadcast %lt3A_3389 : i32 to vector<16xi32>
    %lt3A_3391 = arith.cmpi slt, %sub3A_3376, %lt3A_3390 : vector<16xi32>
    %and3A_3392 = arith.andi %and3A_3388, %lt3A_3391 : vector<16xi1>
    %ge3A_3393 = arith.constant 0 : i32
    %ge3A_3394 = vector.broadcast %ge3A_3393 : i32 to vector<16xi32>
    %ge3A_3395 = arith.cmpi sge, %sub3A_3377, %ge3A_3394 : vector<16xi32>
    %and3A_3396 = arith.andi %and3A_3392, %ge3A_3395 : vector<16xi1>
    %lt3A_3397 = arith.constant 7 : i32
    %lt3A_3398 = vector.broadcast %lt3A_3397 : i32 to vector<16xi32>
    %lt3A_3399 = arith.cmpi slt, %sub3A_3377, %lt3A_3398 : vector<16xi32>
    %and3A_3400 = arith.andi %and3A_3396, %lt3A_3399 : vector<16xi1>
    %and3A_3401 = arith.andi %and3A_3400, %lt3A_1240 : vector<16xi1>
    %mul3A_3402 = arith.constant 49 : i32
    %mul3A_3403 = vector.broadcast %mul3A_3402 : i32 to vector<16xi32>
    %mul3A_3404 = arith.muli %sub3A_3375, %mul3A_3403 : vector<16xi32>
    %mul3A_3405 = arith.constant 7 : i32
    %mul3A_3406 = vector.broadcast %mul3A_3405 : i32 to vector<16xi32>
    %mul3A_3407 = arith.muli %sub3A_3376, %mul3A_3406 : vector<16xi32>
    %add3A_3408 = arith.addi %mul3A_3404, %mul3A_3407 : vector<16xi32>
    %add3A_3409 = arith.addi %add3A_3408, %sub3A_3377 : vector<16xi32>
    %jit3A_3410 = arith.constant 0 : i32
    %broadcast_in_dim3A_3411 = vector.broadcast %jit3A_3410 : i32 to vector<16xi32>
    %select_n3A_3412 = arith.select %and3A_3401, %add3A_3409, %broadcast_in_dim3A_3411 : vector<16xi1>, vector<16xi32>
    tpu.vector_store_idx %arg5[%broadcast_in_dim3A_3336, %select_n3A_3412], %mul3A_1237 masked %and3A_3401 {add = true} : memref<12x343xf32, #tpu.memory_space<vmem>>[vector<16xi32>, vector<16xi32>], vector<16xf32>, vector<16xi1>
    %sub3A_3413 = arith.subi %mul3A_1262, %min3A_3278 : vector<16xi32>
    %sub3A_3414 = arith.subi %mul3A_1281, %min3A_3306 : vector<16xi32>
    %sub3A_3415 = arith.subi %mul3A_1300, %min3A_3334 : vector<16xi32>
    %ge3A_3416 = arith.constant 0 : i32
    %ge3A_3417 = vector.broadcast %ge3A_3416 : i32 to vector<16xi32>
    %ge3A_3418 = arith.cmpi sge, %sub3A_3413, %ge3A_3417 : vector<16xi32>
    %lt3A_3419 = arith.constant 7 : i32
    %lt3A_3420 = vector.broadcast %lt3A_3419 : i32 to vector<16xi32>
    %lt3A_3421 = arith.cmpi slt, %sub3A_3413, %lt3A_3420 : vector<16xi32>
    %and3A_3422 = arith.andi %ge3A_3418, %lt3A_3421 : vector<16xi1>
    %ge3A_3423 = arith.constant 0 : i32
    %ge3A_3424 = vector.broadcast %ge3A_3423 : i32 to vector<16xi32>
    %ge3A_3425 = arith.cmpi sge, %sub3A_3414, %ge3A_3424 : vector<16xi32>
    %and3A_3426 = arith.andi %and3A_3422, %ge3A_3425 : vector<16xi1>
    %lt3A_3427 = arith.constant 7 : i32
    %lt3A_3428 = vector.broadcast %lt3A_3427 : i32 to vector<16xi32>
    %lt3A_3429 = arith.cmpi slt, %sub3A_3414, %lt3A_3428 : vector<16xi32>
    %and3A_3430 = arith.andi %and3A_3426, %lt3A_3429 : vector<16xi1>
    %ge3A_3431 = arith.constant 0 : i32
    %ge3A_3432 = vector.broadcast %ge3A_3431 : i32 to vector<16xi32>
    %ge3A_3433 = arith.cmpi sge, %sub3A_3415, %ge3A_3432 : vector<16xi32>
    %and3A_3434 = arith.andi %and3A_3430, %ge3A_3433 : vector<16xi1>
    %lt3A_3435 = arith.constant 7 : i32
    %lt3A_3436 = vector.broadcast %lt3A_3435 : i32 to vector<16xi32>
    %lt3A_3437 = arith.cmpi slt, %sub3A_3415, %lt3A_3436 : vector<16xi32>
    %and3A_3438 = arith.andi %and3A_3434, %lt3A_3437 : vector<16xi1>
    %and3A_3439 = arith.andi %and3A_3438, %lt3A_1314 : vector<16xi1>
    %mul3A_3440 = arith.constant 49 : i32
    %mul3A_3441 = vector.broadcast %mul3A_3440 : i32 to vector<16xi32>
    %mul3A_3442 = arith.muli %sub3A_3413, %mul3A_3441 : vector<16xi32>
    %mul3A_3443 = arith.constant 7 : i32
    %mul3A_3444 = vector.broadcast %mul3A_3443 : i32 to vector<16xi32>
    %mul3A_3445 = arith.muli %sub3A_3414, %mul3A_3444 : vector<16xi32>
    %add3A_3446 = arith.addi %mul3A_3442, %mul3A_3445 : vector<16xi32>
    %add3A_3447 = arith.addi %add3A_3446, %sub3A_3415 : vector<16xi32>
    %jit3A_3448 = arith.constant 0 : i32
    %broadcast_in_dim3A_3449 = vector.broadcast %jit3A_3448 : i32 to vector<16xi32>
    %select_n3A_3450 = arith.select %and3A_3439, %add3A_3447, %broadcast_in_dim3A_3449 : vector<16xi1>, vector<16xi32>
    tpu.vector_store_idx %arg5[%broadcast_in_dim3A_3336, %select_n3A_3450], %mul3A_1311 masked %and3A_3439 {add = true} : memref<12x343xf32, #tpu.memory_space<vmem>>[vector<16xi32>, vector<16xi32>], vector<16xf32>, vector<16xi1>
    %sub3A_3451 = arith.subi %add3A_1353, %min3A_3278 : vector<16xi32>
    %sub3A_3452 = arith.subi %add3A_1383, %min3A_3306 : vector<16xi32>
    %sub3A_3453 = arith.subi %add3A_1413, %min3A_3334 : vector<16xi32>
    %ge3A_3454 = arith.constant 0 : i32
    %ge3A_3455 = vector.broadcast %ge3A_3454 : i32 to vector<16xi32>
    %ge3A_3456 = arith.cmpi sge, %sub3A_3451, %ge3A_3455 : vector<16xi32>
    %lt3A_3457 = arith.constant 7 : i32
    %lt3A_3458 = vector.broadcast %lt3A_3457 : i32 to vector<16xi32>
    %lt3A_3459 = arith.cmpi slt, %sub3A_3451, %lt3A_3458 : vector<16xi32>
    %and3A_3460 = arith.andi %ge3A_3456, %lt3A_3459 : vector<16xi1>
    %ge3A_3461 = arith.constant 0 : i32
    %ge3A_3462 = vector.broadcast %ge3A_3461 : i32 to vector<16xi32>
    %ge3A_3463 = arith.cmpi sge, %sub3A_3452, %ge3A_3462 : vector<16xi32>
    %and3A_3464 = arith.andi %and3A_3460, %ge3A_3463 : vector<16xi1>
    %lt3A_3465 = arith.constant 7 : i32
    %lt3A_3466 = vector.broadcast %lt3A_3465 : i32 to vector<16xi32>
    %lt3A_3467 = arith.cmpi slt, %sub3A_3452, %lt3A_3466 : vector<16xi32>
    %and3A_3468 = arith.andi %and3A_3464, %lt3A_3467 : vector<16xi1>
    %ge3A_3469 = arith.constant 0 : i32
    %ge3A_3470 = vector.broadcast %ge3A_3469 : i32 to vector<16xi32>
    %ge3A_3471 = arith.cmpi sge, %sub3A_3453, %ge3A_3470 : vector<16xi32>
    %and3A_3472 = arith.andi %and3A_3468, %ge3A_3471 : vector<16xi1>
    %lt3A_3473 = arith.constant 7 : i32
    %lt3A_3474 = vector.broadcast %lt3A_3473 : i32 to vector<16xi32>
    %lt3A_3475 = arith.cmpi slt, %sub3A_3453, %lt3A_3474 : vector<16xi32>
    %and3A_3476 = arith.andi %and3A_3472, %lt3A_3475 : vector<16xi1>
    %and3A_3477 = arith.andi %and3A_3476, %lt3A_1320 : vector<16xi1>
    %mul3A_3478 = arith.constant 49 : i32
    %mul3A_3479 = vector.broadcast %mul3A_3478 : i32 to vector<16xi32>
    %mul3A_3480 = arith.muli %sub3A_3451, %mul3A_3479 : vector<16xi32>
    %mul3A_3481 = arith.constant 7 : i32
    %mul3A_3482 = vector.broadcast %mul3A_3481 : i32 to vector<16xi32>
    %mul3A_3483 = arith.muli %sub3A_3452, %mul3A_3482 : vector<16xi32>
    %add3A_3484 = arith.addi %mul3A_3480, %mul3A_3483 : vector<16xi32>
    %add3A_3485 = arith.addi %add3A_3484, %sub3A_3453 : vector<16xi32>
    %jit3A_3486 = arith.constant 0 : i32
    %broadcast_in_dim3A_3487 = vector.broadcast %jit3A_3486 : i32 to vector<16xi32>
    %select_n3A_3488 = arith.select %and3A_3477, %add3A_3485, %broadcast_in_dim3A_3487 : vector<16xi1>, vector<16xi32>
    tpu.vector_store_idx %arg5[%broadcast_in_dim3A_3336, %select_n3A_3488], %mul3A_1433 masked %and3A_3477 {add = true} : memref<12x343xf32, #tpu.memory_space<vmem>>[vector<16xi32>, vector<16xi32>], vector<16xf32>, vector<16xi1>
    %sub3A_3489 = arith.subi %add3A_1472, %min3A_3278 : vector<16xi32>
    %sub3A_3490 = arith.subi %add3A_1502, %min3A_3306 : vector<16xi32>
    %sub3A_3491 = arith.subi %add3A_1532, %min3A_3334 : vector<16xi32>
    %ge3A_3492 = arith.constant 0 : i32
    %ge3A_3493 = vector.broadcast %ge3A_3492 : i32 to vector<16xi32>
    %ge3A_3494 = arith.cmpi sge, %sub3A_3489, %ge3A_3493 : vector<16xi32>
    %lt3A_3495 = arith.constant 7 : i32
    %lt3A_3496 = vector.broadcast %lt3A_3495 : i32 to vector<16xi32>
    %lt3A_3497 = arith.cmpi slt, %sub3A_3489, %lt3A_3496 : vector<16xi32>
    %and3A_3498 = arith.andi %ge3A_3494, %lt3A_3497 : vector<16xi1>
    %ge3A_3499 = arith.constant 0 : i32
    %ge3A_3500 = vector.broadcast %ge3A_3499 : i32 to vector<16xi32>
    %ge3A_3501 = arith.cmpi sge, %sub3A_3490, %ge3A_3500 : vector<16xi32>
    %and3A_3502 = arith.andi %and3A_3498, %ge3A_3501 : vector<16xi1>
    %lt3A_3503 = arith.constant 7 : i32
    %lt3A_3504 = vector.broadcast %lt3A_3503 : i32 to vector<16xi32>
    %lt3A_3505 = arith.cmpi slt, %sub3A_3490, %lt3A_3504 : vector<16xi32>
    %and3A_3506 = arith.andi %and3A_3502, %lt3A_3505 : vector<16xi1>
    %ge3A_3507 = arith.constant 0 : i32
    %ge3A_3508 = vector.broadcast %ge3A_3507 : i32 to vector<16xi32>
    %ge3A_3509 = arith.cmpi sge, %sub3A_3491, %ge3A_3508 : vector<16xi32>
    %and3A_3510 = arith.andi %and3A_3506, %ge3A_3509 : vector<16xi1>
    %lt3A_3511 = arith.constant 7 : i32
    %lt3A_3512 = vector.broadcast %lt3A_3511 : i32 to vector<16xi32>
    %lt3A_3513 = arith.cmpi slt, %sub3A_3491, %lt3A_3512 : vector<16xi32>
    %and3A_3514 = arith.andi %and3A_3510, %lt3A_3513 : vector<16xi1>
    %and3A_3515 = arith.andi %and3A_3514, %lt3A_1439 : vector<16xi1>
    %mul3A_3516 = arith.constant 49 : i32
    %mul3A_3517 = vector.broadcast %mul3A_3516 : i32 to vector<16xi32>
    %mul3A_3518 = arith.muli %sub3A_3489, %mul3A_3517 : vector<16xi32>
    %mul3A_3519 = arith.constant 7 : i32
    %mul3A_3520 = vector.broadcast %mul3A_3519 : i32 to vector<16xi32>
    %mul3A_3521 = arith.muli %sub3A_3490, %mul3A_3520 : vector<16xi32>
    %add3A_3522 = arith.addi %mul3A_3518, %mul3A_3521 : vector<16xi32>
    %add3A_3523 = arith.addi %add3A_3522, %sub3A_3491 : vector<16xi32>
    %jit3A_3524 = arith.constant 0 : i32
    %broadcast_in_dim3A_3525 = vector.broadcast %jit3A_3524 : i32 to vector<16xi32>
    %select_n3A_3526 = arith.select %and3A_3515, %add3A_3523, %broadcast_in_dim3A_3525 : vector<16xi1>, vector<16xi32>
    tpu.vector_store_idx %arg5[%broadcast_in_dim3A_3336, %select_n3A_3526], %mul3A_1552 masked %and3A_3515 {add = true} : memref<12x343xf32, #tpu.memory_space<vmem>>[vector<16xi32>, vector<16xi32>], vector<16xf32>, vector<16xi1>
    %sub3A_3527 = arith.subi %add3A_1591, %min3A_3278 : vector<16xi32>
    %sub3A_3528 = arith.subi %add3A_1621, %min3A_3306 : vector<16xi32>
    %sub3A_3529 = arith.subi %add3A_1651, %min3A_3334 : vector<16xi32>
    %ge3A_3530 = arith.constant 0 : i32
    %ge3A_3531 = vector.broadcast %ge3A_3530 : i32 to vector<16xi32>
    %ge3A_3532 = arith.cmpi sge, %sub3A_3527, %ge3A_3531 : vector<16xi32>
    %lt3A_3533 = arith.constant 7 : i32
    %lt3A_3534 = vector.broadcast %lt3A_3533 : i32 to vector<16xi32>
    %lt3A_3535 = arith.cmpi slt, %sub3A_3527, %lt3A_3534 : vector<16xi32>
    %and3A_3536 = arith.andi %ge3A_3532, %lt3A_3535 : vector<16xi1>
    %ge3A_3537 = arith.constant 0 : i32
    %ge3A_3538 = vector.broadcast %ge3A_3537 : i32 to vector<16xi32>
    %ge3A_3539 = arith.cmpi sge, %sub3A_3528, %ge3A_3538 : vector<16xi32>
    %and3A_3540 = arith.andi %and3A_3536, %ge3A_3539 : vector<16xi1>
    %lt3A_3541 = arith.constant 7 : i32
    %lt3A_3542 = vector.broadcast %lt3A_3541 : i32 to vector<16xi32>
    %lt3A_3543 = arith.cmpi slt, %sub3A_3528, %lt3A_3542 : vector<16xi32>
    %and3A_3544 = arith.andi %and3A_3540, %lt3A_3543 : vector<16xi1>
    %ge3A_3545 = arith.constant 0 : i32
    %ge3A_3546 = vector.broadcast %ge3A_3545 : i32 to vector<16xi32>
    %ge3A_3547 = arith.cmpi sge, %sub3A_3529, %ge3A_3546 : vector<16xi32>
    %and3A_3548 = arith.andi %and3A_3544, %ge3A_3547 : vector<16xi1>
    %lt3A_3549 = arith.constant 7 : i32
    %lt3A_3550 = vector.broadcast %lt3A_3549 : i32 to vector<16xi32>
    %lt3A_3551 = arith.cmpi slt, %sub3A_3529, %lt3A_3550 : vector<16xi32>
    %and3A_3552 = arith.andi %and3A_3548, %lt3A_3551 : vector<16xi1>
    %and3A_3553 = arith.andi %and3A_3552, %lt3A_1558 : vector<16xi1>
    %mul3A_3554 = arith.constant 49 : i32
    %mul3A_3555 = vector.broadcast %mul3A_3554 : i32 to vector<16xi32>
    %mul3A_3556 = arith.muli %sub3A_3527, %mul3A_3555 : vector<16xi32>
    %mul3A_3557 = arith.constant 7 : i32
    %mul3A_3558 = vector.broadcast %mul3A_3557 : i32 to vector<16xi32>
    %mul3A_3559 = arith.muli %sub3A_3528, %mul3A_3558 : vector<16xi32>
    %add3A_3560 = arith.addi %mul3A_3556, %mul3A_3559 : vector<16xi32>
    %add3A_3561 = arith.addi %add3A_3560, %sub3A_3529 : vector<16xi32>
    %jit3A_3562 = arith.constant 0 : i32
    %broadcast_in_dim3A_3563 = vector.broadcast %jit3A_3562 : i32 to vector<16xi32>
    %select_n3A_3564 = arith.select %and3A_3553, %add3A_3561, %broadcast_in_dim3A_3563 : vector<16xi1>, vector<16xi32>
    tpu.vector_store_idx %arg5[%broadcast_in_dim3A_3336, %select_n3A_3564], %mul3A_1671 masked %and3A_3553 {add = true} : memref<12x343xf32, #tpu.memory_space<vmem>>[vector<16xi32>, vector<16xi32>], vector<16xf32>, vector<16xi1>
    %add3A_3565 = arith.constant 6 : i32
    %add3A_3566 = arith.addi %mul3A_32, %add3A_3565 : i32
    %mul3A_3567 = arith.constant 3 : i32
    %mul3A_3568 = arith.muli %add3A_3566, %mul3A_3567 : i32
    %broadcast_in_dim3A_3569 = vector.broadcast %mul3A_3568 : i32 to vector<16xi32>
    %shift_right_arithmetic3A_3570 = arith.constant 7 : i32
    %shift_right_arithmetic3A_3571 = vector.broadcast %shift_right_arithmetic3A_3570 : i32 to vector<16xi32>
    %shift_right_arithmetic3A_3572 = arith.shrsi %broadcast_in_dim3A_3569, %shift_right_arithmetic3A_3571 : vector<16xi32>
    %add3A_3573 = arith.constant 1 : i32
    %add3A_3574 = vector.broadcast %add3A_3573 : i32 to vector<16xi32>
    %add3A_3575 = arith.addi %shift_right_arithmetic3A_3572, %add3A_3574 : vector<16xi32>
    %and3A_3576 = arith.constant 127 : i32
    %and3A_3577 = vector.broadcast %and3A_3576 : i32 to vector<16xi32>
    %and3A_3578 = arith.andi %broadcast_in_dim3A_3569, %and3A_3577 : vector<16xi32>
    %gather3A_3579 = tpu.vector_load_idx %arg4[%add3A_3575, %and3A_3578] : memref<4x128xi32, #tpu.memory_space<vmem>>[vector<16xi32>, vector<16xi32>], vector<16xi32>,
    %add3A_3580 = arith.constant 47 : i32
    %add3A_3581 = vector.broadcast %add3A_3580 : i32 to vector<16xi32>
    %add3A_3582 = arith.addi %gather3A_3579, %add3A_3581 : vector<16xi32>
    %mul3A_3583 = arith.constant 2 : i32
    %mul3A_3584 = vector.broadcast %mul3A_3583 : i32 to vector<16xi32>
    %mul3A_3585 = arith.muli %mul3A_3584, %add3A_3582 : vector<16xi32>
    %sub3A_3586 = arith.constant 3 : i32
    %sub3A_3587 = vector.broadcast %sub3A_3586 : i32 to vector<16xi32>
    %sub3A_3588 = arith.subi %mul3A_3585, %sub3A_3587 : vector<16xi32>
    %jit3A_3589 = arith.constant 0 : i32
    %jit3A_3590 = arith.constant 182 : i32
    %max3A_3591 = vector.broadcast %jit3A_3589 : i32 to vector<16xi32>
    %max3A_3592 = arith.maxsi %max3A_3591, %sub3A_3588 : vector<16xi32>
    %min3A_3593 = vector.broadcast %jit3A_3590 : i32 to vector<16xi32>
    %min3A_3594 = arith.minsi %min3A_3593, %max3A_3592 : vector<16xi32>
    %add3A_3595 = arith.constant 1 : i32
    %add3A_3596 = arith.addi %mul3A_3568, %add3A_3595 : i32
    %broadcast_in_dim3A_3597 = vector.broadcast %add3A_3596 : i32 to vector<16xi32>
    %shift_right_arithmetic3A_3598 = arith.constant 7 : i32
    %shift_right_arithmetic3A_3599 = vector.broadcast %shift_right_arithmetic3A_3598 : i32 to vector<16xi32>
    %shift_right_arithmetic3A_3600 = arith.shrsi %broadcast_in_dim3A_3597, %shift_right_arithmetic3A_3599 : vector<16xi32>
    %add3A_3601 = arith.constant 1 : i32
    %add3A_3602 = vector.broadcast %add3A_3601 : i32 to vector<16xi32>
    %add3A_3603 = arith.addi %shift_right_arithmetic3A_3600, %add3A_3602 : vector<16xi32>
    %and3A_3604 = arith.constant 127 : i32
    %and3A_3605 = vector.broadcast %and3A_3604 : i32 to vector<16xi32>
    %and3A_3606 = arith.andi %broadcast_in_dim3A_3597, %and3A_3605 : vector<16xi32>
    %gather3A_3607 = tpu.vector_load_idx %arg4[%add3A_3603, %and3A_3606] : memref<4x128xi32, #tpu.memory_space<vmem>>[vector<16xi32>, vector<16xi32>], vector<16xi32>,
    %add3A_3608 = arith.constant 47 : i32
    %add3A_3609 = vector.broadcast %add3A_3608 : i32 to vector<16xi32>
    %add3A_3610 = arith.addi %gather3A_3607, %add3A_3609 : vector<16xi32>
    %mul3A_3611 = arith.constant 2 : i32
    %mul3A_3612 = vector.broadcast %mul3A_3611 : i32 to vector<16xi32>
    %mul3A_3613 = arith.muli %mul3A_3612, %add3A_3610 : vector<16xi32>
    %sub3A_3614 = arith.constant 3 : i32
    %sub3A_3615 = vector.broadcast %sub3A_3614 : i32 to vector<16xi32>
    %sub3A_3616 = arith.subi %mul3A_3613, %sub3A_3615 : vector<16xi32>
    %jit3A_3617 = arith.constant 0 : i32
    %jit3A_3618 = arith.constant 182 : i32
    %max3A_3619 = vector.broadcast %jit3A_3617 : i32 to vector<16xi32>
    %max3A_3620 = arith.maxsi %max3A_3619, %sub3A_3616 : vector<16xi32>
    %min3A_3621 = vector.broadcast %jit3A_3618 : i32 to vector<16xi32>
    %min3A_3622 = arith.minsi %min3A_3621, %max3A_3620 : vector<16xi32>
    %add3A_3623 = arith.constant 2 : i32
    %add3A_3624 = arith.addi %mul3A_3568, %add3A_3623 : i32
    %broadcast_in_dim3A_3625 = vector.broadcast %add3A_3624 : i32 to vector<16xi32>
    %shift_right_arithmetic3A_3626 = arith.constant 7 : i32
    %shift_right_arithmetic3A_3627 = vector.broadcast %shift_right_arithmetic3A_3626 : i32 to vector<16xi32>
    %shift_right_arithmetic3A_3628 = arith.shrsi %broadcast_in_dim3A_3625, %shift_right_arithmetic3A_3627 : vector<16xi32>
    %add3A_3629 = arith.constant 1 : i32
    %add3A_3630 = vector.broadcast %add3A_3629 : i32 to vector<16xi32>
    %add3A_3631 = arith.addi %shift_right_arithmetic3A_3628, %add3A_3630 : vector<16xi32>
    %and3A_3632 = arith.constant 127 : i32
    %and3A_3633 = vector.broadcast %and3A_3632 : i32 to vector<16xi32>
    %and3A_3634 = arith.andi %broadcast_in_dim3A_3625, %and3A_3633 : vector<16xi32>
    %gather3A_3635 = tpu.vector_load_idx %arg4[%add3A_3631, %and3A_3634] : memref<4x128xi32, #tpu.memory_space<vmem>>[vector<16xi32>, vector<16xi32>], vector<16xi32>,
    %add3A_3636 = arith.constant 47 : i32
    %add3A_3637 = vector.broadcast %add3A_3636 : i32 to vector<16xi32>
    %add3A_3638 = arith.addi %gather3A_3635, %add3A_3637 : vector<16xi32>
    %mul3A_3639 = arith.constant 2 : i32
    %mul3A_3640 = vector.broadcast %mul3A_3639 : i32 to vector<16xi32>
    %mul3A_3641 = arith.muli %mul3A_3640, %add3A_3638 : vector<16xi32>
    %sub3A_3642 = arith.constant 3 : i32
    %sub3A_3643 = vector.broadcast %sub3A_3642 : i32 to vector<16xi32>
    %sub3A_3644 = arith.subi %mul3A_3641, %sub3A_3643 : vector<16xi32>
    %jit3A_3645 = arith.constant 0 : i32
    %jit3A_3646 = arith.constant 182 : i32
    %max3A_3647 = vector.broadcast %jit3A_3645 : i32 to vector<16xi32>
    %max3A_3648 = arith.maxsi %max3A_3647, %sub3A_3644 : vector<16xi32>
    %min3A_3649 = vector.broadcast %jit3A_3646 : i32 to vector<16xi32>
    %min3A_3650 = arith.minsi %min3A_3649, %max3A_3648 : vector<16xi32>
    %broadcast_in_dim3A_3651 = arith.constant 6 : i32
    %broadcast_in_dim3A_3652 = vector.broadcast %broadcast_in_dim3A_3651 : i32 to vector<16xi32>
    %sub3A_3653 = arith.subi %mul3A_1116, %min3A_3594 : vector<16xi32>
    %sub3A_3654 = arith.subi %mul3A_1135, %min3A_3622 : vector<16xi32>
    %sub3A_3655 = arith.subi %mul3A_1154, %min3A_3650 : vector<16xi32>
    %ge3A_3656 = arith.constant 0 : i32
    %ge3A_3657 = vector.broadcast %ge3A_3656 : i32 to vector<16xi32>
    %ge3A_3658 = arith.cmpi sge, %sub3A_3653, %ge3A_3657 : vector<16xi32>
    %lt3A_3659 = arith.constant 7 : i32
    %lt3A_3660 = vector.broadcast %lt3A_3659 : i32 to vector<16xi32>
    %lt3A_3661 = arith.cmpi slt, %sub3A_3653, %lt3A_3660 : vector<16xi32>
    %and3A_3662 = arith.andi %ge3A_3658, %lt3A_3661 : vector<16xi1>
    %ge3A_3663 = arith.constant 0 : i32
    %ge3A_3664 = vector.broadcast %ge3A_3663 : i32 to vector<16xi32>
    %ge3A_3665 = arith.cmpi sge, %sub3A_3654, %ge3A_3664 : vector<16xi32>
    %and3A_3666 = arith.andi %and3A_3662, %ge3A_3665 : vector<16xi1>
    %lt3A_3667 = arith.constant 7 : i32
    %lt3A_3668 = vector.broadcast %lt3A_3667 : i32 to vector<16xi32>
    %lt3A_3669 = arith.cmpi slt, %sub3A_3654, %lt3A_3668 : vector<16xi32>
    %and3A_3670 = arith.andi %and3A_3666, %lt3A_3669 : vector<16xi1>
    %ge3A_3671 = arith.constant 0 : i32
    %ge3A_3672 = vector.broadcast %ge3A_3671 : i32 to vector<16xi32>
    %ge3A_3673 = arith.cmpi sge, %sub3A_3655, %ge3A_3672 : vector<16xi32>
    %and3A_3674 = arith.andi %and3A_3670, %ge3A_3673 : vector<16xi1>
    %lt3A_3675 = arith.constant 7 : i32
    %lt3A_3676 = vector.broadcast %lt3A_3675 : i32 to vector<16xi32>
    %lt3A_3677 = arith.cmpi slt, %sub3A_3655, %lt3A_3676 : vector<16xi32>
    %and3A_3678 = arith.andi %and3A_3674, %lt3A_3677 : vector<16xi1>
    %and3A_3679 = arith.andi %and3A_3678, %lt3A_1166 : vector<16xi1>
    %mul3A_3680 = arith.constant 49 : i32
    %mul3A_3681 = vector.broadcast %mul3A_3680 : i32 to vector<16xi32>
    %mul3A_3682 = arith.muli %sub3A_3653, %mul3A_3681 : vector<16xi32>
    %mul3A_3683 = arith.constant 7 : i32
    %mul3A_3684 = vector.broadcast %mul3A_3683 : i32 to vector<16xi32>
    %mul3A_3685 = arith.muli %sub3A_3654, %mul3A_3684 : vector<16xi32>
    %add3A_3686 = arith.addi %mul3A_3682, %mul3A_3685 : vector<16xi32>
    %add3A_3687 = arith.addi %add3A_3686, %sub3A_3655 : vector<16xi32>
    %jit3A_3688 = arith.constant 0 : i32
    %broadcast_in_dim3A_3689 = vector.broadcast %jit3A_3688 : i32 to vector<16xi32>
    %select_n3A_3690 = arith.select %and3A_3679, %add3A_3687, %broadcast_in_dim3A_3689 : vector<16xi1>, vector<16xi32>
    tpu.vector_store_idx %arg5[%broadcast_in_dim3A_3652, %select_n3A_3690], %mul3A_1163 masked %and3A_3679 {add = true} : memref<12x343xf32, #tpu.memory_space<vmem>>[vector<16xi32>, vector<16xi32>], vector<16xf32>, vector<16xi1>
    %sub3A_3691 = arith.subi %mul3A_1188, %min3A_3594 : vector<16xi32>
    %sub3A_3692 = arith.subi %mul3A_1207, %min3A_3622 : vector<16xi32>
    %sub3A_3693 = arith.subi %mul3A_1226, %min3A_3650 : vector<16xi32>
    %ge3A_3694 = arith.constant 0 : i32
    %ge3A_3695 = vector.broadcast %ge3A_3694 : i32 to vector<16xi32>
    %ge3A_3696 = arith.cmpi sge, %sub3A_3691, %ge3A_3695 : vector<16xi32>
    %lt3A_3697 = arith.constant 7 : i32
    %lt3A_3698 = vector.broadcast %lt3A_3697 : i32 to vector<16xi32>
    %lt3A_3699 = arith.cmpi slt, %sub3A_3691, %lt3A_3698 : vector<16xi32>
    %and3A_3700 = arith.andi %ge3A_3696, %lt3A_3699 : vector<16xi1>
    %ge3A_3701 = arith.constant 0 : i32
    %ge3A_3702 = vector.broadcast %ge3A_3701 : i32 to vector<16xi32>
    %ge3A_3703 = arith.cmpi sge, %sub3A_3692, %ge3A_3702 : vector<16xi32>
    %and3A_3704 = arith.andi %and3A_3700, %ge3A_3703 : vector<16xi1>
    %lt3A_3705 = arith.constant 7 : i32
    %lt3A_3706 = vector.broadcast %lt3A_3705 : i32 to vector<16xi32>
    %lt3A_3707 = arith.cmpi slt, %sub3A_3692, %lt3A_3706 : vector<16xi32>
    %and3A_3708 = arith.andi %and3A_3704, %lt3A_3707 : vector<16xi1>
    %ge3A_3709 = arith.constant 0 : i32
    %ge3A_3710 = vector.broadcast %ge3A_3709 : i32 to vector<16xi32>
    %ge3A_3711 = arith.cmpi sge, %sub3A_3693, %ge3A_3710 : vector<16xi32>
    %and3A_3712 = arith.andi %and3A_3708, %ge3A_3711 : vector<16xi1>
    %lt3A_3713 = arith.constant 7 : i32
    %lt3A_3714 = vector.broadcast %lt3A_3713 : i32 to vector<16xi32>
    %lt3A_3715 = arith.cmpi slt, %sub3A_3693, %lt3A_3714 : vector<16xi32>
    %and3A_3716 = arith.andi %and3A_3712, %lt3A_3715 : vector<16xi1>
    %and3A_3717 = arith.andi %and3A_3716, %lt3A_1240 : vector<16xi1>
    %mul3A_3718 = arith.constant 49 : i32
    %mul3A_3719 = vector.broadcast %mul3A_3718 : i32 to vector<16xi32>
    %mul3A_3720 = arith.muli %sub3A_3691, %mul3A_3719 : vector<16xi32>
    %mul3A_3721 = arith.constant 7 : i32
    %mul3A_3722 = vector.broadcast %mul3A_3721 : i32 to vector<16xi32>
    %mul3A_3723 = arith.muli %sub3A_3692, %mul3A_3722 : vector<16xi32>
    %add3A_3724 = arith.addi %mul3A_3720, %mul3A_3723 : vector<16xi32>
    %add3A_3725 = arith.addi %add3A_3724, %sub3A_3693 : vector<16xi32>
    %jit3A_3726 = arith.constant 0 : i32
    %broadcast_in_dim3A_3727 = vector.broadcast %jit3A_3726 : i32 to vector<16xi32>
    %select_n3A_3728 = arith.select %and3A_3717, %add3A_3725, %broadcast_in_dim3A_3727 : vector<16xi1>, vector<16xi32>
    tpu.vector_store_idx %arg5[%broadcast_in_dim3A_3652, %select_n3A_3728], %mul3A_1237 masked %and3A_3717 {add = true} : memref<12x343xf32, #tpu.memory_space<vmem>>[vector<16xi32>, vector<16xi32>], vector<16xf32>, vector<16xi1>
    %sub3A_3729 = arith.subi %mul3A_1262, %min3A_3594 : vector<16xi32>
    %sub3A_3730 = arith.subi %mul3A_1281, %min3A_3622 : vector<16xi32>
    %sub3A_3731 = arith.subi %mul3A_1300, %min3A_3650 : vector<16xi32>
    %ge3A_3732 = arith.constant 0 : i32
    %ge3A_3733 = vector.broadcast %ge3A_3732 : i32 to vector<16xi32>
    %ge3A_3734 = arith.cmpi sge, %sub3A_3729, %ge3A_3733 : vector<16xi32>
    %lt3A_3735 = arith.constant 7 : i32
    %lt3A_3736 = vector.broadcast %lt3A_3735 : i32 to vector<16xi32>
    %lt3A_3737 = arith.cmpi slt, %sub3A_3729, %lt3A_3736 : vector<16xi32>
    %and3A_3738 = arith.andi %ge3A_3734, %lt3A_3737 : vector<16xi1>
    %ge3A_3739 = arith.constant 0 : i32
    %ge3A_3740 = vector.broadcast %ge3A_3739 : i32 to vector<16xi32>
    %ge3A_3741 = arith.cmpi sge, %sub3A_3730, %ge3A_3740 : vector<16xi32>
    %and3A_3742 = arith.andi %and3A_3738, %ge3A_3741 : vector<16xi1>
    %lt3A_3743 = arith.constant 7 : i32
    %lt3A_3744 = vector.broadcast %lt3A_3743 : i32 to vector<16xi32>
    %lt3A_3745 = arith.cmpi slt, %sub3A_3730, %lt3A_3744 : vector<16xi32>
    %and3A_3746 = arith.andi %and3A_3742, %lt3A_3745 : vector<16xi1>
    %ge3A_3747 = arith.constant 0 : i32
    %ge3A_3748 = vector.broadcast %ge3A_3747 : i32 to vector<16xi32>
    %ge3A_3749 = arith.cmpi sge, %sub3A_3731, %ge3A_3748 : vector<16xi32>
    %and3A_3750 = arith.andi %and3A_3746, %ge3A_3749 : vector<16xi1>
    %lt3A_3751 = arith.constant 7 : i32
    %lt3A_3752 = vector.broadcast %lt3A_3751 : i32 to vector<16xi32>
    %lt3A_3753 = arith.cmpi slt, %sub3A_3731, %lt3A_3752 : vector<16xi32>
    %and3A_3754 = arith.andi %and3A_3750, %lt3A_3753 : vector<16xi1>
    %and3A_3755 = arith.andi %and3A_3754, %lt3A_1314 : vector<16xi1>
    %mul3A_3756 = arith.constant 49 : i32
    %mul3A_3757 = vector.broadcast %mul3A_3756 : i32 to vector<16xi32>
    %mul3A_3758 = arith.muli %sub3A_3729, %mul3A_3757 : vector<16xi32>
    %mul3A_3759 = arith.constant 7 : i32
    %mul3A_3760 = vector.broadcast %mul3A_3759 : i32 to vector<16xi32>
    %mul3A_3761 = arith.muli %sub3A_3730, %mul3A_3760 : vector<16xi32>
    %add3A_3762 = arith.addi %mul3A_3758, %mul3A_3761 : vector<16xi32>
    %add3A_3763 = arith.addi %add3A_3762, %sub3A_3731 : vector<16xi32>
    %jit3A_3764 = arith.constant 0 : i32
    %broadcast_in_dim3A_3765 = vector.broadcast %jit3A_3764 : i32 to vector<16xi32>
    %select_n3A_3766 = arith.select %and3A_3755, %add3A_3763, %broadcast_in_dim3A_3765 : vector<16xi1>, vector<16xi32>
    tpu.vector_store_idx %arg5[%broadcast_in_dim3A_3652, %select_n3A_3766], %mul3A_1311 masked %and3A_3755 {add = true} : memref<12x343xf32, #tpu.memory_space<vmem>>[vector<16xi32>, vector<16xi32>], vector<16xf32>, vector<16xi1>
    %sub3A_3767 = arith.subi %add3A_1353, %min3A_3594 : vector<16xi32>
    %sub3A_3768 = arith.subi %add3A_1383, %min3A_3622 : vector<16xi32>
    %sub3A_3769 = arith.subi %add3A_1413, %min3A_3650 : vector<16xi32>
    %ge3A_3770 = arith.constant 0 : i32
    %ge3A_3771 = vector.broadcast %ge3A_3770 : i32 to vector<16xi32>
    %ge3A_3772 = arith.cmpi sge, %sub3A_3767, %ge3A_3771 : vector<16xi32>
    %lt3A_3773 = arith.constant 7 : i32
    %lt3A_3774 = vector.broadcast %lt3A_3773 : i32 to vector<16xi32>
    %lt3A_3775 = arith.cmpi slt, %sub3A_3767, %lt3A_3774 : vector<16xi32>
    %and3A_3776 = arith.andi %ge3A_3772, %lt3A_3775 : vector<16xi1>
    %ge3A_3777 = arith.constant 0 : i32
    %ge3A_3778 = vector.broadcast %ge3A_3777 : i32 to vector<16xi32>
    %ge3A_3779 = arith.cmpi sge, %sub3A_3768, %ge3A_3778 : vector<16xi32>
    %and3A_3780 = arith.andi %and3A_3776, %ge3A_3779 : vector<16xi1>
    %lt3A_3781 = arith.constant 7 : i32
    %lt3A_3782 = vector.broadcast %lt3A_3781 : i32 to vector<16xi32>
    %lt3A_3783 = arith.cmpi slt, %sub3A_3768, %lt3A_3782 : vector<16xi32>
    %and3A_3784 = arith.andi %and3A_3780, %lt3A_3783 : vector<16xi1>
    %ge3A_3785 = arith.constant 0 : i32
    %ge3A_3786 = vector.broadcast %ge3A_3785 : i32 to vector<16xi32>
    %ge3A_3787 = arith.cmpi sge, %sub3A_3769, %ge3A_3786 : vector<16xi32>
    %and3A_3788 = arith.andi %and3A_3784, %ge3A_3787 : vector<16xi1>
    %lt3A_3789 = arith.constant 7 : i32
    %lt3A_3790 = vector.broadcast %lt3A_3789 : i32 to vector<16xi32>
    %lt3A_3791 = arith.cmpi slt, %sub3A_3769, %lt3A_3790 : vector<16xi32>
    %and3A_3792 = arith.andi %and3A_3788, %lt3A_3791 : vector<16xi1>
    %and3A_3793 = arith.andi %and3A_3792, %lt3A_1320 : vector<16xi1>
    %mul3A_3794 = arith.constant 49 : i32
    %mul3A_3795 = vector.broadcast %mul3A_3794 : i32 to vector<16xi32>
    %mul3A_3796 = arith.muli %sub3A_3767, %mul3A_3795 : vector<16xi32>
    %mul3A_3797 = arith.constant 7 : i32
    %mul3A_3798 = vector.broadcast %mul3A_3797 : i32 to vector<16xi32>
    %mul3A_3799 = arith.muli %sub3A_3768, %mul3A_3798 : vector<16xi32>
    %add3A_3800 = arith.addi %mul3A_3796, %mul3A_3799 : vector<16xi32>
    %add3A_3801 = arith.addi %add3A_3800, %sub3A_3769 : vector<16xi32>
    %jit3A_3802 = arith.constant 0 : i32
    %broadcast_in_dim3A_3803 = vector.broadcast %jit3A_3802 : i32 to vector<16xi32>
    %select_n3A_3804 = arith.select %and3A_3793, %add3A_3801, %broadcast_in_dim3A_3803 : vector<16xi1>, vector<16xi32>
    tpu.vector_store_idx %arg5[%broadcast_in_dim3A_3652, %select_n3A_3804], %mul3A_1433 masked %and3A_3793 {add = true} : memref<12x343xf32, #tpu.memory_space<vmem>>[vector<16xi32>, vector<16xi32>], vector<16xf32>, vector<16xi1>
    %sub3A_3805 = arith.subi %add3A_1472, %min3A_3594 : vector<16xi32>
    %sub3A_3806 = arith.subi %add3A_1502, %min3A_3622 : vector<16xi32>
    %sub3A_3807 = arith.subi %add3A_1532, %min3A_3650 : vector<16xi32>
    %ge3A_3808 = arith.constant 0 : i32
    %ge3A_3809 = vector.broadcast %ge3A_3808 : i32 to vector<16xi32>
    %ge3A_3810 = arith.cmpi sge, %sub3A_3805, %ge3A_3809 : vector<16xi32>
    %lt3A_3811 = arith.constant 7 : i32
    %lt3A_3812 = vector.broadcast %lt3A_3811 : i32 to vector<16xi32>
    %lt3A_3813 = arith.cmpi slt, %sub3A_3805, %lt3A_3812 : vector<16xi32>
    %and3A_3814 = arith.andi %ge3A_3810, %lt3A_3813 : vector<16xi1>
    %ge3A_3815 = arith.constant 0 : i32
    %ge3A_3816 = vector.broadcast %ge3A_3815 : i32 to vector<16xi32>
    %ge3A_3817 = arith.cmpi sge, %sub3A_3806, %ge3A_3816 : vector<16xi32>
    %and3A_3818 = arith.andi %and3A_3814, %ge3A_3817 : vector<16xi1>
    %lt3A_3819 = arith.constant 7 : i32
    %lt3A_3820 = vector.broadcast %lt3A_3819 : i32 to vector<16xi32>
    %lt3A_3821 = arith.cmpi slt, %sub3A_3806, %lt3A_3820 : vector<16xi32>
    %and3A_3822 = arith.andi %and3A_3818, %lt3A_3821 : vector<16xi1>
    %ge3A_3823 = arith.constant 0 : i32
    %ge3A_3824 = vector.broadcast %ge3A_3823 : i32 to vector<16xi32>
    %ge3A_3825 = arith.cmpi sge, %sub3A_3807, %ge3A_3824 : vector<16xi32>
    %and3A_3826 = arith.andi %and3A_3822, %ge3A_3825 : vector<16xi1>
    %lt3A_3827 = arith.constant 7 : i32
    %lt3A_3828 = vector.broadcast %lt3A_3827 : i32 to vector<16xi32>
    %lt3A_3829 = arith.cmpi slt, %sub3A_3807, %lt3A_3828 : vector<16xi32>
    %and3A_3830 = arith.andi %and3A_3826, %lt3A_3829 : vector<16xi1>
    %and3A_3831 = arith.andi %and3A_3830, %lt3A_1439 : vector<16xi1>
    %mul3A_3832 = arith.constant 49 : i32
    %mul3A_3833 = vector.broadcast %mul3A_3832 : i32 to vector<16xi32>
    %mul3A_3834 = arith.muli %sub3A_3805, %mul3A_3833 : vector<16xi32>
    %mul3A_3835 = arith.constant 7 : i32
    %mul3A_3836 = vector.broadcast %mul3A_3835 : i32 to vector<16xi32>
    %mul3A_3837 = arith.muli %sub3A_3806, %mul3A_3836 : vector<16xi32>
    %add3A_3838 = arith.addi %mul3A_3834, %mul3A_3837 : vector<16xi32>
    %add3A_3839 = arith.addi %add3A_3838, %sub3A_3807 : vector<16xi32>
    %jit3A_3840 = arith.constant 0 : i32
    %broadcast_in_dim3A_3841 = vector.broadcast %jit3A_3840 : i32 to vector<16xi32>
    %select_n3A_3842 = arith.select %and3A_3831, %add3A_3839, %broadcast_in_dim3A_3841 : vector<16xi1>, vector<16xi32>
    tpu.vector_store_idx %arg5[%broadcast_in_dim3A_3652, %select_n3A_3842], %mul3A_1552 masked %and3A_3831 {add = true} : memref<12x343xf32, #tpu.memory_space<vmem>>[vector<16xi32>, vector<16xi32>], vector<16xf32>, vector<16xi1>
    %sub3A_3843 = arith.subi %add3A_1591, %min3A_3594 : vector<16xi32>
    %sub3A_3844 = arith.subi %add3A_1621, %min3A_3622 : vector<16xi32>
    %sub3A_3845 = arith.subi %add3A_1651, %min3A_3650 : vector<16xi32>
    %ge3A_3846 = arith.constant 0 : i32
    %ge3A_3847 = vector.broadcast %ge3A_3846 : i32 to vector<16xi32>
    %ge3A_3848 = arith.cmpi sge, %sub3A_3843, %ge3A_3847 : vector<16xi32>
    %lt3A_3849 = arith.constant 7 : i32
    %lt3A_3850 = vector.broadcast %lt3A_3849 : i32 to vector<16xi32>
    %lt3A_3851 = arith.cmpi slt, %sub3A_3843, %lt3A_3850 : vector<16xi32>
    %and3A_3852 = arith.andi %ge3A_3848, %lt3A_3851 : vector<16xi1>
    %ge3A_3853 = arith.constant 0 : i32
    %ge3A_3854 = vector.broadcast %ge3A_3853 : i32 to vector<16xi32>
    %ge3A_3855 = arith.cmpi sge, %sub3A_3844, %ge3A_3854 : vector<16xi32>
    %and3A_3856 = arith.andi %and3A_3852, %ge3A_3855 : vector<16xi1>
    %lt3A_3857 = arith.constant 7 : i32
    %lt3A_3858 = vector.broadcast %lt3A_3857 : i32 to vector<16xi32>
    %lt3A_3859 = arith.cmpi slt, %sub3A_3844, %lt3A_3858 : vector<16xi32>
    %and3A_3860 = arith.andi %and3A_3856, %lt3A_3859 : vector<16xi1>
    %ge3A_3861 = arith.constant 0 : i32
    %ge3A_3862 = vector.broadcast %ge3A_3861 : i32 to vector<16xi32>
    %ge3A_3863 = arith.cmpi sge, %sub3A_3845, %ge3A_3862 : vector<16xi32>
    %and3A_3864 = arith.andi %and3A_3860, %ge3A_3863 : vector<16xi1>
    %lt3A_3865 = arith.constant 7 : i32
    %lt3A_3866 = vector.broadcast %lt3A_3865 : i32 to vector<16xi32>
    %lt3A_3867 = arith.cmpi slt, %sub3A_3845, %lt3A_3866 : vector<16xi32>
    %and3A_3868 = arith.andi %and3A_3864, %lt3A_3867 : vector<16xi1>
    %and3A_3869 = arith.andi %and3A_3868, %lt3A_1558 : vector<16xi1>
    %mul3A_3870 = arith.constant 49 : i32
    %mul3A_3871 = vector.broadcast %mul3A_3870 : i32 to vector<16xi32>
    %mul3A_3872 = arith.muli %sub3A_3843, %mul3A_3871 : vector<16xi32>
    %mul3A_3873 = arith.constant 7 : i32
    %mul3A_3874 = vector.broadcast %mul3A_3873 : i32 to vector<16xi32>
    %mul3A_3875 = arith.muli %sub3A_3844, %mul3A_3874 : vector<16xi32>
    %add3A_3876 = arith.addi %mul3A_3872, %mul3A_3875 : vector<16xi32>
    %add3A_3877 = arith.addi %add3A_3876, %sub3A_3845 : vector<16xi32>
    %jit3A_3878 = arith.constant 0 : i32
    %broadcast_in_dim3A_3879 = vector.broadcast %jit3A_3878 : i32 to vector<16xi32>
    %select_n3A_3880 = arith.select %and3A_3869, %add3A_3877, %broadcast_in_dim3A_3879 : vector<16xi1>, vector<16xi32>
    tpu.vector_store_idx %arg5[%broadcast_in_dim3A_3652, %select_n3A_3880], %mul3A_1671 masked %and3A_3869 {add = true} : memref<12x343xf32, #tpu.memory_space<vmem>>[vector<16xi32>, vector<16xi32>], vector<16xf32>, vector<16xi1>
    %add3A_3881 = arith.constant 7 : i32
    %add3A_3882 = arith.addi %mul3A_32, %add3A_3881 : i32
    %mul3A_3883 = arith.constant 3 : i32
    %mul3A_3884 = arith.muli %add3A_3882, %mul3A_3883 : i32
    %broadcast_in_dim3A_3885 = vector.broadcast %mul3A_3884 : i32 to vector<16xi32>
    %shift_right_arithmetic3A_3886 = arith.constant 7 : i32
    %shift_right_arithmetic3A_3887 = vector.broadcast %shift_right_arithmetic3A_3886 : i32 to vector<16xi32>
    %shift_right_arithmetic3A_3888 = arith.shrsi %broadcast_in_dim3A_3885, %shift_right_arithmetic3A_3887 : vector<16xi32>
    %add3A_3889 = arith.constant 1 : i32
    %add3A_3890 = vector.broadcast %add3A_3889 : i32 to vector<16xi32>
    %add3A_3891 = arith.addi %shift_right_arithmetic3A_3888, %add3A_3890 : vector<16xi32>
    %and3A_3892 = arith.constant 127 : i32
    %and3A_3893 = vector.broadcast %and3A_3892 : i32 to vector<16xi32>
    %and3A_3894 = arith.andi %broadcast_in_dim3A_3885, %and3A_3893 : vector<16xi32>
    %gather3A_3895 = tpu.vector_load_idx %arg4[%add3A_3891, %and3A_3894] : memref<4x128xi32, #tpu.memory_space<vmem>>[vector<16xi32>, vector<16xi32>], vector<16xi32>,
    %add3A_3896 = arith.constant 47 : i32
    %add3A_3897 = vector.broadcast %add3A_3896 : i32 to vector<16xi32>
    %add3A_3898 = arith.addi %gather3A_3895, %add3A_3897 : vector<16xi32>
    %mul3A_3899 = arith.constant 2 : i32
    %mul3A_3900 = vector.broadcast %mul3A_3899 : i32 to vector<16xi32>
    %mul3A_3901 = arith.muli %mul3A_3900, %add3A_3898 : vector<16xi32>
    %sub3A_3902 = arith.constant 3 : i32
    %sub3A_3903 = vector.broadcast %sub3A_3902 : i32 to vector<16xi32>
    %sub3A_3904 = arith.subi %mul3A_3901, %sub3A_3903 : vector<16xi32>
    %jit3A_3905 = arith.constant 0 : i32
    %jit3A_3906 = arith.constant 182 : i32
    %max3A_3907 = vector.broadcast %jit3A_3905 : i32 to vector<16xi32>
    %max3A_3908 = arith.maxsi %max3A_3907, %sub3A_3904 : vector<16xi32>
    %min3A_3909 = vector.broadcast %jit3A_3906 : i32 to vector<16xi32>
    %min3A_3910 = arith.minsi %min3A_3909, %max3A_3908 : vector<16xi32>
    %add3A_3911 = arith.constant 1 : i32
    %add3A_3912 = arith.addi %mul3A_3884, %add3A_3911 : i32
    %broadcast_in_dim3A_3913 = vector.broadcast %add3A_3912 : i32 to vector<16xi32>
    %shift_right_arithmetic3A_3914 = arith.constant 7 : i32
    %shift_right_arithmetic3A_3915 = vector.broadcast %shift_right_arithmetic3A_3914 : i32 to vector<16xi32>
    %shift_right_arithmetic3A_3916 = arith.shrsi %broadcast_in_dim3A_3913, %shift_right_arithmetic3A_3915 : vector<16xi32>
    %add3A_3917 = arith.constant 1 : i32
    %add3A_3918 = vector.broadcast %add3A_3917 : i32 to vector<16xi32>
    %add3A_3919 = arith.addi %shift_right_arithmetic3A_3916, %add3A_3918 : vector<16xi32>
    %and3A_3920 = arith.constant 127 : i32
    %and3A_3921 = vector.broadcast %and3A_3920 : i32 to vector<16xi32>
    %and3A_3922 = arith.andi %broadcast_in_dim3A_3913, %and3A_3921 : vector<16xi32>
    %gather3A_3923 = tpu.vector_load_idx %arg4[%add3A_3919, %and3A_3922] : memref<4x128xi32, #tpu.memory_space<vmem>>[vector<16xi32>, vector<16xi32>], vector<16xi32>,
    %add3A_3924 = arith.constant 47 : i32
    %add3A_3925 = vector.broadcast %add3A_3924 : i32 to vector<16xi32>
    %add3A_3926 = arith.addi %gather3A_3923, %add3A_3925 : vector<16xi32>
    %mul3A_3927 = arith.constant 2 : i32
    %mul3A_3928 = vector.broadcast %mul3A_3927 : i32 to vector<16xi32>
    %mul3A_3929 = arith.muli %mul3A_3928, %add3A_3926 : vector<16xi32>
    %sub3A_3930 = arith.constant 3 : i32
    %sub3A_3931 = vector.broadcast %sub3A_3930 : i32 to vector<16xi32>
    %sub3A_3932 = arith.subi %mul3A_3929, %sub3A_3931 : vector<16xi32>
    %jit3A_3933 = arith.constant 0 : i32
    %jit3A_3934 = arith.constant 182 : i32
    %max3A_3935 = vector.broadcast %jit3A_3933 : i32 to vector<16xi32>
    %max3A_3936 = arith.maxsi %max3A_3935, %sub3A_3932 : vector<16xi32>
    %min3A_3937 = vector.broadcast %jit3A_3934 : i32 to vector<16xi32>
    %min3A_3938 = arith.minsi %min3A_3937, %max3A_3936 : vector<16xi32>
    %add3A_3939 = arith.constant 2 : i32
    %add3A_3940 = arith.addi %mul3A_3884, %add3A_3939 : i32
    %broadcast_in_dim3A_3941 = vector.broadcast %add3A_3940 : i32 to vector<16xi32>
    %shift_right_arithmetic3A_3942 = arith.constant 7 : i32
    %shift_right_arithmetic3A_3943 = vector.broadcast %shift_right_arithmetic3A_3942 : i32 to vector<16xi32>
    %shift_right_arithmetic3A_3944 = arith.shrsi %broadcast_in_dim3A_3941, %shift_right_arithmetic3A_3943 : vector<16xi32>
    %add3A_3945 = arith.constant 1 : i32
    %add3A_3946 = vector.broadcast %add3A_3945 : i32 to vector<16xi32>
    %add3A_3947 = arith.addi %shift_right_arithmetic3A_3944, %add3A_3946 : vector<16xi32>
    %and3A_3948 = arith.constant 127 : i32
    %and3A_3949 = vector.broadcast %and3A_3948 : i32 to vector<16xi32>
    %and3A_3950 = arith.andi %broadcast_in_dim3A_3941, %and3A_3949 : vector<16xi32>
    %gather3A_3951 = tpu.vector_load_idx %arg4[%add3A_3947, %and3A_3950] : memref<4x128xi32, #tpu.memory_space<vmem>>[vector<16xi32>, vector<16xi32>], vector<16xi32>,
    %add3A_3952 = arith.constant 47 : i32
    %add3A_3953 = vector.broadcast %add3A_3952 : i32 to vector<16xi32>
    %add3A_3954 = arith.addi %gather3A_3951, %add3A_3953 : vector<16xi32>
    %mul3A_3955 = arith.constant 2 : i32
    %mul3A_3956 = vector.broadcast %mul3A_3955 : i32 to vector<16xi32>
    %mul3A_3957 = arith.muli %mul3A_3956, %add3A_3954 : vector<16xi32>
    %sub3A_3958 = arith.constant 3 : i32
    %sub3A_3959 = vector.broadcast %sub3A_3958 : i32 to vector<16xi32>
    %sub3A_3960 = arith.subi %mul3A_3957, %sub3A_3959 : vector<16xi32>
    %jit3A_3961 = arith.constant 0 : i32
    %jit3A_3962 = arith.constant 182 : i32
    %max3A_3963 = vector.broadcast %jit3A_3961 : i32 to vector<16xi32>
    %max3A_3964 = arith.maxsi %max3A_3963, %sub3A_3960 : vector<16xi32>
    %min3A_3965 = vector.broadcast %jit3A_3962 : i32 to vector<16xi32>
    %min3A_3966 = arith.minsi %min3A_3965, %max3A_3964 : vector<16xi32>
    %broadcast_in_dim3A_3967 = arith.constant 7 : i32
    %broadcast_in_dim3A_3968 = vector.broadcast %broadcast_in_dim3A_3967 : i32 to vector<16xi32>
    %sub3A_3969 = arith.subi %mul3A_1116, %min3A_3910 : vector<16xi32>
    %sub3A_3970 = arith.subi %mul3A_1135, %min3A_3938 : vector<16xi32>
    %sub3A_3971 = arith.subi %mul3A_1154, %min3A_3966 : vector<16xi32>
    %ge3A_3972 = arith.constant 0 : i32
    %ge3A_3973 = vector.broadcast %ge3A_3972 : i32 to vector<16xi32>
    %ge3A_3974 = arith.cmpi sge, %sub3A_3969, %ge3A_3973 : vector<16xi32>
    %lt3A_3975 = arith.constant 7 : i32
    %lt3A_3976 = vector.broadcast %lt3A_3975 : i32 to vector<16xi32>
    %lt3A_3977 = arith.cmpi slt, %sub3A_3969, %lt3A_3976 : vector<16xi32>
    %and3A_3978 = arith.andi %ge3A_3974, %lt3A_3977 : vector<16xi1>
    %ge3A_3979 = arith.constant 0 : i32
    %ge3A_3980 = vector.broadcast %ge3A_3979 : i32 to vector<16xi32>
    %ge3A_3981 = arith.cmpi sge, %sub3A_3970, %ge3A_3980 : vector<16xi32>
    %and3A_3982 = arith.andi %and3A_3978, %ge3A_3981 : vector<16xi1>
    %lt3A_3983 = arith.constant 7 : i32
    %lt3A_3984 = vector.broadcast %lt3A_3983 : i32 to vector<16xi32>
    %lt3A_3985 = arith.cmpi slt, %sub3A_3970, %lt3A_3984 : vector<16xi32>
    %and3A_3986 = arith.andi %and3A_3982, %lt3A_3985 : vector<16xi1>
    %ge3A_3987 = arith.constant 0 : i32
    %ge3A_3988 = vector.broadcast %ge3A_3987 : i32 to vector<16xi32>
    %ge3A_3989 = arith.cmpi sge, %sub3A_3971, %ge3A_3988 : vector<16xi32>
    %and3A_3990 = arith.andi %and3A_3986, %ge3A_3989 : vector<16xi1>
    %lt3A_3991 = arith.constant 7 : i32
    %lt3A_3992 = vector.broadcast %lt3A_3991 : i32 to vector<16xi32>
    %lt3A_3993 = arith.cmpi slt, %sub3A_3971, %lt3A_3992 : vector<16xi32>
    %and3A_3994 = arith.andi %and3A_3990, %lt3A_3993 : vector<16xi1>
    %and3A_3995 = arith.andi %and3A_3994, %lt3A_1166 : vector<16xi1>
    %mul3A_3996 = arith.constant 49 : i32
    %mul3A_3997 = vector.broadcast %mul3A_3996 : i32 to vector<16xi32>
    %mul3A_3998 = arith.muli %sub3A_3969, %mul3A_3997 : vector<16xi32>
    %mul3A_3999 = arith.constant 7 : i32
    %mul3A_4000 = vector.broadcast %mul3A_3999 : i32 to vector<16xi32>
    %mul3A_4001 = arith.muli %sub3A_3970, %mul3A_4000 : vector<16xi32>
    %add3A_4002 = arith.addi %mul3A_3998, %mul3A_4001 : vector<16xi32>
    %add3A_4003 = arith.addi %add3A_4002, %sub3A_3971 : vector<16xi32>
    %jit3A_4004 = arith.constant 0 : i32
    %broadcast_in_dim3A_4005 = vector.broadcast %jit3A_4004 : i32 to vector<16xi32>
    %select_n3A_4006 = arith.select %and3A_3995, %add3A_4003, %broadcast_in_dim3A_4005 : vector<16xi1>, vector<16xi32>
    tpu.vector_store_idx %arg5[%broadcast_in_dim3A_3968, %select_n3A_4006], %mul3A_1163 masked %and3A_3995 {add = true} : memref<12x343xf32, #tpu.memory_space<vmem>>[vector<16xi32>, vector<16xi32>], vector<16xf32>, vector<16xi1>
    %sub3A_4007 = arith.subi %mul3A_1188, %min3A_3910 : vector<16xi32>
    %sub3A_4008 = arith.subi %mul3A_1207, %min3A_3938 : vector<16xi32>
    %sub3A_4009 = arith.subi %mul3A_1226, %min3A_3966 : vector<16xi32>
    %ge3A_4010 = arith.constant 0 : i32
    %ge3A_4011 = vector.broadcast %ge3A_4010 : i32 to vector<16xi32>
    %ge3A_4012 = arith.cmpi sge, %sub3A_4007, %ge3A_4011 : vector<16xi32>
    %lt3A_4013 = arith.constant 7 : i32
    %lt3A_4014 = vector.broadcast %lt3A_4013 : i32 to vector<16xi32>
    %lt3A_4015 = arith.cmpi slt, %sub3A_4007, %lt3A_4014 : vector<16xi32>
    %and3A_4016 = arith.andi %ge3A_4012, %lt3A_4015 : vector<16xi1>
    %ge3A_4017 = arith.constant 0 : i32
    %ge3A_4018 = vector.broadcast %ge3A_4017 : i32 to vector<16xi32>
    %ge3A_4019 = arith.cmpi sge, %sub3A_4008, %ge3A_4018 : vector<16xi32>
    %and3A_4020 = arith.andi %and3A_4016, %ge3A_4019 : vector<16xi1>
    %lt3A_4021 = arith.constant 7 : i32
    %lt3A_4022 = vector.broadcast %lt3A_4021 : i32 to vector<16xi32>
    %lt3A_4023 = arith.cmpi slt, %sub3A_4008, %lt3A_4022 : vector<16xi32>
    %and3A_4024 = arith.andi %and3A_4020, %lt3A_4023 : vector<16xi1>
    %ge3A_4025 = arith.constant 0 : i32
    %ge3A_4026 = vector.broadcast %ge3A_4025 : i32 to vector<16xi32>
    %ge3A_4027 = arith.cmpi sge, %sub3A_4009, %ge3A_4026 : vector<16xi32>
    %and3A_4028 = arith.andi %and3A_4024, %ge3A_4027 : vector<16xi1>
    %lt3A_4029 = arith.constant 7 : i32
    %lt3A_4030 = vector.broadcast %lt3A_4029 : i32 to vector<16xi32>
    %lt3A_4031 = arith.cmpi slt, %sub3A_4009, %lt3A_4030 : vector<16xi32>
    %and3A_4032 = arith.andi %and3A_4028, %lt3A_4031 : vector<16xi1>
    %and3A_4033 = arith.andi %and3A_4032, %lt3A_1240 : vector<16xi1>
    %mul3A_4034 = arith.constant 49 : i32
    %mul3A_4035 = vector.broadcast %mul3A_4034 : i32 to vector<16xi32>
    %mul3A_4036 = arith.muli %sub3A_4007, %mul3A_4035 : vector<16xi32>
    %mul3A_4037 = arith.constant 7 : i32
    %mul3A_4038 = vector.broadcast %mul3A_4037 : i32 to vector<16xi32>
    %mul3A_4039 = arith.muli %sub3A_4008, %mul3A_4038 : vector<16xi32>
    %add3A_4040 = arith.addi %mul3A_4036, %mul3A_4039 : vector<16xi32>
    %add3A_4041 = arith.addi %add3A_4040, %sub3A_4009 : vector<16xi32>
    %jit3A_4042 = arith.constant 0 : i32
    %broadcast_in_dim3A_4043 = vector.broadcast %jit3A_4042 : i32 to vector<16xi32>
    %select_n3A_4044 = arith.select %and3A_4033, %add3A_4041, %broadcast_in_dim3A_4043 : vector<16xi1>, vector<16xi32>
    tpu.vector_store_idx %arg5[%broadcast_in_dim3A_3968, %select_n3A_4044], %mul3A_1237 masked %and3A_4033 {add = true} : memref<12x343xf32, #tpu.memory_space<vmem>>[vector<16xi32>, vector<16xi32>], vector<16xf32>, vector<16xi1>
    %sub3A_4045 = arith.subi %mul3A_1262, %min3A_3910 : vector<16xi32>
    %sub3A_4046 = arith.subi %mul3A_1281, %min3A_3938 : vector<16xi32>
    %sub3A_4047 = arith.subi %mul3A_1300, %min3A_3966 : vector<16xi32>
    %ge3A_4048 = arith.constant 0 : i32
    %ge3A_4049 = vector.broadcast %ge3A_4048 : i32 to vector<16xi32>
    %ge3A_4050 = arith.cmpi sge, %sub3A_4045, %ge3A_4049 : vector<16xi32>
    %lt3A_4051 = arith.constant 7 : i32
    %lt3A_4052 = vector.broadcast %lt3A_4051 : i32 to vector<16xi32>
    %lt3A_4053 = arith.cmpi slt, %sub3A_4045, %lt3A_4052 : vector<16xi32>
    %and3A_4054 = arith.andi %ge3A_4050, %lt3A_4053 : vector<16xi1>
    %ge3A_4055 = arith.constant 0 : i32
    %ge3A_4056 = vector.broadcast %ge3A_4055 : i32 to vector<16xi32>
    %ge3A_4057 = arith.cmpi sge, %sub3A_4046, %ge3A_4056 : vector<16xi32>
    %and3A_4058 = arith.andi %and3A_4054, %ge3A_4057 : vector<16xi1>
    %lt3A_4059 = arith.constant 7 : i32
    %lt3A_4060 = vector.broadcast %lt3A_4059 : i32 to vector<16xi32>
    %lt3A_4061 = arith.cmpi slt, %sub3A_4046, %lt3A_4060 : vector<16xi32>
    %and3A_4062 = arith.andi %and3A_4058, %lt3A_4061 : vector<16xi1>
    %ge3A_4063 = arith.constant 0 : i32
    %ge3A_4064 = vector.broadcast %ge3A_4063 : i32 to vector<16xi32>
    %ge3A_4065 = arith.cmpi sge, %sub3A_4047, %ge3A_4064 : vector<16xi32>
    %and3A_4066 = arith.andi %and3A_4062, %ge3A_4065 : vector<16xi1>
    %lt3A_4067 = arith.constant 7 : i32
    %lt3A_4068 = vector.broadcast %lt3A_4067 : i32 to vector<16xi32>
    %lt3A_4069 = arith.cmpi slt, %sub3A_4047, %lt3A_4068 : vector<16xi32>
    %and3A_4070 = arith.andi %and3A_4066, %lt3A_4069 : vector<16xi1>
    %and3A_4071 = arith.andi %and3A_4070, %lt3A_1314 : vector<16xi1>
    %mul3A_4072 = arith.constant 49 : i32
    %mul3A_4073 = vector.broadcast %mul3A_4072 : i32 to vector<16xi32>
    %mul3A_4074 = arith.muli %sub3A_4045, %mul3A_4073 : vector<16xi32>
    %mul3A_4075 = arith.constant 7 : i32
    %mul3A_4076 = vector.broadcast %mul3A_4075 : i32 to vector<16xi32>
    %mul3A_4077 = arith.muli %sub3A_4046, %mul3A_4076 : vector<16xi32>
    %add3A_4078 = arith.addi %mul3A_4074, %mul3A_4077 : vector<16xi32>
    %add3A_4079 = arith.addi %add3A_4078, %sub3A_4047 : vector<16xi32>
    %jit3A_4080 = arith.constant 0 : i32
    %broadcast_in_dim3A_4081 = vector.broadcast %jit3A_4080 : i32 to vector<16xi32>
    %select_n3A_4082 = arith.select %and3A_4071, %add3A_4079, %broadcast_in_dim3A_4081 : vector<16xi1>, vector<16xi32>
    tpu.vector_store_idx %arg5[%broadcast_in_dim3A_3968, %select_n3A_4082], %mul3A_1311 masked %and3A_4071 {add = true} : memref<12x343xf32, #tpu.memory_space<vmem>>[vector<16xi32>, vector<16xi32>], vector<16xf32>, vector<16xi1>
    %sub3A_4083 = arith.subi %add3A_1353, %min3A_3910 : vector<16xi32>
    %sub3A_4084 = arith.subi %add3A_1383, %min3A_3938 : vector<16xi32>
    %sub3A_4085 = arith.subi %add3A_1413, %min3A_3966 : vector<16xi32>
    %ge3A_4086 = arith.constant 0 : i32
    %ge3A_4087 = vector.broadcast %ge3A_4086 : i32 to vector<16xi32>
    %ge3A_4088 = arith.cmpi sge, %sub3A_4083, %ge3A_4087 : vector<16xi32>
    %lt3A_4089 = arith.constant 7 : i32
    %lt3A_4090 = vector.broadcast %lt3A_4089 : i32 to vector<16xi32>
    %lt3A_4091 = arith.cmpi slt, %sub3A_4083, %lt3A_4090 : vector<16xi32>
    %and3A_4092 = arith.andi %ge3A_4088, %lt3A_4091 : vector<16xi1>
    %ge3A_4093 = arith.constant 0 : i32
    %ge3A_4094 = vector.broadcast %ge3A_4093 : i32 to vector<16xi32>
    %ge3A_4095 = arith.cmpi sge, %sub3A_4084, %ge3A_4094 : vector<16xi32>
    %and3A_4096 = arith.andi %and3A_4092, %ge3A_4095 : vector<16xi1>
    %lt3A_4097 = arith.constant 7 : i32
    %lt3A_4098 = vector.broadcast %lt3A_4097 : i32 to vector<16xi32>
    %lt3A_4099 = arith.cmpi slt, %sub3A_4084, %lt3A_4098 : vector<16xi32>
    %and3A_4100 = arith.andi %and3A_4096, %lt3A_4099 : vector<16xi1>
    %ge3A_4101 = arith.constant 0 : i32
    %ge3A_4102 = vector.broadcast %ge3A_4101 : i32 to vector<16xi32>
    %ge3A_4103 = arith.cmpi sge, %sub3A_4085, %ge3A_4102 : vector<16xi32>
    %and3A_4104 = arith.andi %and3A_4100, %ge3A_4103 : vector<16xi1>
    %lt3A_4105 = arith.constant 7 : i32
    %lt3A_4106 = vector.broadcast %lt3A_4105 : i32 to vector<16xi32>
    %lt3A_4107 = arith.cmpi slt, %sub3A_4085, %lt3A_4106 : vector<16xi32>
    %and3A_4108 = arith.andi %and3A_4104, %lt3A_4107 : vector<16xi1>
    %and3A_4109 = arith.andi %and3A_4108, %lt3A_1320 : vector<16xi1>
    %mul3A_4110 = arith.constant 49 : i32
    %mul3A_4111 = vector.broadcast %mul3A_4110 : i32 to vector<16xi32>
    %mul3A_4112 = arith.muli %sub3A_4083, %mul3A_4111 : vector<16xi32>
    %mul3A_4113 = arith.constant 7 : i32
    %mul3A_4114 = vector.broadcast %mul3A_4113 : i32 to vector<16xi32>
    %mul3A_4115 = arith.muli %sub3A_4084, %mul3A_4114 : vector<16xi32>
    %add3A_4116 = arith.addi %mul3A_4112, %mul3A_4115 : vector<16xi32>
    %add3A_4117 = arith.addi %add3A_4116, %sub3A_4085 : vector<16xi32>
    %jit3A_4118 = arith.constant 0 : i32
    %broadcast_in_dim3A_4119 = vector.broadcast %jit3A_4118 : i32 to vector<16xi32>
    %select_n3A_4120 = arith.select %and3A_4109, %add3A_4117, %broadcast_in_dim3A_4119 : vector<16xi1>, vector<16xi32>
    tpu.vector_store_idx %arg5[%broadcast_in_dim3A_3968, %select_n3A_4120], %mul3A_1433 masked %and3A_4109 {add = true} : memref<12x343xf32, #tpu.memory_space<vmem>>[vector<16xi32>, vector<16xi32>], vector<16xf32>, vector<16xi1>
    %sub3A_4121 = arith.subi %add3A_1472, %min3A_3910 : vector<16xi32>
    %sub3A_4122 = arith.subi %add3A_1502, %min3A_3938 : vector<16xi32>
    %sub3A_4123 = arith.subi %add3A_1532, %min3A_3966 : vector<16xi32>
    %ge3A_4124 = arith.constant 0 : i32
    %ge3A_4125 = vector.broadcast %ge3A_4124 : i32 to vector<16xi32>
    %ge3A_4126 = arith.cmpi sge, %sub3A_4121, %ge3A_4125 : vector<16xi32>
    %lt3A_4127 = arith.constant 7 : i32
    %lt3A_4128 = vector.broadcast %lt3A_4127 : i32 to vector<16xi32>
    %lt3A_4129 = arith.cmpi slt, %sub3A_4121, %lt3A_4128 : vector<16xi32>
    %and3A_4130 = arith.andi %ge3A_4126, %lt3A_4129 : vector<16xi1>
    %ge3A_4131 = arith.constant 0 : i32
    %ge3A_4132 = vector.broadcast %ge3A_4131 : i32 to vector<16xi32>
    %ge3A_4133 = arith.cmpi sge, %sub3A_4122, %ge3A_4132 : vector<16xi32>
    %and3A_4134 = arith.andi %and3A_4130, %ge3A_4133 : vector<16xi1>
    %lt3A_4135 = arith.constant 7 : i32
    %lt3A_4136 = vector.broadcast %lt3A_4135 : i32 to vector<16xi32>
    %lt3A_4137 = arith.cmpi slt, %sub3A_4122, %lt3A_4136 : vector<16xi32>
    %and3A_4138 = arith.andi %and3A_4134, %lt3A_4137 : vector<16xi1>
    %ge3A_4139 = arith.constant 0 : i32
    %ge3A_4140 = vector.broadcast %ge3A_4139 : i32 to vector<16xi32>
    %ge3A_4141 = arith.cmpi sge, %sub3A_4123, %ge3A_4140 : vector<16xi32>
    %and3A_4142 = arith.andi %and3A_4138, %ge3A_4141 : vector<16xi1>
    %lt3A_4143 = arith.constant 7 : i32
    %lt3A_4144 = vector.broadcast %lt3A_4143 : i32 to vector<16xi32>
    %lt3A_4145 = arith.cmpi slt, %sub3A_4123, %lt3A_4144 : vector<16xi32>
    %and3A_4146 = arith.andi %and3A_4142, %lt3A_4145 : vector<16xi1>
    %and3A_4147 = arith.andi %and3A_4146, %lt3A_1439 : vector<16xi1>
    %mul3A_4148 = arith.constant 49 : i32
    %mul3A_4149 = vector.broadcast %mul3A_4148 : i32 to vector<16xi32>
    %mul3A_4150 = arith.muli %sub3A_4121, %mul3A_4149 : vector<16xi32>
    %mul3A_4151 = arith.constant 7 : i32
    %mul3A_4152 = vector.broadcast %mul3A_4151 : i32 to vector<16xi32>
    %mul3A_4153 = arith.muli %sub3A_4122, %mul3A_4152 : vector<16xi32>
    %add3A_4154 = arith.addi %mul3A_4150, %mul3A_4153 : vector<16xi32>
    %add3A_4155 = arith.addi %add3A_4154, %sub3A_4123 : vector<16xi32>
    %jit3A_4156 = arith.constant 0 : i32
    %broadcast_in_dim3A_4157 = vector.broadcast %jit3A_4156 : i32 to vector<16xi32>
    %select_n3A_4158 = arith.select %and3A_4147, %add3A_4155, %broadcast_in_dim3A_4157 : vector<16xi1>, vector<16xi32>
    tpu.vector_store_idx %arg5[%broadcast_in_dim3A_3968, %select_n3A_4158], %mul3A_1552 masked %and3A_4147 {add = true} : memref<12x343xf32, #tpu.memory_space<vmem>>[vector<16xi32>, vector<16xi32>], vector<16xf32>, vector<16xi1>
    %sub3A_4159 = arith.subi %add3A_1591, %min3A_3910 : vector<16xi32>
    %sub3A_4160 = arith.subi %add3A_1621, %min3A_3938 : vector<16xi32>
    %sub3A_4161 = arith.subi %add3A_1651, %min3A_3966 : vector<16xi32>
    %ge3A_4162 = arith.constant 0 : i32
    %ge3A_4163 = vector.broadcast %ge3A_4162 : i32 to vector<16xi32>
    %ge3A_4164 = arith.cmpi sge, %sub3A_4159, %ge3A_4163 : vector<16xi32>
    %lt3A_4165 = arith.constant 7 : i32
    %lt3A_4166 = vector.broadcast %lt3A_4165 : i32 to vector<16xi32>
    %lt3A_4167 = arith.cmpi slt, %sub3A_4159, %lt3A_4166 : vector<16xi32>
    %and3A_4168 = arith.andi %ge3A_4164, %lt3A_4167 : vector<16xi1>
    %ge3A_4169 = arith.constant 0 : i32
    %ge3A_4170 = vector.broadcast %ge3A_4169 : i32 to vector<16xi32>
    %ge3A_4171 = arith.cmpi sge, %sub3A_4160, %ge3A_4170 : vector<16xi32>
    %and3A_4172 = arith.andi %and3A_4168, %ge3A_4171 : vector<16xi1>
    %lt3A_4173 = arith.constant 7 : i32
    %lt3A_4174 = vector.broadcast %lt3A_4173 : i32 to vector<16xi32>
    %lt3A_4175 = arith.cmpi slt, %sub3A_4160, %lt3A_4174 : vector<16xi32>
    %and3A_4176 = arith.andi %and3A_4172, %lt3A_4175 : vector<16xi1>
    %ge3A_4177 = arith.constant 0 : i32
    %ge3A_4178 = vector.broadcast %ge3A_4177 : i32 to vector<16xi32>
    %ge3A_4179 = arith.cmpi sge, %sub3A_4161, %ge3A_4178 : vector<16xi32>
    %and3A_4180 = arith.andi %and3A_4176, %ge3A_4179 : vector<16xi1>
    %lt3A_4181 = arith.constant 7 : i32
    %lt3A_4182 = vector.broadcast %lt3A_4181 : i32 to vector<16xi32>
    %lt3A_4183 = arith.cmpi slt, %sub3A_4161, %lt3A_4182 : vector<16xi32>
    %and3A_4184 = arith.andi %and3A_4180, %lt3A_4183 : vector<16xi1>
    %and3A_4185 = arith.andi %and3A_4184, %lt3A_1558 : vector<16xi1>
    %mul3A_4186 = arith.constant 49 : i32
    %mul3A_4187 = vector.broadcast %mul3A_4186 : i32 to vector<16xi32>
    %mul3A_4188 = arith.muli %sub3A_4159, %mul3A_4187 : vector<16xi32>
    %mul3A_4189 = arith.constant 7 : i32
    %mul3A_4190 = vector.broadcast %mul3A_4189 : i32 to vector<16xi32>
    %mul3A_4191 = arith.muli %sub3A_4160, %mul3A_4190 : vector<16xi32>
    %add3A_4192 = arith.addi %mul3A_4188, %mul3A_4191 : vector<16xi32>
    %add3A_4193 = arith.addi %add3A_4192, %sub3A_4161 : vector<16xi32>
    %jit3A_4194 = arith.constant 0 : i32
    %broadcast_in_dim3A_4195 = vector.broadcast %jit3A_4194 : i32 to vector<16xi32>
    %select_n3A_4196 = arith.select %and3A_4185, %add3A_4193, %broadcast_in_dim3A_4195 : vector<16xi1>, vector<16xi32>
    tpu.vector_store_idx %arg5[%broadcast_in_dim3A_3968, %select_n3A_4196], %mul3A_1671 masked %and3A_4185 {add = true} : memref<12x343xf32, #tpu.memory_space<vmem>>[vector<16xi32>, vector<16xi32>], vector<16xf32>, vector<16xi1>
    %add3A_4197 = arith.constant 8 : i32
    %add3A_4198 = arith.addi %mul3A_32, %add3A_4197 : i32
    %mul3A_4199 = arith.constant 3 : i32
    %mul3A_4200 = arith.muli %add3A_4198, %mul3A_4199 : i32
    %broadcast_in_dim3A_4201 = vector.broadcast %mul3A_4200 : i32 to vector<16xi32>
    %shift_right_arithmetic3A_4202 = arith.constant 7 : i32
    %shift_right_arithmetic3A_4203 = vector.broadcast %shift_right_arithmetic3A_4202 : i32 to vector<16xi32>
    %shift_right_arithmetic3A_4204 = arith.shrsi %broadcast_in_dim3A_4201, %shift_right_arithmetic3A_4203 : vector<16xi32>
    %add3A_4205 = arith.constant 1 : i32
    %add3A_4206 = vector.broadcast %add3A_4205 : i32 to vector<16xi32>
    %add3A_4207 = arith.addi %shift_right_arithmetic3A_4204, %add3A_4206 : vector<16xi32>
    %and3A_4208 = arith.constant 127 : i32
    %and3A_4209 = vector.broadcast %and3A_4208 : i32 to vector<16xi32>
    %and3A_4210 = arith.andi %broadcast_in_dim3A_4201, %and3A_4209 : vector<16xi32>
    %gather3A_4211 = tpu.vector_load_idx %arg4[%add3A_4207, %and3A_4210] : memref<4x128xi32, #tpu.memory_space<vmem>>[vector<16xi32>, vector<16xi32>], vector<16xi32>,
    %add3A_4212 = arith.constant 47 : i32
    %add3A_4213 = vector.broadcast %add3A_4212 : i32 to vector<16xi32>
    %add3A_4214 = arith.addi %gather3A_4211, %add3A_4213 : vector<16xi32>
    %mul3A_4215 = arith.constant 2 : i32
    %mul3A_4216 = vector.broadcast %mul3A_4215 : i32 to vector<16xi32>
    %mul3A_4217 = arith.muli %mul3A_4216, %add3A_4214 : vector<16xi32>
    %sub3A_4218 = arith.constant 3 : i32
    %sub3A_4219 = vector.broadcast %sub3A_4218 : i32 to vector<16xi32>
    %sub3A_4220 = arith.subi %mul3A_4217, %sub3A_4219 : vector<16xi32>
    %jit3A_4221 = arith.constant 0 : i32
    %jit3A_4222 = arith.constant 182 : i32
    %max3A_4223 = vector.broadcast %jit3A_4221 : i32 to vector<16xi32>
    %max3A_4224 = arith.maxsi %max3A_4223, %sub3A_4220 : vector<16xi32>
    %min3A_4225 = vector.broadcast %jit3A_4222 : i32 to vector<16xi32>
    %min3A_4226 = arith.minsi %min3A_4225, %max3A_4224 : vector<16xi32>
    %add3A_4227 = arith.constant 1 : i32
    %add3A_4228 = arith.addi %mul3A_4200, %add3A_4227 : i32
    %broadcast_in_dim3A_4229 = vector.broadcast %add3A_4228 : i32 to vector<16xi32>
    %shift_right_arithmetic3A_4230 = arith.constant 7 : i32
    %shift_right_arithmetic3A_4231 = vector.broadcast %shift_right_arithmetic3A_4230 : i32 to vector<16xi32>
    %shift_right_arithmetic3A_4232 = arith.shrsi %broadcast_in_dim3A_4229, %shift_right_arithmetic3A_4231 : vector<16xi32>
    %add3A_4233 = arith.constant 1 : i32
    %add3A_4234 = vector.broadcast %add3A_4233 : i32 to vector<16xi32>
    %add3A_4235 = arith.addi %shift_right_arithmetic3A_4232, %add3A_4234 : vector<16xi32>
    %and3A_4236 = arith.constant 127 : i32
    %and3A_4237 = vector.broadcast %and3A_4236 : i32 to vector<16xi32>
    %and3A_4238 = arith.andi %broadcast_in_dim3A_4229, %and3A_4237 : vector<16xi32>
    %gather3A_4239 = tpu.vector_load_idx %arg4[%add3A_4235, %and3A_4238] : memref<4x128xi32, #tpu.memory_space<vmem>>[vector<16xi32>, vector<16xi32>], vector<16xi32>,
    %add3A_4240 = arith.constant 47 : i32
    %add3A_4241 = vector.broadcast %add3A_4240 : i32 to vector<16xi32>
    %add3A_4242 = arith.addi %gather3A_4239, %add3A_4241 : vector<16xi32>
    %mul3A_4243 = arith.constant 2 : i32
    %mul3A_4244 = vector.broadcast %mul3A_4243 : i32 to vector<16xi32>
    %mul3A_4245 = arith.muli %mul3A_4244, %add3A_4242 : vector<16xi32>
    %sub3A_4246 = arith.constant 3 : i32
    %sub3A_4247 = vector.broadcast %sub3A_4246 : i32 to vector<16xi32>
    %sub3A_4248 = arith.subi %mul3A_4245, %sub3A_4247 : vector<16xi32>
    %jit3A_4249 = arith.constant 0 : i32
    %jit3A_4250 = arith.constant 182 : i32
    %max3A_4251 = vector.broadcast %jit3A_4249 : i32 to vector<16xi32>
    %max3A_4252 = arith.maxsi %max3A_4251, %sub3A_4248 : vector<16xi32>
    %min3A_4253 = vector.broadcast %jit3A_4250 : i32 to vector<16xi32>
    %min3A_4254 = arith.minsi %min3A_4253, %max3A_4252 : vector<16xi32>
    %add3A_4255 = arith.constant 2 : i32
    %add3A_4256 = arith.addi %mul3A_4200, %add3A_4255 : i32
    %broadcast_in_dim3A_4257 = vector.broadcast %add3A_4256 : i32 to vector<16xi32>
    %shift_right_arithmetic3A_4258 = arith.constant 7 : i32
    %shift_right_arithmetic3A_4259 = vector.broadcast %shift_right_arithmetic3A_4258 : i32 to vector<16xi32>
    %shift_right_arithmetic3A_4260 = arith.shrsi %broadcast_in_dim3A_4257, %shift_right_arithmetic3A_4259 : vector<16xi32>
    %add3A_4261 = arith.constant 1 : i32
    %add3A_4262 = vector.broadcast %add3A_4261 : i32 to vector<16xi32>
    %add3A_4263 = arith.addi %shift_right_arithmetic3A_4260, %add3A_4262 : vector<16xi32>
    %and3A_4264 = arith.constant 127 : i32
    %and3A_4265 = vector.broadcast %and3A_4264 : i32 to vector<16xi32>
    %and3A_4266 = arith.andi %broadcast_in_dim3A_4257, %and3A_4265 : vector<16xi32>
    %gather3A_4267 = tpu.vector_load_idx %arg4[%add3A_4263, %and3A_4266] : memref<4x128xi32, #tpu.memory_space<vmem>>[vector<16xi32>, vector<16xi32>], vector<16xi32>,
    %add3A_4268 = arith.constant 47 : i32
    %add3A_4269 = vector.broadcast %add3A_4268 : i32 to vector<16xi32>
    %add3A_4270 = arith.addi %gather3A_4267, %add3A_4269 : vector<16xi32>
    %mul3A_4271 = arith.constant 2 : i32
    %mul3A_4272 = vector.broadcast %mul3A_4271 : i32 to vector<16xi32>
    %mul3A_4273 = arith.muli %mul3A_4272, %add3A_4270 : vector<16xi32>
    %sub3A_4274 = arith.constant 3 : i32
    %sub3A_4275 = vector.broadcast %sub3A_4274 : i32 to vector<16xi32>
    %sub3A_4276 = arith.subi %mul3A_4273, %sub3A_4275 : vector<16xi32>
    %jit3A_4277 = arith.constant 0 : i32
    %jit3A_4278 = arith.constant 182 : i32
    %max3A_4279 = vector.broadcast %jit3A_4277 : i32 to vector<16xi32>
    %max3A_4280 = arith.maxsi %max3A_4279, %sub3A_4276 : vector<16xi32>
    %min3A_4281 = vector.broadcast %jit3A_4278 : i32 to vector<16xi32>
    %min3A_4282 = arith.minsi %min3A_4281, %max3A_4280 : vector<16xi32>
    %broadcast_in_dim3A_4283 = arith.constant 8 : i32
    %broadcast_in_dim3A_4284 = vector.broadcast %broadcast_in_dim3A_4283 : i32 to vector<16xi32>
    %sub3A_4285 = arith.subi %mul3A_1116, %min3A_4226 : vector<16xi32>
    %sub3A_4286 = arith.subi %mul3A_1135, %min3A_4254 : vector<16xi32>
    %sub3A_4287 = arith.subi %mul3A_1154, %min3A_4282 : vector<16xi32>
    %ge3A_4288 = arith.constant 0 : i32
    %ge3A_4289 = vector.broadcast %ge3A_4288 : i32 to vector<16xi32>
    %ge3A_4290 = arith.cmpi sge, %sub3A_4285, %ge3A_4289 : vector<16xi32>
    %lt3A_4291 = arith.constant 7 : i32
    %lt3A_4292 = vector.broadcast %lt3A_4291 : i32 to vector<16xi32>
    %lt3A_4293 = arith.cmpi slt, %sub3A_4285, %lt3A_4292 : vector<16xi32>
    %and3A_4294 = arith.andi %ge3A_4290, %lt3A_4293 : vector<16xi1>
    %ge3A_4295 = arith.constant 0 : i32
    %ge3A_4296 = vector.broadcast %ge3A_4295 : i32 to vector<16xi32>
    %ge3A_4297 = arith.cmpi sge, %sub3A_4286, %ge3A_4296 : vector<16xi32>
    %and3A_4298 = arith.andi %and3A_4294, %ge3A_4297 : vector<16xi1>
    %lt3A_4299 = arith.constant 7 : i32
    %lt3A_4300 = vector.broadcast %lt3A_4299 : i32 to vector<16xi32>
    %lt3A_4301 = arith.cmpi slt, %sub3A_4286, %lt3A_4300 : vector<16xi32>
    %and3A_4302 = arith.andi %and3A_4298, %lt3A_4301 : vector<16xi1>
    %ge3A_4303 = arith.constant 0 : i32
    %ge3A_4304 = vector.broadcast %ge3A_4303 : i32 to vector<16xi32>
    %ge3A_4305 = arith.cmpi sge, %sub3A_4287, %ge3A_4304 : vector<16xi32>
    %and3A_4306 = arith.andi %and3A_4302, %ge3A_4305 : vector<16xi1>
    %lt3A_4307 = arith.constant 7 : i32
    %lt3A_4308 = vector.broadcast %lt3A_4307 : i32 to vector<16xi32>
    %lt3A_4309 = arith.cmpi slt, %sub3A_4287, %lt3A_4308 : vector<16xi32>
    %and3A_4310 = arith.andi %and3A_4306, %lt3A_4309 : vector<16xi1>
    %and3A_4311 = arith.andi %and3A_4310, %lt3A_1166 : vector<16xi1>
    %mul3A_4312 = arith.constant 49 : i32
    %mul3A_4313 = vector.broadcast %mul3A_4312 : i32 to vector<16xi32>
    %mul3A_4314 = arith.muli %sub3A_4285, %mul3A_4313 : vector<16xi32>
    %mul3A_4315 = arith.constant 7 : i32
    %mul3A_4316 = vector.broadcast %mul3A_4315 : i32 to vector<16xi32>
    %mul3A_4317 = arith.muli %sub3A_4286, %mul3A_4316 : vector<16xi32>
    %add3A_4318 = arith.addi %mul3A_4314, %mul3A_4317 : vector<16xi32>
    %add3A_4319 = arith.addi %add3A_4318, %sub3A_4287 : vector<16xi32>
    %jit3A_4320 = arith.constant 0 : i32
    %broadcast_in_dim3A_4321 = vector.broadcast %jit3A_4320 : i32 to vector<16xi32>
    %select_n3A_4322 = arith.select %and3A_4311, %add3A_4319, %broadcast_in_dim3A_4321 : vector<16xi1>, vector<16xi32>
    tpu.vector_store_idx %arg5[%broadcast_in_dim3A_4284, %select_n3A_4322], %mul3A_1163 masked %and3A_4311 {add = true} : memref<12x343xf32, #tpu.memory_space<vmem>>[vector<16xi32>, vector<16xi32>], vector<16xf32>, vector<16xi1>
    %sub3A_4323 = arith.subi %mul3A_1188, %min3A_4226 : vector<16xi32>
    %sub3A_4324 = arith.subi %mul3A_1207, %min3A_4254 : vector<16xi32>
    %sub3A_4325 = arith.subi %mul3A_1226, %min3A_4282 : vector<16xi32>
    %ge3A_4326 = arith.constant 0 : i32
    %ge3A_4327 = vector.broadcast %ge3A_4326 : i32 to vector<16xi32>
    %ge3A_4328 = arith.cmpi sge, %sub3A_4323, %ge3A_4327 : vector<16xi32>
    %lt3A_4329 = arith.constant 7 : i32
    %lt3A_4330 = vector.broadcast %lt3A_4329 : i32 to vector<16xi32>
    %lt3A_4331 = arith.cmpi slt, %sub3A_4323, %lt3A_4330 : vector<16xi32>
    %and3A_4332 = arith.andi %ge3A_4328, %lt3A_4331 : vector<16xi1>
    %ge3A_4333 = arith.constant 0 : i32
    %ge3A_4334 = vector.broadcast %ge3A_4333 : i32 to vector<16xi32>
    %ge3A_4335 = arith.cmpi sge, %sub3A_4324, %ge3A_4334 : vector<16xi32>
    %and3A_4336 = arith.andi %and3A_4332, %ge3A_4335 : vector<16xi1>
    %lt3A_4337 = arith.constant 7 : i32
    %lt3A_4338 = vector.broadcast %lt3A_4337 : i32 to vector<16xi32>
    %lt3A_4339 = arith.cmpi slt, %sub3A_4324, %lt3A_4338 : vector<16xi32>
    %and3A_4340 = arith.andi %and3A_4336, %lt3A_4339 : vector<16xi1>
    %ge3A_4341 = arith.constant 0 : i32
    %ge3A_4342 = vector.broadcast %ge3A_4341 : i32 to vector<16xi32>
    %ge3A_4343 = arith.cmpi sge, %sub3A_4325, %ge3A_4342 : vector<16xi32>
    %and3A_4344 = arith.andi %and3A_4340, %ge3A_4343 : vector<16xi1>
    %lt3A_4345 = arith.constant 7 : i32
    %lt3A_4346 = vector.broadcast %lt3A_4345 : i32 to vector<16xi32>
    %lt3A_4347 = arith.cmpi slt, %sub3A_4325, %lt3A_4346 : vector<16xi32>
    %and3A_4348 = arith.andi %and3A_4344, %lt3A_4347 : vector<16xi1>
    %and3A_4349 = arith.andi %and3A_4348, %lt3A_1240 : vector<16xi1>
    %mul3A_4350 = arith.constant 49 : i32
    %mul3A_4351 = vector.broadcast %mul3A_4350 : i32 to vector<16xi32>
    %mul3A_4352 = arith.muli %sub3A_4323, %mul3A_4351 : vector<16xi32>
    %mul3A_4353 = arith.constant 7 : i32
    %mul3A_4354 = vector.broadcast %mul3A_4353 : i32 to vector<16xi32>
    %mul3A_4355 = arith.muli %sub3A_4324, %mul3A_4354 : vector<16xi32>
    %add3A_4356 = arith.addi %mul3A_4352, %mul3A_4355 : vector<16xi32>
    %add3A_4357 = arith.addi %add3A_4356, %sub3A_4325 : vector<16xi32>
    %jit3A_4358 = arith.constant 0 : i32
    %broadcast_in_dim3A_4359 = vector.broadcast %jit3A_4358 : i32 to vector<16xi32>
    %select_n3A_4360 = arith.select %and3A_4349, %add3A_4357, %broadcast_in_dim3A_4359 : vector<16xi1>, vector<16xi32>
    tpu.vector_store_idx %arg5[%broadcast_in_dim3A_4284, %select_n3A_4360], %mul3A_1237 masked %and3A_4349 {add = true} : memref<12x343xf32, #tpu.memory_space<vmem>>[vector<16xi32>, vector<16xi32>], vector<16xf32>, vector<16xi1>
    %sub3A_4361 = arith.subi %mul3A_1262, %min3A_4226 : vector<16xi32>
    %sub3A_4362 = arith.subi %mul3A_1281, %min3A_4254 : vector<16xi32>
    %sub3A_4363 = arith.subi %mul3A_1300, %min3A_4282 : vector<16xi32>
    %ge3A_4364 = arith.constant 0 : i32
    %ge3A_4365 = vector.broadcast %ge3A_4364 : i32 to vector<16xi32>
    %ge3A_4366 = arith.cmpi sge, %sub3A_4361, %ge3A_4365 : vector<16xi32>
    %lt3A_4367 = arith.constant 7 : i32
    %lt3A_4368 = vector.broadcast %lt3A_4367 : i32 to vector<16xi32>
    %lt3A_4369 = arith.cmpi slt, %sub3A_4361, %lt3A_4368 : vector<16xi32>
    %and3A_4370 = arith.andi %ge3A_4366, %lt3A_4369 : vector<16xi1>
    %ge3A_4371 = arith.constant 0 : i32
    %ge3A_4372 = vector.broadcast %ge3A_4371 : i32 to vector<16xi32>
    %ge3A_4373 = arith.cmpi sge, %sub3A_4362, %ge3A_4372 : vector<16xi32>
    %and3A_4374 = arith.andi %and3A_4370, %ge3A_4373 : vector<16xi1>
    %lt3A_4375 = arith.constant 7 : i32
    %lt3A_4376 = vector.broadcast %lt3A_4375 : i32 to vector<16xi32>
    %lt3A_4377 = arith.cmpi slt, %sub3A_4362, %lt3A_4376 : vector<16xi32>
    %and3A_4378 = arith.andi %and3A_4374, %lt3A_4377 : vector<16xi1>
    %ge3A_4379 = arith.constant 0 : i32
    %ge3A_4380 = vector.broadcast %ge3A_4379 : i32 to vector<16xi32>
    %ge3A_4381 = arith.cmpi sge, %sub3A_4363, %ge3A_4380 : vector<16xi32>
    %and3A_4382 = arith.andi %and3A_4378, %ge3A_4381 : vector<16xi1>
    %lt3A_4383 = arith.constant 7 : i32
    %lt3A_4384 = vector.broadcast %lt3A_4383 : i32 to vector<16xi32>
    %lt3A_4385 = arith.cmpi slt, %sub3A_4363, %lt3A_4384 : vector<16xi32>
    %and3A_4386 = arith.andi %and3A_4382, %lt3A_4385 : vector<16xi1>
    %and3A_4387 = arith.andi %and3A_4386, %lt3A_1314 : vector<16xi1>
    %mul3A_4388 = arith.constant 49 : i32
    %mul3A_4389 = vector.broadcast %mul3A_4388 : i32 to vector<16xi32>
    %mul3A_4390 = arith.muli %sub3A_4361, %mul3A_4389 : vector<16xi32>
    %mul3A_4391 = arith.constant 7 : i32
    %mul3A_4392 = vector.broadcast %mul3A_4391 : i32 to vector<16xi32>
    %mul3A_4393 = arith.muli %sub3A_4362, %mul3A_4392 : vector<16xi32>
    %add3A_4394 = arith.addi %mul3A_4390, %mul3A_4393 : vector<16xi32>
    %add3A_4395 = arith.addi %add3A_4394, %sub3A_4363 : vector<16xi32>
    %jit3A_4396 = arith.constant 0 : i32
    %broadcast_in_dim3A_4397 = vector.broadcast %jit3A_4396 : i32 to vector<16xi32>
    %select_n3A_4398 = arith.select %and3A_4387, %add3A_4395, %broadcast_in_dim3A_4397 : vector<16xi1>, vector<16xi32>
    tpu.vector_store_idx %arg5[%broadcast_in_dim3A_4284, %select_n3A_4398], %mul3A_1311 masked %and3A_4387 {add = true} : memref<12x343xf32, #tpu.memory_space<vmem>>[vector<16xi32>, vector<16xi32>], vector<16xf32>, vector<16xi1>
    %sub3A_4399 = arith.subi %add3A_1353, %min3A_4226 : vector<16xi32>
    %sub3A_4400 = arith.subi %add3A_1383, %min3A_4254 : vector<16xi32>
    %sub3A_4401 = arith.subi %add3A_1413, %min3A_4282 : vector<16xi32>
    %ge3A_4402 = arith.constant 0 : i32
    %ge3A_4403 = vector.broadcast %ge3A_4402 : i32 to vector<16xi32>
    %ge3A_4404 = arith.cmpi sge, %sub3A_4399, %ge3A_4403 : vector<16xi32>
    %lt3A_4405 = arith.constant 7 : i32
    %lt3A_4406 = vector.broadcast %lt3A_4405 : i32 to vector<16xi32>
    %lt3A_4407 = arith.cmpi slt, %sub3A_4399, %lt3A_4406 : vector<16xi32>
    %and3A_4408 = arith.andi %ge3A_4404, %lt3A_4407 : vector<16xi1>
    %ge3A_4409 = arith.constant 0 : i32
    %ge3A_4410 = vector.broadcast %ge3A_4409 : i32 to vector<16xi32>
    %ge3A_4411 = arith.cmpi sge, %sub3A_4400, %ge3A_4410 : vector<16xi32>
    %and3A_4412 = arith.andi %and3A_4408, %ge3A_4411 : vector<16xi1>
    %lt3A_4413 = arith.constant 7 : i32
    %lt3A_4414 = vector.broadcast %lt3A_4413 : i32 to vector<16xi32>
    %lt3A_4415 = arith.cmpi slt, %sub3A_4400, %lt3A_4414 : vector<16xi32>
    %and3A_4416 = arith.andi %and3A_4412, %lt3A_4415 : vector<16xi1>
    %ge3A_4417 = arith.constant 0 : i32
    %ge3A_4418 = vector.broadcast %ge3A_4417 : i32 to vector<16xi32>
    %ge3A_4419 = arith.cmpi sge, %sub3A_4401, %ge3A_4418 : vector<16xi32>
    %and3A_4420 = arith.andi %and3A_4416, %ge3A_4419 : vector<16xi1>
    %lt3A_4421 = arith.constant 7 : i32
    %lt3A_4422 = vector.broadcast %lt3A_4421 : i32 to vector<16xi32>
    %lt3A_4423 = arith.cmpi slt, %sub3A_4401, %lt3A_4422 : vector<16xi32>
    %and3A_4424 = arith.andi %and3A_4420, %lt3A_4423 : vector<16xi1>
    %and3A_4425 = arith.andi %and3A_4424, %lt3A_1320 : vector<16xi1>
    %mul3A_4426 = arith.constant 49 : i32
    %mul3A_4427 = vector.broadcast %mul3A_4426 : i32 to vector<16xi32>
    %mul3A_4428 = arith.muli %sub3A_4399, %mul3A_4427 : vector<16xi32>
    %mul3A_4429 = arith.constant 7 : i32
    %mul3A_4430 = vector.broadcast %mul3A_4429 : i32 to vector<16xi32>
    %mul3A_4431 = arith.muli %sub3A_4400, %mul3A_4430 : vector<16xi32>
    %add3A_4432 = arith.addi %mul3A_4428, %mul3A_4431 : vector<16xi32>
    %add3A_4433 = arith.addi %add3A_4432, %sub3A_4401 : vector<16xi32>
    %jit3A_4434 = arith.constant 0 : i32
    %broadcast_in_dim3A_4435 = vector.broadcast %jit3A_4434 : i32 to vector<16xi32>
    %select_n3A_4436 = arith.select %and3A_4425, %add3A_4433, %broadcast_in_dim3A_4435 : vector<16xi1>, vector<16xi32>
    tpu.vector_store_idx %arg5[%broadcast_in_dim3A_4284, %select_n3A_4436], %mul3A_1433 masked %and3A_4425 {add = true} : memref<12x343xf32, #tpu.memory_space<vmem>>[vector<16xi32>, vector<16xi32>], vector<16xf32>, vector<16xi1>
    %sub3A_4437 = arith.subi %add3A_1472, %min3A_4226 : vector<16xi32>
    %sub3A_4438 = arith.subi %add3A_1502, %min3A_4254 : vector<16xi32>
    %sub3A_4439 = arith.subi %add3A_1532, %min3A_4282 : vector<16xi32>
    %ge3A_4440 = arith.constant 0 : i32
    %ge3A_4441 = vector.broadcast %ge3A_4440 : i32 to vector<16xi32>
    %ge3A_4442 = arith.cmpi sge, %sub3A_4437, %ge3A_4441 : vector<16xi32>
    %lt3A_4443 = arith.constant 7 : i32
    %lt3A_4444 = vector.broadcast %lt3A_4443 : i32 to vector<16xi32>
    %lt3A_4445 = arith.cmpi slt, %sub3A_4437, %lt3A_4444 : vector<16xi32>
    %and3A_4446 = arith.andi %ge3A_4442, %lt3A_4445 : vector<16xi1>
    %ge3A_4447 = arith.constant 0 : i32
    %ge3A_4448 = vector.broadcast %ge3A_4447 : i32 to vector<16xi32>
    %ge3A_4449 = arith.cmpi sge, %sub3A_4438, %ge3A_4448 : vector<16xi32>
    %and3A_4450 = arith.andi %and3A_4446, %ge3A_4449 : vector<16xi1>
    %lt3A_4451 = arith.constant 7 : i32
    %lt3A_4452 = vector.broadcast %lt3A_4451 : i32 to vector<16xi32>
    %lt3A_4453 = arith.cmpi slt, %sub3A_4438, %lt3A_4452 : vector<16xi32>
    %and3A_4454 = arith.andi %and3A_4450, %lt3A_4453 : vector<16xi1>
    %ge3A_4455 = arith.constant 0 : i32
    %ge3A_4456 = vector.broadcast %ge3A_4455 : i32 to vector<16xi32>
    %ge3A_4457 = arith.cmpi sge, %sub3A_4439, %ge3A_4456 : vector<16xi32>
    %and3A_4458 = arith.andi %and3A_4454, %ge3A_4457 : vector<16xi1>
    %lt3A_4459 = arith.constant 7 : i32
    %lt3A_4460 = vector.broadcast %lt3A_4459 : i32 to vector<16xi32>
    %lt3A_4461 = arith.cmpi slt, %sub3A_4439, %lt3A_4460 : vector<16xi32>
    %and3A_4462 = arith.andi %and3A_4458, %lt3A_4461 : vector<16xi1>
    %and3A_4463 = arith.andi %and3A_4462, %lt3A_1439 : vector<16xi1>
    %mul3A_4464 = arith.constant 49 : i32
    %mul3A_4465 = vector.broadcast %mul3A_4464 : i32 to vector<16xi32>
    %mul3A_4466 = arith.muli %sub3A_4437, %mul3A_4465 : vector<16xi32>
    %mul3A_4467 = arith.constant 7 : i32
    %mul3A_4468 = vector.broadcast %mul3A_4467 : i32 to vector<16xi32>
    %mul3A_4469 = arith.muli %sub3A_4438, %mul3A_4468 : vector<16xi32>
    %add3A_4470 = arith.addi %mul3A_4466, %mul3A_4469 : vector<16xi32>
    %add3A_4471 = arith.addi %add3A_4470, %sub3A_4439 : vector<16xi32>
    %jit3A_4472 = arith.constant 0 : i32
    %broadcast_in_dim3A_4473 = vector.broadcast %jit3A_4472 : i32 to vector<16xi32>
    %select_n3A_4474 = arith.select %and3A_4463, %add3A_4471, %broadcast_in_dim3A_4473 : vector<16xi1>, vector<16xi32>
    tpu.vector_store_idx %arg5[%broadcast_in_dim3A_4284, %select_n3A_4474], %mul3A_1552 masked %and3A_4463 {add = true} : memref<12x343xf32, #tpu.memory_space<vmem>>[vector<16xi32>, vector<16xi32>], vector<16xf32>, vector<16xi1>
    %sub3A_4475 = arith.subi %add3A_1591, %min3A_4226 : vector<16xi32>
    %sub3A_4476 = arith.subi %add3A_1621, %min3A_4254 : vector<16xi32>
    %sub3A_4477 = arith.subi %add3A_1651, %min3A_4282 : vector<16xi32>
    %ge3A_4478 = arith.constant 0 : i32
    %ge3A_4479 = vector.broadcast %ge3A_4478 : i32 to vector<16xi32>
    %ge3A_4480 = arith.cmpi sge, %sub3A_4475, %ge3A_4479 : vector<16xi32>
    %lt3A_4481 = arith.constant 7 : i32
    %lt3A_4482 = vector.broadcast %lt3A_4481 : i32 to vector<16xi32>
    %lt3A_4483 = arith.cmpi slt, %sub3A_4475, %lt3A_4482 : vector<16xi32>
    %and3A_4484 = arith.andi %ge3A_4480, %lt3A_4483 : vector<16xi1>
    %ge3A_4485 = arith.constant 0 : i32
    %ge3A_4486 = vector.broadcast %ge3A_4485 : i32 to vector<16xi32>
    %ge3A_4487 = arith.cmpi sge, %sub3A_4476, %ge3A_4486 : vector<16xi32>
    %and3A_4488 = arith.andi %and3A_4484, %ge3A_4487 : vector<16xi1>
    %lt3A_4489 = arith.constant 7 : i32
    %lt3A_4490 = vector.broadcast %lt3A_4489 : i32 to vector<16xi32>
    %lt3A_4491 = arith.cmpi slt, %sub3A_4476, %lt3A_4490 : vector<16xi32>
    %and3A_4492 = arith.andi %and3A_4488, %lt3A_4491 : vector<16xi1>
    %ge3A_4493 = arith.constant 0 : i32
    %ge3A_4494 = vector.broadcast %ge3A_4493 : i32 to vector<16xi32>
    %ge3A_4495 = arith.cmpi sge, %sub3A_4477, %ge3A_4494 : vector<16xi32>
    %and3A_4496 = arith.andi %and3A_4492, %ge3A_4495 : vector<16xi1>
    %lt3A_4497 = arith.constant 7 : i32
    %lt3A_4498 = vector.broadcast %lt3A_4497 : i32 to vector<16xi32>
    %lt3A_4499 = arith.cmpi slt, %sub3A_4477, %lt3A_4498 : vector<16xi32>
    %and3A_4500 = arith.andi %and3A_4496, %lt3A_4499 : vector<16xi1>
    %and3A_4501 = arith.andi %and3A_4500, %lt3A_1558 : vector<16xi1>
    %mul3A_4502 = arith.constant 49 : i32
    %mul3A_4503 = vector.broadcast %mul3A_4502 : i32 to vector<16xi32>
    %mul3A_4504 = arith.muli %sub3A_4475, %mul3A_4503 : vector<16xi32>
    %mul3A_4505 = arith.constant 7 : i32
    %mul3A_4506 = vector.broadcast %mul3A_4505 : i32 to vector<16xi32>
    %mul3A_4507 = arith.muli %sub3A_4476, %mul3A_4506 : vector<16xi32>
    %add3A_4508 = arith.addi %mul3A_4504, %mul3A_4507 : vector<16xi32>
    %add3A_4509 = arith.addi %add3A_4508, %sub3A_4477 : vector<16xi32>
    %jit3A_4510 = arith.constant 0 : i32
    %broadcast_in_dim3A_4511 = vector.broadcast %jit3A_4510 : i32 to vector<16xi32>
    %select_n3A_4512 = arith.select %and3A_4501, %add3A_4509, %broadcast_in_dim3A_4511 : vector<16xi1>, vector<16xi32>
    tpu.vector_store_idx %arg5[%broadcast_in_dim3A_4284, %select_n3A_4512], %mul3A_1671 masked %and3A_4501 {add = true} : memref<12x343xf32, #tpu.memory_space<vmem>>[vector<16xi32>, vector<16xi32>], vector<16xf32>, vector<16xi1>
    %add3A_4513 = arith.constant 9 : i32
    %add3A_4514 = arith.addi %mul3A_32, %add3A_4513 : i32
    %mul3A_4515 = arith.constant 3 : i32
    %mul3A_4516 = arith.muli %add3A_4514, %mul3A_4515 : i32
    %broadcast_in_dim3A_4517 = vector.broadcast %mul3A_4516 : i32 to vector<16xi32>
    %shift_right_arithmetic3A_4518 = arith.constant 7 : i32
    %shift_right_arithmetic3A_4519 = vector.broadcast %shift_right_arithmetic3A_4518 : i32 to vector<16xi32>
    %shift_right_arithmetic3A_4520 = arith.shrsi %broadcast_in_dim3A_4517, %shift_right_arithmetic3A_4519 : vector<16xi32>
    %add3A_4521 = arith.constant 1 : i32
    %add3A_4522 = vector.broadcast %add3A_4521 : i32 to vector<16xi32>
    %add3A_4523 = arith.addi %shift_right_arithmetic3A_4520, %add3A_4522 : vector<16xi32>
    %and3A_4524 = arith.constant 127 : i32
    %and3A_4525 = vector.broadcast %and3A_4524 : i32 to vector<16xi32>
    %and3A_4526 = arith.andi %broadcast_in_dim3A_4517, %and3A_4525 : vector<16xi32>
    %gather3A_4527 = tpu.vector_load_idx %arg4[%add3A_4523, %and3A_4526] : memref<4x128xi32, #tpu.memory_space<vmem>>[vector<16xi32>, vector<16xi32>], vector<16xi32>,
    %add3A_4528 = arith.constant 47 : i32
    %add3A_4529 = vector.broadcast %add3A_4528 : i32 to vector<16xi32>
    %add3A_4530 = arith.addi %gather3A_4527, %add3A_4529 : vector<16xi32>
    %mul3A_4531 = arith.constant 2 : i32
    %mul3A_4532 = vector.broadcast %mul3A_4531 : i32 to vector<16xi32>
    %mul3A_4533 = arith.muli %mul3A_4532, %add3A_4530 : vector<16xi32>
    %sub3A_4534 = arith.constant 3 : i32
    %sub3A_4535 = vector.broadcast %sub3A_4534 : i32 to vector<16xi32>
    %sub3A_4536 = arith.subi %mul3A_4533, %sub3A_4535 : vector<16xi32>
    %jit3A_4537 = arith.constant 0 : i32
    %jit3A_4538 = arith.constant 182 : i32
    %max3A_4539 = vector.broadcast %jit3A_4537 : i32 to vector<16xi32>
    %max3A_4540 = arith.maxsi %max3A_4539, %sub3A_4536 : vector<16xi32>
    %min3A_4541 = vector.broadcast %jit3A_4538 : i32 to vector<16xi32>
    %min3A_4542 = arith.minsi %min3A_4541, %max3A_4540 : vector<16xi32>
    %add3A_4543 = arith.constant 1 : i32
    %add3A_4544 = arith.addi %mul3A_4516, %add3A_4543 : i32
    %broadcast_in_dim3A_4545 = vector.broadcast %add3A_4544 : i32 to vector<16xi32>
    %shift_right_arithmetic3A_4546 = arith.constant 7 : i32
    %shift_right_arithmetic3A_4547 = vector.broadcast %shift_right_arithmetic3A_4546 : i32 to vector<16xi32>
    %shift_right_arithmetic3A_4548 = arith.shrsi %broadcast_in_dim3A_4545, %shift_right_arithmetic3A_4547 : vector<16xi32>
    %add3A_4549 = arith.constant 1 : i32
    %add3A_4550 = vector.broadcast %add3A_4549 : i32 to vector<16xi32>
    %add3A_4551 = arith.addi %shift_right_arithmetic3A_4548, %add3A_4550 : vector<16xi32>
    %and3A_4552 = arith.constant 127 : i32
    %and3A_4553 = vector.broadcast %and3A_4552 : i32 to vector<16xi32>
    %and3A_4554 = arith.andi %broadcast_in_dim3A_4545, %and3A_4553 : vector<16xi32>
    %gather3A_4555 = tpu.vector_load_idx %arg4[%add3A_4551, %and3A_4554] : memref<4x128xi32, #tpu.memory_space<vmem>>[vector<16xi32>, vector<16xi32>], vector<16xi32>,
    %add3A_4556 = arith.constant 47 : i32
    %add3A_4557 = vector.broadcast %add3A_4556 : i32 to vector<16xi32>
    %add3A_4558 = arith.addi %gather3A_4555, %add3A_4557 : vector<16xi32>
    %mul3A_4559 = arith.constant 2 : i32
    %mul3A_4560 = vector.broadcast %mul3A_4559 : i32 to vector<16xi32>
    %mul3A_4561 = arith.muli %mul3A_4560, %add3A_4558 : vector<16xi32>
    %sub3A_4562 = arith.constant 3 : i32
    %sub3A_4563 = vector.broadcast %sub3A_4562 : i32 to vector<16xi32>
    %sub3A_4564 = arith.subi %mul3A_4561, %sub3A_4563 : vector<16xi32>
    %jit3A_4565 = arith.constant 0 : i32
    %jit3A_4566 = arith.constant 182 : i32
    %max3A_4567 = vector.broadcast %jit3A_4565 : i32 to vector<16xi32>
    %max3A_4568 = arith.maxsi %max3A_4567, %sub3A_4564 : vector<16xi32>
    %min3A_4569 = vector.broadcast %jit3A_4566 : i32 to vector<16xi32>
    %min3A_4570 = arith.minsi %min3A_4569, %max3A_4568 : vector<16xi32>
    %add3A_4571 = arith.constant 2 : i32
    %add3A_4572 = arith.addi %mul3A_4516, %add3A_4571 : i32
    %broadcast_in_dim3A_4573 = vector.broadcast %add3A_4572 : i32 to vector<16xi32>
    %shift_right_arithmetic3A_4574 = arith.constant 7 : i32
    %shift_right_arithmetic3A_4575 = vector.broadcast %shift_right_arithmetic3A_4574 : i32 to vector<16xi32>
    %shift_right_arithmetic3A_4576 = arith.shrsi %broadcast_in_dim3A_4573, %shift_right_arithmetic3A_4575 : vector<16xi32>
    %add3A_4577 = arith.constant 1 : i32
    %add3A_4578 = vector.broadcast %add3A_4577 : i32 to vector<16xi32>
    %add3A_4579 = arith.addi %shift_right_arithmetic3A_4576, %add3A_4578 : vector<16xi32>
    %and3A_4580 = arith.constant 127 : i32
    %and3A_4581 = vector.broadcast %and3A_4580 : i32 to vector<16xi32>
    %and3A_4582 = arith.andi %broadcast_in_dim3A_4573, %and3A_4581 : vector<16xi32>
    %gather3A_4583 = tpu.vector_load_idx %arg4[%add3A_4579, %and3A_4582] : memref<4x128xi32, #tpu.memory_space<vmem>>[vector<16xi32>, vector<16xi32>], vector<16xi32>,
    %add3A_4584 = arith.constant 47 : i32
    %add3A_4585 = vector.broadcast %add3A_4584 : i32 to vector<16xi32>
    %add3A_4586 = arith.addi %gather3A_4583, %add3A_4585 : vector<16xi32>
    %mul3A_4587 = arith.constant 2 : i32
    %mul3A_4588 = vector.broadcast %mul3A_4587 : i32 to vector<16xi32>
    %mul3A_4589 = arith.muli %mul3A_4588, %add3A_4586 : vector<16xi32>
    %sub3A_4590 = arith.constant 3 : i32
    %sub3A_4591 = vector.broadcast %sub3A_4590 : i32 to vector<16xi32>
    %sub3A_4592 = arith.subi %mul3A_4589, %sub3A_4591 : vector<16xi32>
    %jit3A_4593 = arith.constant 0 : i32
    %jit3A_4594 = arith.constant 182 : i32
    %max3A_4595 = vector.broadcast %jit3A_4593 : i32 to vector<16xi32>
    %max3A_4596 = arith.maxsi %max3A_4595, %sub3A_4592 : vector<16xi32>
    %min3A_4597 = vector.broadcast %jit3A_4594 : i32 to vector<16xi32>
    %min3A_4598 = arith.minsi %min3A_4597, %max3A_4596 : vector<16xi32>
    %broadcast_in_dim3A_4599 = arith.constant 9 : i32
    %broadcast_in_dim3A_4600 = vector.broadcast %broadcast_in_dim3A_4599 : i32 to vector<16xi32>
    %sub3A_4601 = arith.subi %mul3A_1116, %min3A_4542 : vector<16xi32>
    %sub3A_4602 = arith.subi %mul3A_1135, %min3A_4570 : vector<16xi32>
    %sub3A_4603 = arith.subi %mul3A_1154, %min3A_4598 : vector<16xi32>
    %ge3A_4604 = arith.constant 0 : i32
    %ge3A_4605 = vector.broadcast %ge3A_4604 : i32 to vector<16xi32>
    %ge3A_4606 = arith.cmpi sge, %sub3A_4601, %ge3A_4605 : vector<16xi32>
    %lt3A_4607 = arith.constant 7 : i32
    %lt3A_4608 = vector.broadcast %lt3A_4607 : i32 to vector<16xi32>
    %lt3A_4609 = arith.cmpi slt, %sub3A_4601, %lt3A_4608 : vector<16xi32>
    %and3A_4610 = arith.andi %ge3A_4606, %lt3A_4609 : vector<16xi1>
    %ge3A_4611 = arith.constant 0 : i32
    %ge3A_4612 = vector.broadcast %ge3A_4611 : i32 to vector<16xi32>
    %ge3A_4613 = arith.cmpi sge, %sub3A_4602, %ge3A_4612 : vector<16xi32>
    %and3A_4614 = arith.andi %and3A_4610, %ge3A_4613 : vector<16xi1>
    %lt3A_4615 = arith.constant 7 : i32
    %lt3A_4616 = vector.broadcast %lt3A_4615 : i32 to vector<16xi32>
    %lt3A_4617 = arith.cmpi slt, %sub3A_4602, %lt3A_4616 : vector<16xi32>
    %and3A_4618 = arith.andi %and3A_4614, %lt3A_4617 : vector<16xi1>
    %ge3A_4619 = arith.constant 0 : i32
    %ge3A_4620 = vector.broadcast %ge3A_4619 : i32 to vector<16xi32>
    %ge3A_4621 = arith.cmpi sge, %sub3A_4603, %ge3A_4620 : vector<16xi32>
    %and3A_4622 = arith.andi %and3A_4618, %ge3A_4621 : vector<16xi1>
    %lt3A_4623 = arith.constant 7 : i32
    %lt3A_4624 = vector.broadcast %lt3A_4623 : i32 to vector<16xi32>
    %lt3A_4625 = arith.cmpi slt, %sub3A_4603, %lt3A_4624 : vector<16xi32>
    %and3A_4626 = arith.andi %and3A_4622, %lt3A_4625 : vector<16xi1>
    %and3A_4627 = arith.andi %and3A_4626, %lt3A_1166 : vector<16xi1>
    %mul3A_4628 = arith.constant 49 : i32
    %mul3A_4629 = vector.broadcast %mul3A_4628 : i32 to vector<16xi32>
    %mul3A_4630 = arith.muli %sub3A_4601, %mul3A_4629 : vector<16xi32>
    %mul3A_4631 = arith.constant 7 : i32
    %mul3A_4632 = vector.broadcast %mul3A_4631 : i32 to vector<16xi32>
    %mul3A_4633 = arith.muli %sub3A_4602, %mul3A_4632 : vector<16xi32>
    %add3A_4634 = arith.addi %mul3A_4630, %mul3A_4633 : vector<16xi32>
    %add3A_4635 = arith.addi %add3A_4634, %sub3A_4603 : vector<16xi32>
    %jit3A_4636 = arith.constant 0 : i32
    %broadcast_in_dim3A_4637 = vector.broadcast %jit3A_4636 : i32 to vector<16xi32>
    %select_n3A_4638 = arith.select %and3A_4627, %add3A_4635, %broadcast_in_dim3A_4637 : vector<16xi1>, vector<16xi32>
    tpu.vector_store_idx %arg5[%broadcast_in_dim3A_4600, %select_n3A_4638], %mul3A_1163 masked %and3A_4627 {add = true} : memref<12x343xf32, #tpu.memory_space<vmem>>[vector<16xi32>, vector<16xi32>], vector<16xf32>, vector<16xi1>
    %sub3A_4639 = arith.subi %mul3A_1188, %min3A_4542 : vector<16xi32>
    %sub3A_4640 = arith.subi %mul3A_1207, %min3A_4570 : vector<16xi32>
    %sub3A_4641 = arith.subi %mul3A_1226, %min3A_4598 : vector<16xi32>
    %ge3A_4642 = arith.constant 0 : i32
    %ge3A_4643 = vector.broadcast %ge3A_4642 : i32 to vector<16xi32>
    %ge3A_4644 = arith.cmpi sge, %sub3A_4639, %ge3A_4643 : vector<16xi32>
    %lt3A_4645 = arith.constant 7 : i32
    %lt3A_4646 = vector.broadcast %lt3A_4645 : i32 to vector<16xi32>
    %lt3A_4647 = arith.cmpi slt, %sub3A_4639, %lt3A_4646 : vector<16xi32>
    %and3A_4648 = arith.andi %ge3A_4644, %lt3A_4647 : vector<16xi1>
    %ge3A_4649 = arith.constant 0 : i32
    %ge3A_4650 = vector.broadcast %ge3A_4649 : i32 to vector<16xi32>
    %ge3A_4651 = arith.cmpi sge, %sub3A_4640, %ge3A_4650 : vector<16xi32>
    %and3A_4652 = arith.andi %and3A_4648, %ge3A_4651 : vector<16xi1>
    %lt3A_4653 = arith.constant 7 : i32
    %lt3A_4654 = vector.broadcast %lt3A_4653 : i32 to vector<16xi32>
    %lt3A_4655 = arith.cmpi slt, %sub3A_4640, %lt3A_4654 : vector<16xi32>
    %and3A_4656 = arith.andi %and3A_4652, %lt3A_4655 : vector<16xi1>
    %ge3A_4657 = arith.constant 0 : i32
    %ge3A_4658 = vector.broadcast %ge3A_4657 : i32 to vector<16xi32>
    %ge3A_4659 = arith.cmpi sge, %sub3A_4641, %ge3A_4658 : vector<16xi32>
    %and3A_4660 = arith.andi %and3A_4656, %ge3A_4659 : vector<16xi1>
    %lt3A_4661 = arith.constant 7 : i32
    %lt3A_4662 = vector.broadcast %lt3A_4661 : i32 to vector<16xi32>
    %lt3A_4663 = arith.cmpi slt, %sub3A_4641, %lt3A_4662 : vector<16xi32>
    %and3A_4664 = arith.andi %and3A_4660, %lt3A_4663 : vector<16xi1>
    %and3A_4665 = arith.andi %and3A_4664, %lt3A_1240 : vector<16xi1>
    %mul3A_4666 = arith.constant 49 : i32
    %mul3A_4667 = vector.broadcast %mul3A_4666 : i32 to vector<16xi32>
    %mul3A_4668 = arith.muli %sub3A_4639, %mul3A_4667 : vector<16xi32>
    %mul3A_4669 = arith.constant 7 : i32
    %mul3A_4670 = vector.broadcast %mul3A_4669 : i32 to vector<16xi32>
    %mul3A_4671 = arith.muli %sub3A_4640, %mul3A_4670 : vector<16xi32>
    %add3A_4672 = arith.addi %mul3A_4668, %mul3A_4671 : vector<16xi32>
    %add3A_4673 = arith.addi %add3A_4672, %sub3A_4641 : vector<16xi32>
    %jit3A_4674 = arith.constant 0 : i32
    %broadcast_in_dim3A_4675 = vector.broadcast %jit3A_4674 : i32 to vector<16xi32>
    %select_n3A_4676 = arith.select %and3A_4665, %add3A_4673, %broadcast_in_dim3A_4675 : vector<16xi1>, vector<16xi32>
    tpu.vector_store_idx %arg5[%broadcast_in_dim3A_4600, %select_n3A_4676], %mul3A_1237 masked %and3A_4665 {add = true} : memref<12x343xf32, #tpu.memory_space<vmem>>[vector<16xi32>, vector<16xi32>], vector<16xf32>, vector<16xi1>
    %sub3A_4677 = arith.subi %mul3A_1262, %min3A_4542 : vector<16xi32>
    %sub3A_4678 = arith.subi %mul3A_1281, %min3A_4570 : vector<16xi32>
    %sub3A_4679 = arith.subi %mul3A_1300, %min3A_4598 : vector<16xi32>
    %ge3A_4680 = arith.constant 0 : i32
    %ge3A_4681 = vector.broadcast %ge3A_4680 : i32 to vector<16xi32>
    %ge3A_4682 = arith.cmpi sge, %sub3A_4677, %ge3A_4681 : vector<16xi32>
    %lt3A_4683 = arith.constant 7 : i32
    %lt3A_4684 = vector.broadcast %lt3A_4683 : i32 to vector<16xi32>
    %lt3A_4685 = arith.cmpi slt, %sub3A_4677, %lt3A_4684 : vector<16xi32>
    %and3A_4686 = arith.andi %ge3A_4682, %lt3A_4685 : vector<16xi1>
    %ge3A_4687 = arith.constant 0 : i32
    %ge3A_4688 = vector.broadcast %ge3A_4687 : i32 to vector<16xi32>
    %ge3A_4689 = arith.cmpi sge, %sub3A_4678, %ge3A_4688 : vector<16xi32>
    %and3A_4690 = arith.andi %and3A_4686, %ge3A_4689 : vector<16xi1>
    %lt3A_4691 = arith.constant 7 : i32
    %lt3A_4692 = vector.broadcast %lt3A_4691 : i32 to vector<16xi32>
    %lt3A_4693 = arith.cmpi slt, %sub3A_4678, %lt3A_4692 : vector<16xi32>
    %and3A_4694 = arith.andi %and3A_4690, %lt3A_4693 : vector<16xi1>
    %ge3A_4695 = arith.constant 0 : i32
    %ge3A_4696 = vector.broadcast %ge3A_4695 : i32 to vector<16xi32>
    %ge3A_4697 = arith.cmpi sge, %sub3A_4679, %ge3A_4696 : vector<16xi32>
    %and3A_4698 = arith.andi %and3A_4694, %ge3A_4697 : vector<16xi1>
    %lt3A_4699 = arith.constant 7 : i32
    %lt3A_4700 = vector.broadcast %lt3A_4699 : i32 to vector<16xi32>
    %lt3A_4701 = arith.cmpi slt, %sub3A_4679, %lt3A_4700 : vector<16xi32>
    %and3A_4702 = arith.andi %and3A_4698, %lt3A_4701 : vector<16xi1>
    %and3A_4703 = arith.andi %and3A_4702, %lt3A_1314 : vector<16xi1>
    %mul3A_4704 = arith.constant 49 : i32
    %mul3A_4705 = vector.broadcast %mul3A_4704 : i32 to vector<16xi32>
    %mul3A_4706 = arith.muli %sub3A_4677, %mul3A_4705 : vector<16xi32>
    %mul3A_4707 = arith.constant 7 : i32
    %mul3A_4708 = vector.broadcast %mul3A_4707 : i32 to vector<16xi32>
    %mul3A_4709 = arith.muli %sub3A_4678, %mul3A_4708 : vector<16xi32>
    %add3A_4710 = arith.addi %mul3A_4706, %mul3A_4709 : vector<16xi32>
    %add3A_4711 = arith.addi %add3A_4710, %sub3A_4679 : vector<16xi32>
    %jit3A_4712 = arith.constant 0 : i32
    %broadcast_in_dim3A_4713 = vector.broadcast %jit3A_4712 : i32 to vector<16xi32>
    %select_n3A_4714 = arith.select %and3A_4703, %add3A_4711, %broadcast_in_dim3A_4713 : vector<16xi1>, vector<16xi32>
    tpu.vector_store_idx %arg5[%broadcast_in_dim3A_4600, %select_n3A_4714], %mul3A_1311 masked %and3A_4703 {add = true} : memref<12x343xf32, #tpu.memory_space<vmem>>[vector<16xi32>, vector<16xi32>], vector<16xf32>, vector<16xi1>
    %sub3A_4715 = arith.subi %add3A_1353, %min3A_4542 : vector<16xi32>
    %sub3A_4716 = arith.subi %add3A_1383, %min3A_4570 : vector<16xi32>
    %sub3A_4717 = arith.subi %add3A_1413, %min3A_4598 : vector<16xi32>
    %ge3A_4718 = arith.constant 0 : i32
    %ge3A_4719 = vector.broadcast %ge3A_4718 : i32 to vector<16xi32>
    %ge3A_4720 = arith.cmpi sge, %sub3A_4715, %ge3A_4719 : vector<16xi32>
    %lt3A_4721 = arith.constant 7 : i32
    %lt3A_4722 = vector.broadcast %lt3A_4721 : i32 to vector<16xi32>
    %lt3A_4723 = arith.cmpi slt, %sub3A_4715, %lt3A_4722 : vector<16xi32>
    %and3A_4724 = arith.andi %ge3A_4720, %lt3A_4723 : vector<16xi1>
    %ge3A_4725 = arith.constant 0 : i32
    %ge3A_4726 = vector.broadcast %ge3A_4725 : i32 to vector<16xi32>
    %ge3A_4727 = arith.cmpi sge, %sub3A_4716, %ge3A_4726 : vector<16xi32>
    %and3A_4728 = arith.andi %and3A_4724, %ge3A_4727 : vector<16xi1>
    %lt3A_4729 = arith.constant 7 : i32
    %lt3A_4730 = vector.broadcast %lt3A_4729 : i32 to vector<16xi32>
    %lt3A_4731 = arith.cmpi slt, %sub3A_4716, %lt3A_4730 : vector<16xi32>
    %and3A_4732 = arith.andi %and3A_4728, %lt3A_4731 : vector<16xi1>
    %ge3A_4733 = arith.constant 0 : i32
    %ge3A_4734 = vector.broadcast %ge3A_4733 : i32 to vector<16xi32>
    %ge3A_4735 = arith.cmpi sge, %sub3A_4717, %ge3A_4734 : vector<16xi32>
    %and3A_4736 = arith.andi %and3A_4732, %ge3A_4735 : vector<16xi1>
    %lt3A_4737 = arith.constant 7 : i32
    %lt3A_4738 = vector.broadcast %lt3A_4737 : i32 to vector<16xi32>
    %lt3A_4739 = arith.cmpi slt, %sub3A_4717, %lt3A_4738 : vector<16xi32>
    %and3A_4740 = arith.andi %and3A_4736, %lt3A_4739 : vector<16xi1>
    %and3A_4741 = arith.andi %and3A_4740, %lt3A_1320 : vector<16xi1>
    %mul3A_4742 = arith.constant 49 : i32
    %mul3A_4743 = vector.broadcast %mul3A_4742 : i32 to vector<16xi32>
    %mul3A_4744 = arith.muli %sub3A_4715, %mul3A_4743 : vector<16xi32>
    %mul3A_4745 = arith.constant 7 : i32
    %mul3A_4746 = vector.broadcast %mul3A_4745 : i32 to vector<16xi32>
    %mul3A_4747 = arith.muli %sub3A_4716, %mul3A_4746 : vector<16xi32>
    %add3A_4748 = arith.addi %mul3A_4744, %mul3A_4747 : vector<16xi32>
    %add3A_4749 = arith.addi %add3A_4748, %sub3A_4717 : vector<16xi32>
    %jit3A_4750 = arith.constant 0 : i32
    %broadcast_in_dim3A_4751 = vector.broadcast %jit3A_4750 : i32 to vector<16xi32>
    %select_n3A_4752 = arith.select %and3A_4741, %add3A_4749, %broadcast_in_dim3A_4751 : vector<16xi1>, vector<16xi32>
    tpu.vector_store_idx %arg5[%broadcast_in_dim3A_4600, %select_n3A_4752], %mul3A_1433 masked %and3A_4741 {add = true} : memref<12x343xf32, #tpu.memory_space<vmem>>[vector<16xi32>, vector<16xi32>], vector<16xf32>, vector<16xi1>
    %sub3A_4753 = arith.subi %add3A_1472, %min3A_4542 : vector<16xi32>
    %sub3A_4754 = arith.subi %add3A_1502, %min3A_4570 : vector<16xi32>
    %sub3A_4755 = arith.subi %add3A_1532, %min3A_4598 : vector<16xi32>
    %ge3A_4756 = arith.constant 0 : i32
    %ge3A_4757 = vector.broadcast %ge3A_4756 : i32 to vector<16xi32>
    %ge3A_4758 = arith.cmpi sge, %sub3A_4753, %ge3A_4757 : vector<16xi32>
    %lt3A_4759 = arith.constant 7 : i32
    %lt3A_4760 = vector.broadcast %lt3A_4759 : i32 to vector<16xi32>
    %lt3A_4761 = arith.cmpi slt, %sub3A_4753, %lt3A_4760 : vector<16xi32>
    %and3A_4762 = arith.andi %ge3A_4758, %lt3A_4761 : vector<16xi1>
    %ge3A_4763 = arith.constant 0 : i32
    %ge3A_4764 = vector.broadcast %ge3A_4763 : i32 to vector<16xi32>
    %ge3A_4765 = arith.cmpi sge, %sub3A_4754, %ge3A_4764 : vector<16xi32>
    %and3A_4766 = arith.andi %and3A_4762, %ge3A_4765 : vector<16xi1>
    %lt3A_4767 = arith.constant 7 : i32
    %lt3A_4768 = vector.broadcast %lt3A_4767 : i32 to vector<16xi32>
    %lt3A_4769 = arith.cmpi slt, %sub3A_4754, %lt3A_4768 : vector<16xi32>
    %and3A_4770 = arith.andi %and3A_4766, %lt3A_4769 : vector<16xi1>
    %ge3A_4771 = arith.constant 0 : i32
    %ge3A_4772 = vector.broadcast %ge3A_4771 : i32 to vector<16xi32>
    %ge3A_4773 = arith.cmpi sge, %sub3A_4755, %ge3A_4772 : vector<16xi32>
    %and3A_4774 = arith.andi %and3A_4770, %ge3A_4773 : vector<16xi1>
    %lt3A_4775 = arith.constant 7 : i32
    %lt3A_4776 = vector.broadcast %lt3A_4775 : i32 to vector<16xi32>
    %lt3A_4777 = arith.cmpi slt, %sub3A_4755, %lt3A_4776 : vector<16xi32>
    %and3A_4778 = arith.andi %and3A_4774, %lt3A_4777 : vector<16xi1>
    %and3A_4779 = arith.andi %and3A_4778, %lt3A_1439 : vector<16xi1>
    %mul3A_4780 = arith.constant 49 : i32
    %mul3A_4781 = vector.broadcast %mul3A_4780 : i32 to vector<16xi32>
    %mul3A_4782 = arith.muli %sub3A_4753, %mul3A_4781 : vector<16xi32>
    %mul3A_4783 = arith.constant 7 : i32
    %mul3A_4784 = vector.broadcast %mul3A_4783 : i32 to vector<16xi32>
    %mul3A_4785 = arith.muli %sub3A_4754, %mul3A_4784 : vector<16xi32>
    %add3A_4786 = arith.addi %mul3A_4782, %mul3A_4785 : vector<16xi32>
    %add3A_4787 = arith.addi %add3A_4786, %sub3A_4755 : vector<16xi32>
    %jit3A_4788 = arith.constant 0 : i32
    %broadcast_in_dim3A_4789 = vector.broadcast %jit3A_4788 : i32 to vector<16xi32>
    %select_n3A_4790 = arith.select %and3A_4779, %add3A_4787, %broadcast_in_dim3A_4789 : vector<16xi1>, vector<16xi32>
    tpu.vector_store_idx %arg5[%broadcast_in_dim3A_4600, %select_n3A_4790], %mul3A_1552 masked %and3A_4779 {add = true} : memref<12x343xf32, #tpu.memory_space<vmem>>[vector<16xi32>, vector<16xi32>], vector<16xf32>, vector<16xi1>
    %sub3A_4791 = arith.subi %add3A_1591, %min3A_4542 : vector<16xi32>
    %sub3A_4792 = arith.subi %add3A_1621, %min3A_4570 : vector<16xi32>
    %sub3A_4793 = arith.subi %add3A_1651, %min3A_4598 : vector<16xi32>
    %ge3A_4794 = arith.constant 0 : i32
    %ge3A_4795 = vector.broadcast %ge3A_4794 : i32 to vector<16xi32>
    %ge3A_4796 = arith.cmpi sge, %sub3A_4791, %ge3A_4795 : vector<16xi32>
    %lt3A_4797 = arith.constant 7 : i32
    %lt3A_4798 = vector.broadcast %lt3A_4797 : i32 to vector<16xi32>
    %lt3A_4799 = arith.cmpi slt, %sub3A_4791, %lt3A_4798 : vector<16xi32>
    %and3A_4800 = arith.andi %ge3A_4796, %lt3A_4799 : vector<16xi1>
    %ge3A_4801 = arith.constant 0 : i32
    %ge3A_4802 = vector.broadcast %ge3A_4801 : i32 to vector<16xi32>
    %ge3A_4803 = arith.cmpi sge, %sub3A_4792, %ge3A_4802 : vector<16xi32>
    %and3A_4804 = arith.andi %and3A_4800, %ge3A_4803 : vector<16xi1>
    %lt3A_4805 = arith.constant 7 : i32
    %lt3A_4806 = vector.broadcast %lt3A_4805 : i32 to vector<16xi32>
    %lt3A_4807 = arith.cmpi slt, %sub3A_4792, %lt3A_4806 : vector<16xi32>
    %and3A_4808 = arith.andi %and3A_4804, %lt3A_4807 : vector<16xi1>
    %ge3A_4809 = arith.constant 0 : i32
    %ge3A_4810 = vector.broadcast %ge3A_4809 : i32 to vector<16xi32>
    %ge3A_4811 = arith.cmpi sge, %sub3A_4793, %ge3A_4810 : vector<16xi32>
    %and3A_4812 = arith.andi %and3A_4808, %ge3A_4811 : vector<16xi1>
    %lt3A_4813 = arith.constant 7 : i32
    %lt3A_4814 = vector.broadcast %lt3A_4813 : i32 to vector<16xi32>
    %lt3A_4815 = arith.cmpi slt, %sub3A_4793, %lt3A_4814 : vector<16xi32>
    %and3A_4816 = arith.andi %and3A_4812, %lt3A_4815 : vector<16xi1>
    %and3A_4817 = arith.andi %and3A_4816, %lt3A_1558 : vector<16xi1>
    %mul3A_4818 = arith.constant 49 : i32
    %mul3A_4819 = vector.broadcast %mul3A_4818 : i32 to vector<16xi32>
    %mul3A_4820 = arith.muli %sub3A_4791, %mul3A_4819 : vector<16xi32>
    %mul3A_4821 = arith.constant 7 : i32
    %mul3A_4822 = vector.broadcast %mul3A_4821 : i32 to vector<16xi32>
    %mul3A_4823 = arith.muli %sub3A_4792, %mul3A_4822 : vector<16xi32>
    %add3A_4824 = arith.addi %mul3A_4820, %mul3A_4823 : vector<16xi32>
    %add3A_4825 = arith.addi %add3A_4824, %sub3A_4793 : vector<16xi32>
    %jit3A_4826 = arith.constant 0 : i32
    %broadcast_in_dim3A_4827 = vector.broadcast %jit3A_4826 : i32 to vector<16xi32>
    %select_n3A_4828 = arith.select %and3A_4817, %add3A_4825, %broadcast_in_dim3A_4827 : vector<16xi1>, vector<16xi32>
    tpu.vector_store_idx %arg5[%broadcast_in_dim3A_4600, %select_n3A_4828], %mul3A_1671 masked %and3A_4817 {add = true} : memref<12x343xf32, #tpu.memory_space<vmem>>[vector<16xi32>, vector<16xi32>], vector<16xf32>, vector<16xi1>
    %add3A_4829 = arith.constant 10 : i32
    %add3A_4830 = arith.addi %mul3A_32, %add3A_4829 : i32
    %mul3A_4831 = arith.constant 3 : i32
    %mul3A_4832 = arith.muli %add3A_4830, %mul3A_4831 : i32
    %broadcast_in_dim3A_4833 = vector.broadcast %mul3A_4832 : i32 to vector<16xi32>
    %shift_right_arithmetic3A_4834 = arith.constant 7 : i32
    %shift_right_arithmetic3A_4835 = vector.broadcast %shift_right_arithmetic3A_4834 : i32 to vector<16xi32>
    %shift_right_arithmetic3A_4836 = arith.shrsi %broadcast_in_dim3A_4833, %shift_right_arithmetic3A_4835 : vector<16xi32>
    %add3A_4837 = arith.constant 1 : i32
    %add3A_4838 = vector.broadcast %add3A_4837 : i32 to vector<16xi32>
    %add3A_4839 = arith.addi %shift_right_arithmetic3A_4836, %add3A_4838 : vector<16xi32>
    %and3A_4840 = arith.constant 127 : i32
    %and3A_4841 = vector.broadcast %and3A_4840 : i32 to vector<16xi32>
    %and3A_4842 = arith.andi %broadcast_in_dim3A_4833, %and3A_4841 : vector<16xi32>
    %gather3A_4843 = tpu.vector_load_idx %arg4[%add3A_4839, %and3A_4842] : memref<4x128xi32, #tpu.memory_space<vmem>>[vector<16xi32>, vector<16xi32>], vector<16xi32>,
    %add3A_4844 = arith.constant 47 : i32
    %add3A_4845 = vector.broadcast %add3A_4844 : i32 to vector<16xi32>
    %add3A_4846 = arith.addi %gather3A_4843, %add3A_4845 : vector<16xi32>
    %mul3A_4847 = arith.constant 2 : i32
    %mul3A_4848 = vector.broadcast %mul3A_4847 : i32 to vector<16xi32>
    %mul3A_4849 = arith.muli %mul3A_4848, %add3A_4846 : vector<16xi32>
    %sub3A_4850 = arith.constant 3 : i32
    %sub3A_4851 = vector.broadcast %sub3A_4850 : i32 to vector<16xi32>
    %sub3A_4852 = arith.subi %mul3A_4849, %sub3A_4851 : vector<16xi32>
    %jit3A_4853 = arith.constant 0 : i32
    %jit3A_4854 = arith.constant 182 : i32
    %max3A_4855 = vector.broadcast %jit3A_4853 : i32 to vector<16xi32>
    %max3A_4856 = arith.maxsi %max3A_4855, %sub3A_4852 : vector<16xi32>
    %min3A_4857 = vector.broadcast %jit3A_4854 : i32 to vector<16xi32>
    %min3A_4858 = arith.minsi %min3A_4857, %max3A_4856 : vector<16xi32>
    %add3A_4859 = arith.constant 1 : i32
    %add3A_4860 = arith.addi %mul3A_4832, %add3A_4859 : i32
    %broadcast_in_dim3A_4861 = vector.broadcast %add3A_4860 : i32 to vector<16xi32>
    %shift_right_arithmetic3A_4862 = arith.constant 7 : i32
    %shift_right_arithmetic3A_4863 = vector.broadcast %shift_right_arithmetic3A_4862 : i32 to vector<16xi32>
    %shift_right_arithmetic3A_4864 = arith.shrsi %broadcast_in_dim3A_4861, %shift_right_arithmetic3A_4863 : vector<16xi32>
    %add3A_4865 = arith.constant 1 : i32
    %add3A_4866 = vector.broadcast %add3A_4865 : i32 to vector<16xi32>
    %add3A_4867 = arith.addi %shift_right_arithmetic3A_4864, %add3A_4866 : vector<16xi32>
    %and3A_4868 = arith.constant 127 : i32
    %and3A_4869 = vector.broadcast %and3A_4868 : i32 to vector<16xi32>
    %and3A_4870 = arith.andi %broadcast_in_dim3A_4861, %and3A_4869 : vector<16xi32>
    %gather3A_4871 = tpu.vector_load_idx %arg4[%add3A_4867, %and3A_4870] : memref<4x128xi32, #tpu.memory_space<vmem>>[vector<16xi32>, vector<16xi32>], vector<16xi32>,
    %add3A_4872 = arith.constant 47 : i32
    %add3A_4873 = vector.broadcast %add3A_4872 : i32 to vector<16xi32>
    %add3A_4874 = arith.addi %gather3A_4871, %add3A_4873 : vector<16xi32>
    %mul3A_4875 = arith.constant 2 : i32
    %mul3A_4876 = vector.broadcast %mul3A_4875 : i32 to vector<16xi32>
    %mul3A_4877 = arith.muli %mul3A_4876, %add3A_4874 : vector<16xi32>
    %sub3A_4878 = arith.constant 3 : i32
    %sub3A_4879 = vector.broadcast %sub3A_4878 : i32 to vector<16xi32>
    %sub3A_4880 = arith.subi %mul3A_4877, %sub3A_4879 : vector<16xi32>
    %jit3A_4881 = arith.constant 0 : i32
    %jit3A_4882 = arith.constant 182 : i32
    %max3A_4883 = vector.broadcast %jit3A_4881 : i32 to vector<16xi32>
    %max3A_4884 = arith.maxsi %max3A_4883, %sub3A_4880 : vector<16xi32>
    %min3A_4885 = vector.broadcast %jit3A_4882 : i32 to vector<16xi32>
    %min3A_4886 = arith.minsi %min3A_4885, %max3A_4884 : vector<16xi32>
    %add3A_4887 = arith.constant 2 : i32
    %add3A_4888 = arith.addi %mul3A_4832, %add3A_4887 : i32
    %broadcast_in_dim3A_4889 = vector.broadcast %add3A_4888 : i32 to vector<16xi32>
    %shift_right_arithmetic3A_4890 = arith.constant 7 : i32
    %shift_right_arithmetic3A_4891 = vector.broadcast %shift_right_arithmetic3A_4890 : i32 to vector<16xi32>
    %shift_right_arithmetic3A_4892 = arith.shrsi %broadcast_in_dim3A_4889, %shift_right_arithmetic3A_4891 : vector<16xi32>
    %add3A_4893 = arith.constant 1 : i32
    %add3A_4894 = vector.broadcast %add3A_4893 : i32 to vector<16xi32>
    %add3A_4895 = arith.addi %shift_right_arithmetic3A_4892, %add3A_4894 : vector<16xi32>
    %and3A_4896 = arith.constant 127 : i32
    %and3A_4897 = vector.broadcast %and3A_4896 : i32 to vector<16xi32>
    %and3A_4898 = arith.andi %broadcast_in_dim3A_4889, %and3A_4897 : vector<16xi32>
    %gather3A_4899 = tpu.vector_load_idx %arg4[%add3A_4895, %and3A_4898] : memref<4x128xi32, #tpu.memory_space<vmem>>[vector<16xi32>, vector<16xi32>], vector<16xi32>,
    %add3A_4900 = arith.constant 47 : i32
    %add3A_4901 = vector.broadcast %add3A_4900 : i32 to vector<16xi32>
    %add3A_4902 = arith.addi %gather3A_4899, %add3A_4901 : vector<16xi32>
    %mul3A_4903 = arith.constant 2 : i32
    %mul3A_4904 = vector.broadcast %mul3A_4903 : i32 to vector<16xi32>
    %mul3A_4905 = arith.muli %mul3A_4904, %add3A_4902 : vector<16xi32>
    %sub3A_4906 = arith.constant 3 : i32
    %sub3A_4907 = vector.broadcast %sub3A_4906 : i32 to vector<16xi32>
    %sub3A_4908 = arith.subi %mul3A_4905, %sub3A_4907 : vector<16xi32>
    %jit3A_4909 = arith.constant 0 : i32
    %jit3A_4910 = arith.constant 182 : i32
    %max3A_4911 = vector.broadcast %jit3A_4909 : i32 to vector<16xi32>
    %max3A_4912 = arith.maxsi %max3A_4911, %sub3A_4908 : vector<16xi32>
    %min3A_4913 = vector.broadcast %jit3A_4910 : i32 to vector<16xi32>
    %min3A_4914 = arith.minsi %min3A_4913, %max3A_4912 : vector<16xi32>
    %broadcast_in_dim3A_4915 = arith.constant 10 : i32
    %broadcast_in_dim3A_4916 = vector.broadcast %broadcast_in_dim3A_4915 : i32 to vector<16xi32>
    %sub3A_4917 = arith.subi %mul3A_1116, %min3A_4858 : vector<16xi32>
    %sub3A_4918 = arith.subi %mul3A_1135, %min3A_4886 : vector<16xi32>
    %sub3A_4919 = arith.subi %mul3A_1154, %min3A_4914 : vector<16xi32>
    %ge3A_4920 = arith.constant 0 : i32
    %ge3A_4921 = vector.broadcast %ge3A_4920 : i32 to vector<16xi32>
    %ge3A_4922 = arith.cmpi sge, %sub3A_4917, %ge3A_4921 : vector<16xi32>
    %lt3A_4923 = arith.constant 7 : i32
    %lt3A_4924 = vector.broadcast %lt3A_4923 : i32 to vector<16xi32>
    %lt3A_4925 = arith.cmpi slt, %sub3A_4917, %lt3A_4924 : vector<16xi32>
    %and3A_4926 = arith.andi %ge3A_4922, %lt3A_4925 : vector<16xi1>
    %ge3A_4927 = arith.constant 0 : i32
    %ge3A_4928 = vector.broadcast %ge3A_4927 : i32 to vector<16xi32>
    %ge3A_4929 = arith.cmpi sge, %sub3A_4918, %ge3A_4928 : vector<16xi32>
    %and3A_4930 = arith.andi %and3A_4926, %ge3A_4929 : vector<16xi1>
    %lt3A_4931 = arith.constant 7 : i32
    %lt3A_4932 = vector.broadcast %lt3A_4931 : i32 to vector<16xi32>
    %lt3A_4933 = arith.cmpi slt, %sub3A_4918, %lt3A_4932 : vector<16xi32>
    %and3A_4934 = arith.andi %and3A_4930, %lt3A_4933 : vector<16xi1>
    %ge3A_4935 = arith.constant 0 : i32
    %ge3A_4936 = vector.broadcast %ge3A_4935 : i32 to vector<16xi32>
    %ge3A_4937 = arith.cmpi sge, %sub3A_4919, %ge3A_4936 : vector<16xi32>
    %and3A_4938 = arith.andi %and3A_4934, %ge3A_4937 : vector<16xi1>
    %lt3A_4939 = arith.constant 7 : i32
    %lt3A_4940 = vector.broadcast %lt3A_4939 : i32 to vector<16xi32>
    %lt3A_4941 = arith.cmpi slt, %sub3A_4919, %lt3A_4940 : vector<16xi32>
    %and3A_4942 = arith.andi %and3A_4938, %lt3A_4941 : vector<16xi1>
    %and3A_4943 = arith.andi %and3A_4942, %lt3A_1166 : vector<16xi1>
    %mul3A_4944 = arith.constant 49 : i32
    %mul3A_4945 = vector.broadcast %mul3A_4944 : i32 to vector<16xi32>
    %mul3A_4946 = arith.muli %sub3A_4917, %mul3A_4945 : vector<16xi32>
    %mul3A_4947 = arith.constant 7 : i32
    %mul3A_4948 = vector.broadcast %mul3A_4947 : i32 to vector<16xi32>
    %mul3A_4949 = arith.muli %sub3A_4918, %mul3A_4948 : vector<16xi32>
    %add3A_4950 = arith.addi %mul3A_4946, %mul3A_4949 : vector<16xi32>
    %add3A_4951 = arith.addi %add3A_4950, %sub3A_4919 : vector<16xi32>
    %jit3A_4952 = arith.constant 0 : i32
    %broadcast_in_dim3A_4953 = vector.broadcast %jit3A_4952 : i32 to vector<16xi32>
    %select_n3A_4954 = arith.select %and3A_4943, %add3A_4951, %broadcast_in_dim3A_4953 : vector<16xi1>, vector<16xi32>
    tpu.vector_store_idx %arg5[%broadcast_in_dim3A_4916, %select_n3A_4954], %mul3A_1163 masked %and3A_4943 {add = true} : memref<12x343xf32, #tpu.memory_space<vmem>>[vector<16xi32>, vector<16xi32>], vector<16xf32>, vector<16xi1>
    %sub3A_4955 = arith.subi %mul3A_1188, %min3A_4858 : vector<16xi32>
    %sub3A_4956 = arith.subi %mul3A_1207, %min3A_4886 : vector<16xi32>
    %sub3A_4957 = arith.subi %mul3A_1226, %min3A_4914 : vector<16xi32>
    %ge3A_4958 = arith.constant 0 : i32
    %ge3A_4959 = vector.broadcast %ge3A_4958 : i32 to vector<16xi32>
    %ge3A_4960 = arith.cmpi sge, %sub3A_4955, %ge3A_4959 : vector<16xi32>
    %lt3A_4961 = arith.constant 7 : i32
    %lt3A_4962 = vector.broadcast %lt3A_4961 : i32 to vector<16xi32>
    %lt3A_4963 = arith.cmpi slt, %sub3A_4955, %lt3A_4962 : vector<16xi32>
    %and3A_4964 = arith.andi %ge3A_4960, %lt3A_4963 : vector<16xi1>
    %ge3A_4965 = arith.constant 0 : i32
    %ge3A_4966 = vector.broadcast %ge3A_4965 : i32 to vector<16xi32>
    %ge3A_4967 = arith.cmpi sge, %sub3A_4956, %ge3A_4966 : vector<16xi32>
    %and3A_4968 = arith.andi %and3A_4964, %ge3A_4967 : vector<16xi1>
    %lt3A_4969 = arith.constant 7 : i32
    %lt3A_4970 = vector.broadcast %lt3A_4969 : i32 to vector<16xi32>
    %lt3A_4971 = arith.cmpi slt, %sub3A_4956, %lt3A_4970 : vector<16xi32>
    %and3A_4972 = arith.andi %and3A_4968, %lt3A_4971 : vector<16xi1>
    %ge3A_4973 = arith.constant 0 : i32
    %ge3A_4974 = vector.broadcast %ge3A_4973 : i32 to vector<16xi32>
    %ge3A_4975 = arith.cmpi sge, %sub3A_4957, %ge3A_4974 : vector<16xi32>
    %and3A_4976 = arith.andi %and3A_4972, %ge3A_4975 : vector<16xi1>
    %lt3A_4977 = arith.constant 7 : i32
    %lt3A_4978 = vector.broadcast %lt3A_4977 : i32 to vector<16xi32>
    %lt3A_4979 = arith.cmpi slt, %sub3A_4957, %lt3A_4978 : vector<16xi32>
    %and3A_4980 = arith.andi %and3A_4976, %lt3A_4979 : vector<16xi1>
    %and3A_4981 = arith.andi %and3A_4980, %lt3A_1240 : vector<16xi1>
    %mul3A_4982 = arith.constant 49 : i32
    %mul3A_4983 = vector.broadcast %mul3A_4982 : i32 to vector<16xi32>
    %mul3A_4984 = arith.muli %sub3A_4955, %mul3A_4983 : vector<16xi32>
    %mul3A_4985 = arith.constant 7 : i32
    %mul3A_4986 = vector.broadcast %mul3A_4985 : i32 to vector<16xi32>
    %mul3A_4987 = arith.muli %sub3A_4956, %mul3A_4986 : vector<16xi32>
    %add3A_4988 = arith.addi %mul3A_4984, %mul3A_4987 : vector<16xi32>
    %add3A_4989 = arith.addi %add3A_4988, %sub3A_4957 : vector<16xi32>
    %jit3A_4990 = arith.constant 0 : i32
    %broadcast_in_dim3A_4991 = vector.broadcast %jit3A_4990 : i32 to vector<16xi32>
    %select_n3A_4992 = arith.select %and3A_4981, %add3A_4989, %broadcast_in_dim3A_4991 : vector<16xi1>, vector<16xi32>
    tpu.vector_store_idx %arg5[%broadcast_in_dim3A_4916, %select_n3A_4992], %mul3A_1237 masked %and3A_4981 {add = true} : memref<12x343xf32, #tpu.memory_space<vmem>>[vector<16xi32>, vector<16xi32>], vector<16xf32>, vector<16xi1>
    %sub3A_4993 = arith.subi %mul3A_1262, %min3A_4858 : vector<16xi32>
    %sub3A_4994 = arith.subi %mul3A_1281, %min3A_4886 : vector<16xi32>
    %sub3A_4995 = arith.subi %mul3A_1300, %min3A_4914 : vector<16xi32>
    %ge3A_4996 = arith.constant 0 : i32
    %ge3A_4997 = vector.broadcast %ge3A_4996 : i32 to vector<16xi32>
    %ge3A_4998 = arith.cmpi sge, %sub3A_4993, %ge3A_4997 : vector<16xi32>
    %lt3A_4999 = arith.constant 7 : i32
    %lt3A_5000 = vector.broadcast %lt3A_4999 : i32 to vector<16xi32>
    %lt3A_5001 = arith.cmpi slt, %sub3A_4993, %lt3A_5000 : vector<16xi32>
    %and3A_5002 = arith.andi %ge3A_4998, %lt3A_5001 : vector<16xi1>
    %ge3A_5003 = arith.constant 0 : i32
    %ge3A_5004 = vector.broadcast %ge3A_5003 : i32 to vector<16xi32>
    %ge3A_5005 = arith.cmpi sge, %sub3A_4994, %ge3A_5004 : vector<16xi32>
    %and3A_5006 = arith.andi %and3A_5002, %ge3A_5005 : vector<16xi1>
    %lt3A_5007 = arith.constant 7 : i32
    %lt3A_5008 = vector.broadcast %lt3A_5007 : i32 to vector<16xi32>
    %lt3A_5009 = arith.cmpi slt, %sub3A_4994, %lt3A_5008 : vector<16xi32>
    %and3A_5010 = arith.andi %and3A_5006, %lt3A_5009 : vector<16xi1>
    %ge3A_5011 = arith.constant 0 : i32
    %ge3A_5012 = vector.broadcast %ge3A_5011 : i32 to vector<16xi32>
    %ge3A_5013 = arith.cmpi sge, %sub3A_4995, %ge3A_5012 : vector<16xi32>
    %and3A_5014 = arith.andi %and3A_5010, %ge3A_5013 : vector<16xi1>
    %lt3A_5015 = arith.constant 7 : i32
    %lt3A_5016 = vector.broadcast %lt3A_5015 : i32 to vector<16xi32>
    %lt3A_5017 = arith.cmpi slt, %sub3A_4995, %lt3A_5016 : vector<16xi32>
    %and3A_5018 = arith.andi %and3A_5014, %lt3A_5017 : vector<16xi1>
    %and3A_5019 = arith.andi %and3A_5018, %lt3A_1314 : vector<16xi1>
    %mul3A_5020 = arith.constant 49 : i32
    %mul3A_5021 = vector.broadcast %mul3A_5020 : i32 to vector<16xi32>
    %mul3A_5022 = arith.muli %sub3A_4993, %mul3A_5021 : vector<16xi32>
    %mul3A_5023 = arith.constant 7 : i32
    %mul3A_5024 = vector.broadcast %mul3A_5023 : i32 to vector<16xi32>
    %mul3A_5025 = arith.muli %sub3A_4994, %mul3A_5024 : vector<16xi32>
    %add3A_5026 = arith.addi %mul3A_5022, %mul3A_5025 : vector<16xi32>
    %add3A_5027 = arith.addi %add3A_5026, %sub3A_4995 : vector<16xi32>
    %jit3A_5028 = arith.constant 0 : i32
    %broadcast_in_dim3A_5029 = vector.broadcast %jit3A_5028 : i32 to vector<16xi32>
    %select_n3A_5030 = arith.select %and3A_5019, %add3A_5027, %broadcast_in_dim3A_5029 : vector<16xi1>, vector<16xi32>
    tpu.vector_store_idx %arg5[%broadcast_in_dim3A_4916, %select_n3A_5030], %mul3A_1311 masked %and3A_5019 {add = true} : memref<12x343xf32, #tpu.memory_space<vmem>>[vector<16xi32>, vector<16xi32>], vector<16xf32>, vector<16xi1>
    %sub3A_5031 = arith.subi %add3A_1353, %min3A_4858 : vector<16xi32>
    %sub3A_5032 = arith.subi %add3A_1383, %min3A_4886 : vector<16xi32>
    %sub3A_5033 = arith.subi %add3A_1413, %min3A_4914 : vector<16xi32>
    %ge3A_5034 = arith.constant 0 : i32
    %ge3A_5035 = vector.broadcast %ge3A_5034 : i32 to vector<16xi32>
    %ge3A_5036 = arith.cmpi sge, %sub3A_5031, %ge3A_5035 : vector<16xi32>
    %lt3A_5037 = arith.constant 7 : i32
    %lt3A_5038 = vector.broadcast %lt3A_5037 : i32 to vector<16xi32>
    %lt3A_5039 = arith.cmpi slt, %sub3A_5031, %lt3A_5038 : vector<16xi32>
    %and3A_5040 = arith.andi %ge3A_5036, %lt3A_5039 : vector<16xi1>
    %ge3A_5041 = arith.constant 0 : i32
    %ge3A_5042 = vector.broadcast %ge3A_5041 : i32 to vector<16xi32>
    %ge3A_5043 = arith.cmpi sge, %sub3A_5032, %ge3A_5042 : vector<16xi32>
    %and3A_5044 = arith.andi %and3A_5040, %ge3A_5043 : vector<16xi1>
    %lt3A_5045 = arith.constant 7 : i32
    %lt3A_5046 = vector.broadcast %lt3A_5045 : i32 to vector<16xi32>
    %lt3A_5047 = arith.cmpi slt, %sub3A_5032, %lt3A_5046 : vector<16xi32>
    %and3A_5048 = arith.andi %and3A_5044, %lt3A_5047 : vector<16xi1>
    %ge3A_5049 = arith.constant 0 : i32
    %ge3A_5050 = vector.broadcast %ge3A_5049 : i32 to vector<16xi32>
    %ge3A_5051 = arith.cmpi sge, %sub3A_5033, %ge3A_5050 : vector<16xi32>
    %and3A_5052 = arith.andi %and3A_5048, %ge3A_5051 : vector<16xi1>
    %lt3A_5053 = arith.constant 7 : i32
    %lt3A_5054 = vector.broadcast %lt3A_5053 : i32 to vector<16xi32>
    %lt3A_5055 = arith.cmpi slt, %sub3A_5033, %lt3A_5054 : vector<16xi32>
    %and3A_5056 = arith.andi %and3A_5052, %lt3A_5055 : vector<16xi1>
    %and3A_5057 = arith.andi %and3A_5056, %lt3A_1320 : vector<16xi1>
    %mul3A_5058 = arith.constant 49 : i32
    %mul3A_5059 = vector.broadcast %mul3A_5058 : i32 to vector<16xi32>
    %mul3A_5060 = arith.muli %sub3A_5031, %mul3A_5059 : vector<16xi32>
    %mul3A_5061 = arith.constant 7 : i32
    %mul3A_5062 = vector.broadcast %mul3A_5061 : i32 to vector<16xi32>
    %mul3A_5063 = arith.muli %sub3A_5032, %mul3A_5062 : vector<16xi32>
    %add3A_5064 = arith.addi %mul3A_5060, %mul3A_5063 : vector<16xi32>
    %add3A_5065 = arith.addi %add3A_5064, %sub3A_5033 : vector<16xi32>
    %jit3A_5066 = arith.constant 0 : i32
    %broadcast_in_dim3A_5067 = vector.broadcast %jit3A_5066 : i32 to vector<16xi32>
    %select_n3A_5068 = arith.select %and3A_5057, %add3A_5065, %broadcast_in_dim3A_5067 : vector<16xi1>, vector<16xi32>
    tpu.vector_store_idx %arg5[%broadcast_in_dim3A_4916, %select_n3A_5068], %mul3A_1433 masked %and3A_5057 {add = true} : memref<12x343xf32, #tpu.memory_space<vmem>>[vector<16xi32>, vector<16xi32>], vector<16xf32>, vector<16xi1>
    %sub3A_5069 = arith.subi %add3A_1472, %min3A_4858 : vector<16xi32>
    %sub3A_5070 = arith.subi %add3A_1502, %min3A_4886 : vector<16xi32>
    %sub3A_5071 = arith.subi %add3A_1532, %min3A_4914 : vector<16xi32>
    %ge3A_5072 = arith.constant 0 : i32
    %ge3A_5073 = vector.broadcast %ge3A_5072 : i32 to vector<16xi32>
    %ge3A_5074 = arith.cmpi sge, %sub3A_5069, %ge3A_5073 : vector<16xi32>
    %lt3A_5075 = arith.constant 7 : i32
    %lt3A_5076 = vector.broadcast %lt3A_5075 : i32 to vector<16xi32>
    %lt3A_5077 = arith.cmpi slt, %sub3A_5069, %lt3A_5076 : vector<16xi32>
    %and3A_5078 = arith.andi %ge3A_5074, %lt3A_5077 : vector<16xi1>
    %ge3A_5079 = arith.constant 0 : i32
    %ge3A_5080 = vector.broadcast %ge3A_5079 : i32 to vector<16xi32>
    %ge3A_5081 = arith.cmpi sge, %sub3A_5070, %ge3A_5080 : vector<16xi32>
    %and3A_5082 = arith.andi %and3A_5078, %ge3A_5081 : vector<16xi1>
    %lt3A_5083 = arith.constant 7 : i32
    %lt3A_5084 = vector.broadcast %lt3A_5083 : i32 to vector<16xi32>
    %lt3A_5085 = arith.cmpi slt, %sub3A_5070, %lt3A_5084 : vector<16xi32>
    %and3A_5086 = arith.andi %and3A_5082, %lt3A_5085 : vector<16xi1>
    %ge3A_5087 = arith.constant 0 : i32
    %ge3A_5088 = vector.broadcast %ge3A_5087 : i32 to vector<16xi32>
    %ge3A_5089 = arith.cmpi sge, %sub3A_5071, %ge3A_5088 : vector<16xi32>
    %and3A_5090 = arith.andi %and3A_5086, %ge3A_5089 : vector<16xi1>
    %lt3A_5091 = arith.constant 7 : i32
    %lt3A_5092 = vector.broadcast %lt3A_5091 : i32 to vector<16xi32>
    %lt3A_5093 = arith.cmpi slt, %sub3A_5071, %lt3A_5092 : vector<16xi32>
    %and3A_5094 = arith.andi %and3A_5090, %lt3A_5093 : vector<16xi1>
    %and3A_5095 = arith.andi %and3A_5094, %lt3A_1439 : vector<16xi1>
    %mul3A_5096 = arith.constant 49 : i32
    %mul3A_5097 = vector.broadcast %mul3A_5096 : i32 to vector<16xi32>
    %mul3A_5098 = arith.muli %sub3A_5069, %mul3A_5097 : vector<16xi32>
    %mul3A_5099 = arith.constant 7 : i32
    %mul3A_5100 = vector.broadcast %mul3A_5099 : i32 to vector<16xi32>
    %mul3A_5101 = arith.muli %sub3A_5070, %mul3A_5100 : vector<16xi32>
    %add3A_5102 = arith.addi %mul3A_5098, %mul3A_5101 : vector<16xi32>
    %add3A_5103 = arith.addi %add3A_5102, %sub3A_5071 : vector<16xi32>
    %jit3A_5104 = arith.constant 0 : i32
    %broadcast_in_dim3A_5105 = vector.broadcast %jit3A_5104 : i32 to vector<16xi32>
    %select_n3A_5106 = arith.select %and3A_5095, %add3A_5103, %broadcast_in_dim3A_5105 : vector<16xi1>, vector<16xi32>
    tpu.vector_store_idx %arg5[%broadcast_in_dim3A_4916, %select_n3A_5106], %mul3A_1552 masked %and3A_5095 {add = true} : memref<12x343xf32, #tpu.memory_space<vmem>>[vector<16xi32>, vector<16xi32>], vector<16xf32>, vector<16xi1>
    %sub3A_5107 = arith.subi %add3A_1591, %min3A_4858 : vector<16xi32>
    %sub3A_5108 = arith.subi %add3A_1621, %min3A_4886 : vector<16xi32>
    %sub3A_5109 = arith.subi %add3A_1651, %min3A_4914 : vector<16xi32>
    %ge3A_5110 = arith.constant 0 : i32
    %ge3A_5111 = vector.broadcast %ge3A_5110 : i32 to vector<16xi32>
    %ge3A_5112 = arith.cmpi sge, %sub3A_5107, %ge3A_5111 : vector<16xi32>
    %lt3A_5113 = arith.constant 7 : i32
    %lt3A_5114 = vector.broadcast %lt3A_5113 : i32 to vector<16xi32>
    %lt3A_5115 = arith.cmpi slt, %sub3A_5107, %lt3A_5114 : vector<16xi32>
    %and3A_5116 = arith.andi %ge3A_5112, %lt3A_5115 : vector<16xi1>
    %ge3A_5117 = arith.constant 0 : i32
    %ge3A_5118 = vector.broadcast %ge3A_5117 : i32 to vector<16xi32>
    %ge3A_5119 = arith.cmpi sge, %sub3A_5108, %ge3A_5118 : vector<16xi32>
    %and3A_5120 = arith.andi %and3A_5116, %ge3A_5119 : vector<16xi1>
    %lt3A_5121 = arith.constant 7 : i32
    %lt3A_5122 = vector.broadcast %lt3A_5121 : i32 to vector<16xi32>
    %lt3A_5123 = arith.cmpi slt, %sub3A_5108, %lt3A_5122 : vector<16xi32>
    %and3A_5124 = arith.andi %and3A_5120, %lt3A_5123 : vector<16xi1>
    %ge3A_5125 = arith.constant 0 : i32
    %ge3A_5126 = vector.broadcast %ge3A_5125 : i32 to vector<16xi32>
    %ge3A_5127 = arith.cmpi sge, %sub3A_5109, %ge3A_5126 : vector<16xi32>
    %and3A_5128 = arith.andi %and3A_5124, %ge3A_5127 : vector<16xi1>
    %lt3A_5129 = arith.constant 7 : i32
    %lt3A_5130 = vector.broadcast %lt3A_5129 : i32 to vector<16xi32>
    %lt3A_5131 = arith.cmpi slt, %sub3A_5109, %lt3A_5130 : vector<16xi32>
    %and3A_5132 = arith.andi %and3A_5128, %lt3A_5131 : vector<16xi1>
    %and3A_5133 = arith.andi %and3A_5132, %lt3A_1558 : vector<16xi1>
    %mul3A_5134 = arith.constant 49 : i32
    %mul3A_5135 = vector.broadcast %mul3A_5134 : i32 to vector<16xi32>
    %mul3A_5136 = arith.muli %sub3A_5107, %mul3A_5135 : vector<16xi32>
    %mul3A_5137 = arith.constant 7 : i32
    %mul3A_5138 = vector.broadcast %mul3A_5137 : i32 to vector<16xi32>
    %mul3A_5139 = arith.muli %sub3A_5108, %mul3A_5138 : vector<16xi32>
    %add3A_5140 = arith.addi %mul3A_5136, %mul3A_5139 : vector<16xi32>
    %add3A_5141 = arith.addi %add3A_5140, %sub3A_5109 : vector<16xi32>
    %jit3A_5142 = arith.constant 0 : i32
    %broadcast_in_dim3A_5143 = vector.broadcast %jit3A_5142 : i32 to vector<16xi32>
    %select_n3A_5144 = arith.select %and3A_5133, %add3A_5141, %broadcast_in_dim3A_5143 : vector<16xi1>, vector<16xi32>
    tpu.vector_store_idx %arg5[%broadcast_in_dim3A_4916, %select_n3A_5144], %mul3A_1671 masked %and3A_5133 {add = true} : memref<12x343xf32, #tpu.memory_space<vmem>>[vector<16xi32>, vector<16xi32>], vector<16xf32>, vector<16xi1>
    %add3A_5145 = arith.constant 11 : i32
    %add3A_5146 = arith.addi %mul3A_32, %add3A_5145 : i32
    %mul3A_5147 = arith.constant 3 : i32
    %mul3A_5148 = arith.muli %add3A_5146, %mul3A_5147 : i32
    %broadcast_in_dim3A_5149 = vector.broadcast %mul3A_5148 : i32 to vector<16xi32>
    %shift_right_arithmetic3A_5150 = arith.constant 7 : i32
    %shift_right_arithmetic3A_5151 = vector.broadcast %shift_right_arithmetic3A_5150 : i32 to vector<16xi32>
    %shift_right_arithmetic3A_5152 = arith.shrsi %broadcast_in_dim3A_5149, %shift_right_arithmetic3A_5151 : vector<16xi32>
    %add3A_5153 = arith.constant 1 : i32
    %add3A_5154 = vector.broadcast %add3A_5153 : i32 to vector<16xi32>
    %add3A_5155 = arith.addi %shift_right_arithmetic3A_5152, %add3A_5154 : vector<16xi32>
    %and3A_5156 = arith.constant 127 : i32
    %and3A_5157 = vector.broadcast %and3A_5156 : i32 to vector<16xi32>
    %and3A_5158 = arith.andi %broadcast_in_dim3A_5149, %and3A_5157 : vector<16xi32>
    %gather3A_5159 = tpu.vector_load_idx %arg4[%add3A_5155, %and3A_5158] : memref<4x128xi32, #tpu.memory_space<vmem>>[vector<16xi32>, vector<16xi32>], vector<16xi32>,
    %add3A_5160 = arith.constant 47 : i32
    %add3A_5161 = vector.broadcast %add3A_5160 : i32 to vector<16xi32>
    %add3A_5162 = arith.addi %gather3A_5159, %add3A_5161 : vector<16xi32>
    %mul3A_5163 = arith.constant 2 : i32
    %mul3A_5164 = vector.broadcast %mul3A_5163 : i32 to vector<16xi32>
    %mul3A_5165 = arith.muli %mul3A_5164, %add3A_5162 : vector<16xi32>
    %sub3A_5166 = arith.constant 3 : i32
    %sub3A_5167 = vector.broadcast %sub3A_5166 : i32 to vector<16xi32>
    %sub3A_5168 = arith.subi %mul3A_5165, %sub3A_5167 : vector<16xi32>
    %jit3A_5169 = arith.constant 0 : i32
    %jit3A_5170 = arith.constant 182 : i32
    %max3A_5171 = vector.broadcast %jit3A_5169 : i32 to vector<16xi32>
    %max3A_5172 = arith.maxsi %max3A_5171, %sub3A_5168 : vector<16xi32>
    %min3A_5173 = vector.broadcast %jit3A_5170 : i32 to vector<16xi32>
    %min3A_5174 = arith.minsi %min3A_5173, %max3A_5172 : vector<16xi32>
    %add3A_5175 = arith.constant 1 : i32
    %add3A_5176 = arith.addi %mul3A_5148, %add3A_5175 : i32
    %broadcast_in_dim3A_5177 = vector.broadcast %add3A_5176 : i32 to vector<16xi32>
    %shift_right_arithmetic3A_5178 = arith.constant 7 : i32
    %shift_right_arithmetic3A_5179 = vector.broadcast %shift_right_arithmetic3A_5178 : i32 to vector<16xi32>
    %shift_right_arithmetic3A_5180 = arith.shrsi %broadcast_in_dim3A_5177, %shift_right_arithmetic3A_5179 : vector<16xi32>
    %add3A_5181 = arith.constant 1 : i32
    %add3A_5182 = vector.broadcast %add3A_5181 : i32 to vector<16xi32>
    %add3A_5183 = arith.addi %shift_right_arithmetic3A_5180, %add3A_5182 : vector<16xi32>
    %and3A_5184 = arith.constant 127 : i32
    %and3A_5185 = vector.broadcast %and3A_5184 : i32 to vector<16xi32>
    %and3A_5186 = arith.andi %broadcast_in_dim3A_5177, %and3A_5185 : vector<16xi32>
    %gather3A_5187 = tpu.vector_load_idx %arg4[%add3A_5183, %and3A_5186] : memref<4x128xi32, #tpu.memory_space<vmem>>[vector<16xi32>, vector<16xi32>], vector<16xi32>,
    %add3A_5188 = arith.constant 47 : i32
    %add3A_5189 = vector.broadcast %add3A_5188 : i32 to vector<16xi32>
    %add3A_5190 = arith.addi %gather3A_5187, %add3A_5189 : vector<16xi32>
    %mul3A_5191 = arith.constant 2 : i32
    %mul3A_5192 = vector.broadcast %mul3A_5191 : i32 to vector<16xi32>
    %mul3A_5193 = arith.muli %mul3A_5192, %add3A_5190 : vector<16xi32>
    %sub3A_5194 = arith.constant 3 : i32
    %sub3A_5195 = vector.broadcast %sub3A_5194 : i32 to vector<16xi32>
    %sub3A_5196 = arith.subi %mul3A_5193, %sub3A_5195 : vector<16xi32>
    %jit3A_5197 = arith.constant 0 : i32
    %jit3A_5198 = arith.constant 182 : i32
    %max3A_5199 = vector.broadcast %jit3A_5197 : i32 to vector<16xi32>
    %max3A_5200 = arith.maxsi %max3A_5199, %sub3A_5196 : vector<16xi32>
    %min3A_5201 = vector.broadcast %jit3A_5198 : i32 to vector<16xi32>
    %min3A_5202 = arith.minsi %min3A_5201, %max3A_5200 : vector<16xi32>
    %add3A_5203 = arith.constant 2 : i32
    %add3A_5204 = arith.addi %mul3A_5148, %add3A_5203 : i32
    %broadcast_in_dim3A_5205 = vector.broadcast %add3A_5204 : i32 to vector<16xi32>
    %shift_right_arithmetic3A_5206 = arith.constant 7 : i32
    %shift_right_arithmetic3A_5207 = vector.broadcast %shift_right_arithmetic3A_5206 : i32 to vector<16xi32>
    %shift_right_arithmetic3A_5208 = arith.shrsi %broadcast_in_dim3A_5205, %shift_right_arithmetic3A_5207 : vector<16xi32>
    %add3A_5209 = arith.constant 1 : i32
    %add3A_5210 = vector.broadcast %add3A_5209 : i32 to vector<16xi32>
    %add3A_5211 = arith.addi %shift_right_arithmetic3A_5208, %add3A_5210 : vector<16xi32>
    %and3A_5212 = arith.constant 127 : i32
    %and3A_5213 = vector.broadcast %and3A_5212 : i32 to vector<16xi32>
    %and3A_5214 = arith.andi %broadcast_in_dim3A_5205, %and3A_5213 : vector<16xi32>
    %gather3A_5215 = tpu.vector_load_idx %arg4[%add3A_5211, %and3A_5214] : memref<4x128xi32, #tpu.memory_space<vmem>>[vector<16xi32>, vector<16xi32>], vector<16xi32>,
    %add3A_5216 = arith.constant 47 : i32
    %add3A_5217 = vector.broadcast %add3A_5216 : i32 to vector<16xi32>
    %add3A_5218 = arith.addi %gather3A_5215, %add3A_5217 : vector<16xi32>
    %mul3A_5219 = arith.constant 2 : i32
    %mul3A_5220 = vector.broadcast %mul3A_5219 : i32 to vector<16xi32>
    %mul3A_5221 = arith.muli %mul3A_5220, %add3A_5218 : vector<16xi32>
    %sub3A_5222 = arith.constant 3 : i32
    %sub3A_5223 = vector.broadcast %sub3A_5222 : i32 to vector<16xi32>
    %sub3A_5224 = arith.subi %mul3A_5221, %sub3A_5223 : vector<16xi32>
    %jit3A_5225 = arith.constant 0 : i32
    %jit3A_5226 = arith.constant 182 : i32
    %max3A_5227 = vector.broadcast %jit3A_5225 : i32 to vector<16xi32>
    %max3A_5228 = arith.maxsi %max3A_5227, %sub3A_5224 : vector<16xi32>
    %min3A_5229 = vector.broadcast %jit3A_5226 : i32 to vector<16xi32>
    %min3A_5230 = arith.minsi %min3A_5229, %max3A_5228 : vector<16xi32>
    %broadcast_in_dim3A_5231 = arith.constant 11 : i32
    %broadcast_in_dim3A_5232 = vector.broadcast %broadcast_in_dim3A_5231 : i32 to vector<16xi32>
    %sub3A_5233 = arith.subi %mul3A_1116, %min3A_5174 : vector<16xi32>
    %sub3A_5234 = arith.subi %mul3A_1135, %min3A_5202 : vector<16xi32>
    %sub3A_5235 = arith.subi %mul3A_1154, %min3A_5230 : vector<16xi32>
    %ge3A_5236 = arith.constant 0 : i32
    %ge3A_5237 = vector.broadcast %ge3A_5236 : i32 to vector<16xi32>
    %ge3A_5238 = arith.cmpi sge, %sub3A_5233, %ge3A_5237 : vector<16xi32>
    %lt3A_5239 = arith.constant 7 : i32
    %lt3A_5240 = vector.broadcast %lt3A_5239 : i32 to vector<16xi32>
    %lt3A_5241 = arith.cmpi slt, %sub3A_5233, %lt3A_5240 : vector<16xi32>
    %and3A_5242 = arith.andi %ge3A_5238, %lt3A_5241 : vector<16xi1>
    %ge3A_5243 = arith.constant 0 : i32
    %ge3A_5244 = vector.broadcast %ge3A_5243 : i32 to vector<16xi32>
    %ge3A_5245 = arith.cmpi sge, %sub3A_5234, %ge3A_5244 : vector<16xi32>
    %and3A_5246 = arith.andi %and3A_5242, %ge3A_5245 : vector<16xi1>
    %lt3A_5247 = arith.constant 7 : i32
    %lt3A_5248 = vector.broadcast %lt3A_5247 : i32 to vector<16xi32>
    %lt3A_5249 = arith.cmpi slt, %sub3A_5234, %lt3A_5248 : vector<16xi32>
    %and3A_5250 = arith.andi %and3A_5246, %lt3A_5249 : vector<16xi1>
    %ge3A_5251 = arith.constant 0 : i32
    %ge3A_5252 = vector.broadcast %ge3A_5251 : i32 to vector<16xi32>
    %ge3A_5253 = arith.cmpi sge, %sub3A_5235, %ge3A_5252 : vector<16xi32>
    %and3A_5254 = arith.andi %and3A_5250, %ge3A_5253 : vector<16xi1>
    %lt3A_5255 = arith.constant 7 : i32
    %lt3A_5256 = vector.broadcast %lt3A_5255 : i32 to vector<16xi32>
    %lt3A_5257 = arith.cmpi slt, %sub3A_5235, %lt3A_5256 : vector<16xi32>
    %and3A_5258 = arith.andi %and3A_5254, %lt3A_5257 : vector<16xi1>
    %and3A_5259 = arith.andi %and3A_5258, %lt3A_1166 : vector<16xi1>
    %mul3A_5260 = arith.constant 49 : i32
    %mul3A_5261 = vector.broadcast %mul3A_5260 : i32 to vector<16xi32>
    %mul3A_5262 = arith.muli %sub3A_5233, %mul3A_5261 : vector<16xi32>
    %mul3A_5263 = arith.constant 7 : i32
    %mul3A_5264 = vector.broadcast %mul3A_5263 : i32 to vector<16xi32>
    %mul3A_5265 = arith.muli %sub3A_5234, %mul3A_5264 : vector<16xi32>
    %add3A_5266 = arith.addi %mul3A_5262, %mul3A_5265 : vector<16xi32>
    %add3A_5267 = arith.addi %add3A_5266, %sub3A_5235 : vector<16xi32>
    %jit3A_5268 = arith.constant 0 : i32
    %broadcast_in_dim3A_5269 = vector.broadcast %jit3A_5268 : i32 to vector<16xi32>
    %select_n3A_5270 = arith.select %and3A_5259, %add3A_5267, %broadcast_in_dim3A_5269 : vector<16xi1>, vector<16xi32>
    tpu.vector_store_idx %arg5[%broadcast_in_dim3A_5232, %select_n3A_5270], %mul3A_1163 masked %and3A_5259 {add = true} : memref<12x343xf32, #tpu.memory_space<vmem>>[vector<16xi32>, vector<16xi32>], vector<16xf32>, vector<16xi1>
    %sub3A_5271 = arith.subi %mul3A_1188, %min3A_5174 : vector<16xi32>
    %sub3A_5272 = arith.subi %mul3A_1207, %min3A_5202 : vector<16xi32>
    %sub3A_5273 = arith.subi %mul3A_1226, %min3A_5230 : vector<16xi32>
    %ge3A_5274 = arith.constant 0 : i32
    %ge3A_5275 = vector.broadcast %ge3A_5274 : i32 to vector<16xi32>
    %ge3A_5276 = arith.cmpi sge, %sub3A_5271, %ge3A_5275 : vector<16xi32>
    %lt3A_5277 = arith.constant 7 : i32
    %lt3A_5278 = vector.broadcast %lt3A_5277 : i32 to vector<16xi32>
    %lt3A_5279 = arith.cmpi slt, %sub3A_5271, %lt3A_5278 : vector<16xi32>
    %and3A_5280 = arith.andi %ge3A_5276, %lt3A_5279 : vector<16xi1>
    %ge3A_5281 = arith.constant 0 : i32
    %ge3A_5282 = vector.broadcast %ge3A_5281 : i32 to vector<16xi32>
    %ge3A_5283 = arith.cmpi sge, %sub3A_5272, %ge3A_5282 : vector<16xi32>
    %and3A_5284 = arith.andi %and3A_5280, %ge3A_5283 : vector<16xi1>
    %lt3A_5285 = arith.constant 7 : i32
    %lt3A_5286 = vector.broadcast %lt3A_5285 : i32 to vector<16xi32>
    %lt3A_5287 = arith.cmpi slt, %sub3A_5272, %lt3A_5286 : vector<16xi32>
    %and3A_5288 = arith.andi %and3A_5284, %lt3A_5287 : vector<16xi1>
    %ge3A_5289 = arith.constant 0 : i32
    %ge3A_5290 = vector.broadcast %ge3A_5289 : i32 to vector<16xi32>
    %ge3A_5291 = arith.cmpi sge, %sub3A_5273, %ge3A_5290 : vector<16xi32>
    %and3A_5292 = arith.andi %and3A_5288, %ge3A_5291 : vector<16xi1>
    %lt3A_5293 = arith.constant 7 : i32
    %lt3A_5294 = vector.broadcast %lt3A_5293 : i32 to vector<16xi32>
    %lt3A_5295 = arith.cmpi slt, %sub3A_5273, %lt3A_5294 : vector<16xi32>
    %and3A_5296 = arith.andi %and3A_5292, %lt3A_5295 : vector<16xi1>
    %and3A_5297 = arith.andi %and3A_5296, %lt3A_1240 : vector<16xi1>
    %mul3A_5298 = arith.constant 49 : i32
    %mul3A_5299 = vector.broadcast %mul3A_5298 : i32 to vector<16xi32>
    %mul3A_5300 = arith.muli %sub3A_5271, %mul3A_5299 : vector<16xi32>
    %mul3A_5301 = arith.constant 7 : i32
    %mul3A_5302 = vector.broadcast %mul3A_5301 : i32 to vector<16xi32>
    %mul3A_5303 = arith.muli %sub3A_5272, %mul3A_5302 : vector<16xi32>
    %add3A_5304 = arith.addi %mul3A_5300, %mul3A_5303 : vector<16xi32>
    %add3A_5305 = arith.addi %add3A_5304, %sub3A_5273 : vector<16xi32>
    %jit3A_5306 = arith.constant 0 : i32
    %broadcast_in_dim3A_5307 = vector.broadcast %jit3A_5306 : i32 to vector<16xi32>
    %select_n3A_5308 = arith.select %and3A_5297, %add3A_5305, %broadcast_in_dim3A_5307 : vector<16xi1>, vector<16xi32>
    tpu.vector_store_idx %arg5[%broadcast_in_dim3A_5232, %select_n3A_5308], %mul3A_1237 masked %and3A_5297 {add = true} : memref<12x343xf32, #tpu.memory_space<vmem>>[vector<16xi32>, vector<16xi32>], vector<16xf32>, vector<16xi1>
    %sub3A_5309 = arith.subi %mul3A_1262, %min3A_5174 : vector<16xi32>
    %sub3A_5310 = arith.subi %mul3A_1281, %min3A_5202 : vector<16xi32>
    %sub3A_5311 = arith.subi %mul3A_1300, %min3A_5230 : vector<16xi32>
    %ge3A_5312 = arith.constant 0 : i32
    %ge3A_5313 = vector.broadcast %ge3A_5312 : i32 to vector<16xi32>
    %ge3A_5314 = arith.cmpi sge, %sub3A_5309, %ge3A_5313 : vector<16xi32>
    %lt3A_5315 = arith.constant 7 : i32
    %lt3A_5316 = vector.broadcast %lt3A_5315 : i32 to vector<16xi32>
    %lt3A_5317 = arith.cmpi slt, %sub3A_5309, %lt3A_5316 : vector<16xi32>
    %and3A_5318 = arith.andi %ge3A_5314, %lt3A_5317 : vector<16xi1>
    %ge3A_5319 = arith.constant 0 : i32
    %ge3A_5320 = vector.broadcast %ge3A_5319 : i32 to vector<16xi32>
    %ge3A_5321 = arith.cmpi sge, %sub3A_5310, %ge3A_5320 : vector<16xi32>
    %and3A_5322 = arith.andi %and3A_5318, %ge3A_5321 : vector<16xi1>
    %lt3A_5323 = arith.constant 7 : i32
    %lt3A_5324 = vector.broadcast %lt3A_5323 : i32 to vector<16xi32>
    %lt3A_5325 = arith.cmpi slt, %sub3A_5310, %lt3A_5324 : vector<16xi32>
    %and3A_5326 = arith.andi %and3A_5322, %lt3A_5325 : vector<16xi1>
    %ge3A_5327 = arith.constant 0 : i32
    %ge3A_5328 = vector.broadcast %ge3A_5327 : i32 to vector<16xi32>
    %ge3A_5329 = arith.cmpi sge, %sub3A_5311, %ge3A_5328 : vector<16xi32>
    %and3A_5330 = arith.andi %and3A_5326, %ge3A_5329 : vector<16xi1>
    %lt3A_5331 = arith.constant 7 : i32
    %lt3A_5332 = vector.broadcast %lt3A_5331 : i32 to vector<16xi32>
    %lt3A_5333 = arith.cmpi slt, %sub3A_5311, %lt3A_5332 : vector<16xi32>
    %and3A_5334 = arith.andi %and3A_5330, %lt3A_5333 : vector<16xi1>
    %and3A_5335 = arith.andi %and3A_5334, %lt3A_1314 : vector<16xi1>
    %mul3A_5336 = arith.constant 49 : i32
    %mul3A_5337 = vector.broadcast %mul3A_5336 : i32 to vector<16xi32>
    %mul3A_5338 = arith.muli %sub3A_5309, %mul3A_5337 : vector<16xi32>
    %mul3A_5339 = arith.constant 7 : i32
    %mul3A_5340 = vector.broadcast %mul3A_5339 : i32 to vector<16xi32>
    %mul3A_5341 = arith.muli %sub3A_5310, %mul3A_5340 : vector<16xi32>
    %add3A_5342 = arith.addi %mul3A_5338, %mul3A_5341 : vector<16xi32>
    %add3A_5343 = arith.addi %add3A_5342, %sub3A_5311 : vector<16xi32>
    %jit3A_5344 = arith.constant 0 : i32
    %broadcast_in_dim3A_5345 = vector.broadcast %jit3A_5344 : i32 to vector<16xi32>
    %select_n3A_5346 = arith.select %and3A_5335, %add3A_5343, %broadcast_in_dim3A_5345 : vector<16xi1>, vector<16xi32>
    tpu.vector_store_idx %arg5[%broadcast_in_dim3A_5232, %select_n3A_5346], %mul3A_1311 masked %and3A_5335 {add = true} : memref<12x343xf32, #tpu.memory_space<vmem>>[vector<16xi32>, vector<16xi32>], vector<16xf32>, vector<16xi1>
    %sub3A_5347 = arith.subi %add3A_1353, %min3A_5174 : vector<16xi32>
    %sub3A_5348 = arith.subi %add3A_1383, %min3A_5202 : vector<16xi32>
    %sub3A_5349 = arith.subi %add3A_1413, %min3A_5230 : vector<16xi32>
    %ge3A_5350 = arith.constant 0 : i32
    %ge3A_5351 = vector.broadcast %ge3A_5350 : i32 to vector<16xi32>
    %ge3A_5352 = arith.cmpi sge, %sub3A_5347, %ge3A_5351 : vector<16xi32>
    %lt3A_5353 = arith.constant 7 : i32
    %lt3A_5354 = vector.broadcast %lt3A_5353 : i32 to vector<16xi32>
    %lt3A_5355 = arith.cmpi slt, %sub3A_5347, %lt3A_5354 : vector<16xi32>
    %and3A_5356 = arith.andi %ge3A_5352, %lt3A_5355 : vector<16xi1>
    %ge3A_5357 = arith.constant 0 : i32
    %ge3A_5358 = vector.broadcast %ge3A_5357 : i32 to vector<16xi32>
    %ge3A_5359 = arith.cmpi sge, %sub3A_5348, %ge3A_5358 : vector<16xi32>
    %and3A_5360 = arith.andi %and3A_5356, %ge3A_5359 : vector<16xi1>
    %lt3A_5361 = arith.constant 7 : i32
    %lt3A_5362 = vector.broadcast %lt3A_5361 : i32 to vector<16xi32>
    %lt3A_5363 = arith.cmpi slt, %sub3A_5348, %lt3A_5362 : vector<16xi32>
    %and3A_5364 = arith.andi %and3A_5360, %lt3A_5363 : vector<16xi1>
    %ge3A_5365 = arith.constant 0 : i32
    %ge3A_5366 = vector.broadcast %ge3A_5365 : i32 to vector<16xi32>
    %ge3A_5367 = arith.cmpi sge, %sub3A_5349, %ge3A_5366 : vector<16xi32>
    %and3A_5368 = arith.andi %and3A_5364, %ge3A_5367 : vector<16xi1>
    %lt3A_5369 = arith.constant 7 : i32
    %lt3A_5370 = vector.broadcast %lt3A_5369 : i32 to vector<16xi32>
    %lt3A_5371 = arith.cmpi slt, %sub3A_5349, %lt3A_5370 : vector<16xi32>
    %and3A_5372 = arith.andi %and3A_5368, %lt3A_5371 : vector<16xi1>
    %and3A_5373 = arith.andi %and3A_5372, %lt3A_1320 : vector<16xi1>
    %mul3A_5374 = arith.constant 49 : i32
    %mul3A_5375 = vector.broadcast %mul3A_5374 : i32 to vector<16xi32>
    %mul3A_5376 = arith.muli %sub3A_5347, %mul3A_5375 : vector<16xi32>
    %mul3A_5377 = arith.constant 7 : i32
    %mul3A_5378 = vector.broadcast %mul3A_5377 : i32 to vector<16xi32>
    %mul3A_5379 = arith.muli %sub3A_5348, %mul3A_5378 : vector<16xi32>
    %add3A_5380 = arith.addi %mul3A_5376, %mul3A_5379 : vector<16xi32>
    %add3A_5381 = arith.addi %add3A_5380, %sub3A_5349 : vector<16xi32>
    %jit3A_5382 = arith.constant 0 : i32
    %broadcast_in_dim3A_5383 = vector.broadcast %jit3A_5382 : i32 to vector<16xi32>
    %select_n3A_5384 = arith.select %and3A_5373, %add3A_5381, %broadcast_in_dim3A_5383 : vector<16xi1>, vector<16xi32>
    tpu.vector_store_idx %arg5[%broadcast_in_dim3A_5232, %select_n3A_5384], %mul3A_1433 masked %and3A_5373 {add = true} : memref<12x343xf32, #tpu.memory_space<vmem>>[vector<16xi32>, vector<16xi32>], vector<16xf32>, vector<16xi1>
    %sub3A_5385 = arith.subi %add3A_1472, %min3A_5174 : vector<16xi32>
    %sub3A_5386 = arith.subi %add3A_1502, %min3A_5202 : vector<16xi32>
    %sub3A_5387 = arith.subi %add3A_1532, %min3A_5230 : vector<16xi32>
    %ge3A_5388 = arith.constant 0 : i32
    %ge3A_5389 = vector.broadcast %ge3A_5388 : i32 to vector<16xi32>
    %ge3A_5390 = arith.cmpi sge, %sub3A_5385, %ge3A_5389 : vector<16xi32>
    %lt3A_5391 = arith.constant 7 : i32
    %lt3A_5392 = vector.broadcast %lt3A_5391 : i32 to vector<16xi32>
    %lt3A_5393 = arith.cmpi slt, %sub3A_5385, %lt3A_5392 : vector<16xi32>
    %and3A_5394 = arith.andi %ge3A_5390, %lt3A_5393 : vector<16xi1>
    %ge3A_5395 = arith.constant 0 : i32
    %ge3A_5396 = vector.broadcast %ge3A_5395 : i32 to vector<16xi32>
    %ge3A_5397 = arith.cmpi sge, %sub3A_5386, %ge3A_5396 : vector<16xi32>
    %and3A_5398 = arith.andi %and3A_5394, %ge3A_5397 : vector<16xi1>
    %lt3A_5399 = arith.constant 7 : i32
    %lt3A_5400 = vector.broadcast %lt3A_5399 : i32 to vector<16xi32>
    %lt3A_5401 = arith.cmpi slt, %sub3A_5386, %lt3A_5400 : vector<16xi32>
    %and3A_5402 = arith.andi %and3A_5398, %lt3A_5401 : vector<16xi1>
    %ge3A_5403 = arith.constant 0 : i32
    %ge3A_5404 = vector.broadcast %ge3A_5403 : i32 to vector<16xi32>
    %ge3A_5405 = arith.cmpi sge, %sub3A_5387, %ge3A_5404 : vector<16xi32>
    %and3A_5406 = arith.andi %and3A_5402, %ge3A_5405 : vector<16xi1>
    %lt3A_5407 = arith.constant 7 : i32
    %lt3A_5408 = vector.broadcast %lt3A_5407 : i32 to vector<16xi32>
    %lt3A_5409 = arith.cmpi slt, %sub3A_5387, %lt3A_5408 : vector<16xi32>
    %and3A_5410 = arith.andi %and3A_5406, %lt3A_5409 : vector<16xi1>
    %and3A_5411 = arith.andi %and3A_5410, %lt3A_1439 : vector<16xi1>
    %mul3A_5412 = arith.constant 49 : i32
    %mul3A_5413 = vector.broadcast %mul3A_5412 : i32 to vector<16xi32>
    %mul3A_5414 = arith.muli %sub3A_5385, %mul3A_5413 : vector<16xi32>
    %mul3A_5415 = arith.constant 7 : i32
    %mul3A_5416 = vector.broadcast %mul3A_5415 : i32 to vector<16xi32>
    %mul3A_5417 = arith.muli %sub3A_5386, %mul3A_5416 : vector<16xi32>
    %add3A_5418 = arith.addi %mul3A_5414, %mul3A_5417 : vector<16xi32>
    %add3A_5419 = arith.addi %add3A_5418, %sub3A_5387 : vector<16xi32>
    %jit3A_5420 = arith.constant 0 : i32
    %broadcast_in_dim3A_5421 = vector.broadcast %jit3A_5420 : i32 to vector<16xi32>
    %select_n3A_5422 = arith.select %and3A_5411, %add3A_5419, %broadcast_in_dim3A_5421 : vector<16xi1>, vector<16xi32>
    tpu.vector_store_idx %arg5[%broadcast_in_dim3A_5232, %select_n3A_5422], %mul3A_1552 masked %and3A_5411 {add = true} : memref<12x343xf32, #tpu.memory_space<vmem>>[vector<16xi32>, vector<16xi32>], vector<16xf32>, vector<16xi1>
    %sub3A_5423 = arith.subi %add3A_1591, %min3A_5174 : vector<16xi32>
    %sub3A_5424 = arith.subi %add3A_1621, %min3A_5202 : vector<16xi32>
    %sub3A_5425 = arith.subi %add3A_1651, %min3A_5230 : vector<16xi32>
    %ge3A_5426 = arith.constant 0 : i32
    %ge3A_5427 = vector.broadcast %ge3A_5426 : i32 to vector<16xi32>
    %ge3A_5428 = arith.cmpi sge, %sub3A_5423, %ge3A_5427 : vector<16xi32>
    %lt3A_5429 = arith.constant 7 : i32
    %lt3A_5430 = vector.broadcast %lt3A_5429 : i32 to vector<16xi32>
    %lt3A_5431 = arith.cmpi slt, %sub3A_5423, %lt3A_5430 : vector<16xi32>
    %and3A_5432 = arith.andi %ge3A_5428, %lt3A_5431 : vector<16xi1>
    %ge3A_5433 = arith.constant 0 : i32
    %ge3A_5434 = vector.broadcast %ge3A_5433 : i32 to vector<16xi32>
    %ge3A_5435 = arith.cmpi sge, %sub3A_5424, %ge3A_5434 : vector<16xi32>
    %and3A_5436 = arith.andi %and3A_5432, %ge3A_5435 : vector<16xi1>
    %lt3A_5437 = arith.constant 7 : i32
    %lt3A_5438 = vector.broadcast %lt3A_5437 : i32 to vector<16xi32>
    %lt3A_5439 = arith.cmpi slt, %sub3A_5424, %lt3A_5438 : vector<16xi32>
    %and3A_5440 = arith.andi %and3A_5436, %lt3A_5439 : vector<16xi1>
    %ge3A_5441 = arith.constant 0 : i32
    %ge3A_5442 = vector.broadcast %ge3A_5441 : i32 to vector<16xi32>
    %ge3A_5443 = arith.cmpi sge, %sub3A_5425, %ge3A_5442 : vector<16xi32>
    %and3A_5444 = arith.andi %and3A_5440, %ge3A_5443 : vector<16xi1>
    %lt3A_5445 = arith.constant 7 : i32
    %lt3A_5446 = vector.broadcast %lt3A_5445 : i32 to vector<16xi32>
    %lt3A_5447 = arith.cmpi slt, %sub3A_5425, %lt3A_5446 : vector<16xi32>
    %and3A_5448 = arith.andi %and3A_5444, %lt3A_5447 : vector<16xi1>
    %and3A_5449 = arith.andi %and3A_5448, %lt3A_1558 : vector<16xi1>
    %mul3A_5450 = arith.constant 49 : i32
    %mul3A_5451 = vector.broadcast %mul3A_5450 : i32 to vector<16xi32>
    %mul3A_5452 = arith.muli %sub3A_5423, %mul3A_5451 : vector<16xi32>
    %mul3A_5453 = arith.constant 7 : i32
    %mul3A_5454 = vector.broadcast %mul3A_5453 : i32 to vector<16xi32>
    %mul3A_5455 = arith.muli %sub3A_5424, %mul3A_5454 : vector<16xi32>
    %add3A_5456 = arith.addi %mul3A_5452, %mul3A_5455 : vector<16xi32>
    %add3A_5457 = arith.addi %add3A_5456, %sub3A_5425 : vector<16xi32>
    %jit3A_5458 = arith.constant 0 : i32
    %broadcast_in_dim3A_5459 = vector.broadcast %jit3A_5458 : i32 to vector<16xi32>
    %select_n3A_5460 = arith.select %and3A_5449, %add3A_5457, %broadcast_in_dim3A_5459 : vector<16xi1>, vector<16xi32>
    tpu.vector_store_idx %arg5[%broadcast_in_dim3A_5232, %select_n3A_5460], %mul3A_1671 masked %and3A_5449 {add = true} : memref<12x343xf32, #tpu.memory_space<vmem>>[vector<16xi32>, vector<16xi32>], vector<16xf32>, vector<16xi1>
    "tpu.region"() ({
      %run_scoped3A = tpu.sem_alloc : memref<!tpu.dma_semaphore, #tpu.memory_space<semaphore_mem>>
      %dma_start3A_5461 = arith.constant 0 : i32
      %dma_start3A_5462 = tpu.memref_slice %arg3[%select_n3A, %mul3A_32, %dma_start3A_5461] : memref<4x48x343xf32, #tpu.memory_space<hbm>> -> memref<1x12x343xf32, #tpu.memory_space<hbm>>
      %dma_start3A_5463 = tpu.memref_squeeze %dma_start3A_5462 : memref<1x12x343xf32, #tpu.memory_space<hbm>> -> memref<12x343xf32, #tpu.memory_space<hbm>>
      %dma_start3A_5464 = arith.constant 0 : i32
      %dma_start3A_5465 = tpu.memref_slice %arg3[%select_n3A, %mul3A_32, %dma_start3A_5464] : memref<4x48x343xf32, #tpu.memory_space<hbm>> -> memref<1x12x343xf32, #tpu.memory_space<hbm>>
      %dma_start3A_5466 = tpu.memref_squeeze %dma_start3A_5465 : memref<1x12x343xf32, #tpu.memory_space<hbm>> -> memref<12x343xf32, #tpu.memory_space<hbm>>
      tpu.enqueue_dma source(%arg5 : memref<12x343xf32, #tpu.memory_space<vmem>>) target(%dma_start3A_5466 : memref<12x343xf32, #tpu.memory_space<hbm>>) target_semaphore(%run_scoped3A : memref<!tpu.dma_semaphore, #tpu.memory_space<semaphore_mem>>)
      %dma_wait3A_5467 = arith.constant 0 : i32
      %dma_wait3A_5468 = tpu.memref_slice %arg3[%select_n3A, %mul3A_32, %dma_wait3A_5467] : memref<4x48x343xf32, #tpu.memory_space<hbm>> -> memref<1x12x343xf32, #tpu.memory_space<hbm>>
      %dma_wait3A_5469 = tpu.memref_squeeze %dma_wait3A_5468 : memref<1x12x343xf32, #tpu.memory_space<hbm>> -> memref<12x343xf32, #tpu.memory_space<hbm>>
      %dma_wait3A_5470 = arith.constant 0 : i32
      %dma_wait3A_5471 = tpu.memref_slice %arg3[%select_n3A, %mul3A_32, %dma_wait3A_5470] : memref<4x48x343xf32, #tpu.memory_space<hbm>> -> memref<1x12x343xf32, #tpu.memory_space<hbm>>
      %dma_wait3A_5472 = tpu.memref_squeeze %dma_wait3A_5471 : memref<1x12x343xf32, #tpu.memory_space<hbm>> -> memref<12x343xf32, #tpu.memory_space<hbm>>
      tpu.wait_dma2 semaphore(%run_scoped3A : memref<!tpu.dma_semaphore, #tpu.memory_space<semaphore_mem>>) src(%arg5 : memref<12x343xf32, #tpu.memory_space<vmem>>) dst(%dma_wait3A_5472 : memref<12x343xf32, #tpu.memory_space<hbm>>)
      tpu.yield
    }) : () -> ()
    return
  }
}

</mosaic_0001>

<sc_bundles>
// kernel: kernel.3.cloned.1.call-start
scs
__scs_entry_jumppad:
0x0: {  	(pc) =	sbr.rel $0x88, $3  }
0x1: {  	(tag) =	ssettag $0x0;
	lr =	simm.s32 $0x1  }
0x2: {  	[smem:$0x3F9E] =	sst lr;
	_ =	strace $0xD0000000  }
0x3: {  	_ = 	snop  }
0x4: {  	_ = 	snop  }
0x5: {  	_ = 	snop  }
0x6: {  	_ = 	snop  }
0x7: {  	_ = 	snop  }
__scs_overlays_trampoline_lowered:
0x8: {  	[smem:$0x3FAD] =	sst s0  }
0x9: {  	[smem:$0x3FAE] =	sst s1  }
0xa: {  	[smem:$0x3FAF] =	sst s2  }
0xb: {  	[smem:$0x3FB0] =	sst s3  }
0xc: {  	[smem:$0x3FB1] =	sst s4  }
0xd: {  	[smem:$0x3FB2] =	sst s5  }
0xe: {  	[smem:$0x3FB3] =	sst s6  }
0xf: {  	[smem:$0x3FB4] =	sst s7  }
0x10: {  	[smem:$0x3FB5] =	sst s8  }
0x11: {  	[smem:$0x3FB6] =	sst s9;
	s0 =	simm.s32 @!p0 $0x0  }
0x12: {  	s1 =	sld [smem:$0x3F9C];
	s0 =	simm.s32 @p0 $0x1  }
0x13: {  	[smem:$0x3FB7] =	sst s0;
	s0 =	simm.s32 @!p1 $0x0  }
0x14: {  	s2 =	sld [smem:$0x3F9B];
	s0 =	simm.s32 @p1 $0x1  }
0x15: {  	[smem:$0x3FB8] =	sst s0;
	s0 =	simm.s32 @!p2 $0x0  }
0x16: {  	s3 =	sld [smem:$0x3FDB];
	s0 =	simm.s32 @p2 $0x1  }
0x17: {  	s4 =	simm.s32 $0x1BF5;
	[smem:$0x3FBA] =	sst s0  }
0x18: {  	s0 =	sld [smem:$0x3F9D];
	_ =	swait.ge [sflag:s4], $0x0  }
0x19: {  	s7 =	sld [smem:$0x3F9E]  }
0x1a: {  	s8 =	sadd.s32 $0xFFFFE003, lr  }
0x1b: {  	s9 =	sadd.s32 $0xFFFFFEF7, lr;
	s5 =	simm.s32 $0xFFFFFFFF;
	p2 =	slt.u32 s8, $0xFFFFF086  }
0x1c: {  	p1 =	slt.u32 s9, $0xF7A;
	s5 =	simm.s32 @!p2 $0x0  }
0x1d: {  	s5 =	simm.s32 @p1 $0x1;
	p0 =	seq.s32 s7, s2  }
0x1e: {  	s7 =	smul.u32 @!p0 $0xF7A, s2;
	p2 =	seq.s32 @!p0 s5, $0x0  }
0x1f: {  	s9 =	smul.u32 $0xF7A, s1;
	s8 =	simm.s32 @!p0 $0x1BF5;
	p2 =	por !p2, p0  }
0x20: {  	[sflag:s8] =	ssyncset.s32 @!p0 $0xFFFFF086;
	s6 =	sadd.s32 @!p0 s3, s7;
	s7 =	simm.s32 @!p0 $0x108  }
0x21: {  	s3 =	sadd.s32 s3, s9;
	s6 =	sadd.s32 @!p0 $0x88, s6;
	s7 =	simm.s32 @p2 $0x1082  }
0x22: {  	[simem:s7], [sflag:s8] =	dma.local @!p0 [hbm:s6], $0xF7A  }
0x23: {  	s9 =	sor.u32 $0xD0000000, s2;
	s6 =	simm.s32 $0x108;
	_ =	swait.ge @!p0 [sflag:s8], $0x0  }
0x24: {  	s3 =	sadd.s32 $0x88, s3;
	s6 =	simm.s32 @!p1 $0x1082;
	[sflag:s4] =	ssyncset.s32 $0xFFFFF086  }
0x25: {  	[simem:s6], [sflag:s4] =	dma.local [hbm:s3], $0xF7A  }
0x26: {  	[smem:$0x3F9E] =	sst s1;
	(tag) =	ssettag s2;
	_ =	strace s9  }
0x27: {  	s1 =	sld [smem:$0x3FAE]  }
0x28: {  	s2 =	sld [smem:$0x3FAF]  }
0x29: {  	s4 =	sld [smem:$0x3FB1]  }
0x2a: {  	p0 =	seq.s32 s5, $0x0;
	s5 =	sld [smem:$0x3FB2]  }
0x2b: {  	s6 =	sld [smem:$0x3FB3]  }
0x2c: {  	s7 =	sld [smem:$0x3FB4]  }
0x2d: {  	s3 =	simm.s32 $0x108;
	s8 =	sld [smem:$0x3FB5]  }
0x2e: {  	s3 =	simm.s32 @!p0 $0x1082;
	s9 =	sld [smem:$0x3FB6]  }
0x2f: {  	lr =	sadd.s32 s0, s3;
	s0 =	sld [smem:$0x3FAD]  }
0x30: {  	s3 =	sld [smem:$0x3FB0]  }
0x31: {  	[smem:$0x3FB9] =	sst s10  }
0x32: {  	s10 =	sld [smem:$0x3FB7];
	_ =	sdelay $0x3  }
0x33: {  	p0 =	seq.s32 s10, $0x1;
	s10 =	sld [smem:$0x3FB9];
	_ =	sdelay $0x3  }
0x34: {  	[smem:$0x3FB9] =	sst s10  }
0x35: {  	s10 =	sld [smem:$0x3FB8];
	_ =	sdelay $0x3  }
0x36: {  	p1 =	seq.s32 s10, $0x1;
	s10 =	sld [smem:$0x3FB9];
	_ =	sdelay $0x3  }
0x37: {  	[smem:$0x3FB9] =	sst s10  }
0x38: {  	s10 =	sld [smem:$0x3FBA]  }
0x39: {  	_ = 	snop;
	(pc) =	sbr.ind lr, $3  }
0x3a: {  	_ = 	snop  }
0x3b: {  	_ = 	snop  }
0x3c: {  	p2 =	seq.s32 s10, $0x1;
	s10 =	sld [smem:$0x3FB9]  }
0x3d: {  	_ =	shalt  }
0x3e: {  	_ =	shalt  }
0x3f: {  	_ =	shalt  }
0x40: {  	_ =	shalt  }
0x41: {  	_ =	shalt  }
0x42: {  	_ =	shalt  }
0x43: {  	_ =	shalt  }
0x44: {  	_ =	shalt  }
0x45: {  	_ =	shalt  }
0x46: {  	_ =	shalt  }
0x47: {  	_ =	shalt  }
0x48: {  	_ =	shalt  }
0x49: {  	_ =	shalt  }
0x4a: {  	_ =	shalt  }
0x4b: {  	_ =	shalt  }
0x4c: {  	_ =	shalt  }
0x4d: {  	_ =	shalt  }
0x4e: {  	_ =	shalt  }
0x4f: {  	_ =	shalt  }
0x50: {  	_ =	shalt  }
0x51: {  	_ =	shalt  }
0x52: {  	_ =	shalt  }
0x53: {  	_ =	shalt  }
0x54: {  	_ =	shalt  }
0x55: {  	_ =	shalt  }
0x56: {  	_ =	shalt  }
0x57: {  	_ =	shalt  }
0x58: {  	_ =	shalt  }
0x59: {  	_ =	shalt  }
0x5a: {  	_ =	shalt  }
0x5b: {  	_ =	shalt  }
0x5c: {  	_ =	shalt  }
0x5d: {  	_ =	shalt  }
0x5e: {  	_ =	shalt  }
0x5f: {  	_ =	shalt  }
0x60: {  	_ =	shalt  }
0x61: {  	_ =	shalt  }
0x62: {  	_ =	shalt  }
0x63: {  	_ =	shalt  }
0x64: {  	_ =	shalt  }
0x65: {  	_ =	shalt  }
0x66: {  	_ =	shalt  }
0x67: {  	_ =	shalt  }
0x68: {  	_ =	shalt  }
0x69: {  	_ =	shalt  }
0x6a: {  	_ =	shalt  }
0x6b: {  	_ =	shalt  }
0x6c: {  	_ =	shalt  }
0x6d: {  	_ =	shalt  }
0x6e: {  	_ =	shalt  }
0x6f: {  	_ =	shalt  }
0x70: {  	_ =	shalt  }
0x71: {  	_ =	shalt  }
0x72: {  	_ =	shalt  }
0x73: {  	_ =	shalt  }
0x74: {  	_ =	shalt  }
0x75: {  	_ =	shalt  }
0x76: {  	_ =	shalt  }
0x77: {  	_ =	shalt  }
0x78: {  	_ =	shalt  }
0x79: {  	_ =	shalt  }
0x7a: {  	_ =	shalt  }
0x7b: {  	_ =	shalt  }
0x7c: {  	_ =	shalt  }
0x7d: {  	_ =	shalt  }
0x7e: {  	_ =	shalt  }
0x7f: {  	_ =	shalt  }
0x80: {  	_ =	shalt  }
0x81: {  	_ =	shalt  }
0x82: {  	_ =	shalt  }
0x83: {  	_ =	shalt  }
0x84: {  	_ =	shalt  }
0x85: {  	_ =	shalt  }
0x86: {  	_ =	shalt  }
0x87: {  	_ =	shalt  }
.Lfunc_end0:
.L_simem_size_0:
called_computation_lowered:
.L_overlay_start_0:
0x88: {  	s0 =	sld [smem:$0x3FD9]  }
0x89: {  	s1 =	sld [smem:$0x3FFE];
	_ =	sdelay $0x3  }
0x8a: {  	s0 =	sadd.s32 s1, s0  }
0x8b: {  	[smem:$0x3FC5] =	sst s0  }
0x8c: {  	_ = 	snop  }
0x8d: {  	s0 =	sld [smem:$0x3FD0];
	(tm) =	ssettm $0x1  }
0x8e: {  	s16 =	sld [smem:$0x3FFB];
	_ =	sdelay $0x3  }
0x8f: {  	_ =	strace s16  }
0x90: {  	s1 =	sld [smem:$0x3FFC];
	_ =	sdelay $0x3  }
0x91: {  	_ =	strace s1  }
0x92: {  	s1 =	sld [smem:$0x3FFD];
	_ =	sdelay $0x3  }
0x93: {  	_ =	strace s1  }
0x94: {  	_ =	strace $0x8FFFFFFF  }
0x95: {  	s17 =	sld [smem:$0x3FDB];
	_ =	sdelay $0x1  }
0x96: {  	s2 =	simm.s32 $_scs_section_size  }
0x97: {  	s3 =	simm.s32 $_size__tile_overlayer_lowered;
	s4 =	simm.s32 $_tile_overlayer_lowered  }
0x98: {  	s20 =	simm.s32 $0x1BFF;
	s19 =	sshll.u32 s4, $0x1;
	s1 =	sadd.s32 s2, s17  }
0x99: {  	s5 =	simm.s32 $0x0;
	s18 =	sshll.u32 s3, $0x1;
	s3 =	sadd.s32 s19, s1  }
0x9a: {  	[timem:s5], [sflag:s20] =	dma.local [hbm:s3], s18  }
0x9b: {  	_ =	swait.ge [sflag:s20], s18  }
0x9c: {  	s2 =	ssub.s32 $0x0, s18;
	[sflag:s20] =	ssyncset.done $0x0  }
0x9d: {  	[sflag:s20] =	ssyncadd.s32 s2;
	_ =	sdelay $0x1  }
0x9e: {  	s21 =	simm.s32 $0x1B8B  }
0x9f: {  	_ =	swait.ge [sflag:s21], $0x1  }
0xa0: {  	[sflag:s21] =	ssyncset.done $0x0  }
0xa1: {  	s23 =	simm.s32 $0x1B8E;
	s22 =	sld [smem:$0x3FFE];
	[sflag:s21] =	ssyncadd.s32 $0xFFFFFFFF  }
0xa2: {  	s24 =	simm.s32 $execute0_lowered;
	[smem:$0x3FD2] =	sst s23  }
0xa3: {  	s3 =	sshll.u32 s24, $0x1;
	_ =	strace $0x80000046;
	[dreg:$0x1] =	wrdreg $0xFFFFFFFF  }
0xa4: {  	s25 =	simm.s32 $_size_execute0_lowered;
	s1 =	sadd.s32 s1, s3;
	[dreg:$0x0] =	wrdreg $0x0  }
0xa5: {  	s3 =	sshll.u32 s25, $0x1;
	[dreg:$0x2] =	wrdreg s1  }
0xa6: {  	[dreg:$0x3] =	wrdreg s3  }
0xa7: {  	[dreg:$0x4] =	wrdreg $0xC0  }
0xa8: {  	_ =	task [dreg:s5], $0x5FFFF  }
0xa9: {  	[dreg:$0x1] =	wrdreg $0xFFFFFFFF  }
0xaa: {  	[dreg:$0x0] =	wrdreg $0x60  }
0xab: {  	[dreg:$0x2] =	wrdreg s22  }
0xac: {  	[dreg:$0x3] =	wrdreg s0  }
0xad: {  	[dreg:$0x4] =	wrdreg $0x9  }
0xae: {  	_ =	task.clear_ibuf [dreg:s5], $0x5FFFF;
	_ =	strace $0x90000046  }
0xaf: {  	s26 =	simm.s32 $0x9;
	_ =	strace $0x80000048  }
0xb0: {  	_ =	swait.ge [sflag:s26], $0x1  }
0xb1: {  	[sflag:s26] =	ssyncadd.s32 $0xFFFFFFFF  }
0xb2: {  	_ =	strace $0x90000048  }
0xb3: {  	_ =	sfence  }
0xb4: {  	s28 =	sld [smem:$0x0];
	_ =	sdelay $0x1  }
0xb5: {  	s29 =	srdreg.scid  }
0xb6: {  	s30 =	sshll.u32 s29, $0xD;
	s31 =	sshrl.u32 s29, $0x2  }
0xb7: {  	s2 =	sand.u32 $0x4000, s30;
	s1 =	sand.u32 $0x1, s29;
	s0 =	sadd.s32 s31, s28  }
0xb8: {  	s1 =	sor.u32 s2, s1;
	s0 =	sshll.u32 s0, $0x11  }
0xb9: {  	s0 =	sor.u32 s0, s1  }
0xba: {  	s0 =	sadd.s32 $0x8F2B, s0  }
0xbb: {  	[sflag:s0] =	ssyncadd.remote.s32 $0x1  }
0xbc: {  	_ =	sfence.sel $0xFFFF  }
0xbd: {  	[dreg:$0x0] =	wrdreg $0xFFFFFFFF;
	(pc) =	sbr.abs _section_cstart, $3  }
0xbe: {  	[dreg:$0x1] =	wrdreg $0xFFFFFFFF  }
0xbf: {  	_ =	task.clear_ibuf [dreg:s5], $0x2FFFF;
	_ =	strace $0x9FFFFFFF  }
0xc0: {  	(tm) =	ssettm $0x7FFFFFFF  }
0xc1: {  	_ =	shalt  }
tec
execute0_lowered:
.L_overlay_start_1:
0x0: {  	(tag) =	ssettag $0x1  }
0x1: {  	s0 =	stileid.u32  }
0x2: {  	s5 =	rddreg [dreg:$0x0];
	s4 =	sshrl.u32 s0, $0x2  }
0x3: {  	s2 =	rddreg [dreg:$0x1];
	s3 =	simm.s32 $0x0;
	s6 =	sshll.u32 s4, $0x6  }
0x4: {  	[smem:$0x7FF] =	sst s3;
	s5 =	sadd.s32 s6, s5  }
0x5: {  	s1 =	rddreg [dreg:$0x2];
	_ =	strace $0x80000047;
	s5 =	sadd.s32 $0x600, s5  }
0x6: {  	v0 =	vimm.f32 $0.0e+00;
	[tilespmem:s3], [sflag:$0x1] =	stream.linear.gather [hbm4b:s5+s3], $0x200, $0x38;
	[tilespmem:$0x1220] =	vst v63  }
0x7: {  	[tilespmem:$0x200] =	vst v0  }
0x8: {  	[tilespmem:$0x210] =	vst v0  }
0x9: {  	[tilespmem:$0x220] =	vst v0  }
0xa: {  	[tilespmem:$0x230] =	vst v0  }
0xb: {  	[tilespmem:$0x240] =	vst v0  }
0xc: {  	[tilespmem:$0x250] =	vst v0  }
0xd: {  	[tilespmem:$0x260] =	vst v0  }
0xe: {  	[tilespmem:$0x270] =	vst v0  }
0xf: {  	[tilespmem:$0x280] =	vst v0  }
0x10: {  	[tilespmem:$0x290] =	vst v0  }
0x11: {  	[tilespmem:$0x2A0] =	vst v0  }
0x12: {  	[tilespmem:$0x2B0] =	vst v0  }
0x13: {  	[tilespmem:$0x2C0] =	vst v0  }
0x14: {  	[tilespmem:$0x2D0] =	vst v0  }
0x15: {  	[tilespmem:$0x2E0] =	vst v0  }
0x16: {  	[tilespmem:$0x2F0] =	vst v0  }
0x17: {  	[tilespmem:$0x300] =	vst v0  }
0x18: {  	[tilespmem:$0x310] =	vst v0  }
0x19: {  	[tilespmem:$0x320] =	vst v0  }
0x1a: {  	[tilespmem:$0x330] =	vst v0  }
0x1b: {  	[tilespmem:$0x340] =	vst v0  }
0x1c: {  	[tilespmem:$0x358] =	vst v0  }
0x1d: {  	[tilespmem:$0x368] =	vst v0  }
0x1e: {  	[tilespmem:$0x378] =	vst v0  }
0x1f: {  	[tilespmem:$0x388] =	vst v0  }
0x20: {  	[tilespmem:$0x398] =	vst v0  }
0x21: {  	[tilespmem:$0x3A8] =	vst v0  }
0x22: {  	[tilespmem:$0x3B8] =	vst v0  }
0x23: {  	[tilespmem:$0x3C8] =	vst v0  }
0x24: {  	[tilespmem:$0x3D8] =	vst v0  }
0x25: {  	[tilespmem:$0x3E8] =	vst v0  }
0x26: {  	[tilespmem:$0x3F8] =	vst v0  }
0x27: {  	[tilespmem:$0x408] =	vst v0  }
0x28: {  	[tilespmem:$0x418] =	vst v0  }
0x29: {  	[tilespmem:$0x428] =	vst v0  }
0x2a: {  	[tilespmem:$0x438] =	vst v0  }
0x2b: {  	[tilespmem:$0x448] =	vst v0  }
0x2c: {  	[tilespmem:$0x458] =	vst v0  }
0x2d: {  	[tilespmem:$0x468] =	vst v0  }
0x2e: {  	[tilespmem:$0x478] =	vst v0  }
0x2f: {  	[tilespmem:$0x488] =	vst v0  }
0x30: {  	[tilespmem:$0x498] =	vst v0  }
0x31: {  	[tilespmem:$0x4B0] =	vst v0  }
0x32: {  	[tilespmem:$0x4C0] =	vst v0  }
0x33: {  	[tilespmem:$0x4D0] =	vst v0  }
0x34: {  	[tilespmem:$0x4E0] =	vst v0  }
0x35: {  	[tilespmem:$0x4F0] =	vst v0  }
0x36: {  	[tilespmem:$0x500] =	vst v0  }
0x37: {  	[tilespmem:$0x510] =	vst v0  }
0x38: {  	[tilespmem:$0x520] =	vst v0  }
0x39: {  	[tilespmem:$0x530] =	vst v0  }
0x3a: {  	[tilespmem:$0x540] =	vst v0  }
0x3b: {  	[tilespmem:$0x550] =	vst v0  }
0x3c: {  	[tilespmem:$0x560] =	vst v0  }
0x3d: {  	[tilespmem:$0x570] =	vst v0  }
0x3e: {  	[tilespmem:$0x580] =	vst v0  }
0x3f: {  	[tilespmem:$0x590] =	vst v0  }
0x40: {  	[tilespmem:$0x5A0] =	vst v0  }
0x41: {  	[tilespmem:$0x5B0] =	vst v0  }
0x42: {  	[tilespmem:$0x5C0] =	vst v0  }
0x43: {  	[tilespmem:$0x5D0] =	vst v0  }
0x44: {  	[tilespmem:$0x5E0] =	vst v0  }
0x45: {  	[tilespmem:$0x5F0] =	vst v0  }
0x46: {  	[tilespmem:$0x608] =	vst v0  }
0x47: {  	[tilespmem:$0x618] =	vst v0  }
0x48: {  	[tilespmem:$0x628] =	vst v0  }
0x49: {  	[tilespmem:$0x638] =	vst v0  }
0x4a: {  	[tilespmem:$0x648] =	vst v0  }
0x4b: {  	[tilespmem:$0x658] =	vst v0  }
0x4c: {  	[tilespmem:$0x668] =	vst v0  }
0x4d: {  	[tilespmem:$0x678] =	vst v0  }
0x4e: {  	[tilespmem:$0x688] =	vst v0  }
0x4f: {  	[tilespmem:$0x698] =	vst v0  }
0x50: {  	[tilespmem:$0x6A8] =	vst v0  }
0x51: {  	[tilespmem:$0x6B8] =	vst v0  }
0x52: {  	[tilespmem:$0x6C8] =	vst v0  }
0x53: {  	[tilespmem:$0x6D8] =	vst v0  }
0x54: {  	[tilespmem:$0x6E8] =	vst v0  }
0x55: {  	[tilespmem:$0x6F8] =	vst v0  }
0x56: {  	[tilespmem:$0x708] =	vst v0  }
0x57: {  	[tilespmem:$0x718] =	vst v0  }
0x58: {  	[tilespmem:$0x728] =	vst v0  }
0x59: {  	[tilespmem:$0x738] =	vst v0  }
0x5a: {  	[tilespmem:$0x748] =	vst v0  }
0x5b: {  	[tilespmem:$0x760] =	vst v0  }
0x5c: {  	[tilespmem:$0x770] =	vst v0  }
0x5d: {  	[tilespmem:$0x780] =	vst v0  }
0x5e: {  	[tilespmem:$0x790] =	vst v0  }
0x5f: {  	[tilespmem:$0x7A0] =	vst v0  }
0x60: {  	[tilespmem:$0x7B0] =	vst v0  }
0x61: {  	[tilespmem:$0x7C0] =	vst v0  }
0x62: {  	[tilespmem:$0x7D0] =	vst v0  }
0x63: {  	[tilespmem:$0x7E0] =	vst v0  }
0x64: {  	[tilespmem:$0x7F0] =	vst v0  }
0x65: {  	[tilespmem:$0x800] =	vst v0  }
0x66: {  	[tilespmem:$0x810] =	vst v0  }
0x67: {  	[tilespmem:$0x820] =	vst v0  }
0x68: {  	[tilespmem:$0x830] =	vst v0  }
0x69: {  	[tilespmem:$0x840] =	vst v0  }
0x6a: {  	[tilespmem:$0x850] =	vst v0  }
0x6b: {  	[tilespmem:$0x860] =	vst v0  }
0x6c: {  	[tilespmem:$0x870] =	vst v0  }
0x6d: {  	[tilespmem:$0x880] =	vst v0  }
0x6e: {  	[tilespmem:$0x890] =	vst v0  }
0x6f: {  	[tilespmem:$0x8A0] =	vst v0  }
0x70: {  	[tilespmem:$0x8B8] =	vst v0  }
0x71: {  	[tilespmem:$0x8C8] =	vst v0  }
0x72: {  	[tilespmem:$0x8D8] =	vst v0  }
0x73: {  	[tilespmem:$0x8E8] =	vst v0  }
0x74: {  	[tilespmem:$0x8F8] =	vst v0  }
0x75: {  	[tilespmem:$0x908] =	vst v0  }
0x76: {  	[tilespmem:$0x918] =	vst v0  }
0x77: {  	[tilespmem:$0x928] =	vst v0  }
0x78: {  	[tilespmem:$0x938] =	vst v0  }
0x79: {  	[tilespmem:$0x948] =	vst v0  }
0x7a: {  	[tilespmem:$0x958] =	vst v0  }
0x7b: {  	[tilespmem:$0x968] =	vst v0  }
0x7c: {  	[tilespmem:$0x978] =	vst v0  }
0x7d: {  	[tilespmem:$0x988] =	vst v0  }
0x7e: {  	[tilespmem:$0x998] =	vst v0  }
0x7f: {  	[tilespmem:$0x9A8] =	vst v0  }
0x80: {  	[tilespmem:$0x9B8] =	vst v0  }
0x81: {  	[tilespmem:$0x9C8] =	vst v0  }
0x82: {  	[tilespmem:$0x9D8] =	vst v0  }
0x83: {  	[tilespmem:$0x9E8] =	vst v0  }
0x84: {  	[tilespmem:$0x9F8] =	vst v0  }
0x85: {  	[tilespmem:$0xA10] =	vst v0  }
0x86: {  	[tilespmem:$0xA20] =	vst v0  }
0x87: {  	[tilespmem:$0xA30] =	vst v0  }
0x88: {  	[tilespmem:$0xA40] =	vst v0  }
0x89: {  	[tilespmem:$0xA50] =	vst v0  }
0x8a: {  	[tilespmem:$0xA60] =	vst v0  }
0x8b: {  	[tilespmem:$0xA70] =	vst v0  }
0x8c: {  	[tilespmem:$0xA80] =	vst v0  }
0x8d: {  	[tilespmem:$0xA90] =	vst v0  }
0x8e: {  	[tilespmem:$0xAA0] =	vst v0  }
0x8f: {  	[tilespmem:$0xAB0] =	vst v0  }
0x90: {  	[tilespmem:$0xAC0] =	vst v0  }
0x91: {  	[tilespmem:$0xAD0] =	vst v0  }
0x92: {  	[tilespmem:$0xAE0] =	vst v0  }
0x93: {  	[tilespmem:$0xAF0] =	vst v0  }
0x94: {  	[tilespmem:$0xB00] =	vst v0  }
0x95: {  	[tilespmem:$0xB10] =	vst v0  }
0x96: {  	[tilespmem:$0xB20] =	vst v0  }
0x97: {  	[tilespmem:$0xB30] =	vst v0  }
0x98: {  	[tilespmem:$0xB40] =	vst v0  }
0x99: {  	[tilespmem:$0xB50] =	vst v0  }
0x9a: {  	[tilespmem:$0xB68] =	vst v0  }
0x9b: {  	[tilespmem:$0xB78] =	vst v0  }
0x9c: {  	[tilespmem:$0xB88] =	vst v0  }
0x9d: {  	[tilespmem:$0xB98] =	vst v0  }
0x9e: {  	[tilespmem:$0xBA8] =	vst v0  }
0x9f: {  	[tilespmem:$0xBB8] =	vst v0  }
0xa0: {  	[tilespmem:$0xBC8] =	vst v0  }
0xa1: {  	[tilespmem:$0xBD8] =	vst v0  }
0xa2: {  	[tilespmem:$0xBE8] =	vst v0  }
0xa3: {  	[tilespmem:$0xBF8] =	vst v0  }
0xa4: {  	[tilespmem:$0xC08] =	vst v0  }
0xa5: {  	[tilespmem:$0xC18] =	vst v0  }
0xa6: {  	[tilespmem:$0xC28] =	vst v0  }
0xa7: {  	[tilespmem:$0xC38] =	vst v0  }
0xa8: {  	[tilespmem:$0xC48] =	vst v0  }
0xa9: {  	[tilespmem:$0xC58] =	vst v0  }
0xaa: {  	[tilespmem:$0xC68] =	vst v0  }
0xab: {  	[tilespmem:$0xC78] =	vst v0  }
0xac: {  	[tilespmem:$0xC88] =	vst v0  }
0xad: {  	[tilespmem:$0xC98] =	vst v0  }
0xae: {  	[tilespmem:$0xCA8] =	vst v0  }
0xaf: {  	[tilespmem:$0xCC0] =	vst v0  }
0xb0: {  	[tilespmem:$0xCD0] =	vst v0  }
0xb1: {  	[tilespmem:$0xCE0] =	vst v0  }
0xb2: {  	[tilespmem:$0xCF0] =	vst v0  }
0xb3: {  	[tilespmem:$0xD00] =	vst v0  }
0xb4: {  	[tilespmem:$0xD10] =	vst v0  }
0xb5: {  	[tilespmem:$0xD20] =	vst v0  }
0xb6: {  	[tilespmem:$0xD30] =	vst v0  }
0xb7: {  	[tilespmem:$0xD40] =	vst v0  }
0xb8: {  	[tilespmem:$0xD50] =	vst v0  }
0xb9: {  	[tilespmem:$0xD60] =	vst v0  }
0xba: {  	[tilespmem:$0xD70] =	vst v0  }
0xbb: {  	[tilespmem:$0xD80] =	vst v0  }
0xbc: {  	[tilespmem:$0xD90] =	vst v0  }
0xbd: {  	[tilespmem:$0xDA0] =	vst v0  }
0xbe: {  	[tilespmem:$0xDB0] =	vst v0  }
0xbf: {  	[tilespmem:$0xDC0] =	vst v0  }
0xc0: {  	[tilespmem:$0xDD0] =	vst v0  }
0xc1: {  	[tilespmem:$0xDE0] =	vst v0  }
0xc2: {  	[tilespmem:$0xDF0] =	vst v0  }
0xc3: {  	[tilespmem:$0xE00] =	vst v0  }
0xc4: {  	[tilespmem:$0xE18] =	vst v0  }
0xc5: {  	[tilespmem:$0xE28] =	vst v0  }
0xc6: {  	[tilespmem:$0xE38] =	vst v0  }
0xc7: {  	[tilespmem:$0xE48] =	vst v0  }
0xc8: {  	[tilespmem:$0xE58] =	vst v0  }
0xc9: {  	[tilespmem:$0xE68] =	vst v0  }
0xca: {  	[tilespmem:$0xE78] =	vst v0  }
0xcb: {  	[tilespmem:$0xE88] =	vst v0  }
0xcc: {  	[tilespmem:$0xE98] =	vst v0  }
0xcd: {  	[tilespmem:$0xEA8] =	vst v0  }
0xce: {  	[tilespmem:$0xEB8] =	vst v0  }
0xcf: {  	[tilespmem:$0xEC8] =	vst v0  }
0xd0: {  	[tilespmem:$0xED8] =	vst v0  }
0xd1: {  	[tilespmem:$0xEE8] =	vst v0  }
0xd2: {  	[tilespmem:$0xEF8] =	vst v0  }
0xd3: {  	[tilespmem:$0xF08] =	vst v0  }
0xd4: {  	[tilespmem:$0xF18] =	vst v0  }
0xd5: {  	[tilespmem:$0xF28] =	vst v0  }
0xd6: {  	[tilespmem:$0xF38] =	vst v0  }
0xd7: {  	[tilespmem:$0xF48] =	vst v0  }
0xd8: {  	[tilespmem:$0xF58] =	vst v0  }
0xd9: {  	[tilespmem:$0xF70] =	vst v0  }
0xda: {  	[tilespmem:$0xF80] =	vst v0  }
0xdb: {  	[tilespmem:$0xF90] =	vst v0  }
0xdc: {  	[tilespmem:$0xFA0] =	vst v0  }
0xdd: {  	[tilespmem:$0xFB0] =	vst v0  }
0xde: {  	[tilespmem:$0xFC0] =	vst v0  }
0xdf: {  	[tilespmem:$0xFD0] =	vst v0  }
0xe0: {  	[tilespmem:$0xFE0] =	vst v0  }
0xe1: {  	[tilespmem:$0xFF0] =	vst v0  }
0xe2: {  	[tilespmem:$0x1000] =	vst v0  }
0xe3: {  	[tilespmem:$0x1010] =	vst v0  }
0xe4: {  	[tilespmem:$0x1020] =	vst v0  }
0xe5: {  	[tilespmem:$0x1030] =	vst v0  }
0xe6: {  	[tilespmem:$0x1040] =	vst v0  }
0xe7: {  	[tilespmem:$0x1050] =	vst v0  }
0xe8: {  	[tilespmem:$0x1060] =	vst v0  }
0xe9: {  	[tilespmem:$0x1070] =	vst v0  }
0xea: {  	[tilespmem:$0x1080] =	vst v0  }
0xeb: {  	[tilespmem:$0x1090] =	vst v0  }
0xec: {  	[tilespmem:$0x10A0] =	vst v0  }
0xed: {  	[tilespmem:$0x10B0] =	vst v0  }
0xee: {  	[tilespmem:$0x10C8] =	vst v0  }
0xef: {  	[tilespmem:$0x10D8] =	vst v0  }
0xf0: {  	[tilespmem:$0x10E8] =	vst v0  }
0xf1: {  	[tilespmem:$0x10F8] =	vst v0  }
0xf2: {  	[tilespmem:$0x1108] =	vst v0  }
0xf3: {  	[tilespmem:$0x1118] =	vst v0  }
0xf4: {  	[tilespmem:$0x1128] =	vst v0  }
0xf5: {  	[tilespmem:$0x1138] =	vst v0  }
0xf6: {  	[tilespmem:$0x1148] =	vst v0  }
0xf7: {  	[tilespmem:$0x1158] =	vst v0  }
0xf8: {  	[tilespmem:$0x1168] =	vst v0  }
0xf9: {  	[tilespmem:$0x1178] =	vst v0  }
0xfa: {  	[tilespmem:$0x1188] =	vst v0  }
0xfb: {  	[tilespmem:$0x11A8] =	vst v0  }
0xfc: {  	[tilespmem:$0x11B8] =	vst v0  }
0xfd: {  	[tilespmem:$0x11C8] =	vst v0  }
0xfe: {  	[tilespmem:$0x11E8] =	vst v0  }
0xff: {  	v1 =	vlaneseq.u32;
	v19 =	vimm.s32 $0xE9E6E3E0;
	[tilespmem:$0x11F8] =	vst v0  }
0x100: {  	v20 =	vimm.s32 $0xF5F2EFEC;
	v22 =	vimm.s32 $0xFEFBF8;
	vm4 =	vcmask $0xF00;
	[tilespmem:$0x1208] =	vst v0  }
0x101: {  	vm3 =	vcmask $0x1F10;
	v35 =	vimm.s32 $0xECE9E6E3;
	vm8 =	vcmask $0x2B20;
	[tilespmem:$0x120F] =	vst v0  }
0x102: {  	v23 =	vimm.s32 $0xF8F5F2EF;
	vm1 =	vcmask $0x2F2C;
	vm0 =	vcmask $0x3330;
	[tilespmem:$0x11D8] =	vst v0  }
0x103: {  	vm2 =	vcmask $0x3734;
	vm5 =	vcmask $0x2320;
	v37 =	vimm.s32 $0xEAE7E4E1;
	[tilespmem:$0x1198] =	vst v0  }
0x104: {  	vm6 =	vcmask $0x2724;
	v38 =	vimm.s32 $0xF6F3F0ED;
	v41 =	vimm.s32 $0xEDEAE7E4;
	[tilespmem:$0x347] =	vst v0  }
0x105: {  	vm7 =	vcmask $0x2B28;
	v43 =	vimm.s32 $0xF9F6F3F0;
	v47 =	vimm.s32 $0xEBE8E5E2;
	[tilespmem:$0x49F] =	vst v0  }
0x106: {  	v48 =	vimm.s32 $0xF7F4F1EE;
	v2 =	vmul.u32 $0x3, v1;
	v19 =	vunpack.c.0.s8.s32 v19;
	[tilespmem:$0x5F7] =	vst v0  }
0x107: {  	v20 =	vunpack.c.0.s8.s32 v20;
	v22 =	vunpack.c.0.s8.s32 v22;
	v36 =	vunpack.c.0.s8.s32 v23;
	[tilespmem:$0x74F] =	vst v0  }
0x108: {  	v40 =	vunpack.c.0.s8.s32 v38;
	v44 =	vunpack.c.0.s8.s32 v43;
	v49 =	vunpack.c.0.s8.s32 v48;
	[tilespmem:$0x8A7] =	vst v0  }
0x109: {  	v1 =	vor.u32 $0x80, v2;
	v25 =	vadd.s32 $0x81, v2;
	v33 =	vadd.s32 $0x82, v2;
	[tilespmem:$0x9FF] =	vst v0  }
0x10a: {  	v9 =	vadd.s32 $0xB0, v2;
	v10 =	vadd.s32 $0xB1, v2;
	v11 =	vadd.s32 $0xB2, v2;
	[tilespmem:$0x10B7] =	vst v0  }
0x10b: {  	v12 =	vadd.s32 $0xE0, v2;
	v13 =	vadd.s32 $0xE1, v2;
	v14 =	vadd.s32 $0xE2, v2;
	[tilespmem:$0xB57] =	vst v0  }
0x10c: {  	v15 =	vadd.s32 $0x83, v2;
	v16 =	vadd.s32 $0x84, v2;
	v17 =	vadd.s32 $0x85, v2;
	[tilespmem:$0xCAF] =	vst v0  }
0x10d: {  	v19 =	vand.u32 $0xFF, v19;
	v34 =	vand.u32 $0xFF, v22;
	v22 =	vunpack.c.0.s8.s32 v35;
	[tilespmem:$0xE07] =	vst v0  }
0x10e: {  	s19 =	simm.s32 $0x1;
	v18 =	vadd.s32 $0xB3, v2;
	v20 =	vand.u32 $0xFF, v20;
	v19 =	vnsel vm4, $0x10A, v19;
	[tilespmem:$0xF5F] =	vst v0  }
0x10f: {  	v21 =	vadd.s32 $0xB4, v2;
	s5 =	sand.u32 $0x3, s0;
	v19 =	vsel vm3, v20, v19;
	v22 =	vand.u32 $0xFF, v22;
	_ =	swait.ge [sflag:s19], $0x200  }
0x110: {  	v20 =	vand.u32 $0xFF, v36;
	s6 =	smul.u32 $0x24, s5;
	v19 =	vsel vm8, v34, v19;
	v22 =	vnsel vm4, $0x10D, v22;
	[sflag:s19] =	ssyncset.done $0x0  }
0x111: {  	v2 =	vadd.s32 $0xB5, v2;
	v19 =	vsel vm1, $0x101, v19;
	v20 =	vsel vm3, v20, v22;
	[sflag:s19] =	ssyncadd.s32 $0xFFFFFE00  }
0x112: {  	v22 =	vunpack.c.0.s8.s32 v37;
	v26 =	vmov s6;
	s7 =	sor.u32 $0x1, s6;
	v19 =	vsel vm0, $0x104, v19;
	v6 =	vld.idx.msk [tilespmem:v1+s3+$0x0], $0xffff  }
0x113: {  	s8 =	sor.u32 $0x2, s6;
	s20 =	sor.u32 $0x3, s6;
	v20 =	vsel vm5, $0xFB, v20;
	v0 =	vor.u32 $0x80, v26;
	v27 =	vmov s7;
	v5 =	vld.idx.msk [tilespmem:v25+s3+$0x0], $0xffff  }
0x114: {  	v3 =	vmov s8;
	v30 =	vmov s20;
	v19 =	vsel vm2, $0x107, v19;
	v25 =	vld.idx.msk [tilespmem:v33+s3+$0x0], $0xffff  }
0x115: {  	v39 =	vsel vm6, $0xFE, v20;
	v22 =	vand.u32 $0xFF, v22;
	v26 =	vimm.s32 $0xFFFCF9;
	v23 =	vld [tilespmem:$0x0]  }
0x116: {  	v20 =	vand.u32 $0xFF, v40;
	v7 =	vbroadcast v0, $0x0;
	v28 =	vor.u32 $0x80, v27;
	v27 =	vld [tilespmem:$0x40]  }
0x117: {  	v29 =	vor.u32 $0x80, v3;
	v0 =	vor.u32 $0x80, v30;
	v3 =	vsel vm7, $0x101, v39;
	v9 =	vld.idx.msk [tilespmem:v9+s3+$0x0], $0xffff  }
0x118: {  	v22 =	vnsel vm4, $0x10B, v22;
	v26 =	vunpack.c.0.s8.s32 v26;
	v8 =	vbroadcast v28, $0x0;
	v28 =	vld.idx.msk [tilespmem:v10+s3+$0x0], $0xffff  }
0x119: {  	v30 =	vunpack.c.0.s8.s32 v47;
	v4 =	vbroadcast v29, $0x0;
	v24 =	vbroadcast v0, $0x0;
	v29 =	vld.idx.msk [tilespmem:v11+s3+$0x0], $0xffff  }
0x11a: {  	v3 =	vsel vm1, $0x104, v3;
	v20 =	vsel vm3, v20, v22;
	v22 =	vunpack.c.0.s8.s32 v41;
	v46 =	vld [tilespmem:$0x50]  }
0x11b: {  	v11 =	vand.u32 $0xFF, v44;
	v12 =	vld.idx.msk [tilespmem:v12+s3+$0x0], $0xffff;
	v33 =	vimm.s32 $0xFAF7F4F1;
	v42 =	vand.u32 $0xFF, v26  }
0x11c: {  	v13 =	vld.idx.msk [tilespmem:v13+s3+$0x0], $0xffff;
	v3 =	vsel vm0, $0x107, v3;
	v30 =	vand.u32 $0xFF, v30;
	v33 =	vunpack.c.0.s8.s32 v33  }
0x11d: {  	v34 =	vld.idx.msk [tilespmem:v15+s3+$0x0], $0xffff;
	v10 =	vsel vm8, v42, v20;
	v3 =	vsel vm2, $0x10A, v3;
	v45 =	vand.u32 $0xFF, v22  }
0x11e: {  	v52 =	vld.idx.msk [tilespmem:v16+s3+$0x0], $0xffff;
	v50 =	vnsel vm4, $0x10C, v30;
	v10 =	vsel vm1, $0x102, v10;
	v20 =	vnsel vm4, $0x10E, v45  }
0x11f: {  	v56 =	vld [tilespmem:$0x1];
	v54 =	vand.u32 $0xFF, v33;
	v10 =	vsel vm0, $0x105, v10;
	v11 =	vsel vm3, v11, v20  }
0x120: {  	v55 =	vld.idx.msk [tilespmem:v17+s3+$0x0], $0xffff;
	v31 =	vshll.u32 v6, $0x1;
	v32 =	vshll.u32 v5, $0x1;
	v10 =	vsel vm2, $0x108, v10  }
0x121: {  	v36 =	vld.idx.msk [tilespmem:v2+s3+$0x0], $0xffff;
	v11 =	vsel vm5, $0xFC, v11;
	v59 =	vshll.u32 v25, $0x1;
	v2 =	vmul.f32 v27, v23  }
0x122: {  	v35 =	vld.idx.msk [tilespmem:v18+s3+$0x0], $0xffff;
	v61 =	vshll.u32 v9, $0x1;
	v62 =	vshll.u32 v28, $0x1;
	v63 =	vshll.u32 v29, $0x1  }
0x123: {  	v37 =	vld [tilespmem:$0x11];
	v44 =	vshll.u32 v12, $0x1;
	v45 =	vshll.u32 v13, $0x1;
	v6 =	vadd.s32 v34, v6  }
0x124: {  	v26 =	vld [tilespmem:$0x10];
	v23 =	vadd.f32 v56, v23;
	v5 =	vadd.s32 v52, v5;
	v0 =	vadd.s32 $0x5E, v31  }
0x125: {  	v1 =	vadd.s32 $0x5E, v32;
	v31 =	vimm.s32 $0xEEEBE8E5;
	v32 =	vld.idx.msk [tilespmem:v14+s3+$0x0], $0xffff;
	v14 =	vand.u32 $0xFF, v49  }
0x126: {  	v60 =	vld.idx.msk [tilespmem:v19+s3+$0x0], $0xffff;
	v11 =	vsel vm6, $0xFF, v11;
	v17 =	vadd.s32 $0x5E, v59;
	v18 =	vadd.s32 $0x5E, v61  }
0x127: {  	v20 =	vld [tilespmem:$0x20];
	v19 =	vadd.s32 $0x5E, v62;
	v16 =	vadd.s32 $0x5E, v63;
	v13 =	vadd.s32 $0x5E, v44  }
0x128: {  	v56 =	vld [tilespmem:$0x21];
	v31 =	vunpack.c.0.s8.s32 v31;
	v14 =	vsel vm3, v14, v50;
	v11 =	vsel vm7, $0x102, v11  }
0x129: {  	v40 =	vld.idx.msk [tilespmem:v3+s3+$0x0], $0xffff;
	v3 =	vmul.f32 v46, v26;
	v50 =	vadd.s32 v55, v25;
	v23 =	vadd.f32 $1.000000000e+00, v23  }
0x12a: {  	v21 =	vld.idx.msk [tilespmem:v21+s3+$0x0], $0xffff;
	v55 =	vadd.s32 v36, v29;
	v26 =	vadd.f32 v37, v26;
	v14 =	vsel vm5, $0xFA, v14  }
0x12b: {  	v52 =	vld.idx.msk [tilespmem:v8+s3+$0x0], $0xffff;
	v11 =	vsel vm1, $0x105, v11;
	v12 =	vadd.s32 $0x5E, v50;
	v51 =	vand.u32 $0xFF, v31  }
0x12c: {  	v14 =	vsel vm6, $0xFD, v14;
	v11 =	vsel vm0, $0x108, v11;
	v53 =	vnsel vm4, $0x10F, v51  }
0x12d: {  	v14 =	vsel vm7, $0x100, v14;
	v11 =	vsel vm2, $0x10B, v11;
	v41 =	vld.idx.msk [tilespmem:v10+s3+$0x0], $0xffff;
	v10 =	vadd.s32 $0x5E, v6  }
0x12e: {  	v63 =	vadd.f32 v56, v20;
	v15 =	vsel vm3, v54, v53;
	v14 =	vsel vm1, $0x103, v14  }
0x12f: {  	v47 =	vshll.u32 v32, $0x1;
	v53 =	vadd.s32 v35, v9;
	v54 =	vadd.s32 v21, v28  }
0x130: {  	v51 =	vld.idx.msk [tilespmem:v7+s3+$0x0], $0xffff;
	v9 =	vadd.s32 $0x5E, v55;
	v62 =	vshll.u32 v52, $0x1;
	v15 =	vsel vm5, $0xFD, v15  }
0x131: {  	v57 =	vsel vm0, $0x106, v14;
	v7 =	vadd.s32 $0x5E, v53;
	v34 =	vadd.s32 $0x5B, v62  }
0x132: {  	v8 =	vadd.s32 $0x5E, v54;
	v15 =	vsel vm6, $0x100, v15;
	vm12 =	vgt.s32 v34, $0x0  }
0x133: {  	v38 =	vsel vm2, $0x109, v57;
	v15 =	vsel vm7, $0x103, v15;
	v22 =	vnsel vm12, $0x0, v34  }
0x134: {  	v58 =	vsel vm1, $0x106, v15;
	v46 =	vld.idx.msk [tilespmem:v11+s3+$0x0], $0xffff;
	v15 =	vadd.s32 $0x5E, v47;
	v11 =	vadd.s32 $0x5E, v5  }
0x135: {  	v57 =	vld.idx.msk [tilespmem:v4+s3+$0x0], $0xffff;
	v61 =	vshll.u32 v51, $0x1;
	v22 =	vmin.u32 v22, $0xB6;
	v14 =	vsel vm0, $0x109, v58  }
0x136: {  	v58 =	vadd.s32 v40, v60;
	v33 =	vadd.s32 $0x5B, v61;
	v37 =	vsub.s32 v1, v22  }
0x137: {  	v43 =	vsub.s32 v19, v22;
	v55 =	vsub.s32 v8, v22;
	v39 =	vsel vm2, $0x10C, v14  }
0x138: {  	v14 =	vadd.s32 $0x5E, v45;
	v4 =	vadd.s32 $0x5E, v58;
	vm11 =	vgt.s32 v33, $0x0  }
0x139: {  	vm15 =	vlt.u32 v37, $0x7;
	vm6 =	vlt.u32 v43, $0x7;
	v30 =	vmul.u32 $0x7, v43  }
0x13a: {  	v35 =	vshll.u32 v57, $0x1;
	v21 =	vnsel vm11, $0x0, v33;
	v33 =	vmul.u32 $0x7, v55  }
0x13b: {  	v25 =	vadd.s32 $0x5B, v35;
	v21 =	vmin.u32 v21, $0xB6;
	v59 =	vadd.s32 v46, v41  }
0x13c: {  	vm13 =	vgt.s32 v25, $0x0;
	v36 =	vsub.s32 v0, v21;
	v42 =	vsub.s32 v18, v21  }
0x13d: {  	v45 =	vsub.s32 v13, v21;
	v46 =	vsub.s32 v14, v22;
	v54 =	vsub.s32 v7, v21  }
0x13e: {  	v48 =	vld.idx.msk [tilespmem:v38+s3+$0x0], $0xffff;
	v5 =	vadd.s32 $0x5E, v59;
	v25 =	vnsel vm13, $0x0, v25;
	v38 =	vmul.u32 $0x31, v36  }
0x13f: {  	vm14 =	vlt.u32 v36, $0x7;
	vm5 =	vlt.u32 v42, $0x7;
	v29 =	vmul.u32 $0x31, v42  }
0x140: {  	vm8 =	vlt.u32 v45, $0x7;
	vm9 =	vlt.u32 v46, $0x7;
	v32 =	vmul.u32 $0x7, v46  }
0x141: {  	v49 =	vld.idx.msk [tilespmem:v39+s3+$0x0], $0xffff;
	v25 =	vmin.u32 v25, $0xB6;
	v39 =	vmul.u32 $0x7, v37;
	vm0 =	vmand vm14, vm15  }
0x142: {  	vm14 =	vlt.u32 v54, $0x7;
	vm15 =	vlt.u32 v55, $0x7;
	v40 =	vsub.s32 v17, v25  }
0x143: {  	v44 =	vsub.s32 v16, v25;
	v29 =	vadd.s32 v29, v30;
	v47 =	vsub.s32 v15, v25  }
0x144: {  	v30 =	vmul.u32 $0x31, v45;
	v52 =	vsub.s32 v12, v25;
	v56 =	vsub.s32 v9, v25  }
0x145: {  	vm4 =	vlt.u32 v40, $0x7;
	v41 =	vadd.s32 v38, v39;
	vm7 =	vlt.u32 v44, $0x7  }
0x146: {  	v29 =	vadd.s32 v44, v29;
	vm10 =	vlt.u32 v47, $0x7;
	vm13 =	vlt.u32 v52, $0x7  }
0x147: {  	vm1 =	vmand vm0, vm4;
	v28 =	vadd.s32 v40, v41;
	vm0 =	vmand vm5, vm6  }
0x148: {  	v30 =	vadd.s32 v30, v32;
	v32 =	vmul.u32 $0x31, v54;
	v28 =	vnsel vm1, $0x0, v28  }
0x149: {  	vm2 =	vmand vm0, vm7;
	vm0 =	vmand vm8, vm9;
	v30 =	vadd.s32 v47, v30  }
0x14a: {  	vm8 =	vlt.u32 v56, $0x7;
	v60 =	vadd.s32 v49, v48;
	v29 =	vnsel vm2, $0x0, v29  }
0x14b: {  	vm3 =	vmand vm0, vm10;
	v48 =	vsub.s32 v10, v21;
	v49 =	vsub.s32 v11, v22  }
0x14c: {  	v32 =	vadd.s32 v32, v33;
	v21 =	vsub.s32 v4, v21;
	v22 =	vsub.s32 v5, v22  }
0x14d: {  	v6 =	vadd.s32 $0x5E, v60;
	v30 =	vnsel vm3, $0x0, v30;
	v50 =	vmul.u32 $0x31, v48  }
0x14e: {  	v51 =	vmul.u32 $0x7, v49;
	vm11 =	vlt.u32 v48, $0x7;
	vm12 =	vlt.u32 v49, $0x7  }
0x14f: {  	vm9 =	vlt.u32 v21, $0x7;
	vm10 =	vlt.u32 v22, $0x7;
	v21 =	vmul.u32 $0x31, v21  }
0x150: {  	v22 =	vmul.u32 $0x7, v22;
	v32 =	vadd.s32 v56, v32;
	vm0 =	vmand vm11, vm12  }
0x151: {  	v57 =	vld [tilespmem:$0x60];
	v25 =	vsub.s32 v6, v25;
	v53 =	vadd.s32 v50, v51;
	vm4 =	vmand vm0, vm13  }
0x152: {  	v58 =	vld [tilespmem:$0x41];
	vm0 =	vmand vm14, vm15;
	vm11 =	vlt.u32 v25, $0x7;
	v21 =	vadd.s32 v21, v22  }
0x153: {  	v59 =	vld [tilespmem:$0x51];
	v31 =	vadd.s32 v52, v53;
	vm5 =	vmand vm0, vm8;
	vm0 =	vmand vm9, vm10  }
0x154: {  	v60 =	vld [tilespmem:$0x61];
	v31 =	vnsel vm4, $0x0, v31;
	vm6 =	vmand vm0, vm11;
	vm0 =	vmmov $0x7fff  }
0x155: {  	s7 =	simm.s32 $0x200;
	v21 =	vadd.s32 v25, v21;
	v32 =	vnsel vm5, $0x0, v32;
	vm6 =	vmand vm6, vm0  }
0x156: {  	s21 =	sadd.s32 $0x4, s6;
	v61 =	vadd.f32 $1.000000000e+00, v26;
	v20 =	vmul.f32 v57, v20;
	[tilespmem:v28+s7+$0x0] =	vst.idx.add.f32.msk vm1, v2;
	v25 =	vnsel vm6, $0x0, v21  }
0x157: {  	s22 =	sadd.s32 $0x5, s6;
	v62 =	vmov s21;
	v63 =	vadd.f32 $1.000000000e+00, v63;
	[tilespmem:v29+s7+$0x0] =	vst.idx.add.f32.msk vm2, v3;
	v21 =	vmul.f32 v23, v58  }
0x158: {  	v26 =	vadd.s32 $0x80, v62;
	v22 =	vmul.f32 v61, v59;
	[tilespmem:v30+s7+$0x0] =	vst.idx.add.f32.msk vm3, v20;
	v30 =	vmov s22  }
0x159: {  	v23 =	vmul.f32 v63, v60;
	v27 =	vadd.s32 $0x80, v30;
	[tilespmem:v31+s7+$0x0] =	vst.idx.add.f32.msk vm4, v21  }
0x15a: {  	[tilespmem:v32+s7+$0x0] =	vst.idx.add.f32.msk vm5, v22  }
0x15b: {  	[tilespmem:v25+s7+$0x0] =	vst.idx.add.f32.msk vm6, v23  }
0x15c: {  	v24 =	vld.idx.msk [tilespmem:v24+s3+$0x0], $0xffff  }
0x15d: {  	v25 =	vld.idx.msk [tilespmem:v26+s3+$0x0], $0xffff  }
0x15e: {  	v33 =	vld.idx.msk [tilespmem:v27+s3+$0x0], $0xffff;
	_ =	sdelay $0x3  }
0x15f: {  	v24 =	vshll.u32 v24, $0x1  }
0x160: {  	v25 =	vshll.u32 v25, $0x1;
	v26 =	vshll.u32 v33, $0x1;
	v24 =	vadd.s32 $0x5B, v24  }
0x161: {  	v25 =	vadd.s32 $0x5B, v25;
	v26 =	vadd.s32 $0x5B, v26;
	vm12 =	vgt.s32 v24, $0x0  }
0x162: {  	vm13 =	vgt.s32 v25, $0x0;
	vm14 =	vgt.s32 v26, $0x0;
	v24 =	vnsel vm12, $0x0, v24  }
0x163: {  	v25 =	vnsel vm13, $0x0, v25;
	v26 =	vnsel vm14, $0x0, v26;
	v24 =	vmin.u32 v24, $0xB6  }
0x164: {  	v25 =	vmin.u32 v25, $0xB6;
	v26 =	vmin.u32 v26, $0xB6;
	v34 =	vsub.s32 v0, v24  }
0x165: {  	v35 =	vsub.s32 v1, v25;
	v36 =	vsub.s32 v17, v26;
	v37 =	vsub.s32 v18, v24  }
0x166: {  	v38 =	vsub.s32 v19, v25;
	v41 =	vsub.s32 v16, v26;
	v43 =	vsub.s32 v13, v24  }
0x167: {  	v44 =	vsub.s32 v14, v25;
	v45 =	vsub.s32 v15, v26;
	v46 =	vsub.s32 v10, v24  }
0x168: {  	v47 =	vsub.s32 v11, v25;
	v48 =	vsub.s32 v12, v26;
	v49 =	vsub.s32 v7, v24  }
0x169: {  	v50 =	vsub.s32 v8, v25;
	v51 =	vsub.s32 v9, v26;
	v24 =	vsub.s32 v4, v24  }
0x16a: {  	v25 =	vsub.s32 v5, v25;
	v26 =	vsub.s32 v6, v26;
	vm15 =	vlt.u32 v34, $0x7  }
0x16b: {  	vm4 =	vlt.u32 v35, $0x7;
	vm5 =	vlt.u32 v36, $0x7;
	v27 =	vmul.u32 $0x31, v34  }
0x16c: {  	v28 =	vmul.u32 $0x7, v35;
	v39 =	vmul.u32 $0x31, v37;
	v40 =	vmul.u32 $0x7, v38  }
0x16d: {  	vm6 =	vlt.u32 v37, $0x7;
	vm7 =	vlt.u32 v38, $0x7;
	vm8 =	vlt.u32 v41, $0x7  }
0x16e: {  	vm9 =	vlt.u32 v43, $0x7;
	vm10 =	vlt.u32 v44, $0x7;
	v29 =	vmul.u32 $0x31, v43  }
0x16f: {  	v30 =	vmul.u32 $0x7, v44;
	vm11 =	vlt.u32 v45, $0x7;
	vm12 =	vlt.u32 v46, $0x7  }
0x170: {  	vm13 =	vlt.u32 v47, $0x7;
	v32 =	vmul.u32 $0x7, v47;
	vm14 =	vlt.u32 v48, $0x7  }
0x171: {  	v31 =	vmul.u32 $0x31, v49;
	vm1 =	vmand vm15, vm4;
	vm2 =	vmand vm6, vm7  }
0x172: {  	vm3 =	vmand vm9, vm10;
	vm4 =	vmand vm12, vm13;
	vm15 =	vlt.u32 v49, $0x7  }
0x173: {  	vm9 =	vlt.u32 v50, $0x7;
	vm10 =	vlt.u32 v51, $0x7;
	vm12 =	vlt.u32 v25, $0x7  }
0x174: {  	v25 =	vmul.u32 $0x7, v25;
	vm13 =	vlt.u32 v26, $0x7;
	vm1 =	vmand vm1, vm5  }
0x175: {  	v27 =	vadd.s32 v27, v28;
	v42 =	vadd.s32 v39, v40;
	vm2 =	vmand vm2, vm8  }
0x176: {  	vm3 =	vmand vm3, vm11;
	v29 =	vadd.s32 v29, v30;
	v30 =	vmul.u32 $0x31, v46  }
0x177: {  	vm4 =	vmand vm4, vm14;
	vm5 =	vmand vm15, vm9;
	vm11 =	vlt.u32 v24, $0x7  }
0x178: {  	v24 =	vmul.u32 $0x31, v24;
	v27 =	vadd.s32 v36, v27;
	v28 =	vadd.s32 v41, v42  }
0x179: {  	v29 =	vadd.s32 v45, v29;
	vm5 =	vmand vm5, vm10;
	vm6 =	vmand vm11, vm12  }
0x17a: {  	v27 =	vnsel vm1, $0x0, v27;
	v28 =	vnsel vm2, $0x0, v28;
	v29 =	vnsel vm3, $0x0, v29  }
0x17b: {  	v30 =	vadd.s32 v30, v32;
	v32 =	vmul.u32 $0x7, v50;
	vm6 =	vmand vm6, vm13  }
0x17c: {  	v24 =	vadd.s32 v24, v25;
	v27 =	vadd.s32 $0x158, v27;
	v28 =	vadd.s32 $0x158, v28  }
0x17d: {  	v30 =	vadd.s32 v48, v30;
	v29 =	vadd.s32 $0x158, v29;
	v31 =	vadd.s32 v31, v32  }
0x17e: {  	vm6 =	vmand vm6, vm0;
	v30 =	vnsel vm4, $0x0, v30;
	v31 =	vadd.s32 v51, v31  }
0x17f: {  	v24 =	vadd.s32 v26, v24;
	v30 =	vadd.s32 $0x158, v30;
	v52 =	vnsel vm5, $0x0, v31  }
0x180: {  	s23 =	sadd.s32 $0x6, s6;
	v24 =	vnsel vm6, $0x0, v24;
	v25 =	vadd.s32 $0x158, v52  }
0x181: {  	s24 =	sadd.s32 $0x7, s6;
	v53 =	vmov s23;
	v24 =	vadd.s32 $0x158, v24;
	[tilespmem:v27+s7+$0x0] =	vst.idx.add.f32.msk vm1, v2  }
0x182: {  	s25 =	sadd.s32 $0x8, s6;
	v54 =	vmov s24;
	v26 =	vadd.s32 $0x80, v53;
	[tilespmem:v28+s7+$0x0] =	vst.idx.add.f32.msk vm2, v3  }
0x183: {  	v55 =	vmov s25;
	v27 =	vadd.s32 $0x80, v54;
	[tilespmem:v29+s7+$0x0] =	vst.idx.add.f32.msk vm3, v20  }
0x184: {  	v28 =	vadd.s32 $0x80, v55;
	[tilespmem:v30+s7+$0x0] =	vst.idx.add.f32.msk vm4, v21  }
0x185: {  	[tilespmem:v25+s7+$0x0] =	vst.idx.add.f32.msk vm5, v22  }
0x186: {  	[tilespmem:v24+s7+$0x0] =	vst.idx.add.f32.msk vm6, v23  }
0x187: {  	v24 =	vld.idx.msk [tilespmem:v26+s3+$0x0], $0xffff  }
0x188: {  	v25 =	vld.idx.msk [tilespmem:v27+s3+$0x0], $0xffff  }
0x189: {  	v56 =	vld.idx.msk [tilespmem:v28+s3+$0x0], $0xffff;
	_ =	sdelay $0x3  }
0x18a: {  	v24 =	vshll.u32 v24, $0x1  }
0x18b: {  	v25 =	vshll.u32 v25, $0x1;
	v26 =	vshll.u32 v56, $0x1;
	v24 =	vadd.s32 $0x5B, v24  }
0x18c: {  	v25 =	vadd.s32 $0x5B, v25;
	v26 =	vadd.s32 $0x5B, v26;
	vm14 =	vgt.s32 v24, $0x0  }
0x18d: {  	vm15 =	vgt.s32 v25, $0x0;
	vm4 =	vgt.s32 v26, $0x0;
	v24 =	vnsel vm14, $0x0, v24  }
0x18e: {  	v25 =	vnsel vm15, $0x0, v25;
	v26 =	vnsel vm4, $0x0, v26;
	v24 =	vmin.u32 v24, $0xB6  }
0x18f: {  	v25 =	vmin.u32 v25, $0xB6;
	v26 =	vmin.u32 v26, $0xB6;
	v57 =	vsub.s32 v0, v24  }
0x190: {  	v58 =	vsub.s32 v1, v25;
	v59 =	vsub.s32 v17, v26;
	v60 =	vsub.s32 v18, v24  }
0x191: {  	v61 =	vsub.s32 v19, v25;
	v36 =	vsub.s32 v16, v26;
	v38 =	vsub.s32 v13, v24  }
0x192: {  	v39 =	vsub.s32 v14, v25;
	v40 =	vsub.s32 v15, v26;
	v41 =	vsub.s32 v10, v24  }
0x193: {  	v42 =	vsub.s32 v11, v25;
	v43 =	vsub.s32 v12, v26;
	v44 =	vsub.s32 v7, v24  }
0x194: {  	v45 =	vsub.s32 v8, v25;
	v46 =	vsub.s32 v9, v26;
	v24 =	vsub.s32 v4, v24  }
0x195: {  	v25 =	vsub.s32 v5, v25;
	v26 =	vsub.s32 v6, v26;
	vm5 =	vlt.u32 v57, $0x7  }
0x196: {  	vm6 =	vlt.u32 v58, $0x7;
	vm7 =	vlt.u32 v59, $0x7;
	v27 =	vmul.u32 $0x31, v57  }
0x197: {  	v28 =	vmul.u32 $0x7, v58;
	v62 =	vmul.u32 $0x31, v60;
	v63 =	vmul.u32 $0x7, v61  }
0x198: {  	vm8 =	vlt.u32 v60, $0x7;
	vm9 =	vlt.u32 v61, $0x7;
	vm10 =	vlt.u32 v36, $0x7  }
0x199: {  	vm11 =	vlt.u32 v38, $0x7;
	vm12 =	vlt.u32 v39, $0x7;
	v29 =	vmul.u32 $0x31, v38  }
0x19a: {  	v30 =	vmul.u32 $0x7, v39;
	vm13 =	vlt.u32 v40, $0x7;
	vm14 =	vlt.u32 v41, $0x7  }
0x19b: {  	vm15 =	vlt.u32 v42, $0x7;
	v32 =	vmul.u32 $0x7, v42;
	v31 =	vmul.u32 $0x31, v44  }
0x19c: {  	vm1 =	vmand vm5, vm6;
	vm2 =	vmand vm8, vm9;
	vm3 =	vmand vm11, vm12  }
0x19d: {  	vm4 =	vmand vm14, vm15;
	vm8 =	vlt.u32 v43, $0x7;
	vm9 =	vlt.u32 v44, $0x7  }
0x19e: {  	vm11 =	vlt.u32 v46, $0x7;
	vm12 =	vlt.u32 v24, $0x7;
	v24 =	vmul.u32 $0x31, v24  }
0x19f: {  	vm14 =	vlt.u32 v26, $0x7;
	vm1 =	vmand vm1, vm7;
	v27 =	vadd.s32 v27, v28  }
0x1a0: {  	v37 =	vadd.s32 v62, v63;
	vm2 =	vmand vm2, vm10;
	vm3 =	vmand vm3, vm13  }
0x1a1: {  	v29 =	vadd.s32 v29, v30;
	v30 =	vmul.u32 $0x31, v41;
	vm4 =	vmand vm4, vm8  }
0x1a2: {  	vm10 =	vlt.u32 v45, $0x7;
	vm13 =	vlt.u32 v25, $0x7;
	v25 =	vmul.u32 $0x7, v25  }
0x1a3: {  	v27 =	vadd.s32 v59, v27;
	v28 =	vadd.s32 v36, v37;
	v29 =	vadd.s32 v40, v29  }
0x1a4: {  	vm5 =	vmand vm9, vm10;
	vm6 =	vmand vm12, vm13;
	v27 =	vnsel vm1, $0x0, v27  }
0x1a5: {  	v28 =	vnsel vm2, $0x0, v28;
	v29 =	vnsel vm3, $0x0, v29;
	v30 =	vadd.s32 v30, v32  }
0x1a6: {  	vm5 =	vmand vm5, vm11;
	v32 =	vmul.u32 $0x7, v45;
	vm6 =	vmand vm6, vm14  }
0x1a7: {  	v24 =	vadd.s32 v24, v25;
	v27 =	vadd.s32 $0x2B0, v27;
	v28 =	vadd.s32 $0x2B0, v28  }
0x1a8: {  	v30 =	vadd.s32 v43, v30;
	v29 =	vadd.s32 $0x2B0, v29;
	v31 =	vadd.s32 v31, v32  }
0x1a9: {  	vm6 =	vmand vm6, vm0;
	v30 =	vnsel vm4, $0x0, v30;
	v31 =	vadd.s32 v46, v31  }
0x1aa: {  	v24 =	vadd.s32 v26, v24;
	v30 =	vadd.s32 $0x2B0, v30;
	v47 =	vnsel vm5, $0x0, v31  }
0x1ab: {  	s26 =	sadd.s32 $0x9, s6;
	v24 =	vnsel vm6, $0x0, v24;
	v25 =	vadd.s32 $0x2B0, v47  }
0x1ac: {  	s28 =	sadd.s32 $0xA, s6;
	v48 =	vmov s26;
	v24 =	vadd.s32 $0x2B0, v24;
	[tilespmem:v27+s7+$0x0] =	vst.idx.add.f32.msk vm1, v2  }
0x1ad: {  	s29 =	sadd.s32 $0xB, s6;
	v49 =	vmov s28;
	v26 =	vadd.s32 $0x80, v48;
	[tilespmem:v28+s7+$0x0] =	vst.idx.add.f32.msk vm2, v3  }
0x1ae: {  	v50 =	vmov s29;
	v27 =	vadd.s32 $0x80, v49;
	[tilespmem:v29+s7+$0x0] =	vst.idx.add.f32.msk vm3, v20  }
0x1af: {  	v28 =	vadd.s32 $0x80, v50;
	[tilespmem:v30+s7+$0x0] =	vst.idx.add.f32.msk vm4, v21  }
0x1b0: {  	[tilespmem:v25+s7+$0x0] =	vst.idx.add.f32.msk vm5, v22  }
0x1b1: {  	[tilespmem:v24+s7+$0x0] =	vst.idx.add.f32.msk vm6, v23  }
0x1b2: {  	v24 =	vld.idx.msk [tilespmem:v26+s3+$0x0], $0xffff  }
0x1b3: {  	v25 =	vld.idx.msk [tilespmem:v27+s3+$0x0], $0xffff  }
0x1b4: {  	v51 =	vld.idx.msk [tilespmem:v28+s3+$0x0], $0xffff;
	_ =	sdelay $0x3  }
0x1b5: {  	v24 =	vshll.u32 v24, $0x1  }
0x1b6: {  	v25 =	vshll.u32 v25, $0x1;
	v26 =	vshll.u32 v51, $0x1;
	v24 =	vadd.s32 $0x5B, v24  }
0x1b7: {  	v25 =	vadd.s32 $0x5B, v25;
	v26 =	vadd.s32 $0x5B, v26;
	vm15 =	vgt.s32 v24, $0x0  }
0x1b8: {  	vm4 =	vgt.s32 v25, $0x0;
	vm5 =	vgt.s32 v26, $0x0;
	v24 =	vnsel vm15, $0x0, v24  }
0x1b9: {  	v25 =	vnsel vm4, $0x0, v25;
	v26 =	vnsel vm5, $0x0, v26;
	v24 =	vmin.u32 v24, $0xB6  }
0x1ba: {  	v25 =	vmin.u32 v25, $0xB6;
	v26 =	vmin.u32 v26, $0xB6;
	v52 =	vsub.s32 v0, v24  }
0x1bb: {  	v53 =	vsub.s32 v1, v25;
	v54 =	vsub.s32 v17, v26;
	v55 =	vsub.s32 v18, v24  }
0x1bc: {  	v56 =	vsub.s32 v19, v25;
	v59 =	vsub.s32 v16, v26;
	v61 =	vsub.s32 v13, v24  }
0x1bd: {  	v62 =	vsub.s32 v14, v25;
	v63 =	vsub.s32 v15, v26;
	v36 =	vsub.s32 v10, v24  }
0x1be: {  	v37 =	vsub.s32 v11, v25;
	v38 =	vsub.s32 v12, v26;
	v39 =	vsub.s32 v7, v24  }
0x1bf: {  	v40 =	vsub.s32 v8, v25;
	v41 =	vsub.s32 v9, v26;
	v24 =	vsub.s32 v4, v24  }
0x1c0: {  	v25 =	vsub.s32 v5, v25;
	v26 =	vsub.s32 v6, v26;
	vm6 =	vlt.u32 v52, $0x7  }
0x1c1: {  	vm7 =	vlt.u32 v53, $0x7;
	vm8 =	vlt.u32 v54, $0x7;
	v27 =	vmul.u32 $0x31, v52  }
0x1c2: {  	v28 =	vmul.u32 $0x7, v53;
	v57 =	vmul.u32 $0x31, v55;
	v58 =	vmul.u32 $0x7, v56  }
0x1c3: {  	vm9 =	vlt.u32 v55, $0x7;
	vm10 =	vlt.u32 v56, $0x7;
	vm11 =	vlt.u32 v59, $0x7  }
0x1c4: {  	vm12 =	vlt.u32 v61, $0x7;
	vm13 =	vlt.u32 v62, $0x7;
	v29 =	vmul.u32 $0x31, v61  }
0x1c5: {  	v30 =	vmul.u32 $0x7, v62;
	vm14 =	vlt.u32 v63, $0x7;
	vm15 =	vlt.u32 v36, $0x7  }
0x1c6: {  	v32 =	vmul.u32 $0x7, v37;
	v31 =	vmul.u32 $0x31, v39;
	vm1 =	vmand vm6, vm7  }
0x1c7: {  	vm2 =	vmand vm9, vm10;
	vm3 =	vmand vm12, vm13;
	vm9 =	vlt.u32 v38, $0x7  }
0x1c8: {  	vm10 =	vlt.u32 v39, $0x7;
	vm12 =	vlt.u32 v41, $0x7;
	vm13 =	vlt.u32 v24, $0x7  }
0x1c9: {  	v24 =	vmul.u32 $0x31, v24;
	vm1 =	vmand vm1, vm8;
	v27 =	vadd.s32 v27, v28  }
0x1ca: {  	v60 =	vadd.s32 v57, v58;
	vm2 =	vmand vm2, vm11;
	vm3 =	vmand vm3, vm14  }
0x1cb: {  	v29 =	vadd.s32 v29, v30;
	vm8 =	vlt.u32 v37, $0x7;
	v30 =	vmul.u32 $0x31, v36  }
0x1cc: {  	vm11 =	vlt.u32 v40, $0x7;
	vm14 =	vlt.u32 v25, $0x7;
	v25 =	vmul.u32 $0x7, v25  }
0x1cd: {  	v27 =	vadd.s32 v54, v27;
	v28 =	vadd.s32 v59, v60;
	v29 =	vadd.s32 v63, v29  }
0x1ce: {  	vm4 =	vmand vm15, vm8;
	vm5 =	vmand vm10, vm11;
	vm6 =	vmand vm13, vm14  }
0x1cf: {  	vm15 =	vlt.u32 v26, $0x7;
	v27 =	vnsel vm1, $0x0, v27;
	v28 =	vnsel vm2, $0x0, v28  }
0x1d0: {  	v29 =	vnsel vm3, $0x0, v29;
	vm4 =	vmand vm4, vm9;
	v30 =	vadd.s32 v30, v32  }
0x1d1: {  	vm5 =	vmand vm5, vm12;
	v32 =	vmul.u32 $0x7, v40;
	vm6 =	vmand vm6, vm15  }
0x1d2: {  	v24 =	vadd.s32 v24, v25;
	v27 =	vadd.s32 $0x408, v27;
	v28 =	vadd.s32 $0x408, v28  }
0x1d3: {  	v30 =	vadd.s32 v38, v30;
	v29 =	vadd.s32 $0x408, v29;
	v31 =	vadd.s32 v31, v32  }
0x1d4: {  	vm6 =	vmand vm6, vm0;
	v30 =	vnsel vm4, $0x0, v30;
	v31 =	vadd.s32 v41, v31  }
0x1d5: {  	v24 =	vadd.s32 v26, v24;
	v30 =	vadd.s32 $0x408, v30;
	v42 =	vnsel vm5, $0x0, v31  }
0x1d6: {  	s30 =	sadd.s32 $0xC, s6;
	v24 =	vnsel vm6, $0x0, v24;
	v25 =	vadd.s32 $0x408, v42  }
0x1d7: {  	s31 =	sadd.s32 $0xD, s6;
	v43 =	vmov s30;
	v24 =	vadd.s32 $0x408, v24;
	[tilespmem:v27+s7+$0x0] =	vst.idx.add.f32.msk vm1, v2  }
0x1d8: {  	s9 =	sadd.s32 $0xE, s6;
	v44 =	vmov s31;
	v26 =	vadd.s32 $0x80, v43;
	[tilespmem:v28+s7+$0x0] =	vst.idx.add.f32.msk vm2, v3  }
0x1d9: {  	v45 =	vmov s9;
	v27 =	vadd.s32 $0x80, v44;
	[tilespmem:v29+s7+$0x0] =	vst.idx.add.f32.msk vm3, v20  }
0x1da: {  	v28 =	vadd.s32 $0x80, v45;
	[tilespmem:v30+s7+$0x0] =	vst.idx.add.f32.msk vm4, v21  }
0x1db: {  	[tilespmem:v25+s7+$0x0] =	vst.idx.add.f32.msk vm5, v22  }
0x1dc: {  	[tilespmem:v24+s7+$0x0] =	vst.idx.add.f32.msk vm6, v23  }
0x1dd: {  	v24 =	vld.idx.msk [tilespmem:v26+s3+$0x0], $0xffff  }
0x1de: {  	v25 =	vld.idx.msk [tilespmem:v27+s3+$0x0], $0xffff  }
0x1df: {  	v46 =	vld.idx.msk [tilespmem:v28+s3+$0x0], $0xffff;
	_ =	sdelay $0x3  }
0x1e0: {  	v24 =	vshll.u32 v24, $0x1  }
0x1e1: {  	v25 =	vshll.u32 v25, $0x1;
	v26 =	vshll.u32 v46, $0x1;
	v24 =	vadd.s32 $0x5B, v24  }
0x1e2: {  	v25 =	vadd.s32 $0x5B, v25;
	v26 =	vadd.s32 $0x5B, v26;
	vm6 =	vgt.s32 v24, $0x0  }
0x1e3: {  	vm7 =	vgt.s32 v25, $0x0;
	vm8 =	vgt.s32 v26, $0x0;
	v24 =	vnsel vm6, $0x0, v24  }
0x1e4: {  	v25 =	vnsel vm7, $0x0, v25;
	v26 =	vnsel vm8, $0x0, v26;
	v24 =	vmin.u32 v24, $0xB6  }
0x1e5: {  	v25 =	vmin.u32 v25, $0xB6;
	v26 =	vmin.u32 v26, $0xB6;
	v47 =	vsub.s32 v0, v24  }
0x1e6: {  	v48 =	vsub.s32 v1, v25;
	v49 =	vsub.s32 v17, v26;
	v50 =	vsub.s32 v18, v24  }
0x1e7: {  	v51 =	vsub.s32 v19, v25;
	v54 =	vsub.s32 v16, v26;
	v56 =	vsub.s32 v13, v24  }
0x1e8: {  	v57 =	vsub.s32 v14, v25;
	v58 =	vsub.s32 v15, v26;
	v59 =	vsub.s32 v10, v24  }
0x1e9: {  	v60 =	vsub.s32 v11, v25;
	v61 =	vsub.s32 v12, v26;
	v62 =	vsub.s32 v7, v24  }
0x1ea: {  	v63 =	vsub.s32 v8, v25;
	v36 =	vsub.s32 v9, v26;
	v24 =	vsub.s32 v4, v24  }
0x1eb: {  	v25 =	vsub.s32 v5, v25;
	v26 =	vsub.s32 v6, v26;
	vm9 =	vlt.u32 v47, $0x7  }
0x1ec: {  	vm10 =	vlt.u32 v48, $0x7;
	vm11 =	vlt.u32 v49, $0x7;
	v27 =	vmul.u32 $0x31, v47  }
0x1ed: {  	v28 =	vmul.u32 $0x7, v48;
	v52 =	vmul.u32 $0x31, v50;
	v53 =	vmul.u32 $0x7, v51  }
0x1ee: {  	vm12 =	vlt.u32 v50, $0x7;
	vm13 =	vlt.u32 v51, $0x7;
	vm14 =	vlt.u32 v54, $0x7  }
0x1ef: {  	vm15 =	vlt.u32 v56, $0x7;
	vm8 =	vlt.u32 v57, $0x7;
	v29 =	vmul.u32 $0x31, v56  }
0x1f0: {  	v30 =	vmul.u32 $0x7, v57;
	v32 =	vmul.u32 $0x7, v60;
	v31 =	vmul.u32 $0x31, v62  }
0x1f1: {  	vm1 =	vmand vm9, vm10;
	vm2 =	vmand vm12, vm13;
	vm3 =	vmand vm15, vm8  }
0x1f2: {  	vm9 =	vlt.u32 v58, $0x7;
	vm10 =	vlt.u32 v59, $0x7;
	vm12 =	vlt.u32 v61, $0x7  }
0x1f3: {  	vm13 =	vlt.u32 v62, $0x7;
	vm15 =	vlt.u32 v36, $0x7;
	vm1 =	vmand vm1, vm11  }
0x1f4: {  	v27 =	vadd.s32 v27, v28;
	v55 =	vadd.s32 v52, v53;
	vm2 =	vmand vm2, vm14  }
0x1f5: {  	vm3 =	vmand vm3, vm9;
	v29 =	vadd.s32 v29, v30;
	vm11 =	vlt.u32 v60, $0x7  }
0x1f6: {  	v30 =	vmul.u32 $0x31, v59;
	vm14 =	vlt.u32 v63, $0x7;
	vm9 =	vlt.u32 v24, $0x7  }
0x1f7: {  	v24 =	vmul.u32 $0x31, v24;
	v27 =	vadd.s32 v49, v27;
	v28 =	vadd.s32 v54, v55  }
0x1f8: {  	v29 =	vadd.s32 v58, v29;
	vm4 =	vmand vm10, vm11;
	vm5 =	vmand vm13, vm14  }
0x1f9: {  	vm10 =	vlt.u32 v25, $0x7;
	v25 =	vmul.u32 $0x7, v25;
	vm11 =	vlt.u32 v26, $0x7  }
0x1fa: {  	v27 =	vnsel vm1, $0x0, v27;
	v28 =	vnsel vm2, $0x0, v28;
	v29 =	vnsel vm3, $0x0, v29  }
0x1fb: {  	vm4 =	vmand vm4, vm12;
	v30 =	vadd.s32 v30, v32;
	vm5 =	vmand vm5, vm15  }
0x1fc: {  	v32 =	vmul.u32 $0x7, v63;
	vm6 =	vmand vm9, vm10;
	v27 =	vadd.s32 $0x560, v27  }
0x1fd: {  	v28 =	vadd.s32 $0x560, v28;
	v30 =	vadd.s32 v61, v30;
	v29 =	vadd.s32 $0x560, v29  }
0x1fe: {  	vm6 =	vmand vm6, vm11;
	v24 =	vadd.s32 v24, v25;
	v31 =	vadd.s32 v31, v32  }
0x1ff: {  	v30 =	vnsel vm4, $0x0, v30;
	vm6 =	vmand vm6, vm0;
	v31 =	vadd.s32 v36, v31  }
0x200: {  	v24 =	vadd.s32 v26, v24;
	v30 =	vadd.s32 $0x560, v30;
	v37 =	vnsel vm5, $0x0, v31  }
0x201: {  	s10 =	sadd.s32 $0xF, s6;
	v24 =	vnsel vm6, $0x0, v24;
	v25 =	vadd.s32 $0x560, v37  }
0x202: {  	s11 =	sadd.s32 $0x10, s6;
	v38 =	vmov s10;
	v24 =	vadd.s32 $0x560, v24;
	[tilespmem:v27+s7+$0x0] =	vst.idx.add.f32.msk vm1, v2  }
0x203: {  	s12 =	sadd.s32 $0x11, s6;
	v39 =	vmov s11;
	v26 =	vadd.s32 $0x80, v38;
	[tilespmem:v28+s7+$0x0] =	vst.idx.add.f32.msk vm2, v3  }
0x204: {  	v40 =	vmov s12;
	v27 =	vadd.s32 $0x80, v39;
	[tilespmem:v29+s7+$0x0] =	vst.idx.add.f32.msk vm3, v20  }
0x205: {  	v28 =	vadd.s32 $0x80, v40;
	[tilespmem:v30+s7+$0x0] =	vst.idx.add.f32.msk vm4, v21  }
0x206: {  	[tilespmem:v25+s7+$0x0] =	vst.idx.add.f32.msk vm5, v22  }
0x207: {  	[tilespmem:v24+s7+$0x0] =	vst.idx.add.f32.msk vm6, v23  }
0x208: {  	v24 =	vld.idx.msk [tilespmem:v26+s3+$0x0], $0xffff  }
0x209: {  	v25 =	vld.idx.msk [tilespmem:v27+s3+$0x0], $0xffff  }
0x20a: {  	v41 =	vld.idx.msk [tilespmem:v28+s3+$0x0], $0xffff;
	_ =	sdelay $0x3  }
0x20b: {  	v24 =	vshll.u32 v24, $0x1  }
0x20c: {  	v25 =	vshll.u32 v25, $0x1;
	v26 =	vshll.u32 v41, $0x1;
	v24 =	vadd.s32 $0x5B, v24  }
0x20d: {  	v25 =	vadd.s32 $0x5B, v25;
	v26 =	vadd.s32 $0x5B, v26;
	vm12 =	vgt.s32 v24, $0x0  }
0x20e: {  	vm13 =	vgt.s32 v25, $0x0;
	vm14 =	vgt.s32 v26, $0x0;
	v24 =	vnsel vm12, $0x0, v24  }
0x20f: {  	v25 =	vnsel vm13, $0x0, v25;
	v26 =	vnsel vm14, $0x0, v26;
	v24 =	vmin.u32 v24, $0xB6  }
0x210: {  	v25 =	vmin.u32 v25, $0xB6;
	v26 =	vmin.u32 v26, $0xB6;
	v42 =	vsub.s32 v0, v24  }
0x211: {  	v43 =	vsub.s32 v1, v25;
	v44 =	vsub.s32 v17, v26;
	v45 =	vsub.s32 v18, v24  }
0x212: {  	v46 =	vsub.s32 v19, v25;
	v49 =	vsub.s32 v16, v26;
	v51 =	vsub.s32 v13, v24  }
0x213: {  	v52 =	vsub.s32 v14, v25;
	v53 =	vsub.s32 v15, v26;
	v54 =	vsub.s32 v10, v24  }
0x214: {  	v55 =	vsub.s32 v11, v25;
	v56 =	vsub.s32 v12, v26;
	v57 =	vsub.s32 v7, v24  }
0x215: {  	v58 =	vsub.s32 v8, v25;
	v59 =	vsub.s32 v9, v26;
	v24 =	vsub.s32 v4, v24  }
0x216: {  	v25 =	vsub.s32 v5, v25;
	v26 =	vsub.s32 v6, v26;
	vm15 =	vlt.u32 v42, $0x7  }
0x217: {  	vm4 =	vlt.u32 v43, $0x7;
	vm5 =	vlt.u32 v44, $0x7;
	v27 =	vmul.u32 $0x31, v42  }
0x218: {  	v28 =	vmul.u32 $0x7, v43;
	v47 =	vmul.u32 $0x31, v45;
	v48 =	vmul.u32 $0x7, v46  }
0x219: {  	vm6 =	vlt.u32 v45, $0x7;
	vm7 =	vlt.u32 v46, $0x7;
	vm8 =	vlt.u32 v49, $0x7  }
0x21a: {  	vm9 =	vlt.u32 v51, $0x7;
	vm10 =	vlt.u32 v52, $0x7;
	v29 =	vmul.u32 $0x31, v51  }
0x21b: {  	v30 =	vmul.u32 $0x7, v52;
	vm11 =	vlt.u32 v53, $0x7;
	vm12 =	vlt.u32 v54, $0x7  }
0x21c: {  	vm13 =	vlt.u32 v55, $0x7;
	v32 =	vmul.u32 $0x7, v55;
	vm14 =	vlt.u32 v56, $0x7  }
0x21d: {  	v31 =	vmul.u32 $0x31, v57;
	vm1 =	vmand vm15, vm4;
	vm2 =	vmand vm6, vm7  }
0x21e: {  	vm3 =	vmand vm9, vm10;
	vm4 =	vmand vm12, vm13;
	vm15 =	vlt.u32 v57, $0x7  }
0x21f: {  	vm9 =	vlt.u32 v58, $0x7;
	vm10 =	vlt.u32 v59, $0x7;
	vm12 =	vlt.u32 v25, $0x7  }
0x220: {  	v25 =	vmul.u32 $0x7, v25;
	vm13 =	vlt.u32 v26, $0x7;
	vm1 =	vmand vm1, vm5  }
0x221: {  	v27 =	vadd.s32 v27, v28;
	v50 =	vadd.s32 v47, v48;
	vm2 =	vmand vm2, vm8  }
0x222: {  	vm3 =	vmand vm3, vm11;
	v29 =	vadd.s32 v29, v30;
	v30 =	vmul.u32 $0x31, v54  }
0x223: {  	vm4 =	vmand vm4, vm14;
	vm5 =	vmand vm15, vm9;
	vm11 =	vlt.u32 v24, $0x7  }
0x224: {  	v24 =	vmul.u32 $0x31, v24;
	v27 =	vadd.s32 v44, v27;
	v28 =	vadd.s32 v49, v50  }
0x225: {  	v29 =	vadd.s32 v53, v29;
	vm5 =	vmand vm5, vm10;
	vm6 =	vmand vm11, vm12  }
0x226: {  	v27 =	vnsel vm1, $0x0, v27;
	v28 =	vnsel vm2, $0x0, v28;
	v29 =	vnsel vm3, $0x0, v29  }
0x227: {  	v30 =	vadd.s32 v30, v32;
	v32 =	vmul.u32 $0x7, v58;
	vm6 =	vmand vm6, vm13  }
0x228: {  	v24 =	vadd.s32 v24, v25;
	v27 =	vadd.s32 $0x6B8, v27;
	v28 =	vadd.s32 $0x6B8, v28  }
0x229: {  	v30 =	vadd.s32 v56, v30;
	v29 =	vadd.s32 $0x6B8, v29;
	v31 =	vadd.s32 v31, v32  }
0x22a: {  	vm6 =	vmand vm6, vm0;
	v30 =	vnsel vm4, $0x0, v30;
	v31 =	vadd.s32 v59, v31  }
0x22b: {  	v24 =	vadd.s32 v26, v24;
	v30 =	vadd.s32 $0x6B8, v30;
	v60 =	vnsel vm5, $0x0, v31  }
0x22c: {  	s13 =	sadd.s32 $0x12, s6;
	v24 =	vnsel vm6, $0x0, v24;
	v25 =	vadd.s32 $0x6B8, v60  }
0x22d: {  	s14 =	sadd.s32 $0x13, s6;
	v61 =	vmov s13;
	v24 =	vadd.s32 $0x6B8, v24;
	[tilespmem:v27+s7+$0x0] =	vst.idx.add.f32.msk vm1, v2  }
0x22e: {  	s15 =	sadd.s32 $0x14, s6;
	v62 =	vmov s14;
	v26 =	vadd.s32 $0x80, v61;
	[tilespmem:v28+s7+$0x0] =	vst.idx.add.f32.msk vm2, v3  }
0x22f: {  	v63 =	vmov s15;
	v27 =	vadd.s32 $0x80, v62;
	[tilespmem:v29+s7+$0x0] =	vst.idx.add.f32.msk vm3, v20  }
0x230: {  	v28 =	vadd.s32 $0x80, v63;
	[tilespmem:v30+s7+$0x0] =	vst.idx.add.f32.msk vm4, v21  }
0x231: {  	[tilespmem:v25+s7+$0x0] =	vst.idx.add.f32.msk vm5, v22  }
0x232: {  	[tilespmem:v24+s7+$0x0] =	vst.idx.add.f32.msk vm6, v23  }
0x233: {  	v24 =	vld.idx.msk [tilespmem:v26+s3+$0x0], $0xffff  }
0x234: {  	v25 =	vld.idx.msk [tilespmem:v27+s3+$0x0], $0xffff  }
0x235: {  	v32 =	vld.idx.msk [tilespmem:v28+s3+$0x0], $0xffff;
	_ =	sdelay $0x3  }
0x236: {  	v24 =	vshll.u32 v24, $0x1  }
0x237: {  	v25 =	vshll.u32 v25, $0x1;
	v26 =	vshll.u32 v32, $0x1;
	v24 =	vadd.s32 $0x5B, v24  }
0x238: {  	v25 =	vadd.s32 $0x5B, v25;
	v26 =	vadd.s32 $0x5B, v26;
	vm14 =	vgt.s32 v24, $0x0  }
0x239: {  	vm15 =	vgt.s32 v25, $0x0;
	vm4 =	vgt.s32 v26, $0x0;
	v24 =	vnsel vm14, $0x0, v24  }
0x23a: {  	v25 =	vnsel vm15, $0x0, v25;
	v26 =	vnsel vm4, $0x0, v26;
	v24 =	vmin.u32 v24, $0xB6  }
0x23b: {  	v25 =	vmin.u32 v25, $0xB6;
	v26 =	vmin.u32 v26, $0xB6;
	v33 =	vsub.s32 v0, v24  }
0x23c: {  	v34 =	vsub.s32 v1, v25;
	v35 =	vsub.s32 v17, v26;
	v36 =	vsub.s32 v18, v24  }
0x23d: {  	v37 =	vsub.s32 v19, v25;
	v40 =	vsub.s32 v16, v26;
	v42 =	vsub.s32 v13, v24  }
0x23e: {  	v43 =	vsub.s32 v14, v25;
	v44 =	vsub.s32 v15, v26;
	v45 =	vsub.s32 v10, v24  }
0x23f: {  	v46 =	vsub.s32 v11, v25;
	v47 =	vsub.s32 v12, v26;
	v48 =	vsub.s32 v7, v24  }
0x240: {  	v49 =	vsub.s32 v8, v25;
	v50 =	vsub.s32 v9, v26;
	v24 =	vsub.s32 v4, v24  }
0x241: {  	v25 =	vsub.s32 v5, v25;
	v26 =	vsub.s32 v6, v26;
	vm5 =	vlt.u32 v33, $0x7  }
0x242: {  	vm6 =	vlt.u32 v34, $0x7;
	vm7 =	vlt.u32 v35, $0x7;
	v27 =	vmul.u32 $0x31, v33  }
0x243: {  	v28 =	vmul.u32 $0x7, v34;
	v38 =	vmul.u32 $0x31, v36;
	v39 =	vmul.u32 $0x7, v37  }
0x244: {  	vm8 =	vlt.u32 v36, $0x7;
	vm9 =	vlt.u32 v37, $0x7;
	vm10 =	vlt.u32 v40, $0x7  }
0x245: {  	vm11 =	vlt.u32 v42, $0x7;
	vm12 =	vlt.u32 v43, $0x7;
	v29 =	vmul.u32 $0x31, v42  }
0x246: {  	v30 =	vmul.u32 $0x7, v43;
	vm13 =	vlt.u32 v44, $0x7;
	vm14 =	vlt.u32 v45, $0x7  }
0x247: {  	vm15 =	vlt.u32 v46, $0x7;
	v32 =	vmul.u32 $0x7, v46;
	v31 =	vmul.u32 $0x31, v48  }
0x248: {  	vm1 =	vmand vm5, vm6;
	vm2 =	vmand vm8, vm9;
	vm3 =	vmand vm11, vm12  }
0x249: {  	vm4 =	vmand vm14, vm15;
	vm8 =	vlt.u32 v47, $0x7;
	vm9 =	vlt.u32 v48, $0x7  }
0x24a: {  	vm11 =	vlt.u32 v50, $0x7;
	vm12 =	vlt.u32 v24, $0x7;
	v24 =	vmul.u32 $0x31, v24  }
0x24b: {  	vm14 =	vlt.u32 v26, $0x7;
	vm1 =	vmand vm1, vm7;
	v27 =	vadd.s32 v27, v28  }
0x24c: {  	v41 =	vadd.s32 v38, v39;
	vm2 =	vmand vm2, vm10;
	vm3 =	vmand vm3, vm13  }
0x24d: {  	v29 =	vadd.s32 v29, v30;
	v30 =	vmul.u32 $0x31, v45;
	vm4 =	vmand vm4, vm8  }
0x24e: {  	vm10 =	vlt.u32 v49, $0x7;
	vm13 =	vlt.u32 v25, $0x7;
	v25 =	vmul.u32 $0x7, v25  }
0x24f: {  	v27 =	vadd.s32 v35, v27;
	v28 =	vadd.s32 v40, v41;
	v29 =	vadd.s32 v44, v29  }
0x250: {  	vm5 =	vmand vm9, vm10;
	vm6 =	vmand vm12, vm13;
	v27 =	vnsel vm1, $0x0, v27  }
0x251: {  	v28 =	vnsel vm2, $0x0, v28;
	v29 =	vnsel vm3, $0x0, v29;
	v30 =	vadd.s32 v30, v32  }
0x252: {  	vm5 =	vmand vm5, vm11;
	v32 =	vmul.u32 $0x7, v49;
	vm6 =	vmand vm6, vm14  }
0x253: {  	v24 =	vadd.s32 v24, v25;
	v27 =	vadd.s32 $0x810, v27;
	v28 =	vadd.s32 $0x810, v28  }
0x254: {  	v30 =	vadd.s32 v47, v30;
	v29 =	vadd.s32 $0x810, v29;
	v31 =	vadd.s32 v31, v32  }
0x255: {  	vm6 =	vmand vm6, vm0;
	v30 =	vnsel vm4, $0x0, v30;
	v31 =	vadd.s32 v50, v31  }
0x256: {  	v24 =	vadd.s32 v26, v24;
	v30 =	vadd.s32 $0x810, v30;
	v51 =	vnsel vm5, $0x0, v31  }
0x257: {  	s16 =	sadd.s32 $0x15, s6;
	v24 =	vnsel vm6, $0x0, v24;
	v25 =	vadd.s32 $0x810, v51  }
0x258: {  	s17 =	sadd.s32 $0x16, s6;
	v52 =	vmov s16;
	v24 =	vadd.s32 $0x810, v24;
	[tilespmem:v27+s7+$0x0] =	vst.idx.add.f32.msk vm1, v2  }
0x259: {  	s18 =	sadd.s32 $0x17, s6;
	v53 =	vmov s17;
	v26 =	vadd.s32 $0x80, v52;
	[tilespmem:v28+s7+$0x0] =	vst.idx.add.f32.msk vm2, v3  }
0x25a: {  	v54 =	vmov s18;
	v27 =	vadd.s32 $0x80, v53;
	[tilespmem:v29+s7+$0x0] =	vst.idx.add.f32.msk vm3, v20  }
0x25b: {  	v28 =	vadd.s32 $0x80, v54;
	[tilespmem:v30+s7+$0x0] =	vst.idx.add.f32.msk vm4, v21  }
0x25c: {  	[tilespmem:v25+s7+$0x0] =	vst.idx.add.f32.msk vm5, v22  }
0x25d: {  	[tilespmem:v24+s7+$0x0] =	vst.idx.add.f32.msk vm6, v23  }
0x25e: {  	v24 =	vld.idx.msk [tilespmem:v26+s3+$0x0], $0xffff  }
0x25f: {  	v25 =	vld.idx.msk [tilespmem:v27+s3+$0x0], $0xffff  }
0x260: {  	v55 =	vld.idx.msk [tilespmem:v28+s3+$0x0], $0xffff;
	_ =	sdelay $0x3  }
0x261: {  	v24 =	vshll.u32 v24, $0x1  }
0x262: {  	v25 =	vshll.u32 v25, $0x1;
	v26 =	vshll.u32 v55, $0x1;
	v24 =	vadd.s32 $0x5B, v24  }
0x263: {  	v25 =	vadd.s32 $0x5B, v25;
	v26 =	vadd.s32 $0x5B, v26;
	vm15 =	vgt.s32 v24, $0x0  }
0x264: {  	vm4 =	vgt.s32 v25, $0x0;
	vm5 =	vgt.s32 v26, $0x0;
	v24 =	vnsel vm15, $0x0, v24  }
0x265: {  	v25 =	vnsel vm4, $0x0, v25;
	v26 =	vnsel vm5, $0x0, v26;
	v24 =	vmin.u32 v24, $0xB6  }
0x266: {  	v25 =	vmin.u32 v25, $0xB6;
	v26 =	vmin.u32 v26, $0xB6;
	v56 =	vsub.s32 v0, v24  }
0x267: {  	v57 =	vsub.s32 v1, v25;
	v58 =	vsub.s32 v17, v26;
	v59 =	vsub.s32 v18, v24  }
0x268: {  	v60 =	vsub.s32 v19, v25;
	v63 =	vsub.s32 v16, v26;
	v35 =	vsub.s32 v13, v24  }
0x269: {  	v36 =	vsub.s32 v14, v25;
	v37 =	vsub.s32 v15, v26;
	v38 =	vsub.s32 v10, v24  }
0x26a: {  	v39 =	vsub.s32 v11, v25;
	v40 =	vsub.s32 v12, v26;
	v41 =	vsub.s32 v7, v24  }
0x26b: {  	v42 =	vsub.s32 v8, v25;
	v43 =	vsub.s32 v9, v26;
	v24 =	vsub.s32 v4, v24  }
0x26c: {  	v25 =	vsub.s32 v5, v25;
	v26 =	vsub.s32 v6, v26;
	vm6 =	vlt.u32 v56, $0x7  }
0x26d: {  	vm7 =	vlt.u32 v57, $0x7;
	vm8 =	vlt.u32 v58, $0x7;
	v27 =	vmul.u32 $0x31, v56  }
0x26e: {  	v28 =	vmul.u32 $0x7, v57;
	v61 =	vmul.u32 $0x31, v59;
	v62 =	vmul.u32 $0x7, v60  }
0x26f: {  	vm9 =	vlt.u32 v59, $0x7;
	vm10 =	vlt.u32 v60, $0x7;
	vm11 =	vlt.u32 v63, $0x7  }
0x270: {  	vm12 =	vlt.u32 v35, $0x7;
	vm13 =	vlt.u32 v36, $0x7;
	v29 =	vmul.u32 $0x31, v35  }
0x271: {  	v30 =	vmul.u32 $0x7, v36;
	vm14 =	vlt.u32 v37, $0x7;
	vm15 =	vlt.u32 v38, $0x7  }
0x272: {  	v32 =	vmul.u32 $0x7, v39;
	v31 =	vmul.u32 $0x31, v41;
	vm1 =	vmand vm6, vm7  }
0x273: {  	vm2 =	vmand vm9, vm10;
	vm3 =	vmand vm12, vm13;
	vm9 =	vlt.u32 v40, $0x7  }
0x274: {  	vm10 =	vlt.u32 v41, $0x7;
	vm12 =	vlt.u32 v43, $0x7;
	vm13 =	vlt.u32 v24, $0x7  }
0x275: {  	v24 =	vmul.u32 $0x31, v24;
	vm1 =	vmand vm1, vm8;
	v27 =	vadd.s32 v27, v28  }
0x276: {  	v34 =	vadd.s32 v61, v62;
	vm2 =	vmand vm2, vm11;
	vm3 =	vmand vm3, vm14  }
0x277: {  	v29 =	vadd.s32 v29, v30;
	vm8 =	vlt.u32 v39, $0x7;
	v30 =	vmul.u32 $0x31, v38  }
0x278: {  	vm11 =	vlt.u32 v42, $0x7;
	vm14 =	vlt.u32 v25, $0x7;
	v25 =	vmul.u32 $0x7, v25  }
0x279: {  	v27 =	vadd.s32 v58, v27;
	v28 =	vadd.s32 v63, v34;
	v29 =	vadd.s32 v37, v29  }
0x27a: {  	vm4 =	vmand vm15, vm8;
	vm5 =	vmand vm10, vm11;
	vm6 =	vmand vm13, vm14  }
0x27b: {  	vm15 =	vlt.u32 v26, $0x7;
	v27 =	vnsel vm1, $0x0, v27;
	v28 =	vnsel vm2, $0x0, v28  }
0x27c: {  	v29 =	vnsel vm3, $0x0, v29;
	vm4 =	vmand vm4, vm9;
	v30 =	vadd.s32 v30, v32  }
0x27d: {  	vm5 =	vmand vm5, vm12;
	v32 =	vmul.u32 $0x7, v42;
	vm6 =	vmand vm6, vm15  }
0x27e: {  	v24 =	vadd.s32 v24, v25;
	v27 =	vadd.s32 $0x968, v27;
	v28 =	vadd.s32 $0x968, v28  }
0x27f: {  	v30 =	vadd.s32 v40, v30;
	v29 =	vadd.s32 $0x968, v29;
	v31 =	vadd.s32 v31, v32  }
0x280: {  	vm6 =	vmand vm6, vm0;
	v30 =	vnsel vm4, $0x0, v30;
	v31 =	vadd.s32 v43, v31  }
0x281: {  	v24 =	vadd.s32 v26, v24;
	v30 =	vadd.s32 $0x968, v30;
	v44 =	vnsel vm5, $0x0, v31  }
0x282: {  	s19 =	sadd.s32 $0x18, s6;
	v24 =	vnsel vm6, $0x0, v24;
	v25 =	vadd.s32 $0x968, v44  }
0x283: {  	s20 =	sadd.s32 $0x19, s6;
	v45 =	vmov s19;
	v24 =	vadd.s32 $0x968, v24;
	[tilespmem:v27+s7+$0x0] =	vst.idx.add.f32.msk vm1, v2  }
0x284: {  	s21 =	sadd.s32 $0x1A, s6;
	v46 =	vmov s20;
	v26 =	vadd.s32 $0x80, v45;
	[tilespmem:v28+s7+$0x0] =	vst.idx.add.f32.msk vm2, v3  }
0x285: {  	v47 =	vmov s21;
	v27 =	vadd.s32 $0x80, v46;
	[tilespmem:v29+s7+$0x0] =	vst.idx.add.f32.msk vm3, v20  }
0x286: {  	v28 =	vadd.s32 $0x80, v47;
	[tilespmem:v30+s7+$0x0] =	vst.idx.add.f32.msk vm4, v21  }
0x287: {  	[tilespmem:v25+s7+$0x0] =	vst.idx.add.f32.msk vm5, v22  }
0x288: {  	[tilespmem:v24+s7+$0x0] =	vst.idx.add.f32.msk vm6, v23  }
0x289: {  	v24 =	vld.idx.msk [tilespmem:v26+s3+$0x0], $0xffff  }
0x28a: {  	v25 =	vld.idx.msk [tilespmem:v27+s3+$0x0], $0xffff  }
0x28b: {  	v48 =	vld.idx.msk [tilespmem:v28+s3+$0x0], $0xffff;
	_ =	sdelay $0x3  }
0x28c: {  	v24 =	vshll.u32 v24, $0x1  }
0x28d: {  	v25 =	vshll.u32 v25, $0x1;
	v26 =	vshll.u32 v48, $0x1;
	v24 =	vadd.s32 $0x5B, v24  }
0x28e: {  	v25 =	vadd.s32 $0x5B, v25;
	v26 =	vadd.s32 $0x5B, v26;
	vm6 =	vgt.s32 v24, $0x0  }
0x28f: {  	vm7 =	vgt.s32 v25, $0x0;
	vm8 =	vgt.s32 v26, $0x0;
	v24 =	vnsel vm6, $0x0, v24  }
0x290: {  	v25 =	vnsel vm7, $0x0, v25;
	v26 =	vnsel vm8, $0x0, v26;
	v24 =	vmin.u32 v24, $0xB6  }
0x291: {  	v25 =	vmin.u32 v25, $0xB6;
	v26 =	vmin.u32 v26, $0xB6;
	v49 =	vsub.s32 v0, v24  }
0x292: {  	v50 =	vsub.s32 v1, v25;
	v51 =	vsub.s32 v17, v26;
	v52 =	vsub.s32 v18, v24  }
0x293: {  	v53 =	vsub.s32 v19, v25;
	v56 =	vsub.s32 v16, v26;
	v58 =	vsub.s32 v13, v24  }
0x294: {  	v59 =	vsub.s32 v14, v25;
	v60 =	vsub.s32 v15, v26;
	v61 =	vsub.s32 v10, v24  }
0x295: {  	v62 =	vsub.s32 v11, v25;
	v63 =	vsub.s32 v12, v26;
	v36 =	vsub.s32 v7, v24  }
0x296: {  	v37 =	vsub.s32 v8, v25;
	v38 =	vsub.s32 v9, v26;
	v24 =	vsub.s32 v4, v24  }
0x297: {  	v25 =	vsub.s32 v5, v25;
	v26 =	vsub.s32 v6, v26;
	vm9 =	vlt.u32 v49, $0x7  }
0x298: {  	vm10 =	vlt.u32 v50, $0x7;
	vm11 =	vlt.u32 v51, $0x7;
	v27 =	vmul.u32 $0x31, v49  }
0x299: {  	v28 =	vmul.u32 $0x7, v50;
	v54 =	vmul.u32 $0x31, v52;
	v55 =	vmul.u32 $0x7, v53  }
0x29a: {  	vm12 =	vlt.u32 v52, $0x7;
	vm13 =	vlt.u32 v53, $0x7;
	vm14 =	vlt.u32 v56, $0x7  }
0x29b: {  	vm15 =	vlt.u32 v58, $0x7;
	vm8 =	vlt.u32 v59, $0x7;
	v29 =	vmul.u32 $0x31, v58  }
0x29c: {  	v30 =	vmul.u32 $0x7, v59;
	v32 =	vmul.u32 $0x7, v62;
	v31 =	vmul.u32 $0x31, v36  }
0x29d: {  	vm1 =	vmand vm9, vm10;
	vm2 =	vmand vm12, vm13;
	vm3 =	vmand vm15, vm8  }
0x29e: {  	vm9 =	vlt.u32 v60, $0x7;
	vm10 =	vlt.u32 v61, $0x7;
	vm12 =	vlt.u32 v63, $0x7  }
0x29f: {  	vm13 =	vlt.u32 v36, $0x7;
	vm15 =	vlt.u32 v38, $0x7;
	vm1 =	vmand vm1, vm11  }
0x2a0: {  	v27 =	vadd.s32 v27, v28;
	v57 =	vadd.s32 v54, v55;
	vm2 =	vmand vm2, vm14  }
0x2a1: {  	vm3 =	vmand vm3, vm9;
	v29 =	vadd.s32 v29, v30;
	vm11 =	vlt.u32 v62, $0x7  }
0x2a2: {  	v30 =	vmul.u32 $0x31, v61;
	vm14 =	vlt.u32 v37, $0x7;
	vm9 =	vlt.u32 v24, $0x7  }
0x2a3: {  	v24 =	vmul.u32 $0x31, v24;
	v27 =	vadd.s32 v51, v27;
	v28 =	vadd.s32 v56, v57  }
0x2a4: {  	v29 =	vadd.s32 v60, v29;
	vm4 =	vmand vm10, vm11;
	vm5 =	vmand vm13, vm14  }
0x2a5: {  	vm10 =	vlt.u32 v25, $0x7;
	v25 =	vmul.u32 $0x7, v25;
	vm11 =	vlt.u32 v26, $0x7  }
0x2a6: {  	v27 =	vnsel vm1, $0x0, v27;
	v28 =	vnsel vm2, $0x0, v28;
	v29 =	vnsel vm3, $0x0, v29  }
0x2a7: {  	vm4 =	vmand vm4, vm12;
	v30 =	vadd.s32 v30, v32;
	vm5 =	vmand vm5, vm15  }
0x2a8: {  	v32 =	vmul.u32 $0x7, v37;
	vm6 =	vmand vm9, vm10;
	v27 =	vadd.s32 $0xAC0, v27  }
0x2a9: {  	v28 =	vadd.s32 $0xAC0, v28;
	v30 =	vadd.s32 v63, v30;
	v29 =	vadd.s32 $0xAC0, v29  }
0x2aa: {  	vm6 =	vmand vm6, vm11;
	v24 =	vadd.s32 v24, v25;
	v31 =	vadd.s32 v31, v32  }
0x2ab: {  	v30 =	vnsel vm4, $0x0, v30;
	vm6 =	vmand vm6, vm0;
	v31 =	vadd.s32 v38, v31  }
0x2ac: {  	v24 =	vadd.s32 v26, v24;
	v30 =	vadd.s32 $0xAC0, v30;
	v39 =	vnsel vm5, $0x0, v31  }
0x2ad: {  	s22 =	sadd.s32 $0x1B, s6;
	v24 =	vnsel vm6, $0x0, v24;
	v25 =	vadd.s32 $0xAC0, v39  }
0x2ae: {  	s23 =	sadd.s32 $0x1C, s6;
	v40 =	vmov s22;
	v24 =	vadd.s32 $0xAC0, v24;
	[tilespmem:v27+s7+$0x0] =	vst.idx.add.f32.msk vm1, v2  }
0x2af: {  	s24 =	sadd.s32 $0x1D, s6;
	v41 =	vmov s23;
	v26 =	vadd.s32 $0x80, v40;
	[tilespmem:v28+s7+$0x0] =	vst.idx.add.f32.msk vm2, v3  }
0x2b0: {  	v42 =	vmov s24;
	v27 =	vadd.s32 $0x80, v41;
	[tilespmem:v29+s7+$0x0] =	vst.idx.add.f32.msk vm3, v20  }
0x2b1: {  	v28 =	vadd.s32 $0x80, v42;
	[tilespmem:v30+s7+$0x0] =	vst.idx.add.f32.msk vm4, v21  }
0x2b2: {  	[tilespmem:v25+s7+$0x0] =	vst.idx.add.f32.msk vm5, v22  }
0x2b3: {  	[tilespmem:v24+s7+$0x0] =	vst.idx.add.f32.msk vm6, v23  }
0x2b4: {  	v24 =	vld.idx.msk [tilespmem:v26+s3+$0x0], $0xffff  }
0x2b5: {  	v25 =	vld.idx.msk [tilespmem:v27+s3+$0x0], $0xffff  }
0x2b6: {  	v43 =	vld.idx.msk [tilespmem:v28+s3+$0x0], $0xffff;
	_ =	sdelay $0x3  }
0x2b7: {  	v24 =	vshll.u32 v24, $0x1  }
0x2b8: {  	v25 =	vshll.u32 v25, $0x1;
	v26 =	vshll.u32 v43, $0x1;
	v24 =	vadd.s32 $0x5B, v24  }
0x2b9: {  	v25 =	vadd.s32 $0x5B, v25;
	v26 =	vadd.s32 $0x5B, v26;
	vm12 =	vgt.s32 v24, $0x0  }
0x2ba: {  	vm13 =	vgt.s32 v25, $0x0;
	vm14 =	vgt.s32 v26, $0x0;
	v24 =	vnsel vm12, $0x0, v24  }
0x2bb: {  	v25 =	vnsel vm13, $0x0, v25;
	v26 =	vnsel vm14, $0x0, v26;
	v24 =	vmin.u32 v24, $0xB6  }
0x2bc: {  	v25 =	vmin.u32 v25, $0xB6;
	v26 =	vmin.u32 v26, $0xB6;
	v44 =	vsub.s32 v0, v24  }
0x2bd: {  	v45 =	vsub.s32 v1, v25;
	v46 =	vsub.s32 v17, v26;
	v47 =	vsub.s32 v18, v24  }
0x2be: {  	v48 =	vsub.s32 v19, v25;
	v51 =	vsub.s32 v16, v26;
	v53 =	vsub.s32 v13, v24  }
0x2bf: {  	v54 =	vsub.s32 v14, v25;
	v55 =	vsub.s32 v15, v26;
	v56 =	vsub.s32 v10, v24  }
0x2c0: {  	v57 =	vsub.s32 v11, v25;
	v58 =	vsub.s32 v12, v26;
	v59 =	vsub.s32 v7, v24  }
0x2c1: {  	v60 =	vsub.s32 v8, v25;
	v61 =	vsub.s32 v9, v26;
	v24 =	vsub.s32 v4, v24  }
0x2c2: {  	v25 =	vsub.s32 v5, v25;
	v26 =	vsub.s32 v6, v26;
	vm15 =	vlt.u32 v44, $0x7  }
0x2c3: {  	vm4 =	vlt.u32 v45, $0x7;
	vm5 =	vlt.u32 v46, $0x7;
	v27 =	vmul.u32 $0x31, v44  }
0x2c4: {  	v28 =	vmul.u32 $0x7, v45;
	v49 =	vmul.u32 $0x31, v47;
	v50 =	vmul.u32 $0x7, v48  }
0x2c5: {  	vm6 =	vlt.u32 v47, $0x7;
	vm7 =	vlt.u32 v48, $0x7;
	vm8 =	vlt.u32 v51, $0x7  }
0x2c6: {  	vm9 =	vlt.u32 v53, $0x7;
	vm10 =	vlt.u32 v54, $0x7;
	v29 =	vmul.u32 $0x31, v53  }
0x2c7: {  	v30 =	vmul.u32 $0x7, v54;
	vm11 =	vlt.u32 v55, $0x7;
	vm12 =	vlt.u32 v56, $0x7  }
0x2c8: {  	vm13 =	vlt.u32 v57, $0x7;
	v32 =	vmul.u32 $0x7, v57;
	vm14 =	vlt.u32 v58, $0x7  }
0x2c9: {  	v31 =	vmul.u32 $0x31, v59;
	vm1 =	vmand vm15, vm4;
	vm2 =	vmand vm6, vm7  }
0x2ca: {  	vm3 =	vmand vm9, vm10;
	vm4 =	vmand vm12, vm13;
	vm15 =	vlt.u32 v59, $0x7  }
0x2cb: {  	vm9 =	vlt.u32 v60, $0x7;
	vm10 =	vlt.u32 v61, $0x7;
	vm12 =	vlt.u32 v25, $0x7  }
0x2cc: {  	v25 =	vmul.u32 $0x7, v25;
	vm13 =	vlt.u32 v26, $0x7;
	vm1 =	vmand vm1, vm5  }
0x2cd: {  	v27 =	vadd.s32 v27, v28;
	v52 =	vadd.s32 v49, v50;
	vm2 =	vmand vm2, vm8  }
0x2ce: {  	vm3 =	vmand vm3, vm11;
	v29 =	vadd.s32 v29, v30;
	v30 =	vmul.u32 $0x31, v56  }
0x2cf: {  	vm4 =	vmand vm4, vm14;
	vm5 =	vmand vm15, vm9;
	vm11 =	vlt.u32 v24, $0x7  }
0x2d0: {  	v24 =	vmul.u32 $0x31, v24;
	v27 =	vadd.s32 v46, v27;
	v28 =	vadd.s32 v51, v52  }
0x2d1: {  	v29 =	vadd.s32 v55, v29;
	vm5 =	vmand vm5, vm10;
	vm6 =	vmand vm11, vm12  }
0x2d2: {  	v27 =	vnsel vm1, $0x0, v27;
	v28 =	vnsel vm2, $0x0, v28;
	v29 =	vnsel vm3, $0x0, v29  }
0x2d3: {  	v30 =	vadd.s32 v30, v32;
	v32 =	vmul.u32 $0x7, v60;
	vm6 =	vmand vm6, vm13  }
0x2d4: {  	v24 =	vadd.s32 v24, v25;
	v27 =	vadd.s32 $0xC18, v27;
	v28 =	vadd.s32 $0xC18, v28  }
0x2d5: {  	v30 =	vadd.s32 v58, v30;
	v29 =	vadd.s32 $0xC18, v29;
	v31 =	vadd.s32 v31, v32  }
0x2d6: {  	vm6 =	vmand vm6, vm0;
	v30 =	vnsel vm4, $0x0, v30;
	v31 =	vadd.s32 v61, v31  }
0x2d7: {  	v24 =	vadd.s32 v26, v24;
	v30 =	vadd.s32 $0xC18, v30;
	v62 =	vnsel vm5, $0x0, v31  }
0x2d8: {  	s25 =	sadd.s32 $0x1E, s6;
	v24 =	vnsel vm6, $0x0, v24;
	v25 =	vadd.s32 $0xC18, v62  }
0x2d9: {  	s26 =	sadd.s32 $0x1F, s6;
	v63 =	vmov s25;
	v24 =	vadd.s32 $0xC18, v24;
	[tilespmem:v27+s7+$0x0] =	vst.idx.add.f32.msk vm1, v2  }
0x2da: {  	s28 =	sadd.s32 $0x20, s6;
	v26 =	vadd.s32 $0x80, v63;
	v31 =	vmov s26;
	[tilespmem:v28+s7+$0x0] =	vst.idx.add.f32.msk vm2, v3  }
0x2db: {  	v32 =	vmov s28;
	v27 =	vadd.s32 $0x80, v31;
	[tilespmem:v29+s7+$0x0] =	vst.idx.add.f32.msk vm3, v20  }
0x2dc: {  	v28 =	vadd.s32 $0x80, v32;
	[tilespmem:v30+s7+$0x0] =	vst.idx.add.f32.msk vm4, v21  }
0x2dd: {  	[tilespmem:v25+s7+$0x0] =	vst.idx.add.f32.msk vm5, v22  }
0x2de: {  	[tilespmem:v24+s7+$0x0] =	vst.idx.add.f32.msk vm6, v23  }
0x2df: {  	v24 =	vld.idx.msk [tilespmem:v26+s3+$0x0], $0xffff  }
0x2e0: {  	v25 =	vld.idx.msk [tilespmem:v27+s3+$0x0], $0xffff  }
0x2e1: {  	v33 =	vld.idx.msk [tilespmem:v28+s3+$0x0], $0xffff;
	_ =	sdelay $0x3  }
0x2e2: {  	v24 =	vshll.u32 v24, $0x1  }
0x2e3: {  	v25 =	vshll.u32 v25, $0x1;
	v26 =	vshll.u32 v33, $0x1;
	v24 =	vadd.s32 $0x5B, v24  }
0x2e4: {  	v25 =	vadd.s32 $0x5B, v25;
	v26 =	vadd.s32 $0x5B, v26;
	vm14 =	vgt.s32 v24, $0x0  }
0x2e5: {  	vm15 =	vgt.s32 v25, $0x0;
	vm4 =	vgt.s32 v26, $0x0;
	v24 =	vnsel vm14, $0x0, v24  }
0x2e6: {  	v25 =	vnsel vm15, $0x0, v25;
	v26 =	vnsel vm4, $0x0, v26;
	v24 =	vmin.u32 v24, $0xB6  }
0x2e7: {  	v25 =	vmin.u32 v25, $0xB6;
	v26 =	vmin.u32 v26, $0xB6;
	v34 =	vsub.s32 v0, v24  }
0x2e8: {  	v35 =	vsub.s32 v1, v25;
	v36 =	vsub.s32 v17, v26;
	v37 =	vsub.s32 v18, v24  }
0x2e9: {  	v38 =	vsub.s32 v19, v25;
	v41 =	vsub.s32 v16, v26;
	v43 =	vsub.s32 v13, v24  }
0x2ea: {  	v44 =	vsub.s32 v14, v25;
	v45 =	vsub.s32 v15, v26;
	v46 =	vsub.s32 v10, v24  }
0x2eb: {  	v47 =	vsub.s32 v11, v25;
	v48 =	vsub.s32 v12, v26;
	v49 =	vsub.s32 v7, v24  }
0x2ec: {  	v50 =	vsub.s32 v8, v25;
	v51 =	vsub.s32 v9, v26;
	v24 =	vsub.s32 v4, v24  }
0x2ed: {  	v25 =	vsub.s32 v5, v25;
	v26 =	vsub.s32 v6, v26;
	vm5 =	vlt.u32 v34, $0x7  }
0x2ee: {  	vm6 =	vlt.u32 v35, $0x7;
	vm7 =	vlt.u32 v36, $0x7;
	v27 =	vmul.u32 $0x31, v34  }
0x2ef: {  	v28 =	vmul.u32 $0x7, v35;
	v39 =	vmul.u32 $0x31, v37;
	v40 =	vmul.u32 $0x7, v38  }
0x2f0: {  	vm8 =	vlt.u32 v37, $0x7;
	vm9 =	vlt.u32 v38, $0x7;
	vm10 =	vlt.u32 v41, $0x7  }
0x2f1: {  	vm11 =	vlt.u32 v43, $0x7;
	vm12 =	vlt.u32 v44, $0x7;
	v29 =	vmul.u32 $0x31, v43  }
0x2f2: {  	v30 =	vmul.u32 $0x7, v44;
	vm13 =	vlt.u32 v45, $0x7;
	vm14 =	vlt.u32 v46, $0x7  }
0x2f3: {  	vm15 =	vlt.u32 v47, $0x7;
	v32 =	vmul.u32 $0x7, v47;
	v31 =	vmul.u32 $0x31, v49  }
0x2f4: {  	vm1 =	vmand vm5, vm6;
	vm2 =	vmand vm8, vm9;
	vm3 =	vmand vm11, vm12  }
0x2f5: {  	vm4 =	vmand vm14, vm15;
	vm8 =	vlt.u32 v48, $0x7;
	vm9 =	vlt.u32 v49, $0x7  }
0x2f6: {  	vm11 =	vlt.u32 v51, $0x7;
	vm12 =	vlt.u32 v24, $0x7;
	v24 =	vmul.u32 $0x31, v24  }
0x2f7: {  	vm14 =	vlt.u32 v26, $0x7;
	vm1 =	vmand vm1, vm7;
	v27 =	vadd.s32 v27, v28  }
0x2f8: {  	v42 =	vadd.s32 v39, v40;
	vm2 =	vmand vm2, vm10;
	vm3 =	vmand vm3, vm13  }
0x2f9: {  	v29 =	vadd.s32 v29, v30;
	v30 =	vmul.u32 $0x31, v46;
	vm4 =	vmand vm4, vm8  }
0x2fa: {  	vm10 =	vlt.u32 v50, $0x7;
	vm13 =	vlt.u32 v25, $0x7;
	v25 =	vmul.u32 $0x7, v25  }
0x2fb: {  	v27 =	vadd.s32 v36, v27;
	v28 =	vadd.s32 v41, v42;
	v29 =	vadd.s32 v45, v29  }
0x2fc: {  	vm5 =	vmand vm9, vm10;
	vm6 =	vmand vm12, vm13;
	v27 =	vnsel vm1, $0x0, v27  }
0x2fd: {  	v28 =	vnsel vm2, $0x0, v28;
	v29 =	vnsel vm3, $0x0, v29;
	v30 =	vadd.s32 v30, v32  }
0x2fe: {  	vm5 =	vmand vm5, vm11;
	v32 =	vmul.u32 $0x7, v50;
	vm6 =	vmand vm6, vm14  }
0x2ff: {  	v24 =	vadd.s32 v24, v25;
	v27 =	vadd.s32 $0xD70, v27;
	v28 =	vadd.s32 $0xD70, v28  }
0x300: {  	v30 =	vadd.s32 v48, v30;
	v29 =	vadd.s32 $0xD70, v29;
	v31 =	vadd.s32 v31, v32  }
0x301: {  	vm6 =	vmand vm6, vm0;
	v30 =	vnsel vm4, $0x0, v30;
	v31 =	vadd.s32 v51, v31  }
0x302: {  	v24 =	vadd.s32 v26, v24;
	v30 =	vadd.s32 $0xD70, v30;
	v52 =	vnsel vm5, $0x0, v31  }
0x303: {  	s29 =	sadd.s32 $0x21, s6;
	v24 =	vnsel vm6, $0x0, v24;
	v25 =	vadd.s32 $0xD70, v52  }
0x304: {  	s30 =	sadd.s32 $0x22, s6;
	v53 =	vmov s29;
	v24 =	vadd.s32 $0xD70, v24;
	[tilespmem:v27+s7+$0x0] =	vst.idx.add.f32.msk vm1, v2  }
0x305: {  	s6 =	sadd.s32 $0x23, s6;
	v54 =	vmov s30;
	v26 =	vadd.s32 $0x80, v53;
	[tilespmem:v28+s7+$0x0] =	vst.idx.add.f32.msk vm2, v3  }
0x306: {  	v55 =	vmov s6;
	v27 =	vadd.s32 $0x80, v54;
	[tilespmem:v29+s7+$0x0] =	vst.idx.add.f32.msk vm3, v20  }
0x307: {  	v28 =	vadd.s32 $0x80, v55;
	[tilespmem:v30+s7+$0x0] =	vst.idx.add.f32.msk vm4, v21  }
0x308: {  	[tilespmem:v25+s7+$0x0] =	vst.idx.add.f32.msk vm5, v22  }
0x309: {  	[tilespmem:v24+s7+$0x0] =	vst.idx.add.f32.msk vm6, v23  }
0x30a: {  	v24 =	vld.idx.msk [tilespmem:v26+s3+$0x0], $0xffff  }
0x30b: {  	v25 =	vld.idx.msk [tilespmem:v27+s3+$0x0], $0xffff  }
0x30c: {  	v56 =	vld.idx.msk [tilespmem:v28+s3+$0x0], $0xffff;
	_ =	sdelay $0x3  }
0x30d: {  	v24 =	vshll.u32 v24, $0x1  }
0x30e: {  	v25 =	vshll.u32 v25, $0x1;
	v26 =	vshll.u32 v56, $0x1;
	v24 =	vadd.s32 $0x5B, v24  }
0x30f: {  	v25 =	vadd.s32 $0x5B, v25;
	v26 =	vadd.s32 $0x5B, v26;
	vm15 =	vgt.s32 v24, $0x0  }
0x310: {  	vm4 =	vgt.s32 v25, $0x0;
	vm5 =	vgt.s32 v26, $0x0;
	v24 =	vnsel vm15, $0x0, v24  }
0x311: {  	v25 =	vnsel vm4, $0x0, v25;
	v26 =	vnsel vm5, $0x0, v26;
	v24 =	vmin.u32 v24, $0xB6  }
0x312: {  	v25 =	vmin.u32 v25, $0xB6;
	v26 =	vmin.u32 v26, $0xB6;
	v0 =	vsub.s32 v0, v24  }
0x313: {  	v1 =	vsub.s32 v1, v25;
	v17 =	vsub.s32 v17, v26;
	v57 =	vsub.s32 v18, v24  }
0x314: {  	v58 =	vsub.s32 v19, v25;
	v16 =	vsub.s32 v16, v26;
	v13 =	vsub.s32 v13, v24  }
0x315: {  	v14 =	vsub.s32 v14, v25;
	v15 =	vsub.s32 v15, v26;
	v10 =	vsub.s32 v10, v24  }
0x316: {  	v11 =	vsub.s32 v11, v25;
	v12 =	vsub.s32 v12, v26;
	v7 =	vsub.s32 v7, v24  }
0x317: {  	v8 =	vsub.s32 v8, v25;
	v9 =	vsub.s32 v9, v26;
	v4 =	vsub.s32 v4, v24  }
0x318: {  	v5 =	vsub.s32 v5, v25;
	v6 =	vsub.s32 v6, v26;
	vm6 =	vlt.u32 v0, $0x7  }
0x319: {  	vm7 =	vlt.u32 v1, $0x7;
	vm8 =	vlt.u32 v17, $0x7;
	v0 =	vmul.u32 $0x31, v0  }
0x31a: {  	v1 =	vmul.u32 $0x7, v1;
	v59 =	vmul.u32 $0x31, v57;
	v19 =	vmul.u32 $0x7, v58  }
0x31b: {  	vm9 =	vlt.u32 v57, $0x7;
	vm10 =	vlt.u32 v58, $0x7;
	vm11 =	vlt.u32 v16, $0x7  }
0x31c: {  	vm12 =	vlt.u32 v13, $0x7;
	vm13 =	vlt.u32 v14, $0x7;
	v13 =	vmul.u32 $0x31, v13  }
0x31d: {  	v14 =	vmul.u32 $0x7, v14;
	vm14 =	vlt.u32 v15, $0x7;
	vm15 =	vlt.u32 v10, $0x7  }
0x31e: {  	v10 =	vmul.u32 $0x31, v10;
	vm1 =	vmand vm6, vm7;
	vm2 =	vmand vm9, vm10  }
0x31f: {  	vm3 =	vmand vm12, vm13;
	vm9 =	vlt.u32 v12, $0x7;
	vm10 =	vlt.u32 v7, $0x7  }
0x320: {  	vm12 =	vlt.u32 v9, $0x7;
	v7 =	vmul.u32 $0x31, v7;
	vm13 =	vlt.u32 v4, $0x7  }
0x321: {  	v4 =	vmul.u32 $0x31, v4;
	vm1 =	vmand vm1, vm8;
	v0 =	vadd.s32 v0, v1  }
0x322: {  	v60 =	vadd.s32 v59, v19;
	vm2 =	vmand vm2, vm11;
	vm3 =	vmand vm3, vm14  }
0x323: {  	v13 =	vadd.s32 v13, v14;
	vm8 =	vlt.u32 v11, $0x7;
	v11 =	vmul.u32 $0x7, v11  }
0x324: {  	vm11 =	vlt.u32 v8, $0x7;
	v8 =	vmul.u32 $0x7, v8;
	vm14 =	vlt.u32 v5, $0x7  }
0x325: {  	v5 =	vmul.u32 $0x7, v5;
	v0 =	vadd.s32 v17, v0;
	v1 =	vadd.s32 v16, v60  }
0x326: {  	v13 =	vadd.s32 v15, v13;
	vm4 =	vmand vm15, vm8;
	vm5 =	vmand vm10, vm11  }
0x327: {  	vm6 =	vmand vm13, vm14;
	vm15 =	vlt.u32 v6, $0x7;
	v0 =	vnsel vm1, $0x0, v0  }
0x328: {  	v1 =	vnsel vm2, $0x0, v1;
	v13 =	vnsel vm3, $0x0, v13;
	vm4 =	vmand vm4, vm9  }
0x329: {  	v10 =	vadd.s32 v10, v11;
	vm5 =	vmand vm5, vm12;
	v7 =	vadd.s32 v7, v8  }
0x32a: {  	vm6 =	vmand vm6, vm15;
	v4 =	vadd.s32 v4, v5;
	v0 =	vadd.s32 $0xEC8, v0  }
0x32b: {  	v1 =	vadd.s32 $0xEC8, v1;
	v10 =	vadd.s32 v12, v10;
	v61 =	vadd.s32 $0xEC8, v13  }
0x32c: {  	v7 =	vadd.s32 v9, v7;
	vm0 =	vmand vm6, vm0;
	v10 =	vnsel vm4, $0x0, v10  }
0x32d: {  	v4 =	vadd.s32 v6, v4;
	v62 =	vnsel vm5, $0x0, v7;
	v10 =	vadd.s32 $0xEC8, v10  }
0x32e: {  	v4 =	vnsel vm0, $0x0, v4;
	v5 =	vadd.s32 $0xEC8, v62  }
0x32f: {  	s4 =	smul.u32 $0x4080, s4;
	v63 =	vadd.s32 $0xEC8, v4;
	[tilespmem:v0+s7+$0x0] =	vst.idx.add.f32.msk vm1, v2  }
0x330: {  	s5 =	smul.u32 $0x1020, s5;
	[tilespmem:v1+s7+$0x0] =	vst.idx.add.f32.msk vm2, v3  }
0x331: {  	[tilespmem:v61+s7+$0x0] =	vst.idx.add.f32.msk vm3, v20  }
0x332: {  	s4 =	sadd.s32 s5, s4;
	[tilespmem:v10+s7+$0x0] =	vst.idx.add.f32.msk vm4, v21  }
0x333: {  	s4 =	sshrl.u32 s4, $0x3;
	[tilespmem:v5+s7+$0x0] =	vst.idx.add.f32.msk vm5, v22  }
0x334: {  	s2 =	sadd.s32 s2, s4;
	s31 =	simm.s32 $0x2;
	[tilespmem:v63+s7+$0x0] =	vst.idx.add.f32.msk vm0, v23  }
0x335: {  	[hbm4b:s2+s3] =	stream.linear.scatter [tilespmem:s7], [sflag:$0x2], $0x1020, $0x38;
	[tilespmem:$0x1220] =	vst v63  }
0x336: {  	_ =	swait.ge [sflag:s31], $0x1020  }
0x337: {  	[sflag:s31] =	ssyncset.done $0x0  }
0x338: {  	[sflag:s31] =	ssyncadd.s32 $0xFFFFEFE0  }
0x339: {  	_ =	sfence.sel $0x180000  }
0x33a: {  	[bflag:$0x0] =	sbarrier.arrive $0xFFFF  }
0x33b: {  	p0 =	sne.s32 s0, $0x0;
	_ =	strace $0x90000047  }
0x33c: {  	s0 =	sadd.s32 @!p0 $0x100000, s1;
	[bflag:$0x2] =	sbarrier.arrive $0xFFFF  }
0x33d: {  	[sflag:s0] =	ssyncadd.tile.s32 @!p0 $0x1;
	_ =	shalt  }
.Lfunc_end2:
_tile_overlayer_lowered:
.L_overlay_start_2:
0x33e: {  	(tag) =	ssettag $0x2  }
0x33f: {  	s0 =	rddreg [dreg:$0x0];
	s2 =	stileid.u32  }
0x340: {  	s1 =	rddreg [dreg:$0x1];
	p0 =	sne.s32 s2, $0x0  }
0x341: {  	s3 =	rddreg [dreg:$0x2];
	[bflag:$0x3] =	sbarrier.arrive $0xFFFF;
	s2 =	simm.s32 @!p0 $0x1C02  }
0x342: {  	[timem:s3], [sflag:s2] =	dma.local @!p0 [hbm:s0], s1  }
0x343: {  	s0 =	simm.s32 @!p0 $0x2  }
0x344: {  	_ =	swait.ge @!p0 [sflag:s0], s1  }
0x345: {  	s1 =	ssub.s32 @!p0 $0x0, s1;
	[sflag:s0] =	ssyncset.done @!p0 $0x0  }
0x346: {  	[sflag:s0] =	ssyncadd.s32 @!p0 s1  }
0x347: {  	[bflag:$0x3] =	sbarrier.arrive $0xFFFF  }
0x348: {  	_ =	shalt  }

</sc_bundles>
